<compile_context>
chip_gen: v7x
topology: tpu7x:2x2x1
jax: 0.10.2.dev20260603
libtpu: 0.0.44.dev20260713+nightly
codegen_flags: <defaults>
</compile_context>

<pallas_src>
import functools

import jax
import jax.numpy as jnp
from jax import lax
from jax.experimental import pallas as pl
from jax.experimental.pallas import tpu as pltpu
from jax.experimental.pallas import tpu_sc as plsc

N = 10000
E = 320000
D = 128
NC = 2
NS = 16
NW = NC * NS
CHUNK = 128
NCHPAD = 2560
CPW = NCHPAD // NW
EPAD = NCHPAD * CHUNK
NPAD = 10240
SLICE = NPAD // NS
BM = 1024
GRID = NPAD // BM

_mesh = plsc.VectorSubcoreMesh(core_axis_name="c", subcore_axis_name="s")


@functools.partial(
    pl.kernel,
    out_type=(
        jax.ShapeDtypeStruct((NPAD,), jnp.float32),
        jax.ShapeDtypeStruct((NPAD,), jnp.float32),
    ),
    mesh=_mesh,
    scratch_types=[
        pltpu.VMEM((CPW, CHUNK), jnp.int32),
        pltpu.VMEM((CHUNK,), jnp.float32),
        pltpu.VMEM((SLICE,), jnp.float32),
        pltpu.VMEM_SHARED((NPAD,), jnp.float32),
    ],
)
def _deg_sc(dstp_hbm, deg0_hbm, deg1_hbm, idx_v, ones_v, zero_v, acc_s):
    c = lax.axis_index("c")
    s = lax.axis_index("s")
    wid = s * NC + c

    def fill_ones(i, _):
        ones_v[pl.ds(i * 16, 16)] = jnp.ones((16,), jnp.float32)
        return 0

    def fill_zero(i, _):
        zero_v[pl.ds(i * 16, 16)] = jnp.zeros((16,), jnp.float32)
        return 0

    lax.fori_loop(0, CHUNK // 16, fill_ones, 0)
    lax.fori_loop(0, SLICE // 16, fill_zero, 0)
    pltpu.sync_copy(zero_v, acc_s.at[pl.ds(s * SLICE, SLICE)])
    pltpu.sync_copy(dstp_hbm.at[pl.ds(wid * CPW, CPW)], idx_v)
    plsc.subcore_barrier()

    def step(ci, _):
        pltpu.sync_copy(ones_v, acc_s.at[idx_v.at[ci]], add=True)
        return 0

    lax.fori_loop(0, CPW, step, 0)
    plsc.subcore_barrier()

    @pl.when(c == 0)
    def _():
        pltpu.sync_copy(acc_s.at[pl.ds(s * SLICE, SLICE)],
                        deg0_hbm.at[pl.ds(s * SLICE, SLICE)])

    @pl.when(c == 1)
    def _():
        pltpu.sync_copy(acc_s.at[pl.ds(s * SLICE, SLICE)],
                        deg1_hbm.at[pl.ds(s * SLICE, SLICE)])


@functools.partial(
    pl.kernel,
    out_type=(
        jax.ShapeDtypeStruct((NPAD, D), jnp.float32),
        jax.ShapeDtypeStruct((NPAD, D), jnp.float32),
    ),
    mesh=_mesh,
    scratch_types=[
        pltpu.VMEM((CPW // 2, CHUNK), jnp.int32),
        pltpu.VMEM((CPW // 2, CHUNK), jnp.int32),
        pltpu.VMEM((2, CHUNK, D), jnp.float32),
        pltpu.VMEM_SHARED((NPAD, D), jnp.float32),
        pltpu.SemaphoreType.DMA,
        pltpu.SemaphoreType.DMA,
    ],
)
def _agg_sc(hp_hbm, srcp_hbm, dstp_hbm, acc0_hbm, acc1_hbm,
            src_v, dst_v, rows_v, acc_s, gsem0, gsem1):
    c = lax.axis_index("c")
    s = lax.axis_index("s")
    wid = s * NC + c
    half = CPW // 2

    def zrow(i, _):
        def zcol(j, _):
            rows_v[0, i, pl.ds(j * 16, 16)] = jnp.zeros((16,), jnp.float32)
            return 0
        lax.fori_loop(0, D // 16, zcol, 0)
        return 0

    lax.fori_loop(0, CHUNK, zrow, 0)
    for k in range(SLICE // CHUNK):
        pltpu.sync_copy(rows_v.at[0],
                        acc_s.at[pl.ds(s * SLICE + k * CHUNK, CHUNK)])
    plsc.subcore_barrier()

    gsems = (gsem0, gsem1)

    def gather_start(ci, b):
        pltpu.async_copy(hp_hbm.at[src_v.at[ci]], rows_v.at[b], gsems[b])

    def gather_wait(ci, b):
        pltpu.make_async_copy(hp_hbm.at[src_v.at[ci]], rows_v.at[b],
                              gsems[b]).wait()

    for h in range(2):
        pltpu.sync_copy(srcp_hbm.at[pl.ds(wid * CPW + h * half, half)], src_v)
        pltpu.sync_copy(dstp_hbm.at[pl.ds(wid * CPW + h * half, half)], dst_v)
        for b in range(2):
            gather_start(b, b)

        def outer(g, _):
            for b in range(2):
                ci = 2 * g + b
                gather_wait(ci, b)
                pltpu.sync_copy(rows_v.at[b], acc_s.at[dst_v.at[ci]],
                                add=True)
                gather_start(ci + 2, b)
            return 0

        lax.fori_loop(0, half // 2 - 1, outer, 0)
        for b in range(2):
            ci = half - 2 + b
            gather_wait(ci, b)
            pltpu.sync_copy(rows_v.at[b], acc_s.at[dst_v.at[ci]], add=True)
    plsc.subcore_barrier()

    @pl.when(c == 0)
    def _():
        pltpu.sync_copy(acc_s.at[pl.ds(s * SLICE, SLICE)],
                        acc0_hbm.at[pl.ds(s * SLICE, SLICE)])

    @pl.when(c == 1)
    def _():
        pltpu.sync_copy(acc_s.at[pl.ds(s * SLICE, SLICE)],
                        acc1_hbm.at[pl.ds(s * SLICE, SLICE)])


def _row_block(i):
    return (i, 0)


def _mm_first_body(x_ref, w_ref, d0_ref, d1_ref, o_ref):
    dis = lax.rsqrt(d0_ref[...] + d1_ref[...] + 1.0)
    h = jnp.dot(x_ref[...], w_ref[...], preferred_element_type=jnp.float32)
    o_ref[...] = h * dis


def _mm_mid_body(a0_ref, a1_ref, hp_ref, d0_ref, d1_ref, b_ref, w_ref, o_ref):
    dis = lax.rsqrt(d0_ref[...] + d1_ref[...] + 1.0)
    xn = dis * (a0_ref[...] + a1_ref[...] + hp_ref[...]) + b_ref[...]
    xn = jnp.maximum(xn, 0.0)
    o_ref[...] = jnp.dot(xn, w_ref[...], preferred_element_type=jnp.float32) * dis


def _epi_body(a0_ref, a1_ref, hp_ref, d0_ref, d1_ref, b_ref, o_ref):
    dis = lax.rsqrt(d0_ref[...] + d1_ref[...] + 1.0)
    o_ref[...] = dis * (a0_ref[...] + a1_ref[...] + hp_ref[...]) + b_ref[...]


_vec_spec = pl.BlockSpec((BM, 1), _row_block)
_mat_spec = pl.BlockSpec((BM, D), _row_block)
_w_spec = pl.BlockSpec((D, D), lambda i: (0, 0))
_b_spec = pl.BlockSpec((1, D), lambda i: (0, 0))
_out_struct = jax.ShapeDtypeStruct((N, D), jnp.float32)


def _mm_first(x, w, d0, d1):
    return pl.pallas_call(
        _mm_first_body,
        grid=(GRID,),
        in_specs=[_mat_spec, _w_spec, _vec_spec, _vec_spec],
        out_specs=_mat_spec,
        out_shape=_out_struct,
    )(x, w, d0, d1)


def _mm_mid(a0, a1, hp, d0, d1, b, w):
    return pl.pallas_call(
        _mm_mid_body,
        grid=(GRID,),
        in_specs=[_mat_spec, _mat_spec, _mat_spec, _vec_spec, _vec_spec,
                  _b_spec, _w_spec],
        out_specs=_mat_spec,
        out_shape=_out_struct,
    )(a0, a1, hp, d0, d1, b, w)


def _epi(a0, a1, hp, d0, d1, b):
    return pl.pallas_call(
        _epi_body,
        grid=(GRID,),
        in_specs=[_mat_spec, _mat_spec, _mat_spec, _vec_spec, _vec_spec,
                  _b_spec],
        out_specs=_mat_spec,
        out_shape=_out_struct,
    )(a0, a1, hp, d0, d1, b)


def kernel(x, edge_index, W1, b1, W2, b2, W3, b3):
    src = edge_index[0].astype(jnp.int32)
    dst = edge_index[1].astype(jnp.int32)

    npad_e = EPAD - E
    pad_ar = jnp.arange(npad_e, dtype=jnp.int32)
    pad_src = (pad_ar * 61) % N
    pad_dst = N + pad_ar % (NPAD - N)
    srcp = jnp.concatenate([src, pad_src]).reshape(NCHPAD, CHUNK)
    dstp = jnp.concatenate([dst, pad_dst]).reshape(NCHPAD, CHUNK)

    deg0, deg1 = _deg_sc(dstp)
    d0 = deg0.reshape(NPAD, 1)
    d1 = deg1.reshape(NPAD, 1)
    b1r = b1.reshape(1, D)
    b2r = b2.reshape(1, D)
    b3r = b3.reshape(1, D)

    h1p = _mm_first(x, W1, d0, d1)
    a0, a1 = _agg_sc(h1p, srcp, dstp)
    h2p = _mm_mid(a0, a1, h1p, d0, d1, b1r, W2)
    a0, a1 = _agg_sc(h2p, srcp, dstp)
    h3p = _mm_mid(a0, a1, h2p, d0, d1, b2r, W3)
    a0, a1 = _agg_sc(h3p, srcp, dstp)
    return _epi(a0, a1, h3p, d0, d1, b3r)

# --- scband reference (transcript-rebuilt; emitter-appended) ---
"""Pipeline reference for scband-gcn-gen-29892972380410 (READ-ONLY COPY).

The authoritative reference and input builder live on the scoring server;
editing this copy changes nothing except your own understanding.
"""

import jax, jax.numpy as jnp
import numpy as np

N_NODES = 10000
N_EDGES = 320000
D_IN = 128
D_HID = 128
D_OUT = 128


def setup_inputs(seed: int = 0) -> dict:
    key = jax.random.key(seed)
    ks = jax.random.split(key, 10)
    x = jax.random.normal(ks[0], (N_NODES, D_IN), dtype=jnp.float32)
    edge_index = jax.random.randint(ks[1], (2, N_EDGES), 0, N_NODES, dtype=jnp.int64)
    s1 = 1.0 / np.sqrt(D_IN)
    s2 = 1.0 / np.sqrt(D_HID)
    W1 = jax.random.uniform(ks[2], (D_IN, D_HID), dtype=jnp.float32, minval=-s1, maxval=s1)
    b1 = jnp.zeros((D_HID,), dtype=jnp.float32)
    W2 = jax.random.uniform(ks[3], (D_HID, D_HID), dtype=jnp.float32, minval=-s2, maxval=s2)
    b2 = jnp.zeros((D_HID,), dtype=jnp.float32)
    W3 = jax.random.uniform(ks[4], (D_HID, D_OUT), dtype=jnp.float32, minval=-s2, maxval=s2)
    b3 = jnp.zeros((D_OUT,), dtype=jnp.float32)
    return {"x": x, "edge_index": edge_index, "W1": W1, "b1": b1, "W2": W2, "b2": b2, "W3": W3, "b3": b3}


def _gcn_conv(x, edge_index, W, b, num_nodes):
    # PyG-style GCNConv: x' = D^{-1/2} (A + I) D^{-1/2} X W + b
    h = x @ W
    src = edge_index[0]
    dst = edge_index[1]
    loop = jnp.arange(num_nodes, dtype=src.dtype)
    src = jnp.concatenate([src, loop])
    dst = jnp.concatenate([dst, loop])
    w = jnp.ones(src.shape[0], dtype=h.dtype)
    deg = jax.ops.segment_sum(w, dst, num_segments=num_nodes)
    deg_inv_sqrt = jnp.where(deg > 0, jax.lax.rsqrt(jnp.maximum(deg, 1e-12)), 0.0)
    norm = deg_inv_sqrt[src] * w * deg_inv_sqrt[dst]
    msg = h[src] * norm[:, None]
    out = jax.ops.segment_sum(msg, dst, num_segments=num_nodes)
    return out + b


def reference(x, edge_index, W1, b1, W2, b2, W3, b3):
    h = _gcn_conv(x, edge_index, W1, b1, N_NODES)
    h = jax.nn.relu(h)
    h = _gcn_conv(h, edge_index, W2, b2, N_NODES)
    h = jax.nn.relu(h)
    h = _gcn_conv(h, edge_index, W3, b3, N_NODES)
    return h

if __name__ == "__main__":
    import jax
    _d = setup_inputs()
    print(jax.jit(kernel)(*tuple(_d.values())))

</pallas_src>

<mosaic_0001>
#map = affine_map<(d0, d1) -> (0, 0)>
#map1 = affine_map<(d0, d1) -> (0)>
module attributes {stable_mosaic.version = 14 : i64} {
  func.func @_deg_sc(%arg0: i32, %arg1: i32, %arg2: memref<2560x128xi32, #tpu.memory_space<hbm>>, %arg3: memref<10240xf32, #tpu.memory_space<hbm>>, %arg4: memref<10240xf32, #tpu.memory_space<hbm>>, %arg5: memref<80x128xi32, #tpu.memory_space<vmem>>, %arg6: memref<128xf32, #tpu.memory_space<vmem>>, %arg7: memref<640xf32, #tpu.memory_space<vmem>>, %arg8: memref<10240xf32, #tpu.memory_space<vmem_shared>>) attributes {dimension_semantics = [#tpu.dimension_semantics<core_parallel>, #tpu.dimension_semantics<subcore_parallel>], iteration_bounds = array<i64: 2, 16>, scalar_prefetch = 0 : i64, scratch_operands = 4 : i64, tpu.core_type = #tpu.core_type<sc_vector_subcore>, window_params = [{transform_indices = #map}, {transform_indices = #map1}, {transform_indices = #map1}]} {
    %mul3A = arith.constant 2 : i32
    %mul3A_0 = arith.muli %arg1, %mul3A : i32
    %add3A = arith.addi %mul3A_0, %arg0 : i32
    %scan3A = arith.constant 0 : i32
    %scan3A_1 = arith.constant 0 : i32
    %scan3A_2 = arith.constant 8 : i32
    %scan3A_3 = arith.addi %scan3A_1, %scan3A_2 : i32
    %scan3A_4 = arith.constant 1 : i32
    %scan3A_5 = scf.for %scan3A_33 = %scan3A_1 to %scan3A_3 step %scan3A_4 iter_args(%scan3A_34 = %scan3A) -> (i32)  : i32 {
      %broadcast_in_dim3A = arith.constant 1.000000e+00 : f32
      %broadcast_in_dim3A_35 = vector.broadcast %broadcast_in_dim3A : f32 to vector<16xf32>
      %mul3A_36 = arith.constant 16 : i32
      %mul3A_37 = arith.muli %scan3A_33, %mul3A_36 : i32
      %swap3A = arith.index_cast %mul3A_37 : i32 to index
      %swap3A_38 = tpu.vector_load %arg6[%swap3A] {strides = array<i32>} : memref<128xf32, #tpu.memory_space<vmem>>, vector<16xf32>,
      %swap3A_39 = vector.shape_cast %swap3A_38 : vector<16xf32> to vector<16xf32>
      %swap3A_40 = vector.shape_cast %broadcast_in_dim3A_35 : vector<16xf32> to vector<16xf32>
      tpu.vector_store %arg6[%swap3A], %swap3A_40 {strides = array<i32>} : memref<128xf32, #tpu.memory_space<vmem>>, vector<16xf32>,
      %scan3A_41 = arith.constant 0 : i32
      scf.yield %scan3A_41 : i32
    }
    %scan3A_6 = arith.constant 8 : i32
    %scan3A_7 = arith.constant 0 : i32
    %scan3A_8 = arith.constant 0 : i32
    %scan3A_9 = arith.constant 40 : i32
    %scan3A_10 = arith.addi %scan3A_8, %scan3A_9 : i32
    %scan3A_11 = arith.constant 1 : i32
    %scan3A_12 = scf.for %scan3A_33 = %scan3A_8 to %scan3A_10 step %scan3A_11 iter_args(%scan3A_34 = %scan3A_7) -> (i32)  : i32 {
      %broadcast_in_dim3A = arith.constant 0.000000e+00 : f32
      %broadcast_in_dim3A_35 = vector.broadcast %broadcast_in_dim3A : f32 to vector<16xf32>
      %mul3A_36 = arith.constant 16 : i32
      %mul3A_37 = arith.muli %scan3A_33, %mul3A_36 : i32
      %swap3A = arith.index_cast %mul3A_37 : i32 to index
      %swap3A_38 = tpu.vector_load %arg7[%swap3A] {strides = array<i32>} : memref<640xf32, #tpu.memory_space<vmem>>, vector<16xf32>,
      %swap3A_39 = vector.shape_cast %swap3A_38 : vector<16xf32> to vector<16xf32>
      %swap3A_40 = vector.shape_cast %broadcast_in_dim3A_35 : vector<16xf32> to vector<16xf32>
      tpu.vector_store %arg7[%swap3A], %swap3A_40 {strides = array<i32>} : memref<640xf32, #tpu.memory_space<vmem>>, vector<16xf32>,
      %scan3A_41 = arith.constant 0 : i32
      scf.yield %scan3A_41 : i32
    }
    %scan3A_13 = arith.constant 40 : i32
    %mul3A_14 = arith.constant 640 : i32
    %mul3A_15 = arith.muli %arg1, %mul3A_14 : i32
    "tpu.region"() ({
      %run_scoped3A = tpu.sem_alloc : memref<!tpu.dma_semaphore, #tpu.memory_space<semaphore_mem>>
      %dma_start3A = tpu.memref_slice %arg8[%mul3A_15] : memref<10240xf32, #tpu.memory_space<vmem_shared>> -> memref<640xf32, #tpu.memory_space<vmem_shared>>
      %dma_start3A_33 = tpu.memref_slice %arg8[%mul3A_15] : memref<10240xf32, #tpu.memory_space<vmem_shared>> -> memref<640xf32, #tpu.memory_space<vmem_shared>>
      tpu.enqueue_dma source(%arg7 : memref<640xf32, #tpu.memory_space<vmem>>) target(%dma_start3A_33 : memref<640xf32, #tpu.memory_space<vmem_shared>>) target_semaphore(%run_scoped3A : memref<!tpu.dma_semaphore, #tpu.memory_space<semaphore_mem>>)
      %dma_wait3A = tpu.memref_slice %arg8[%mul3A_15] : memref<10240xf32, #tpu.memory_space<vmem_shared>> -> memref<640xf32, #tpu.memory_space<vmem_shared>>
      %dma_wait3A_34 = tpu.memref_slice %arg8[%mul3A_15] : memref<10240xf32, #tpu.memory_space<vmem_shared>> -> memref<640xf32, #tpu.memory_space<vmem_shared>>
      tpu.wait_dma2 semaphore(%run_scoped3A : memref<!tpu.dma_semaphore, #tpu.memory_space<semaphore_mem>>) src(%arg7 : memref<640xf32, #tpu.memory_space<vmem>>) dst(%dma_wait3A_34 : memref<640xf32, #tpu.memory_space<vmem_shared>>)
      tpu.yield
    }) : () -> ()
    %mul3A_16 = arith.constant 80 : i32
    %mul3A_17 = arith.muli %add3A, %mul3A_16 : i32
    "tpu.region"() ({
      %run_scoped3A = tpu.sem_alloc : memref<!tpu.dma_semaphore, #tpu.memory_space<semaphore_mem>>
      %dma_start3A = arith.constant 0 : i32
      %dma_start3A_33 = tpu.memref_slice %arg2[%mul3A_17, %dma_start3A] : memref<2560x128xi32, #tpu.memory_space<hbm>> -> memref<80x128xi32, #tpu.memory_space<hbm>>
      %dma_start3A_34 = arith.constant 0 : i32
      %dma_start3A_35 = tpu.memref_slice %arg2[%mul3A_17, %dma_start3A_34] : memref<2560x128xi32, #tpu.memory_space<hbm>> -> memref<80x128xi32, #tpu.memory_space<hbm>>
      tpu.enqueue_dma source(%dma_start3A_35 : memref<80x128xi32, #tpu.memory_space<hbm>>) target(%arg5 : memref<80x128xi32, #tpu.memory_space<vmem>>) target_semaphore(%run_scoped3A : memref<!tpu.dma_semaphore, #tpu.memory_space<semaphore_mem>>)
      %dma_wait3A = arith.constant 0 : i32
      %dma_wait3A_36 = tpu.memref_slice %arg2[%mul3A_17, %dma_wait3A] : memref<2560x128xi32, #tpu.memory_space<hbm>> -> memref<80x128xi32, #tpu.memory_space<hbm>>
      %dma_wait3A_37 = arith.constant 0 : i32
      %dma_wait3A_38 = tpu.memref_slice %arg2[%mul3A_17, %dma_wait3A_37] : memref<2560x128xi32, #tpu.memory_space<hbm>> -> memref<80x128xi32, #tpu.memory_space<hbm>>
      tpu.wait_dma2 semaphore(%run_scoped3A : memref<!tpu.dma_semaphore, #tpu.memory_space<semaphore_mem>>) src(%dma_wait3A_38 : memref<80x128xi32, #tpu.memory_space<hbm>>) dst(%arg5 : memref<80x128xi32, #tpu.memory_space<vmem>>)
      tpu.yield
    }) : () -> ()
    %barrier3A = arith.constant 0 : index
    tpu.barrier barrier_id(%barrier3A)
    %scan3A_18 = arith.constant 0 : i32
    %scan3A_19 = arith.constant 0 : i32
    %scan3A_20 = arith.constant 80 : i32
    %scan3A_21 = arith.addi %scan3A_19, %scan3A_20 : i32
    %scan3A_22 = arith.constant 1 : i32
    %scan3A_23 = scf.for %scan3A_33 = %scan3A_19 to %scan3A_21 step %scan3A_22 iter_args(%scan3A_34 = %scan3A_18) -> (i32)  : i32 {
      "tpu.region"() ({
        %run_scoped3A = tpu.sem_alloc : memref<!tpu.dma_semaphore, #tpu.memory_space<semaphore_mem>>
        %dma_start3A = arith.constant 0 : i32
        %dma_start3A_36 = tpu.memref_slice %arg5[%scan3A_33, %dma_start3A] : memref<80x128xi32, #tpu.memory_space<vmem>> -> memref<1x128xi32, #tpu.memory_space<vmem>>
        %dma_start3A_37 = tpu.memref_squeeze %dma_start3A_36 : memref<1x128xi32, #tpu.memory_space<vmem>> -> memref<128xi32, #tpu.memory_space<vmem>>
        %dma_start3A_38 = arith.constant 0 : i32
        %dma_start3A_39 = tpu.memref_slice %arg8[%dma_start3A_38] : memref<10240xf32, #tpu.memory_space<vmem_shared>> -> memref<10240xf32, #tpu.memory_space<vmem_shared>>
        tpu.enqueue_indirect_dma source(%arg6 : memref<128xf32, #tpu.memory_space<vmem>>) target(%dma_start3A_39 : memref<10240xf32, #tpu.memory_space<vmem_shared>>) offsets(%dma_start3A_37 : memref<128xi32, #tpu.memory_space<vmem>>) semaphore(%run_scoped3A : memref<!tpu.dma_semaphore, #tpu.memory_space<semaphore_mem>>) {add = true}
        %dma_wait3A = arith.constant 0 : i32
        %dma_wait3A_40 = tpu.memref_slice %arg5[%scan3A_33, %dma_wait3A] : memref<80x128xi32, #tpu.memory_space<vmem>> -> memref<1x128xi32, #tpu.memory_space<vmem>>
        %dma_wait3A_41 = tpu.memref_squeeze %dma_wait3A_40 : memref<1x128xi32, #tpu.memory_space<vmem>> -> memref<128xi32, #tpu.memory_space<vmem>>
        %dma_wait3A_42 = arith.constant 0 : i32
        %dma_wait3A_43 = tpu.memref_slice %arg8[%dma_wait3A_42] : memref<10240xf32, #tpu.memory_space<vmem_shared>> -> memref<10240xf32, #tpu.memory_space<vmem_shared>>
        tpu.wait_indirect_dma semaphore(%run_scoped3A : memref<!tpu.dma_semaphore, #tpu.memory_space<semaphore_mem>>) src(%arg6 : memref<128xf32, #tpu.memory_space<vmem>>) dst(%dma_wait3A_43 : memref<10240xf32, #tpu.memory_space<vmem_shared>>)
        tpu.yield
      }) : () -> ()
      %scan3A_35 = arith.constant 0 : i32
      scf.yield %scan3A_35 : i32
    }
    %scan3A_24 = arith.constant 80 : i32
    %barrier3A_25 = arith.constant 0 : index
    tpu.barrier barrier_id(%barrier3A_25)
    %eq3A = arith.constant 0 : i32
    %eq3A_26 = arith.cmpi eq, %arg0, %eq3A : i32
    %convert_element_type3A = arith.extui %eq3A_26 : i1 to i32
    %cond3A = arith.constant 0 : i32
    %cond3A_27 = arith.cmpi ne, %convert_element_type3A, %cond3A : i32
    scf.if %cond3A_27 {
      %mul3A_33 = arith.constant 640 : i32
      %mul3A_34 = arith.muli %arg1, %mul3A_33 : i32
      %mul3A_35 = arith.constant 640 : i32
      %mul3A_36 = arith.muli %arg1, %mul3A_35 : i32
      "tpu.region"() ({
        %run_scoped3A = tpu.sem_alloc : memref<!tpu.dma_semaphore, #tpu.memory_space<semaphore_mem>>
        %dma_start3A = tpu.memref_slice %arg3[%mul3A_36] : memref<10240xf32, #tpu.memory_space<hbm>> -> memref<640xf32, #tpu.memory_space<hbm>>
        %dma_start3A_37 = tpu.memref_slice %arg8[%mul3A_34] : memref<10240xf32, #tpu.memory_space<vmem_shared>> -> memref<640xf32, #tpu.memory_space<vmem_shared>>
        tpu.enqueue_dma source(%dma_start3A_37 : memref<640xf32, #tpu.memory_space<vmem_shared>>) target(%dma_start3A : memref<640xf32, #tpu.memory_space<hbm>>) target_semaphore(%run_scoped3A : memref<!tpu.dma_semaphore, #tpu.memory_space<semaphore_mem>>)
        %dma_wait3A = tpu.memref_slice %arg3[%mul3A_36] : memref<10240xf32, #tpu.memory_space<hbm>> -> memref<640xf32, #tpu.memory_space<hbm>>
        %dma_wait3A_38 = tpu.memref_slice %arg8[%mul3A_34] : memref<10240xf32, #tpu.memory_space<vmem_shared>> -> memref<640xf32, #tpu.memory_space<vmem_shared>>
        tpu.wait_dma2 semaphore(%run_scoped3A : memref<!tpu.dma_semaphore, #tpu.memory_space<semaphore_mem>>) src(%dma_wait3A_38 : memref<640xf32, #tpu.memory_space<vmem_shared>>) dst(%dma_wait3A : memref<640xf32, #tpu.memory_space<hbm>>)
        tpu.yield
      }) : () -> ()
    } else {
    }
    %eq3A_28 = arith.constant 1 : i32
    %eq3A_29 = arith.cmpi eq, %arg0, %eq3A_28 : i32
    %convert_element_type3A_30 = arith.extui %eq3A_29 : i1 to i32
    %cond3A_31 = arith.constant 0 : i32
    %cond3A_32 = arith.cmpi ne, %convert_element_type3A_30, %cond3A_31 : i32
    scf.if %cond3A_32 {
      %mul3A_33 = arith.constant 640 : i32
      %mul3A_34 = arith.muli %arg1, %mul3A_33 : i32
      %mul3A_35 = arith.constant 640 : i32
      %mul3A_36 = arith.muli %arg1, %mul3A_35 : i32
      "tpu.region"() ({
        %run_scoped3A = tpu.sem_alloc : memref<!tpu.dma_semaphore, #tpu.memory_space<semaphore_mem>>
        %dma_start3A = tpu.memref_slice %arg4[%mul3A_36] : memref<10240xf32, #tpu.memory_space<hbm>> -> memref<640xf32, #tpu.memory_space<hbm>>
        %dma_start3A_37 = tpu.memref_slice %arg8[%mul3A_34] : memref<10240xf32, #tpu.memory_space<vmem_shared>> -> memref<640xf32, #tpu.memory_space<vmem_shared>>
        tpu.enqueue_dma source(%dma_start3A_37 : memref<640xf32, #tpu.memory_space<vmem_shared>>) target(%dma_start3A : memref<640xf32, #tpu.memory_space<hbm>>) target_semaphore(%run_scoped3A : memref<!tpu.dma_semaphore, #tpu.memory_space<semaphore_mem>>)
        %dma_wait3A = tpu.memref_slice %arg4[%mul3A_36] : memref<10240xf32, #tpu.memory_space<hbm>> -> memref<640xf32, #tpu.memory_space<hbm>>
        %dma_wait3A_38 = tpu.memref_slice %arg8[%mul3A_34] : memref<10240xf32, #tpu.memory_space<vmem_shared>> -> memref<640xf32, #tpu.memory_space<vmem_shared>>
        tpu.wait_dma2 semaphore(%run_scoped3A : memref<!tpu.dma_semaphore, #tpu.memory_space<semaphore_mem>>) src(%dma_wait3A_38 : memref<640xf32, #tpu.memory_space<vmem_shared>>) dst(%dma_wait3A : memref<640xf32, #tpu.memory_space<hbm>>)
        tpu.yield
      }) : () -> ()
    } else {
    }
    return
  }
}

#map = affine_map<(d0, d1) -> (0, 0)>
module attributes {stable_mosaic.version = 14 : i64} {
  func.func @_agg_sc(%arg0: i32, %arg1: i32, %arg2: memref<10000x128xf32, #tpu.memory_space<hbm>>, %arg3: memref<2560x128xi32, #tpu.memory_space<hbm>>, %arg4: memref<2560x128xi32, #tpu.memory_space<hbm>>, %arg5: memref<10240x128xf32, #tpu.memory_space<hbm>>, %arg6: memref<10240x128xf32, #tpu.memory_space<hbm>>, %arg7: memref<40x128xi32, #tpu.memory_space<vmem>>, %arg8: memref<40x128xi32, #tpu.memory_space<vmem>>, %arg9: memref<2x128x128xf32, #tpu.memory_space<vmem>>, %arg10: memref<10240x128xf32, #tpu.memory_space<vmem_shared>>, %arg11: memref<!tpu.dma_semaphore, #tpu.memory_space<semaphore_mem>>, %arg12: memref<!tpu.dma_semaphore, #tpu.memory_space<semaphore_mem>>) attributes {dimension_semantics = [#tpu.dimension_semantics<core_parallel>, #tpu.dimension_semantics<subcore_parallel>], iteration_bounds = array<i64: 2, 16>, scalar_prefetch = 0 : i64, scratch_operands = 6 : i64, tpu.core_type = #tpu.core_type<sc_vector_subcore>, window_params = [{transform_indices = #map}, {transform_indices = #map}, {transform_indices = #map}, {transform_indices = #map}, {transform_indices = #map}]} {
    %mul3A = arith.constant 2 : i32
    %mul3A_0 = arith.muli %arg1, %mul3A : i32
    %add3A = arith.addi %mul3A_0, %arg0 : i32
    %scan3A = arith.constant 0 : i32
    %scan3A_1 = arith.constant 0 : i32
    %scan3A_2 = arith.constant 128 : i32
    %scan3A_3 = arith.addi %scan3A_1, %scan3A_2 : i32
    %scan3A_4 = arith.constant 1 : i32
    %scan3A_5 = scf.for %scan3A_171 = %scan3A_1 to %scan3A_3 step %scan3A_4 iter_args(%scan3A_172 = %scan3A) -> (i32)  : i32 {
      %scan3A_173 = arith.constant 0 : i32
      %scan3A_174 = arith.constant 0 : i32
      %scan3A_175 = arith.constant 8 : i32
      %scan3A_176 = arith.addi %scan3A_174, %scan3A_175 : i32
      %scan3A_177 = arith.constant 1 : i32
      %scan3A_178 = scf.for %scan3A_181 = %scan3A_174 to %scan3A_176 step %scan3A_177 iter_args(%scan3A_182 = %scan3A_173) -> (i32)  : i32 {
        %broadcast_in_dim3A = arith.constant 0.000000e+00 : f32
        %broadcast_in_dim3A_183 = vector.broadcast %broadcast_in_dim3A : f32 to vector<16xf32>
        %mul3A_184 = arith.constant 16 : i32
        %mul3A_185 = arith.muli %scan3A_181, %mul3A_184 : i32
        %swap3A = arith.constant 0 : i32
        %swap3A_186 = arith.index_cast %swap3A : i32 to index
        %swap3A_187 = arith.index_cast %scan3A_171 : i32 to index
        %swap3A_188 = arith.index_cast %mul3A_185 : i32 to index
        %swap3A_189 = tpu.vector_load %arg9[%swap3A_186, %swap3A_187, %swap3A_188] {strides = array<i32>} : memref<2x128x128xf32, #tpu.memory_space<vmem>>, vector<1x1x16xf32>,
        %swap3A_190 = vector.shape_cast %swap3A_189 : vector<1x1x16xf32> to vector<16xf32>
        %swap3A_191 = vector.shape_cast %broadcast_in_dim3A_183 : vector<16xf32> to vector<1x1x16xf32>
        tpu.vector_store %arg9[%swap3A_186, %swap3A_187, %swap3A_188], %swap3A_191 {strides = array<i32>} : memref<2x128x128xf32, #tpu.memory_space<vmem>>, vector<1x1x16xf32>,
        %scan3A_192 = arith.constant 0 : i32
        scf.yield %scan3A_192 : i32
      }
      %scan3A_179 = arith.constant 8 : i32
      %scan3A_180 = arith.constant 0 : i32
      scf.yield %scan3A_180 : i32
    }
    %scan3A_6 = arith.constant 128 : i32
    %mul3A_7 = arith.constant 640 : i32
    %mul3A_8 = arith.muli %arg1, %mul3A_7 : i32
    %add3A_9 = arith.constant 0 : i32
    %add3A_10 = arith.addi %mul3A_8, %add3A_9 : i32
    %run_scoped3A = arith.constant 0 : i32
    "tpu.region"() ({
      %run_scoped3A_171 = tpu.sem_alloc : memref<!tpu.dma_semaphore, #tpu.memory_space<semaphore_mem>>
      %dma_start3A_172 = arith.constant 0 : i32
      %dma_start3A_173 = arith.constant 0 : i32
      %dma_start3A_174 = tpu.memref_slice %arg9[%run_scoped3A, %dma_start3A_172, %dma_start3A_173] : memref<2x128x128xf32, #tpu.memory_space<vmem>> -> memref<1x128x128xf32, #tpu.memory_space<vmem>>
      %dma_start3A_175 = tpu.memref_squeeze %dma_start3A_174 : memref<1x128x128xf32, #tpu.memory_space<vmem>> -> memref<128x128xf32, #tpu.memory_space<vmem>>
      %dma_start3A_176 = arith.constant 0 : i32
      %dma_start3A_177 = tpu.memref_slice %arg10[%add3A_10, %dma_start3A_176] : memref<10240x128xf32, #tpu.memory_space<vmem_shared>> -> memref<128x128xf32, #tpu.memory_space<vmem_shared>>
      %dma_start3A_178 = arith.constant 0 : i32
      %dma_start3A_179 = tpu.memref_slice %arg10[%add3A_10, %dma_start3A_178] : memref<10240x128xf32, #tpu.memory_space<vmem_shared>> -> memref<128x128xf32, #tpu.memory_space<vmem_shared>>
      %dma_start3A_180 = arith.constant 0 : i32
      %dma_start3A_181 = arith.constant 0 : i32
      %dma_start3A_182 = tpu.memref_slice %arg9[%run_scoped3A, %dma_start3A_180, %dma_start3A_181] : memref<2x128x128xf32, #tpu.memory_space<vmem>> -> memref<1x128x128xf32, #tpu.memory_space<vmem>>
      %dma_start3A_183 = tpu.memref_squeeze %dma_start3A_182 : memref<1x128x128xf32, #tpu.memory_space<vmem>> -> memref<128x128xf32, #tpu.memory_space<vmem>>
      tpu.enqueue_dma source(%dma_start3A_183 : memref<128x128xf32, #tpu.memory_space<vmem>>) target(%dma_start3A_179 : memref<128x128xf32, #tpu.memory_space<vmem_shared>>) target_semaphore(%run_scoped3A_171 : memref<!tpu.dma_semaphore, #tpu.memory_space<semaphore_mem>>)
      %dma_wait3A_184 = arith.constant 0 : i32
      %dma_wait3A_185 = arith.constant 0 : i32
      %dma_wait3A_186 = tpu.memref_slice %arg9[%run_scoped3A, %dma_wait3A_184, %dma_wait3A_185] : memref<2x128x128xf32, #tpu.memory_space<vmem>> -> memref<1x128x128xf32, #tpu.memory_space<vmem>>
      %dma_wait3A_187 = tpu.memref_squeeze %dma_wait3A_186 : memref<1x128x128xf32, #tpu.memory_space<vmem>> -> memref<128x128xf32, #tpu.memory_space<vmem>>
      %dma_wait3A_188 = arith.constant 0 : i32
      %dma_wait3A_189 = tpu.memref_slice %arg10[%add3A_10, %dma_wait3A_188] : memref<10240x128xf32, #tpu.memory_space<vmem_shared>> -> memref<128x128xf32, #tpu.memory_space<vmem_shared>>
      %dma_wait3A_190 = arith.constant 0 : i32
      %dma_wait3A_191 = tpu.memref_slice %arg10[%add3A_10, %dma_wait3A_190] : memref<10240x128xf32, #tpu.memory_space<vmem_shared>> -> memref<128x128xf32, #tpu.memory_space<vmem_shared>>
      %dma_wait3A_192 = arith.constant 0 : i32
      %dma_wait3A_193 = arith.constant 0 : i32
      %dma_wait3A_194 = tpu.memref_slice %arg9[%run_scoped3A, %dma_wait3A_192, %dma_wait3A_193] : memref<2x128x128xf32, #tpu.memory_space<vmem>> -> memref<1x128x128xf32, #tpu.memory_space<vmem>>
      %dma_wait3A_195 = tpu.memref_squeeze %dma_wait3A_194 : memref<1x128x128xf32, #tpu.memory_space<vmem>> -> memref<128x128xf32, #tpu.memory_space<vmem>>
      tpu.wait_dma2 semaphore(%run_scoped3A_171 : memref<!tpu.dma_semaphore, #tpu.memory_space<semaphore_mem>>) src(%dma_wait3A_195 : memref<128x128xf32, #tpu.memory_space<vmem>>) dst(%dma_wait3A_191 : memref<128x128xf32, #tpu.memory_space<vmem_shared>>)
      tpu.yield
    }) : () -> ()
    %mul3A_11 = arith.constant 640 : i32
    %mul3A_12 = arith.muli %arg1, %mul3A_11 : i32
    %add3A_13 = arith.constant 128 : i32
    %add3A_14 = arith.addi %mul3A_12, %add3A_13 : i32
    %run_scoped3A_15 = arith.constant 0 : i32
    "tpu.region"() ({
      %run_scoped3A_171 = tpu.sem_alloc : memref<!tpu.dma_semaphore, #tpu.memory_space<semaphore_mem>>
      %dma_start3A_172 = arith.constant 0 : i32
      %dma_start3A_173 = arith.constant 0 : i32
      %dma_start3A_174 = tpu.memref_slice %arg9[%run_scoped3A_15, %dma_start3A_172, %dma_start3A_173] : memref<2x128x128xf32, #tpu.memory_space<vmem>> -> memref<1x128x128xf32, #tpu.memory_space<vmem>>
      %dma_start3A_175 = tpu.memref_squeeze %dma_start3A_174 : memref<1x128x128xf32, #tpu.memory_space<vmem>> -> memref<128x128xf32, #tpu.memory_space<vmem>>
      %dma_start3A_176 = arith.constant 0 : i32
      %dma_start3A_177 = tpu.memref_slice %arg10[%add3A_14, %dma_start3A_176] : memref<10240x128xf32, #tpu.memory_space<vmem_shared>> -> memref<128x128xf32, #tpu.memory_space<vmem_shared>>
      %dma_start3A_178 = arith.constant 0 : i32
      %dma_start3A_179 = tpu.memref_slice %arg10[%add3A_14, %dma_start3A_178] : memref<10240x128xf32, #tpu.memory_space<vmem_shared>> -> memref<128x128xf32, #tpu.memory_space<vmem_shared>>
      %dma_start3A_180 = arith.constant 0 : i32
      %dma_start3A_181 = arith.constant 0 : i32
      %dma_start3A_182 = tpu.memref_slice %arg9[%run_scoped3A_15, %dma_start3A_180, %dma_start3A_181] : memref<2x128x128xf32, #tpu.memory_space<vmem>> -> memref<1x128x128xf32, #tpu.memory_space<vmem>>
      %dma_start3A_183 = tpu.memref_squeeze %dma_start3A_182 : memref<1x128x128xf32, #tpu.memory_space<vmem>> -> memref<128x128xf32, #tpu.memory_space<vmem>>
      tpu.enqueue_dma source(%dma_start3A_183 : memref<128x128xf32, #tpu.memory_space<vmem>>) target(%dma_start3A_179 : memref<128x128xf32, #tpu.memory_space<vmem_shared>>) target_semaphore(%run_scoped3A_171 : memref<!tpu.dma_semaphore, #tpu.memory_space<semaphore_mem>>)
      %dma_wait3A_184 = arith.constant 0 : i32
      %dma_wait3A_185 = arith.constant 0 : i32
      %dma_wait3A_186 = tpu.memref_slice %arg9[%run_scoped3A_15, %dma_wait3A_184, %dma_wait3A_185] : memref<2x128x128xf32, #tpu.memory_space<vmem>> -> memref<1x128x128xf32, #tpu.memory_space<vmem>>
      %dma_wait3A_187 = tpu.memref_squeeze %dma_wait3A_186 : memref<1x128x128xf32, #tpu.memory_space<vmem>> -> memref<128x128xf32, #tpu.memory_space<vmem>>
      %dma_wait3A_188 = arith.constant 0 : i32
      %dma_wait3A_189 = tpu.memref_slice %arg10[%add3A_14, %dma_wait3A_188] : memref<10240x128xf32, #tpu.memory_space<vmem_shared>> -> memref<128x128xf32, #tpu.memory_space<vmem_shared>>
      %dma_wait3A_190 = arith.constant 0 : i32
      %dma_wait3A_191 = tpu.memref_slice %arg10[%add3A_14, %dma_wait3A_190] : memref<10240x128xf32, #tpu.memory_space<vmem_shared>> -> memref<128x128xf32, #tpu.memory_space<vmem_shared>>
      %dma_wait3A_192 = arith.constant 0 : i32
      %dma_wait3A_193 = arith.constant 0 : i32
      %dma_wait3A_194 = tpu.memref_slice %arg9[%run_scoped3A_15, %dma_wait3A_192, %dma_wait3A_193] : memref<2x128x128xf32, #tpu.memory_space<vmem>> -> memref<1x128x128xf32, #tpu.memory_space<vmem>>
      %dma_wait3A_195 = tpu.memref_squeeze %dma_wait3A_194 : memref<1x128x128xf32, #tpu.memory_space<vmem>> -> memref<128x128xf32, #tpu.memory_space<vmem>>
      tpu.wait_dma2 semaphore(%run_scoped3A_171 : memref<!tpu.dma_semaphore, #tpu.memory_space<semaphore_mem>>) src(%dma_wait3A_195 : memref<128x128xf32, #tpu.memory_space<vmem>>) dst(%dma_wait3A_191 : memref<128x128xf32, #tpu.memory_space<vmem_shared>>)
      tpu.yield
    }) : () -> ()
    %mul3A_16 = arith.constant 640 : i32
    %mul3A_17 = arith.muli %arg1, %mul3A_16 : i32
    %add3A_18 = arith.constant 256 : i32
    %add3A_19 = arith.addi %mul3A_17, %add3A_18 : i32
    %run_scoped3A_20 = arith.constant 0 : i32
    "tpu.region"() ({
      %run_scoped3A_171 = tpu.sem_alloc : memref<!tpu.dma_semaphore, #tpu.memory_space<semaphore_mem>>
      %dma_start3A_172 = arith.constant 0 : i32
      %dma_start3A_173 = arith.constant 0 : i32
      %dma_start3A_174 = tpu.memref_slice %arg9[%run_scoped3A_20, %dma_start3A_172, %dma_start3A_173] : memref<2x128x128xf32, #tpu.memory_space<vmem>> -> memref<1x128x128xf32, #tpu.memory_space<vmem>>
      %dma_start3A_175 = tpu.memref_squeeze %dma_start3A_174 : memref<1x128x128xf32, #tpu.memory_space<vmem>> -> memref<128x128xf32, #tpu.memory_space<vmem>>
      %dma_start3A_176 = arith.constant 0 : i32
      %dma_start3A_177 = tpu.memref_slice %arg10[%add3A_19, %dma_start3A_176] : memref<10240x128xf32, #tpu.memory_space<vmem_shared>> -> memref<128x128xf32, #tpu.memory_space<vmem_shared>>
      %dma_start3A_178 = arith.constant 0 : i32
      %dma_start3A_179 = tpu.memref_slice %arg10[%add3A_19, %dma_start3A_178] : memref<10240x128xf32, #tpu.memory_space<vmem_shared>> -> memref<128x128xf32, #tpu.memory_space<vmem_shared>>
      %dma_start3A_180 = arith.constant 0 : i32
      %dma_start3A_181 = arith.constant 0 : i32
      %dma_start3A_182 = tpu.memref_slice %arg9[%run_scoped3A_20, %dma_start3A_180, %dma_start3A_181] : memref<2x128x128xf32, #tpu.memory_space<vmem>> -> memref<1x128x128xf32, #tpu.memory_space<vmem>>
      %dma_start3A_183 = tpu.memref_squeeze %dma_start3A_182 : memref<1x128x128xf32, #tpu.memory_space<vmem>> -> memref<128x128xf32, #tpu.memory_space<vmem>>
      tpu.enqueue_dma source(%dma_start3A_183 : memref<128x128xf32, #tpu.memory_space<vmem>>) target(%dma_start3A_179 : memref<128x128xf32, #tpu.memory_space<vmem_shared>>) target_semaphore(%run_scoped3A_171 : memref<!tpu.dma_semaphore, #tpu.memory_space<semaphore_mem>>)
      %dma_wait3A_184 = arith.constant 0 : i32
      %dma_wait3A_185 = arith.constant 0 : i32
      %dma_wait3A_186 = tpu.memref_slice %arg9[%run_scoped3A_20, %dma_wait3A_184, %dma_wait3A_185] : memref<2x128x128xf32, #tpu.memory_space<vmem>> -> memref<1x128x128xf32, #tpu.memory_space<vmem>>
      %dma_wait3A_187 = tpu.memref_squeeze %dma_wait3A_186 : memref<1x128x128xf32, #tpu.memory_space<vmem>> -> memref<128x128xf32, #tpu.memory_space<vmem>>
      %dma_wait3A_188 = arith.constant 0 : i32
      %dma_wait3A_189 = tpu.memref_slice %arg10[%add3A_19, %dma_wait3A_188] : memref<10240x128xf32, #tpu.memory_space<vmem_shared>> -> memref<128x128xf32, #tpu.memory_space<vmem_shared>>
      %dma_wait3A_190 = arith.constant 0 : i32
      %dma_wait3A_191 = tpu.memref_slice %arg10[%add3A_19, %dma_wait3A_190] : memref<10240x128xf32, #tpu.memory_space<vmem_shared>> -> memref<128x128xf32, #tpu.memory_space<vmem_shared>>
      %dma_wait3A_192 = arith.constant 0 : i32
      %dma_wait3A_193 = arith.constant 0 : i32
      %dma_wait3A_194 = tpu.memref_slice %arg9[%run_scoped3A_20, %dma_wait3A_192, %dma_wait3A_193] : memref<2x128x128xf32, #tpu.memory_space<vmem>> -> memref<1x128x128xf32, #tpu.memory_space<vmem>>
      %dma_wait3A_195 = tpu.memref_squeeze %dma_wait3A_194 : memref<1x128x128xf32, #tpu.memory_space<vmem>> -> memref<128x128xf32, #tpu.memory_space<vmem>>
      tpu.wait_dma2 semaphore(%run_scoped3A_171 : memref<!tpu.dma_semaphore, #tpu.memory_space<semaphore_mem>>) src(%dma_wait3A_195 : memref<128x128xf32, #tpu.memory_space<vmem>>) dst(%dma_wait3A_191 : memref<128x128xf32, #tpu.memory_space<vmem_shared>>)
      tpu.yield
    }) : () -> ()
    %mul3A_21 = arith.constant 640 : i32
    %mul3A_22 = arith.muli %arg1, %mul3A_21 : i32
    %add3A_23 = arith.constant 384 : i32
    %add3A_24 = arith.addi %mul3A_22, %add3A_23 : i32
    %run_scoped3A_25 = arith.constant 0 : i32
    "tpu.region"() ({
      %run_scoped3A_171 = tpu.sem_alloc : memref<!tpu.dma_semaphore, #tpu.memory_space<semaphore_mem>>
      %dma_start3A_172 = arith.constant 0 : i32
      %dma_start3A_173 = arith.constant 0 : i32
      %dma_start3A_174 = tpu.memref_slice %arg9[%run_scoped3A_25, %dma_start3A_172, %dma_start3A_173] : memref<2x128x128xf32, #tpu.memory_space<vmem>> -> memref<1x128x128xf32, #tpu.memory_space<vmem>>
      %dma_start3A_175 = tpu.memref_squeeze %dma_start3A_174 : memref<1x128x128xf32, #tpu.memory_space<vmem>> -> memref<128x128xf32, #tpu.memory_space<vmem>>
      %dma_start3A_176 = arith.constant 0 : i32
      %dma_start3A_177 = tpu.memref_slice %arg10[%add3A_24, %dma_start3A_176] : memref<10240x128xf32, #tpu.memory_space<vmem_shared>> -> memref<128x128xf32, #tpu.memory_space<vmem_shared>>
      %dma_start3A_178 = arith.constant 0 : i32
      %dma_start3A_179 = tpu.memref_slice %arg10[%add3A_24, %dma_start3A_178] : memref<10240x128xf32, #tpu.memory_space<vmem_shared>> -> memref<128x128xf32, #tpu.memory_space<vmem_shared>>
      %dma_start3A_180 = arith.constant 0 : i32
      %dma_start3A_181 = arith.constant 0 : i32
      %dma_start3A_182 = tpu.memref_slice %arg9[%run_scoped3A_25, %dma_start3A_180, %dma_start3A_181] : memref<2x128x128xf32, #tpu.memory_space<vmem>> -> memref<1x128x128xf32, #tpu.memory_space<vmem>>
      %dma_start3A_183 = tpu.memref_squeeze %dma_start3A_182 : memref<1x128x128xf32, #tpu.memory_space<vmem>> -> memref<128x128xf32, #tpu.memory_space<vmem>>
      tpu.enqueue_dma source(%dma_start3A_183 : memref<128x128xf32, #tpu.memory_space<vmem>>) target(%dma_start3A_179 : memref<128x128xf32, #tpu.memory_space<vmem_shared>>) target_semaphore(%run_scoped3A_171 : memref<!tpu.dma_semaphore, #tpu.memory_space<semaphore_mem>>)
      %dma_wait3A_184 = arith.constant 0 : i32
      %dma_wait3A_185 = arith.constant 0 : i32
      %dma_wait3A_186 = tpu.memref_slice %arg9[%run_scoped3A_25, %dma_wait3A_184, %dma_wait3A_185] : memref<2x128x128xf32, #tpu.memory_space<vmem>> -> memref<1x128x128xf32, #tpu.memory_space<vmem>>
      %dma_wait3A_187 = tpu.memref_squeeze %dma_wait3A_186 : memref<1x128x128xf32, #tpu.memory_space<vmem>> -> memref<128x128xf32, #tpu.memory_space<vmem>>
      %dma_wait3A_188 = arith.constant 0 : i32
      %dma_wait3A_189 = tpu.memref_slice %arg10[%add3A_24, %dma_wait3A_188] : memref<10240x128xf32, #tpu.memory_space<vmem_shared>> -> memref<128x128xf32, #tpu.memory_space<vmem_shared>>
      %dma_wait3A_190 = arith.constant 0 : i32
      %dma_wait3A_191 = tpu.memref_slice %arg10[%add3A_24, %dma_wait3A_190] : memref<10240x128xf32, #tpu.memory_space<vmem_shared>> -> memref<128x128xf32, #tpu.memory_space<vmem_shared>>
      %dma_wait3A_192 = arith.constant 0 : i32
      %dma_wait3A_193 = arith.constant 0 : i32
      %dma_wait3A_194 = tpu.memref_slice %arg9[%run_scoped3A_25, %dma_wait3A_192, %dma_wait3A_193] : memref<2x128x128xf32, #tpu.memory_space<vmem>> -> memref<1x128x128xf32, #tpu.memory_space<vmem>>
      %dma_wait3A_195 = tpu.memref_squeeze %dma_wait3A_194 : memref<1x128x128xf32, #tpu.memory_space<vmem>> -> memref<128x128xf32, #tpu.memory_space<vmem>>
      tpu.wait_dma2 semaphore(%run_scoped3A_171 : memref<!tpu.dma_semaphore, #tpu.memory_space<semaphore_mem>>) src(%dma_wait3A_195 : memref<128x128xf32, #tpu.memory_space<vmem>>) dst(%dma_wait3A_191 : memref<128x128xf32, #tpu.memory_space<vmem_shared>>)
      tpu.yield
    }) : () -> ()
    %mul3A_26 = arith.constant 640 : i32
    %mul3A_27 = arith.muli %arg1, %mul3A_26 : i32
    %add3A_28 = arith.constant 512 : i32
    %add3A_29 = arith.addi %mul3A_27, %add3A_28 : i32
    %run_scoped3A_30 = arith.constant 0 : i32
    "tpu.region"() ({
      %run_scoped3A_171 = tpu.sem_alloc : memref<!tpu.dma_semaphore, #tpu.memory_space<semaphore_mem>>
      %dma_start3A_172 = arith.constant 0 : i32
      %dma_start3A_173 = arith.constant 0 : i32
      %dma_start3A_174 = tpu.memref_slice %arg9[%run_scoped3A_30, %dma_start3A_172, %dma_start3A_173] : memref<2x128x128xf32, #tpu.memory_space<vmem>> -> memref<1x128x128xf32, #tpu.memory_space<vmem>>
      %dma_start3A_175 = tpu.memref_squeeze %dma_start3A_174 : memref<1x128x128xf32, #tpu.memory_space<vmem>> -> memref<128x128xf32, #tpu.memory_space<vmem>>
      %dma_start3A_176 = arith.constant 0 : i32
      %dma_start3A_177 = tpu.memref_slice %arg10[%add3A_29, %dma_start3A_176] : memref<10240x128xf32, #tpu.memory_space<vmem_shared>> -> memref<128x128xf32, #tpu.memory_space<vmem_shared>>
      %dma_start3A_178 = arith.constant 0 : i32
      %dma_start3A_179 = tpu.memref_slice %arg10[%add3A_29, %dma_start3A_178] : memref<10240x128xf32, #tpu.memory_space<vmem_shared>> -> memref<128x128xf32, #tpu.memory_space<vmem_shared>>
      %dma_start3A_180 = arith.constant 0 : i32
      %dma_start3A_181 = arith.constant 0 : i32
      %dma_start3A_182 = tpu.memref_slice %arg9[%run_scoped3A_30, %dma_start3A_180, %dma_start3A_181] : memref<2x128x128xf32, #tpu.memory_space<vmem>> -> memref<1x128x128xf32, #tpu.memory_space<vmem>>
      %dma_start3A_183 = tpu.memref_squeeze %dma_start3A_182 : memref<1x128x128xf32, #tpu.memory_space<vmem>> -> memref<128x128xf32, #tpu.memory_space<vmem>>
      tpu.enqueue_dma source(%dma_start3A_183 : memref<128x128xf32, #tpu.memory_space<vmem>>) target(%dma_start3A_179 : memref<128x128xf32, #tpu.memory_space<vmem_shared>>) target_semaphore(%run_scoped3A_171 : memref<!tpu.dma_semaphore, #tpu.memory_space<semaphore_mem>>)
      %dma_wait3A_184 = arith.constant 0 : i32
      %dma_wait3A_185 = arith.constant 0 : i32
      %dma_wait3A_186 = tpu.memref_slice %arg9[%run_scoped3A_30, %dma_wait3A_184, %dma_wait3A_185] : memref<2x128x128xf32, #tpu.memory_space<vmem>> -> memref<1x128x128xf32, #tpu.memory_space<vmem>>
      %dma_wait3A_187 = tpu.memref_squeeze %dma_wait3A_186 : memref<1x128x128xf32, #tpu.memory_space<vmem>> -> memref<128x128xf32, #tpu.memory_space<vmem>>
      %dma_wait3A_188 = arith.constant 0 : i32
      %dma_wait3A_189 = tpu.memref_slice %arg10[%add3A_29, %dma_wait3A_188] : memref<10240x128xf32, #tpu.memory_space<vmem_shared>> -> memref<128x128xf32, #tpu.memory_space<vmem_shared>>
      %dma_wait3A_190 = arith.constant 0 : i32
      %dma_wait3A_191 = tpu.memref_slice %arg10[%add3A_29, %dma_wait3A_190] : memref<10240x128xf32, #tpu.memory_space<vmem_shared>> -> memref<128x128xf32, #tpu.memory_space<vmem_shared>>
      %dma_wait3A_192 = arith.constant 0 : i32
      %dma_wait3A_193 = arith.constant 0 : i32
      %dma_wait3A_194 = tpu.memref_slice %arg9[%run_scoped3A_30, %dma_wait3A_192, %dma_wait3A_193] : memref<2x128x128xf32, #tpu.memory_space<vmem>> -> memref<1x128x128xf32, #tpu.memory_space<vmem>>
      %dma_wait3A_195 = tpu.memref_squeeze %dma_wait3A_194 : memref<1x128x128xf32, #tpu.memory_space<vmem>> -> memref<128x128xf32, #tpu.memory_space<vmem>>
      tpu.wait_dma2 semaphore(%run_scoped3A_171 : memref<!tpu.dma_semaphore, #tpu.memory_space<semaphore_mem>>) src(%dma_wait3A_195 : memref<128x128xf32, #tpu.memory_space<vmem>>) dst(%dma_wait3A_191 : memref<128x128xf32, #tpu.memory_space<vmem_shared>>)
      tpu.yield
    }) : () -> ()
    %barrier3A = arith.constant 0 : index
    tpu.barrier barrier_id(%barrier3A)
    %mul3A_31 = arith.constant 80 : i32
    %mul3A_32 = arith.muli %add3A, %mul3A_31 : i32
    %add3A_33 = arith.constant 0 : i32
    %add3A_34 = arith.addi %mul3A_32, %add3A_33 : i32
    "tpu.region"() ({
      %run_scoped3A_171 = tpu.sem_alloc : memref<!tpu.dma_semaphore, #tpu.memory_space<semaphore_mem>>
      %dma_start3A_172 = arith.constant 0 : i32
      %dma_start3A_173 = tpu.memref_slice %arg3[%add3A_34, %dma_start3A_172] : memref<2560x128xi32, #tpu.memory_space<hbm>> -> memref<40x128xi32, #tpu.memory_space<hbm>>
      %dma_start3A_174 = arith.constant 0 : i32
      %dma_start3A_175 = tpu.memref_slice %arg3[%add3A_34, %dma_start3A_174] : memref<2560x128xi32, #tpu.memory_space<hbm>> -> memref<40x128xi32, #tpu.memory_space<hbm>>
      tpu.enqueue_dma source(%dma_start3A_175 : memref<40x128xi32, #tpu.memory_space<hbm>>) target(%arg7 : memref<40x128xi32, #tpu.memory_space<vmem>>) target_semaphore(%run_scoped3A_171 : memref<!tpu.dma_semaphore, #tpu.memory_space<semaphore_mem>>)
      %dma_wait3A_176 = arith.constant 0 : i32
      %dma_wait3A_177 = tpu.memref_slice %arg3[%add3A_34, %dma_wait3A_176] : memref<2560x128xi32, #tpu.memory_space<hbm>> -> memref<40x128xi32, #tpu.memory_space<hbm>>
      %dma_wait3A_178 = arith.constant 0 : i32
      %dma_wait3A_179 = tpu.memref_slice %arg3[%add3A_34, %dma_wait3A_178] : memref<2560x128xi32, #tpu.memory_space<hbm>> -> memref<40x128xi32, #tpu.memory_space<hbm>>
      tpu.wait_dma2 semaphore(%run_scoped3A_171 : memref<!tpu.dma_semaphore, #tpu.memory_space<semaphore_mem>>) src(%dma_wait3A_179 : memref<40x128xi32, #tpu.memory_space<hbm>>) dst(%arg7 : memref<40x128xi32, #tpu.memory_space<vmem>>)
      tpu.yield
    }) : () -> ()
    %mul3A_35 = arith.constant 80 : i32
    %mul3A_36 = arith.muli %add3A, %mul3A_35 : i32
    %add3A_37 = arith.constant 0 : i32
    %add3A_38 = arith.addi %mul3A_36, %add3A_37 : i32
    "tpu.region"() ({
      %run_scoped3A_171 = tpu.sem_alloc : memref<!tpu.dma_semaphore, #tpu.memory_space<semaphore_mem>>
      %dma_start3A_172 = arith.constant 0 : i32
      %dma_start3A_173 = tpu.memref_slice %arg4[%add3A_38, %dma_start3A_172] : memref<2560x128xi32, #tpu.memory_space<hbm>> -> memref<40x128xi32, #tpu.memory_space<hbm>>
      %dma_start3A_174 = arith.constant 0 : i32
      %dma_start3A_175 = tpu.memref_slice %arg4[%add3A_38, %dma_start3A_174] : memref<2560x128xi32, #tpu.memory_space<hbm>> -> memref<40x128xi32, #tpu.memory_space<hbm>>
      tpu.enqueue_dma source(%dma_start3A_175 : memref<40x128xi32, #tpu.memory_space<hbm>>) target(%arg8 : memref<40x128xi32, #tpu.memory_space<vmem>>) target_semaphore(%run_scoped3A_171 : memref<!tpu.dma_semaphore, #tpu.memory_space<semaphore_mem>>)
      %dma_wait3A_176 = arith.constant 0 : i32
      %dma_wait3A_177 = tpu.memref_slice %arg4[%add3A_38, %dma_wait3A_176] : memref<2560x128xi32, #tpu.memory_space<hbm>> -> memref<40x128xi32, #tpu.memory_space<hbm>>
      %dma_wait3A_178 = arith.constant 0 : i32
      %dma_wait3A_179 = tpu.memref_slice %arg4[%add3A_38, %dma_wait3A_178] : memref<2560x128xi32, #tpu.memory_space<hbm>> -> memref<40x128xi32, #tpu.memory_space<hbm>>
      tpu.wait_dma2 semaphore(%run_scoped3A_171 : memref<!tpu.dma_semaphore, #tpu.memory_space<semaphore_mem>>) src(%dma_wait3A_179 : memref<40x128xi32, #tpu.memory_space<hbm>>) dst(%arg8 : memref<40x128xi32, #tpu.memory_space<vmem>>)
      tpu.yield
    }) : () -> ()
    %dma_start3A = arith.constant 0 : i32
    %dma_start3A_39 = arith.constant 0 : i32
    %dma_start3A_40 = arith.constant 0 : i32
    %dma_start3A_41 = arith.constant 0 : i32
    %dma_start3A_42 = tpu.memref_slice %arg9[%dma_start3A_39, %dma_start3A_40, %dma_start3A_41] : memref<2x128x128xf32, #tpu.memory_space<vmem>> -> memref<1x128x128xf32, #tpu.memory_space<vmem>>
    %dma_start3A_43 = tpu.memref_squeeze %dma_start3A_42 : memref<1x128x128xf32, #tpu.memory_space<vmem>> -> memref<128x128xf32, #tpu.memory_space<vmem>>
    %dma_start3A_44 = arith.constant 0 : i32
    %dma_start3A_45 = tpu.memref_slice %arg7[%dma_start3A, %dma_start3A_44] : memref<40x128xi32, #tpu.memory_space<vmem>> -> memref<1x128xi32, #tpu.memory_space<vmem>>
    %dma_start3A_46 = tpu.memref_squeeze %dma_start3A_45 : memref<1x128xi32, #tpu.memory_space<vmem>> -> memref<128xi32, #tpu.memory_space<vmem>>
    %dma_start3A_47 = arith.constant 0 : i32
    %dma_start3A_48 = arith.constant 0 : i32
    %dma_start3A_49 = tpu.memref_slice %arg2[%dma_start3A_47, %dma_start3A_48] : memref<10000x128xf32, #tpu.memory_space<hbm>> -> memref<10000x128xf32, #tpu.memory_space<hbm>>
    tpu.enqueue_indirect_dma source(%dma_start3A_49 : memref<10000x128xf32, #tpu.memory_space<hbm>>) target(%dma_start3A_43 : memref<128x128xf32, #tpu.memory_space<vmem>>) offsets(%dma_start3A_46 : memref<128xi32, #tpu.memory_space<vmem>>) semaphore(%arg11 : memref<!tpu.dma_semaphore, #tpu.memory_space<semaphore_mem>>)
    %dma_start3A_50 = arith.constant 1 : i32
    %dma_start3A_51 = arith.constant 1 : i32
    %dma_start3A_52 = arith.constant 0 : i32
    %dma_start3A_53 = arith.constant 0 : i32
    %dma_start3A_54 = tpu.memref_slice %arg9[%dma_start3A_51, %dma_start3A_52, %dma_start3A_53] : memref<2x128x128xf32, #tpu.memory_space<vmem>> -> memref<1x128x128xf32, #tpu.memory_space<vmem>>
    %dma_start3A_55 = tpu.memref_squeeze %dma_start3A_54 : memref<1x128x128xf32, #tpu.memory_space<vmem>> -> memref<128x128xf32, #tpu.memory_space<vmem>>
    %dma_start3A_56 = arith.constant 0 : i32
    %dma_start3A_57 = tpu.memref_slice %arg7[%dma_start3A_50, %dma_start3A_56] : memref<40x128xi32, #tpu.memory_space<vmem>> -> memref<1x128xi32, #tpu.memory_space<vmem>>
    %dma_start3A_58 = tpu.memref_squeeze %dma_start3A_57 : memref<1x128xi32, #tpu.memory_space<vmem>> -> memref<128xi32, #tpu.memory_space<vmem>>
    %dma_start3A_59 = arith.constant 0 : i32
    %dma_start3A_60 = arith.constant 0 : i32
    %dma_start3A_61 = tpu.memref_slice %arg2[%dma_start3A_59, %dma_start3A_60] : memref<10000x128xf32, #tpu.memory_space<hbm>> -> memref<10000x128xf32, #tpu.memory_space<hbm>>
    tpu.enqueue_indirect_dma source(%dma_start3A_61 : memref<10000x128xf32, #tpu.memory_space<hbm>>) target(%dma_start3A_55 : memref<128x128xf32, #tpu.memory_space<vmem>>) offsets(%dma_start3A_58 : memref<128xi32, #tpu.memory_space<vmem>>) semaphore(%arg12 : memref<!tpu.dma_semaphore, #tpu.memory_space<semaphore_mem>>)
    %scan3A_62 = arith.constant 0 : i32
    %scan3A_63 = arith.constant 0 : i32
    %scan3A_64 = arith.constant 19 : i32
    %scan3A_65 = arith.addi %scan3A_63, %scan3A_64 : i32
    %scan3A_66 = arith.constant 1 : i32
    %scan3A_67 = scf.for %scan3A_171 = %scan3A_63 to %scan3A_65 step %scan3A_66 iter_args(%scan3A_172 = %scan3A_62) -> (i32)  : i32 {
      %mul3A_173 = arith.constant 2 : i32
      %mul3A_174 = arith.muli %mul3A_173, %scan3A_171 : i32
      %add3A_175 = arith.constant 0 : i32
      %add3A_176 = arith.addi %mul3A_174, %add3A_175 : i32
      %dma_wait3A_177 = arith.constant 0 : i32
      %dma_wait3A_178 = arith.constant 0 : i32
      %dma_wait3A_179 = arith.constant 0 : i32
      %dma_wait3A_180 = tpu.memref_slice %arg9[%dma_wait3A_177, %dma_wait3A_178, %dma_wait3A_179] : memref<2x128x128xf32, #tpu.memory_space<vmem>> -> memref<1x128x128xf32, #tpu.memory_space<vmem>>
      %dma_wait3A_181 = tpu.memref_squeeze %dma_wait3A_180 : memref<1x128x128xf32, #tpu.memory_space<vmem>> -> memref<128x128xf32, #tpu.memory_space<vmem>>
      %dma_wait3A_182 = arith.constant 0 : i32
      %dma_wait3A_183 = tpu.memref_slice %arg7[%add3A_176, %dma_wait3A_182] : memref<40x128xi32, #tpu.memory_space<vmem>> -> memref<1x128xi32, #tpu.memory_space<vmem>>
      %dma_wait3A_184 = tpu.memref_squeeze %dma_wait3A_183 : memref<1x128xi32, #tpu.memory_space<vmem>> -> memref<128xi32, #tpu.memory_space<vmem>>
      %dma_wait3A_185 = arith.constant 0 : i32
      %dma_wait3A_186 = arith.constant 0 : i32
      %dma_wait3A_187 = tpu.memref_slice %arg2[%dma_wait3A_185, %dma_wait3A_186] : memref<10000x128xf32, #tpu.memory_space<hbm>> -> memref<10000x128xf32, #tpu.memory_space<hbm>>
      tpu.wait_indirect_dma semaphore(%arg11 : memref<!tpu.dma_semaphore, #tpu.memory_space<semaphore_mem>>) src(%dma_wait3A_187 : memref<10000x128xf32, #tpu.memory_space<hbm>>) dst(%dma_wait3A_181 : memref<128x128xf32, #tpu.memory_space<vmem>>)
      %run_scoped3A_188 = arith.constant 0 : i32
      "tpu.region"() ({
        %run_scoped3A_232 = tpu.sem_alloc : memref<!tpu.dma_semaphore, #tpu.memory_space<semaphore_mem>>
        %dma_start3A_233 = arith.constant 0 : i32
        %dma_start3A_234 = arith.constant 0 : i32
        %dma_start3A_235 = tpu.memref_slice %arg9[%run_scoped3A_188, %dma_start3A_233, %dma_start3A_234] : memref<2x128x128xf32, #tpu.memory_space<vmem>> -> memref<1x128x128xf32, #tpu.memory_space<vmem>>
        %dma_start3A_236 = tpu.memref_squeeze %dma_start3A_235 : memref<1x128x128xf32, #tpu.memory_space<vmem>> -> memref<128x128xf32, #tpu.memory_space<vmem>>
        %dma_start3A_237 = arith.constant 0 : i32
        %dma_start3A_238 = tpu.memref_slice %arg8[%add3A_176, %dma_start3A_237] : memref<40x128xi32, #tpu.memory_space<vmem>> -> memref<1x128xi32, #tpu.memory_space<vmem>>
        %dma_start3A_239 = tpu.memref_squeeze %dma_start3A_238 : memref<1x128xi32, #tpu.memory_space<vmem>> -> memref<128xi32, #tpu.memory_space<vmem>>
        %dma_start3A_240 = arith.constant 0 : i32
        %dma_start3A_241 = arith.constant 0 : i32
        %dma_start3A_242 = tpu.memref_slice %arg10[%dma_start3A_240, %dma_start3A_241] : memref<10240x128xf32, #tpu.memory_space<vmem_shared>> -> memref<10240x128xf32, #tpu.memory_space<vmem_shared>>
        tpu.enqueue_indirect_dma source(%dma_start3A_236 : memref<128x128xf32, #tpu.memory_space<vmem>>) target(%dma_start3A_242 : memref<10240x128xf32, #tpu.memory_space<vmem_shared>>) offsets(%dma_start3A_239 : memref<128xi32, #tpu.memory_space<vmem>>) semaphore(%run_scoped3A_232 : memref<!tpu.dma_semaphore, #tpu.memory_space<semaphore_mem>>) {add = true}
        %dma_wait3A_243 = arith.constant 0 : i32
        %dma_wait3A_244 = arith.constant 0 : i32
        %dma_wait3A_245 = tpu.memref_slice %arg9[%run_scoped3A_188, %dma_wait3A_243, %dma_wait3A_244] : memref<2x128x128xf32, #tpu.memory_space<vmem>> -> memref<1x128x128xf32, #tpu.memory_space<vmem>>
        %dma_wait3A_246 = tpu.memref_squeeze %dma_wait3A_245 : memref<1x128x128xf32, #tpu.memory_space<vmem>> -> memref<128x128xf32, #tpu.memory_space<vmem>>
        %dma_wait3A_247 = arith.constant 0 : i32
        %dma_wait3A_248 = tpu.memref_slice %arg8[%add3A_176, %dma_wait3A_247] : memref<40x128xi32, #tpu.memory_space<vmem>> -> memref<1x128xi32, #tpu.memory_space<vmem>>
        %dma_wait3A_249 = tpu.memref_squeeze %dma_wait3A_248 : memref<1x128xi32, #tpu.memory_space<vmem>> -> memref<128xi32, #tpu.memory_space<vmem>>
        %dma_wait3A_250 = arith.constant 0 : i32
        %dma_wait3A_251 = arith.constant 0 : i32
        %dma_wait3A_252 = tpu.memref_slice %arg10[%dma_wait3A_250, %dma_wait3A_251] : memref<10240x128xf32, #tpu.memory_space<vmem_shared>> -> memref<10240x128xf32, #tpu.memory_space<vmem_shared>>
        tpu.wait_indirect_dma semaphore(%run_scoped3A_232 : memref<!tpu.dma_semaphore, #tpu.memory_space<semaphore_mem>>) src(%dma_wait3A_246 : memref<128x128xf32, #tpu.memory_space<vmem>>) dst(%dma_wait3A_252 : memref<10240x128xf32, #tpu.memory_space<vmem_shared>>)
        tpu.yield
      }) : () -> ()
      %add3A_189 = arith.constant 2 : i32
      %add3A_190 = arith.addi %add3A_176, %add3A_189 : i32
      %dma_start3A_191 = arith.constant 0 : i32
      %dma_start3A_192 = arith.constant 0 : i32
      %dma_start3A_193 = arith.constant 0 : i32
      %dma_start3A_194 = tpu.memref_slice %arg9[%dma_start3A_191, %dma_start3A_192, %dma_start3A_193] : memref<2x128x128xf32, #tpu.memory_space<vmem>> -> memref<1x128x128xf32, #tpu.memory_space<vmem>>
      %dma_start3A_195 = tpu.memref_squeeze %dma_start3A_194 : memref<1x128x128xf32, #tpu.memory_space<vmem>> -> memref<128x128xf32, #tpu.memory_space<vmem>>
      %dma_start3A_196 = arith.constant 0 : i32
      %dma_start3A_197 = tpu.memref_slice %arg7[%add3A_190, %dma_start3A_196] : memref<40x128xi32, #tpu.memory_space<vmem>> -> memref<1x128xi32, #tpu.memory_space<vmem>>
      %dma_start3A_198 = tpu.memref_squeeze %dma_start3A_197 : memref<1x128xi32, #tpu.memory_space<vmem>> -> memref<128xi32, #tpu.memory_space<vmem>>
      %dma_start3A_199 = arith.constant 0 : i32
      %dma_start3A_200 = arith.constant 0 : i32
      %dma_start3A_201 = tpu.memref_slice %arg2[%dma_start3A_199, %dma_start3A_200] : memref<10000x128xf32, #tpu.memory_space<hbm>> -> memref<10000x128xf32, #tpu.memory_space<hbm>>
      tpu.enqueue_indirect_dma source(%dma_start3A_201 : memref<10000x128xf32, #tpu.memory_space<hbm>>) target(%dma_start3A_195 : memref<128x128xf32, #tpu.memory_space<vmem>>) offsets(%dma_start3A_198 : memref<128xi32, #tpu.memory_space<vmem>>) semaphore(%arg11 : memref<!tpu.dma_semaphore, #tpu.memory_space<semaphore_mem>>)
      %mul3A_202 = arith.constant 2 : i32
      %mul3A_203 = arith.muli %mul3A_202, %scan3A_171 : i32
      %add3A_204 = arith.constant 1 : i32
      %add3A_205 = arith.addi %mul3A_203, %add3A_204 : i32
      %dma_wait3A_206 = arith.constant 1 : i32
      %dma_wait3A_207 = arith.constant 0 : i32
      %dma_wait3A_208 = arith.constant 0 : i32
      %dma_wait3A_209 = tpu.memref_slice %arg9[%dma_wait3A_206, %dma_wait3A_207, %dma_wait3A_208] : memref<2x128x128xf32, #tpu.memory_space<vmem>> -> memref<1x128x128xf32, #tpu.memory_space<vmem>>
      %dma_wait3A_210 = tpu.memref_squeeze %dma_wait3A_209 : memref<1x128x128xf32, #tpu.memory_space<vmem>> -> memref<128x128xf32, #tpu.memory_space<vmem>>
      %dma_wait3A_211 = arith.constant 0 : i32
      %dma_wait3A_212 = tpu.memref_slice %arg7[%add3A_205, %dma_wait3A_211] : memref<40x128xi32, #tpu.memory_space<vmem>> -> memref<1x128xi32, #tpu.memory_space<vmem>>
      %dma_wait3A_213 = tpu.memref_squeeze %dma_wait3A_212 : memref<1x128xi32, #tpu.memory_space<vmem>> -> memref<128xi32, #tpu.memory_space<vmem>>
      %dma_wait3A_214 = arith.constant 0 : i32
      %dma_wait3A_215 = arith.constant 0 : i32
      %dma_wait3A_216 = tpu.memref_slice %arg2[%dma_wait3A_214, %dma_wait3A_215] : memref<10000x128xf32, #tpu.memory_space<hbm>> -> memref<10000x128xf32, #tpu.memory_space<hbm>>
      tpu.wait_indirect_dma semaphore(%arg12 : memref<!tpu.dma_semaphore, #tpu.memory_space<semaphore_mem>>) src(%dma_wait3A_216 : memref<10000x128xf32, #tpu.memory_space<hbm>>) dst(%dma_wait3A_210 : memref<128x128xf32, #tpu.memory_space<vmem>>)
      %run_scoped3A_217 = arith.constant 1 : i32
      "tpu.region"() ({
        %run_scoped3A_232 = tpu.sem_alloc : memref<!tpu.dma_semaphore, #tpu.memory_space<semaphore_mem>>
        %dma_start3A_233 = arith.constant 0 : i32
        %dma_start3A_234 = arith.constant 0 : i32
        %dma_start3A_235 = tpu.memref_slice %arg9[%run_scoped3A_217, %dma_start3A_233, %dma_start3A_234] : memref<2x128x128xf32, #tpu.memory_space<vmem>> -> memref<1x128x128xf32, #tpu.memory_space<vmem>>
        %dma_start3A_236 = tpu.memref_squeeze %dma_start3A_235 : memref<1x128x128xf32, #tpu.memory_space<vmem>> -> memref<128x128xf32, #tpu.memory_space<vmem>>
        %dma_start3A_237 = arith.constant 0 : i32
        %dma_start3A_238 = tpu.memref_slice %arg8[%add3A_205, %dma_start3A_237] : memref<40x128xi32, #tpu.memory_space<vmem>> -> memref<1x128xi32, #tpu.memory_space<vmem>>
        %dma_start3A_239 = tpu.memref_squeeze %dma_start3A_238 : memref<1x128xi32, #tpu.memory_space<vmem>> -> memref<128xi32, #tpu.memory_space<vmem>>
        %dma_start3A_240 = arith.constant 0 : i32
        %dma_start3A_241 = arith.constant 0 : i32
        %dma_start3A_242 = tpu.memref_slice %arg10[%dma_start3A_240, %dma_start3A_241] : memref<10240x128xf32, #tpu.memory_space<vmem_shared>> -> memref<10240x128xf32, #tpu.memory_space<vmem_shared>>
        tpu.enqueue_indirect_dma source(%dma_start3A_236 : memref<128x128xf32, #tpu.memory_space<vmem>>) target(%dma_start3A_242 : memref<10240x128xf32, #tpu.memory_space<vmem_shared>>) offsets(%dma_start3A_239 : memref<128xi32, #tpu.memory_space<vmem>>) semaphore(%run_scoped3A_232 : memref<!tpu.dma_semaphore, #tpu.memory_space<semaphore_mem>>) {add = true}
        %dma_wait3A_243 = arith.constant 0 : i32
        %dma_wait3A_244 = arith.constant 0 : i32
        %dma_wait3A_245 = tpu.memref_slice %arg9[%run_scoped3A_217, %dma_wait3A_243, %dma_wait3A_244] : memref<2x128x128xf32, #tpu.memory_space<vmem>> -> memref<1x128x128xf32, #tpu.memory_space<vmem>>
        %dma_wait3A_246 = tpu.memref_squeeze %dma_wait3A_245 : memref<1x128x128xf32, #tpu.memory_space<vmem>> -> memref<128x128xf32, #tpu.memory_space<vmem>>
        %dma_wait3A_247 = arith.constant 0 : i32
        %dma_wait3A_248 = tpu.memref_slice %arg8[%add3A_205, %dma_wait3A_247] : memref<40x128xi32, #tpu.memory_space<vmem>> -> memref<1x128xi32, #tpu.memory_space<vmem>>
        %dma_wait3A_249 = tpu.memref_squeeze %dma_wait3A_248 : memref<1x128xi32, #tpu.memory_space<vmem>> -> memref<128xi32, #tpu.memory_space<vmem>>
        %dma_wait3A_250 = arith.constant 0 : i32
        %dma_wait3A_251 = arith.constant 0 : i32
        %dma_wait3A_252 = tpu.memref_slice %arg10[%dma_wait3A_250, %dma_wait3A_251] : memref<10240x128xf32, #tpu.memory_space<vmem_shared>> -> memref<10240x128xf32, #tpu.memory_space<vmem_shared>>
        tpu.wait_indirect_dma semaphore(%run_scoped3A_232 : memref<!tpu.dma_semaphore, #tpu.memory_space<semaphore_mem>>) src(%dma_wait3A_246 : memref<128x128xf32, #tpu.memory_space<vmem>>) dst(%dma_wait3A_252 : memref<10240x128xf32, #tpu.memory_space<vmem_shared>>)
        tpu.yield
      }) : () -> ()
      %add3A_218 = arith.constant 2 : i32
      %add3A_219 = arith.addi %add3A_205, %add3A_218 : i32
      %dma_start3A_220 = arith.constant 1 : i32
      %dma_start3A_221 = arith.constant 0 : i32
      %dma_start3A_222 = arith.constant 0 : i32
      %dma_start3A_223 = tpu.memref_slice %arg9[%dma_start3A_220, %dma_start3A_221, %dma_start3A_222] : memref<2x128x128xf32, #tpu.memory_space<vmem>> -> memref<1x128x128xf32, #tpu.memory_space<vmem>>
      %dma_start3A_224 = tpu.memref_squeeze %dma_start3A_223 : memref<1x128x128xf32, #tpu.memory_space<vmem>> -> memref<128x128xf32, #tpu.memory_space<vmem>>
      %dma_start3A_225 = arith.constant 0 : i32
      %dma_start3A_226 = tpu.memref_slice %arg7[%add3A_219, %dma_start3A_225] : memref<40x128xi32, #tpu.memory_space<vmem>> -> memref<1x128xi32, #tpu.memory_space<vmem>>
      %dma_start3A_227 = tpu.memref_squeeze %dma_start3A_226 : memref<1x128xi32, #tpu.memory_space<vmem>> -> memref<128xi32, #tpu.memory_space<vmem>>
      %dma_start3A_228 = arith.constant 0 : i32
      %dma_start3A_229 = arith.constant 0 : i32
      %dma_start3A_230 = tpu.memref_slice %arg2[%dma_start3A_228, %dma_start3A_229] : memref<10000x128xf32, #tpu.memory_space<hbm>> -> memref<10000x128xf32, #tpu.memory_space<hbm>>
      tpu.enqueue_indirect_dma source(%dma_start3A_230 : memref<10000x128xf32, #tpu.memory_space<hbm>>) target(%dma_start3A_224 : memref<128x128xf32, #tpu.memory_space<vmem>>) offsets(%dma_start3A_227 : memref<128xi32, #tpu.memory_space<vmem>>) semaphore(%arg12 : memref<!tpu.dma_semaphore, #tpu.memory_space<semaphore_mem>>)
      %scan3A_231 = arith.constant 0 : i32
      scf.yield %scan3A_231 : i32
    }
    %scan3A_68 = arith.constant 19 : i32
    %dma_wait3A = arith.constant 38 : i32
    %dma_wait3A_69 = arith.constant 0 : i32
    %dma_wait3A_70 = arith.constant 0 : i32
    %dma_wait3A_71 = arith.constant 0 : i32
    %dma_wait3A_72 = tpu.memref_slice %arg9[%dma_wait3A_69, %dma_wait3A_70, %dma_wait3A_71] : memref<2x128x128xf32, #tpu.memory_space<vmem>> -> memref<1x128x128xf32, #tpu.memory_space<vmem>>
    %dma_wait3A_73 = tpu.memref_squeeze %dma_wait3A_72 : memref<1x128x128xf32, #tpu.memory_space<vmem>> -> memref<128x128xf32, #tpu.memory_space<vmem>>
    %dma_wait3A_74 = arith.constant 0 : i32
    %dma_wait3A_75 = tpu.memref_slice %arg7[%dma_wait3A, %dma_wait3A_74] : memref<40x128xi32, #tpu.memory_space<vmem>> -> memref<1x128xi32, #tpu.memory_space<vmem>>
    %dma_wait3A_76 = tpu.memref_squeeze %dma_wait3A_75 : memref<1x128xi32, #tpu.memory_space<vmem>> -> memref<128xi32, #tpu.memory_space<vmem>>
    %dma_wait3A_77 = arith.constant 0 : i32
    %dma_wait3A_78 = arith.constant 0 : i32
    %dma_wait3A_79 = tpu.memref_slice %arg2[%dma_wait3A_77, %dma_wait3A_78] : memref<10000x128xf32, #tpu.memory_space<hbm>> -> memref<10000x128xf32, #tpu.memory_space<hbm>>
    tpu.wait_indirect_dma semaphore(%arg11 : memref<!tpu.dma_semaphore, #tpu.memory_space<semaphore_mem>>) src(%dma_wait3A_79 : memref<10000x128xf32, #tpu.memory_space<hbm>>) dst(%dma_wait3A_73 : memref<128x128xf32, #tpu.memory_space<vmem>>)
    %run_scoped3A_80 = arith.constant 0 : i32
    %run_scoped3A_81 = arith.constant 38 : i32
    "tpu.region"() ({
      %run_scoped3A_171 = tpu.sem_alloc : memref<!tpu.dma_semaphore, #tpu.memory_space<semaphore_mem>>
      %dma_start3A_172 = arith.constant 0 : i32
      %dma_start3A_173 = arith.constant 0 : i32
      %dma_start3A_174 = tpu.memref_slice %arg9[%run_scoped3A_80, %dma_start3A_172, %dma_start3A_173] : memref<2x128x128xf32, #tpu.memory_space<vmem>> -> memref<1x128x128xf32, #tpu.memory_space<vmem>>
      %dma_start3A_175 = tpu.memref_squeeze %dma_start3A_174 : memref<1x128x128xf32, #tpu.memory_space<vmem>> -> memref<128x128xf32, #tpu.memory_space<vmem>>
      %dma_start3A_176 = arith.constant 0 : i32
      %dma_start3A_177 = tpu.memref_slice %arg8[%run_scoped3A_81, %dma_start3A_176] : memref<40x128xi32, #tpu.memory_space<vmem>> -> memref<1x128xi32, #tpu.memory_space<vmem>>
      %dma_start3A_178 = tpu.memref_squeeze %dma_start3A_177 : memref<1x128xi32, #tpu.memory_space<vmem>> -> memref<128xi32, #tpu.memory_space<vmem>>
      %dma_start3A_179 = arith.constant 0 : i32
      %dma_start3A_180 = arith.constant 0 : i32
      %dma_start3A_181 = tpu.memref_slice %arg10[%dma_start3A_179, %dma_start3A_180] : memref<10240x128xf32, #tpu.memory_space<vmem_shared>> -> memref<10240x128xf32, #tpu.memory_space<vmem_shared>>
      tpu.enqueue_indirect_dma source(%dma_start3A_175 : memref<128x128xf32, #tpu.memory_space<vmem>>) target(%dma_start3A_181 : memref<10240x128xf32, #tpu.memory_space<vmem_shared>>) offsets(%dma_start3A_178 : memref<128xi32, #tpu.memory_space<vmem>>) semaphore(%run_scoped3A_171 : memref<!tpu.dma_semaphore, #tpu.memory_space<semaphore_mem>>) {add = true}
      %dma_wait3A_182 = arith.constant 0 : i32
      %dma_wait3A_183 = arith.constant 0 : i32
      %dma_wait3A_184 = tpu.memref_slice %arg9[%run_scoped3A_80, %dma_wait3A_182, %dma_wait3A_183] : memref<2x128x128xf32, #tpu.memory_space<vmem>> -> memref<1x128x128xf32, #tpu.memory_space<vmem>>
      %dma_wait3A_185 = tpu.memref_squeeze %dma_wait3A_184 : memref<1x128x128xf32, #tpu.memory_space<vmem>> -> memref<128x128xf32, #tpu.memory_space<vmem>>
      %dma_wait3A_186 = arith.constant 0 : i32
      %dma_wait3A_187 = tpu.memref_slice %arg8[%run_scoped3A_81, %dma_wait3A_186] : memref<40x128xi32, #tpu.memory_space<vmem>> -> memref<1x128xi32, #tpu.memory_space<vmem>>
      %dma_wait3A_188 = tpu.memref_squeeze %dma_wait3A_187 : memref<1x128xi32, #tpu.memory_space<vmem>> -> memref<128xi32, #tpu.memory_space<vmem>>
      %dma_wait3A_189 = arith.constant 0 : i32
      %dma_wait3A_190 = arith.constant 0 : i32
      %dma_wait3A_191 = tpu.memref_slice %arg10[%dma_wait3A_189, %dma_wait3A_190] : memref<10240x128xf32, #tpu.memory_space<vmem_shared>> -> memref<10240x128xf32, #tpu.memory_space<vmem_shared>>
      tpu.wait_indirect_dma semaphore(%run_scoped3A_171 : memref<!tpu.dma_semaphore, #tpu.memory_space<semaphore_mem>>) src(%dma_wait3A_185 : memref<128x128xf32, #tpu.memory_space<vmem>>) dst(%dma_wait3A_191 : memref<10240x128xf32, #tpu.memory_space<vmem_shared>>)
      tpu.yield
    }) : () -> ()
    %dma_wait3A_82 = arith.constant 39 : i32
    %dma_wait3A_83 = arith.constant 1 : i32
    %dma_wait3A_84 = arith.constant 0 : i32
    %dma_wait3A_85 = arith.constant 0 : i32
    %dma_wait3A_86 = tpu.memref_slice %arg9[%dma_wait3A_83, %dma_wait3A_84, %dma_wait3A_85] : memref<2x128x128xf32, #tpu.memory_space<vmem>> -> memref<1x128x128xf32, #tpu.memory_space<vmem>>
    %dma_wait3A_87 = tpu.memref_squeeze %dma_wait3A_86 : memref<1x128x128xf32, #tpu.memory_space<vmem>> -> memref<128x128xf32, #tpu.memory_space<vmem>>
    %dma_wait3A_88 = arith.constant 0 : i32
    %dma_wait3A_89 = tpu.memref_slice %arg7[%dma_wait3A_82, %dma_wait3A_88] : memref<40x128xi32, #tpu.memory_space<vmem>> -> memref<1x128xi32, #tpu.memory_space<vmem>>
    %dma_wait3A_90 = tpu.memref_squeeze %dma_wait3A_89 : memref<1x128xi32, #tpu.memory_space<vmem>> -> memref<128xi32, #tpu.memory_space<vmem>>
    %dma_wait3A_91 = arith.constant 0 : i32
    %dma_wait3A_92 = arith.constant 0 : i32
    %dma_wait3A_93 = tpu.memref_slice %arg2[%dma_wait3A_91, %dma_wait3A_92] : memref<10000x128xf32, #tpu.memory_space<hbm>> -> memref<10000x128xf32, #tpu.memory_space<hbm>>
    tpu.wait_indirect_dma semaphore(%arg12 : memref<!tpu.dma_semaphore, #tpu.memory_space<semaphore_mem>>) src(%dma_wait3A_93 : memref<10000x128xf32, #tpu.memory_space<hbm>>) dst(%dma_wait3A_87 : memref<128x128xf32, #tpu.memory_space<vmem>>)
    %run_scoped3A_94 = arith.constant 1 : i32
    %run_scoped3A_95 = arith.constant 39 : i32
    "tpu.region"() ({
      %run_scoped3A_171 = tpu.sem_alloc : memref<!tpu.dma_semaphore, #tpu.memory_space<semaphore_mem>>
      %dma_start3A_172 = arith.constant 0 : i32
      %dma_start3A_173 = arith.constant 0 : i32
      %dma_start3A_174 = tpu.memref_slice %arg9[%run_scoped3A_94, %dma_start3A_172, %dma_start3A_173] : memref<2x128x128xf32, #tpu.memory_space<vmem>> -> memref<1x128x128xf32, #tpu.memory_space<vmem>>
      %dma_start3A_175 = tpu.memref_squeeze %dma_start3A_174 : memref<1x128x128xf32, #tpu.memory_space<vmem>> -> memref<128x128xf32, #tpu.memory_space<vmem>>
      %dma_start3A_176 = arith.constant 0 : i32
      %dma_start3A_177 = tpu.memref_slice %arg8[%run_scoped3A_95, %dma_start3A_176] : memref<40x128xi32, #tpu.memory_space<vmem>> -> memref<1x128xi32, #tpu.memory_space<vmem>>
      %dma_start3A_178 = tpu.memref_squeeze %dma_start3A_177 : memref<1x128xi32, #tpu.memory_space<vmem>> -> memref<128xi32, #tpu.memory_space<vmem>>
      %dma_start3A_179 = arith.constant 0 : i32
      %dma_start3A_180 = arith.constant 0 : i32
      %dma_start3A_181 = tpu.memref_slice %arg10[%dma_start3A_179, %dma_start3A_180] : memref<10240x128xf32, #tpu.memory_space<vmem_shared>> -> memref<10240x128xf32, #tpu.memory_space<vmem_shared>>
      tpu.enqueue_indirect_dma source(%dma_start3A_175 : memref<128x128xf32, #tpu.memory_space<vmem>>) target(%dma_start3A_181 : memref<10240x128xf32, #tpu.memory_space<vmem_shared>>) offsets(%dma_start3A_178 : memref<128xi32, #tpu.memory_space<vmem>>) semaphore(%run_scoped3A_171 : memref<!tpu.dma_semaphore, #tpu.memory_space<semaphore_mem>>) {add = true}
      %dma_wait3A_182 = arith.constant 0 : i32
      %dma_wait3A_183 = arith.constant 0 : i32
      %dma_wait3A_184 = tpu.memref_slice %arg9[%run_scoped3A_94, %dma_wait3A_182, %dma_wait3A_183] : memref<2x128x128xf32, #tpu.memory_space<vmem>> -> memref<1x128x128xf32, #tpu.memory_space<vmem>>
      %dma_wait3A_185 = tpu.memref_squeeze %dma_wait3A_184 : memref<1x128x128xf32, #tpu.memory_space<vmem>> -> memref<128x128xf32, #tpu.memory_space<vmem>>
      %dma_wait3A_186 = arith.constant 0 : i32
      %dma_wait3A_187 = tpu.memref_slice %arg8[%run_scoped3A_95, %dma_wait3A_186] : memref<40x128xi32, #tpu.memory_space<vmem>> -> memref<1x128xi32, #tpu.memory_space<vmem>>
      %dma_wait3A_188 = tpu.memref_squeeze %dma_wait3A_187 : memref<1x128xi32, #tpu.memory_space<vmem>> -> memref<128xi32, #tpu.memory_space<vmem>>
      %dma_wait3A_189 = arith.constant 0 : i32
      %dma_wait3A_190 = arith.constant 0 : i32
      %dma_wait3A_191 = tpu.memref_slice %arg10[%dma_wait3A_189, %dma_wait3A_190] : memref<10240x128xf32, #tpu.memory_space<vmem_shared>> -> memref<10240x128xf32, #tpu.memory_space<vmem_shared>>
      tpu.wait_indirect_dma semaphore(%run_scoped3A_171 : memref<!tpu.dma_semaphore, #tpu.memory_space<semaphore_mem>>) src(%dma_wait3A_185 : memref<128x128xf32, #tpu.memory_space<vmem>>) dst(%dma_wait3A_191 : memref<10240x128xf32, #tpu.memory_space<vmem_shared>>)
      tpu.yield
    }) : () -> ()
    %mul3A_96 = arith.constant 80 : i32
    %mul3A_97 = arith.muli %add3A, %mul3A_96 : i32
    %add3A_98 = arith.constant 40 : i32
    %add3A_99 = arith.addi %mul3A_97, %add3A_98 : i32
    "tpu.region"() ({
      %run_scoped3A_171 = tpu.sem_alloc : memref<!tpu.dma_semaphore, #tpu.memory_space<semaphore_mem>>
      %dma_start3A_172 = arith.constant 0 : i32
      %dma_start3A_173 = tpu.memref_slice %arg3[%add3A_99, %dma_start3A_172] : memref<2560x128xi32, #tpu.memory_space<hbm>> -> memref<40x128xi32, #tpu.memory_space<hbm>>
      %dma_start3A_174 = arith.constant 0 : i32
      %dma_start3A_175 = tpu.memref_slice %arg3[%add3A_99, %dma_start3A_174] : memref<2560x128xi32, #tpu.memory_space<hbm>> -> memref<40x128xi32, #tpu.memory_space<hbm>>
      tpu.enqueue_dma source(%dma_start3A_175 : memref<40x128xi32, #tpu.memory_space<hbm>>) target(%arg7 : memref<40x128xi32, #tpu.memory_space<vmem>>) target_semaphore(%run_scoped3A_171 : memref<!tpu.dma_semaphore, #tpu.memory_space<semaphore_mem>>)
      %dma_wait3A_176 = arith.constant 0 : i32
      %dma_wait3A_177 = tpu.memref_slice %arg3[%add3A_99, %dma_wait3A_176] : memref<2560x128xi32, #tpu.memory_space<hbm>> -> memref<40x128xi32, #tpu.memory_space<hbm>>
      %dma_wait3A_178 = arith.constant 0 : i32
      %dma_wait3A_179 = tpu.memref_slice %arg3[%add3A_99, %dma_wait3A_178] : memref<2560x128xi32, #tpu.memory_space<hbm>> -> memref<40x128xi32, #tpu.memory_space<hbm>>
      tpu.wait_dma2 semaphore(%run_scoped3A_171 : memref<!tpu.dma_semaphore, #tpu.memory_space<semaphore_mem>>) src(%dma_wait3A_179 : memref<40x128xi32, #tpu.memory_space<hbm>>) dst(%arg7 : memref<40x128xi32, #tpu.memory_space<vmem>>)
      tpu.yield
    }) : () -> ()
    %mul3A_100 = arith.constant 80 : i32
    %mul3A_101 = arith.muli %add3A, %mul3A_100 : i32
    %add3A_102 = arith.constant 40 : i32
    %add3A_103 = arith.addi %mul3A_101, %add3A_102 : i32
    "tpu.region"() ({
      %run_scoped3A_171 = tpu.sem_alloc : memref<!tpu.dma_semaphore, #tpu.memory_space<semaphore_mem>>
      %dma_start3A_172 = arith.constant 0 : i32
      %dma_start3A_173 = tpu.memref_slice %arg4[%add3A_103, %dma_start3A_172] : memref<2560x128xi32, #tpu.memory_space<hbm>> -> memref<40x128xi32, #tpu.memory_space<hbm>>
      %dma_start3A_174 = arith.constant 0 : i32
      %dma_start3A_175 = tpu.memref_slice %arg4[%add3A_103, %dma_start3A_174] : memref<2560x128xi32, #tpu.memory_space<hbm>> -> memref<40x128xi32, #tpu.memory_space<hbm>>
      tpu.enqueue_dma source(%dma_start3A_175 : memref<40x128xi32, #tpu.memory_space<hbm>>) target(%arg8 : memref<40x128xi32, #tpu.memory_space<vmem>>) target_semaphore(%run_scoped3A_171 : memref<!tpu.dma_semaphore, #tpu.memory_space<semaphore_mem>>)
      %dma_wait3A_176 = arith.constant 0 : i32
      %dma_wait3A_177 = tpu.memref_slice %arg4[%add3A_103, %dma_wait3A_176] : memref<2560x128xi32, #tpu.memory_space<hbm>> -> memref<40x128xi32, #tpu.memory_space<hbm>>
      %dma_wait3A_178 = arith.constant 0 : i32
      %dma_wait3A_179 = tpu.memref_slice %arg4[%add3A_103, %dma_wait3A_178] : memref<2560x128xi32, #tpu.memory_space<hbm>> -> memref<40x128xi32, #tpu.memory_space<hbm>>
      tpu.wait_dma2 semaphore(%run_scoped3A_171 : memref<!tpu.dma_semaphore, #tpu.memory_space<semaphore_mem>>) src(%dma_wait3A_179 : memref<40x128xi32, #tpu.memory_space<hbm>>) dst(%arg8 : memref<40x128xi32, #tpu.memory_space<vmem>>)
      tpu.yield
    }) : () -> ()
    %dma_start3A_104 = arith.constant 0 : i32
    %dma_start3A_105 = arith.constant 0 : i32
    %dma_start3A_106 = arith.constant 0 : i32
    %dma_start3A_107 = arith.constant 0 : i32
    %dma_start3A_108 = tpu.memref_slice %arg9[%dma_start3A_105, %dma_start3A_106, %dma_start3A_107] : memref<2x128x128xf32, #tpu.memory_space<vmem>> -> memref<1x128x128xf32, #tpu.memory_space<vmem>>
    %dma_start3A_109 = tpu.memref_squeeze %dma_start3A_108 : memref<1x128x128xf32, #tpu.memory_space<vmem>> -> memref<128x128xf32, #tpu.memory_space<vmem>>
    %dma_start3A_110 = arith.constant 0 : i32
    %dma_start3A_111 = tpu.memref_slice %arg7[%dma_start3A_104, %dma_start3A_110] : memref<40x128xi32, #tpu.memory_space<vmem>> -> memref<1x128xi32, #tpu.memory_space<vmem>>
    %dma_start3A_112 = tpu.memref_squeeze %dma_start3A_111 : memref<1x128xi32, #tpu.memory_space<vmem>> -> memref<128xi32, #tpu.memory_space<vmem>>
    %dma_start3A_113 = arith.constant 0 : i32
    %dma_start3A_114 = arith.constant 0 : i32
    %dma_start3A_115 = tpu.memref_slice %arg2[%dma_start3A_113, %dma_start3A_114] : memref<10000x128xf32, #tpu.memory_space<hbm>> -> memref<10000x128xf32, #tpu.memory_space<hbm>>
    tpu.enqueue_indirect_dma source(%dma_start3A_115 : memref<10000x128xf32, #tpu.memory_space<hbm>>) target(%dma_start3A_109 : memref<128x128xf32, #tpu.memory_space<vmem>>) offsets(%dma_start3A_112 : memref<128xi32, #tpu.memory_space<vmem>>) semaphore(%arg11 : memref<!tpu.dma_semaphore, #tpu.memory_space<semaphore_mem>>)
    %dma_start3A_116 = arith.constant 1 : i32
    %dma_start3A_117 = arith.constant 1 : i32
    %dma_start3A_118 = arith.constant 0 : i32
    %dma_start3A_119 = arith.constant 0 : i32
    %dma_start3A_120 = tpu.memref_slice %arg9[%dma_start3A_117, %dma_start3A_118, %dma_start3A_119] : memref<2x128x128xf32, #tpu.memory_space<vmem>> -> memref<1x128x128xf32, #tpu.memory_space<vmem>>
    %dma_start3A_121 = tpu.memref_squeeze %dma_start3A_120 : memref<1x128x128xf32, #tpu.memory_space<vmem>> -> memref<128x128xf32, #tpu.memory_space<vmem>>
    %dma_start3A_122 = arith.constant 0 : i32
    %dma_start3A_123 = tpu.memref_slice %arg7[%dma_start3A_116, %dma_start3A_122] : memref<40x128xi32, #tpu.memory_space<vmem>> -> memref<1x128xi32, #tpu.memory_space<vmem>>
    %dma_start3A_124 = tpu.memref_squeeze %dma_start3A_123 : memref<1x128xi32, #tpu.memory_space<vmem>> -> memref<128xi32, #tpu.memory_space<vmem>>
    %dma_start3A_125 = arith.constant 0 : i32
    %dma_start3A_126 = arith.constant 0 : i32
    %dma_start3A_127 = tpu.memref_slice %arg2[%dma_start3A_125, %dma_start3A_126] : memref<10000x128xf32, #tpu.memory_space<hbm>> -> memref<10000x128xf32, #tpu.memory_space<hbm>>
    tpu.enqueue_indirect_dma source(%dma_start3A_127 : memref<10000x128xf32, #tpu.memory_space<hbm>>) target(%dma_start3A_121 : memref<128x128xf32, #tpu.memory_space<vmem>>) offsets(%dma_start3A_124 : memref<128xi32, #tpu.memory_space<vmem>>) semaphore(%arg12 : memref<!tpu.dma_semaphore, #tpu.memory_space<semaphore_mem>>)
    %scan3A_128 = arith.constant 0 : i32
    %scan3A_129 = arith.constant 0 : i32
    %scan3A_130 = arith.constant 19 : i32
    %scan3A_131 = arith.addi %scan3A_129, %scan3A_130 : i32
    %scan3A_132 = arith.constant 1 : i32
    %scan3A_133 = scf.for %scan3A_171 = %scan3A_129 to %scan3A_131 step %scan3A_132 iter_args(%scan3A_172 = %scan3A_128) -> (i32)  : i32 {
      %mul3A_173 = arith.constant 2 : i32
      %mul3A_174 = arith.muli %mul3A_173, %scan3A_171 : i32
      %add3A_175 = arith.constant 0 : i32
      %add3A_176 = arith.addi %mul3A_174, %add3A_175 : i32
      %dma_wait3A_177 = arith.constant 0 : i32
      %dma_wait3A_178 = arith.constant 0 : i32
      %dma_wait3A_179 = arith.constant 0 : i32
      %dma_wait3A_180 = tpu.memref_slice %arg9[%dma_wait3A_177, %dma_wait3A_178, %dma_wait3A_179] : memref<2x128x128xf32, #tpu.memory_space<vmem>> -> memref<1x128x128xf32, #tpu.memory_space<vmem>>
      %dma_wait3A_181 = tpu.memref_squeeze %dma_wait3A_180 : memref<1x128x128xf32, #tpu.memory_space<vmem>> -> memref<128x128xf32, #tpu.memory_space<vmem>>
      %dma_wait3A_182 = arith.constant 0 : i32
      %dma_wait3A_183 = tpu.memref_slice %arg7[%add3A_176, %dma_wait3A_182] : memref<40x128xi32, #tpu.memory_space<vmem>> -> memref<1x128xi32, #tpu.memory_space<vmem>>
      %dma_wait3A_184 = tpu.memref_squeeze %dma_wait3A_183 : memref<1x128xi32, #tpu.memory_space<vmem>> -> memref<128xi32, #tpu.memory_space<vmem>>
      %dma_wait3A_185 = arith.constant 0 : i32
      %dma_wait3A_186 = arith.constant 0 : i32
      %dma_wait3A_187 = tpu.memref_slice %arg2[%dma_wait3A_185, %dma_wait3A_186] : memref<10000x128xf32, #tpu.memory_space<hbm>> -> memref<10000x128xf32, #tpu.memory_space<hbm>>
      tpu.wait_indirect_dma semaphore(%arg11 : memref<!tpu.dma_semaphore, #tpu.memory_space<semaphore_mem>>) src(%dma_wait3A_187 : memref<10000x128xf32, #tpu.memory_space<hbm>>) dst(%dma_wait3A_181 : memref<128x128xf32, #tpu.memory_space<vmem>>)
      %run_scoped3A_188 = arith.constant 0 : i32
      "tpu.region"() ({
        %run_scoped3A_232 = tpu.sem_alloc : memref<!tpu.dma_semaphore, #tpu.memory_space<semaphore_mem>>
        %dma_start3A_233 = arith.constant 0 : i32
        %dma_start3A_234 = arith.constant 0 : i32
        %dma_start3A_235 = tpu.memref_slice %arg9[%run_scoped3A_188, %dma_start3A_233, %dma_start3A_234] : memref<2x128x128xf32, #tpu.memory_space<vmem>> -> memref<1x128x128xf32, #tpu.memory_space<vmem>>
        %dma_start3A_236 = tpu.memref_squeeze %dma_start3A_235 : memref<1x128x128xf32, #tpu.memory_space<vmem>> -> memref<128x128xf32, #tpu.memory_space<vmem>>
        %dma_start3A_237 = arith.constant 0 : i32
        %dma_start3A_238 = tpu.memref_slice %arg8[%add3A_176, %dma_start3A_237] : memref<40x128xi32, #tpu.memory_space<vmem>> -> memref<1x128xi32, #tpu.memory_space<vmem>>
        %dma_start3A_239 = tpu.memref_squeeze %dma_start3A_238 : memref<1x128xi32, #tpu.memory_space<vmem>> -> memref<128xi32, #tpu.memory_space<vmem>>
        %dma_start3A_240 = arith.constant 0 : i32
        %dma_start3A_241 = arith.constant 0 : i32
        %dma_start3A_242 = tpu.memref_slice %arg10[%dma_start3A_240, %dma_start3A_241] : memref<10240x128xf32, #tpu.memory_space<vmem_shared>> -> memref<10240x128xf32, #tpu.memory_space<vmem_shared>>
        tpu.enqueue_indirect_dma source(%dma_start3A_236 : memref<128x128xf32, #tpu.memory_space<vmem>>) target(%dma_start3A_242 : memref<10240x128xf32, #tpu.memory_space<vmem_shared>>) offsets(%dma_start3A_239 : memref<128xi32, #tpu.memory_space<vmem>>) semaphore(%run_scoped3A_232 : memref<!tpu.dma_semaphore, #tpu.memory_space<semaphore_mem>>) {add = true}
        %dma_wait3A_243 = arith.constant 0 : i32
        %dma_wait3A_244 = arith.constant 0 : i32
        %dma_wait3A_245 = tpu.memref_slice %arg9[%run_scoped3A_188, %dma_wait3A_243, %dma_wait3A_244] : memref<2x128x128xf32, #tpu.memory_space<vmem>> -> memref<1x128x128xf32, #tpu.memory_space<vmem>>
        %dma_wait3A_246 = tpu.memref_squeeze %dma_wait3A_245 : memref<1x128x128xf32, #tpu.memory_space<vmem>> -> memref<128x128xf32, #tpu.memory_space<vmem>>
        %dma_wait3A_247 = arith.constant 0 : i32
        %dma_wait3A_248 = tpu.memref_slice %arg8[%add3A_176, %dma_wait3A_247] : memref<40x128xi32, #tpu.memory_space<vmem>> -> memref<1x128xi32, #tpu.memory_space<vmem>>
        %dma_wait3A_249 = tpu.memref_squeeze %dma_wait3A_248 : memref<1x128xi32, #tpu.memory_space<vmem>> -> memref<128xi32, #tpu.memory_space<vmem>>
        %dma_wait3A_250 = arith.constant 0 : i32
        %dma_wait3A_251 = arith.constant 0 : i32
        %dma_wait3A_252 = tpu.memref_slice %arg10[%dma_wait3A_250, %dma_wait3A_251] : memref<10240x128xf32, #tpu.memory_space<vmem_shared>> -> memref<10240x128xf32, #tpu.memory_space<vmem_shared>>
        tpu.wait_indirect_dma semaphore(%run_scoped3A_232 : memref<!tpu.dma_semaphore, #tpu.memory_space<semaphore_mem>>) src(%dma_wait3A_246 : memref<128x128xf32, #tpu.memory_space<vmem>>) dst(%dma_wait3A_252 : memref<10240x128xf32, #tpu.memory_space<vmem_shared>>)
        tpu.yield
      }) : () -> ()
      %add3A_189 = arith.constant 2 : i32
      %add3A_190 = arith.addi %add3A_176, %add3A_189 : i32
      %dma_start3A_191 = arith.constant 0 : i32
      %dma_start3A_192 = arith.constant 0 : i32
      %dma_start3A_193 = arith.constant 0 : i32
      %dma_start3A_194 = tpu.memref_slice %arg9[%dma_start3A_191, %dma_start3A_192, %dma_start3A_193] : memref<2x128x128xf32, #tpu.memory_space<vmem>> -> memref<1x128x128xf32, #tpu.memory_space<vmem>>
      %dma_start3A_195 = tpu.memref_squeeze %dma_start3A_194 : memref<1x128x128xf32, #tpu.memory_space<vmem>> -> memref<128x128xf32, #tpu.memory_space<vmem>>
      %dma_start3A_196 = arith.constant 0 : i32
      %dma_start3A_197 = tpu.memref_slice %arg7[%add3A_190, %dma_start3A_196] : memref<40x128xi32, #tpu.memory_space<vmem>> -> memref<1x128xi32, #tpu.memory_space<vmem>>
      %dma_start3A_198 = tpu.memref_squeeze %dma_start3A_197 : memref<1x128xi32, #tpu.memory_space<vmem>> -> memref<128xi32, #tpu.memory_space<vmem>>
      %dma_start3A_199 = arith.constant 0 : i32
      %dma_start3A_200 = arith.constant 0 : i32
      %dma_start3A_201 = tpu.memref_slice %arg2[%dma_start3A_199, %dma_start3A_200] : memref<10000x128xf32, #tpu.memory_space<hbm>> -> memref<10000x128xf32, #tpu.memory_space<hbm>>
      tpu.enqueue_indirect_dma source(%dma_start3A_201 : memref<10000x128xf32, #tpu.memory_space<hbm>>) target(%dma_start3A_195 : memref<128x128xf32, #tpu.memory_space<vmem>>) offsets(%dma_start3A_198 : memref<128xi32, #tpu.memory_space<vmem>>) semaphore(%arg11 : memref<!tpu.dma_semaphore, #tpu.memory_space<semaphore_mem>>)
      %mul3A_202 = arith.constant 2 : i32
      %mul3A_203 = arith.muli %mul3A_202, %scan3A_171 : i32
      %add3A_204 = arith.constant 1 : i32
      %add3A_205 = arith.addi %mul3A_203, %add3A_204 : i32
      %dma_wait3A_206 = arith.constant 1 : i32
      %dma_wait3A_207 = arith.constant 0 : i32
      %dma_wait3A_208 = arith.constant 0 : i32
      %dma_wait3A_209 = tpu.memref_slice %arg9[%dma_wait3A_206, %dma_wait3A_207, %dma_wait3A_208] : memref<2x128x128xf32, #tpu.memory_space<vmem>> -> memref<1x128x128xf32, #tpu.memory_space<vmem>>
      %dma_wait3A_210 = tpu.memref_squeeze %dma_wait3A_209 : memref<1x128x128xf32, #tpu.memory_space<vmem>> -> memref<128x128xf32, #tpu.memory_space<vmem>>
      %dma_wait3A_211 = arith.constant 0 : i32
      %dma_wait3A_212 = tpu.memref_slice %arg7[%add3A_205, %dma_wait3A_211] : memref<40x128xi32, #tpu.memory_space<vmem>> -> memref<1x128xi32, #tpu.memory_space<vmem>>
      %dma_wait3A_213 = tpu.memref_squeeze %dma_wait3A_212 : memref<1x128xi32, #tpu.memory_space<vmem>> -> memref<128xi32, #tpu.memory_space<vmem>>
      %dma_wait3A_214 = arith.constant 0 : i32
      %dma_wait3A_215 = arith.constant 0 : i32
      %dma_wait3A_216 = tpu.memref_slice %arg2[%dma_wait3A_214, %dma_wait3A_215] : memref<10000x128xf32, #tpu.memory_space<hbm>> -> memref<10000x128xf32, #tpu.memory_space<hbm>>
      tpu.wait_indirect_dma semaphore(%arg12 : memref<!tpu.dma_semaphore, #tpu.memory_space<semaphore_mem>>) src(%dma_wait3A_216 : memref<10000x128xf32, #tpu.memory_space<hbm>>) dst(%dma_wait3A_210 : memref<128x128xf32, #tpu.memory_space<vmem>>)
      %run_scoped3A_217 = arith.constant 1 : i32
      "tpu.region"() ({
        %run_scoped3A_232 = tpu.sem_alloc : memref<!tpu.dma_semaphore, #tpu.memory_space<semaphore_mem>>
        %dma_start3A_233 = arith.constant 0 : i32
        %dma_start3A_234 = arith.constant 0 : i32
        %dma_start3A_235 = tpu.memref_slice %arg9[%run_scoped3A_217, %dma_start3A_233, %dma_start3A_234] : memref<2x128x128xf32, #tpu.memory_space<vmem>> -> memref<1x128x128xf32, #tpu.memory_space<vmem>>
        %dma_start3A_236 = tpu.memref_squeeze %dma_start3A_235 : memref<1x128x128xf32, #tpu.memory_space<vmem>> -> memref<128x128xf32, #tpu.memory_space<vmem>>
        %dma_start3A_237 = arith.constant 0 : i32
        %dma_start3A_238 = tpu.memref_slice %arg8[%add3A_205, %dma_start3A_237] : memref<40x128xi32, #tpu.memory_space<vmem>> -> memref<1x128xi32, #tpu.memory_space<vmem>>
        %dma_start3A_239 = tpu.memref_squeeze %dma_start3A_238 : memref<1x128xi32, #tpu.memory_space<vmem>> -> memref<128xi32, #tpu.memory_space<vmem>>
        %dma_start3A_240 = arith.constant 0 : i32
        %dma_start3A_241 = arith.constant 0 : i32
        %dma_start3A_242 = tpu.memref_slice %arg10[%dma_start3A_240, %dma_start3A_241] : memref<10240x128xf32, #tpu.memory_space<vmem_shared>> -> memref<10240x128xf32, #tpu.memory_space<vmem_shared>>
        tpu.enqueue_indirect_dma source(%dma_start3A_236 : memref<128x128xf32, #tpu.memory_space<vmem>>) target(%dma_start3A_242 : memref<10240x128xf32, #tpu.memory_space<vmem_shared>>) offsets(%dma_start3A_239 : memref<128xi32, #tpu.memory_space<vmem>>) semaphore(%run_scoped3A_232 : memref<!tpu.dma_semaphore, #tpu.memory_space<semaphore_mem>>) {add = true}
        %dma_wait3A_243 = arith.constant 0 : i32
        %dma_wait3A_244 = arith.constant 0 : i32
        %dma_wait3A_245 = tpu.memref_slice %arg9[%run_scoped3A_217, %dma_wait3A_243, %dma_wait3A_244] : memref<2x128x128xf32, #tpu.memory_space<vmem>> -> memref<1x128x128xf32, #tpu.memory_space<vmem>>
        %dma_wait3A_246 = tpu.memref_squeeze %dma_wait3A_245 : memref<1x128x128xf32, #tpu.memory_space<vmem>> -> memref<128x128xf32, #tpu.memory_space<vmem>>
        %dma_wait3A_247 = arith.constant 0 : i32
        %dma_wait3A_248 = tpu.memref_slice %arg8[%add3A_205, %dma_wait3A_247] : memref<40x128xi32, #tpu.memory_space<vmem>> -> memref<1x128xi32, #tpu.memory_space<vmem>>
        %dma_wait3A_249 = tpu.memref_squeeze %dma_wait3A_248 : memref<1x128xi32, #tpu.memory_space<vmem>> -> memref<128xi32, #tpu.memory_space<vmem>>
        %dma_wait3A_250 = arith.constant 0 : i32
        %dma_wait3A_251 = arith.constant 0 : i32
        %dma_wait3A_252 = tpu.memref_slice %arg10[%dma_wait3A_250, %dma_wait3A_251] : memref<10240x128xf32, #tpu.memory_space<vmem_shared>> -> memref<10240x128xf32, #tpu.memory_space<vmem_shared>>
        tpu.wait_indirect_dma semaphore(%run_scoped3A_232 : memref<!tpu.dma_semaphore, #tpu.memory_space<semaphore_mem>>) src(%dma_wait3A_246 : memref<128x128xf32, #tpu.memory_space<vmem>>) dst(%dma_wait3A_252 : memref<10240x128xf32, #tpu.memory_space<vmem_shared>>)
        tpu.yield
      }) : () -> ()
      %add3A_218 = arith.constant 2 : i32
      %add3A_219 = arith.addi %add3A_205, %add3A_218 : i32
      %dma_start3A_220 = arith.constant 1 : i32
      %dma_start3A_221 = arith.constant 0 : i32
      %dma_start3A_222 = arith.constant 0 : i32
      %dma_start3A_223 = tpu.memref_slice %arg9[%dma_start3A_220, %dma_start3A_221, %dma_start3A_222] : memref<2x128x128xf32, #tpu.memory_space<vmem>> -> memref<1x128x128xf32, #tpu.memory_space<vmem>>
      %dma_start3A_224 = tpu.memref_squeeze %dma_start3A_223 : memref<1x128x128xf32, #tpu.memory_space<vmem>> -> memref<128x128xf32, #tpu.memory_space<vmem>>
      %dma_start3A_225 = arith.constant 0 : i32
      %dma_start3A_226 = tpu.memref_slice %arg7[%add3A_219, %dma_start3A_225] : memref<40x128xi32, #tpu.memory_space<vmem>> -> memref<1x128xi32, #tpu.memory_space<vmem>>
      %dma_start3A_227 = tpu.memref_squeeze %dma_start3A_226 : memref<1x128xi32, #tpu.memory_space<vmem>> -> memref<128xi32, #tpu.memory_space<vmem>>
      %dma_start3A_228 = arith.constant 0 : i32
      %dma_start3A_229 = arith.constant 0 : i32
      %dma_start3A_230 = tpu.memref_slice %arg2[%dma_start3A_228, %dma_start3A_229] : memref<10000x128xf32, #tpu.memory_space<hbm>> -> memref<10000x128xf32, #tpu.memory_space<hbm>>
      tpu.enqueue_indirect_dma source(%dma_start3A_230 : memref<10000x128xf32, #tpu.memory_space<hbm>>) target(%dma_start3A_224 : memref<128x128xf32, #tpu.memory_space<vmem>>) offsets(%dma_start3A_227 : memref<128xi32, #tpu.memory_space<vmem>>) semaphore(%arg12 : memref<!tpu.dma_semaphore, #tpu.memory_space<semaphore_mem>>)
      %scan3A_231 = arith.constant 0 : i32
      scf.yield %scan3A_231 : i32
    }
    %scan3A_134 = arith.constant 19 : i32
    %dma_wait3A_135 = arith.constant 38 : i32
    %dma_wait3A_136 = arith.constant 0 : i32
    %dma_wait3A_137 = arith.constant 0 : i32
    %dma_wait3A_138 = arith.constant 0 : i32
    %dma_wait3A_139 = tpu.memref_slice %arg9[%dma_wait3A_136, %dma_wait3A_137, %dma_wait3A_138] : memref<2x128x128xf32, #tpu.memory_space<vmem>> -> memref<1x128x128xf32, #tpu.memory_space<vmem>>
    %dma_wait3A_140 = tpu.memref_squeeze %dma_wait3A_139 : memref<1x128x128xf32, #tpu.memory_space<vmem>> -> memref<128x128xf32, #tpu.memory_space<vmem>>
    %dma_wait3A_141 = arith.constant 0 : i32
    %dma_wait3A_142 = tpu.memref_slice %arg7[%dma_wait3A_135, %dma_wait3A_141] : memref<40x128xi32, #tpu.memory_space<vmem>> -> memref<1x128xi32, #tpu.memory_space<vmem>>
    %dma_wait3A_143 = tpu.memref_squeeze %dma_wait3A_142 : memref<1x128xi32, #tpu.memory_space<vmem>> -> memref<128xi32, #tpu.memory_space<vmem>>
    %dma_wait3A_144 = arith.constant 0 : i32
    %dma_wait3A_145 = arith.constant 0 : i32
    %dma_wait3A_146 = tpu.memref_slice %arg2[%dma_wait3A_144, %dma_wait3A_145] : memref<10000x128xf32, #tpu.memory_space<hbm>> -> memref<10000x128xf32, #tpu.memory_space<hbm>>
    tpu.wait_indirect_dma semaphore(%arg11 : memref<!tpu.dma_semaphore, #tpu.memory_space<semaphore_mem>>) src(%dma_wait3A_146 : memref<10000x128xf32, #tpu.memory_space<hbm>>) dst(%dma_wait3A_140 : memref<128x128xf32, #tpu.memory_space<vmem>>)
    %run_scoped3A_147 = arith.constant 0 : i32
    %run_scoped3A_148 = arith.constant 38 : i32
    "tpu.region"() ({
      %run_scoped3A_171 = tpu.sem_alloc : memref<!tpu.dma_semaphore, #tpu.memory_space<semaphore_mem>>
      %dma_start3A_172 = arith.constant 0 : i32
      %dma_start3A_173 = arith.constant 0 : i32
      %dma_start3A_174 = tpu.memref_slice %arg9[%run_scoped3A_147, %dma_start3A_172, %dma_start3A_173] : memref<2x128x128xf32, #tpu.memory_space<vmem>> -> memref<1x128x128xf32, #tpu.memory_space<vmem>>
      %dma_start3A_175 = tpu.memref_squeeze %dma_start3A_174 : memref<1x128x128xf32, #tpu.memory_space<vmem>> -> memref<128x128xf32, #tpu.memory_space<vmem>>
      %dma_start3A_176 = arith.constant 0 : i32
      %dma_start3A_177 = tpu.memref_slice %arg8[%run_scoped3A_148, %dma_start3A_176] : memref<40x128xi32, #tpu.memory_space<vmem>> -> memref<1x128xi32, #tpu.memory_space<vmem>>
      %dma_start3A_178 = tpu.memref_squeeze %dma_start3A_177 : memref<1x128xi32, #tpu.memory_space<vmem>> -> memref<128xi32, #tpu.memory_space<vmem>>
      %dma_start3A_179 = arith.constant 0 : i32
      %dma_start3A_180 = arith.constant 0 : i32
      %dma_start3A_181 = tpu.memref_slice %arg10[%dma_start3A_179, %dma_start3A_180] : memref<10240x128xf32, #tpu.memory_space<vmem_shared>> -> memref<10240x128xf32, #tpu.memory_space<vmem_shared>>
      tpu.enqueue_indirect_dma source(%dma_start3A_175 : memref<128x128xf32, #tpu.memory_space<vmem>>) target(%dma_start3A_181 : memref<10240x128xf32, #tpu.memory_space<vmem_shared>>) offsets(%dma_start3A_178 : memref<128xi32, #tpu.memory_space<vmem>>) semaphore(%run_scoped3A_171 : memref<!tpu.dma_semaphore, #tpu.memory_space<semaphore_mem>>) {add = true}
      %dma_wait3A_182 = arith.constant 0 : i32
      %dma_wait3A_183 = arith.constant 0 : i32
      %dma_wait3A_184 = tpu.memref_slice %arg9[%run_scoped3A_147, %dma_wait3A_182, %dma_wait3A_183] : memref<2x128x128xf32, #tpu.memory_space<vmem>> -> memref<1x128x128xf32, #tpu.memory_space<vmem>>
      %dma_wait3A_185 = tpu.memref_squeeze %dma_wait3A_184 : memref<1x128x128xf32, #tpu.memory_space<vmem>> -> memref<128x128xf32, #tpu.memory_space<vmem>>
      %dma_wait3A_186 = arith.constant 0 : i32
      %dma_wait3A_187 = tpu.memref_slice %arg8[%run_scoped3A_148, %dma_wait3A_186] : memref<40x128xi32, #tpu.memory_space<vmem>> -> memref<1x128xi32, #tpu.memory_space<vmem>>
      %dma_wait3A_188 = tpu.memref_squeeze %dma_wait3A_187 : memref<1x128xi32, #tpu.memory_space<vmem>> -> memref<128xi32, #tpu.memory_space<vmem>>
      %dma_wait3A_189 = arith.constant 0 : i32
      %dma_wait3A_190 = arith.constant 0 : i32
      %dma_wait3A_191 = tpu.memref_slice %arg10[%dma_wait3A_189, %dma_wait3A_190] : memref<10240x128xf32, #tpu.memory_space<vmem_shared>> -> memref<10240x128xf32, #tpu.memory_space<vmem_shared>>
      tpu.wait_indirect_dma semaphore(%run_scoped3A_171 : memref<!tpu.dma_semaphore, #tpu.memory_space<semaphore_mem>>) src(%dma_wait3A_185 : memref<128x128xf32, #tpu.memory_space<vmem>>) dst(%dma_wait3A_191 : memref<10240x128xf32, #tpu.memory_space<vmem_shared>>)
      tpu.yield
    }) : () -> ()
    %dma_wait3A_149 = arith.constant 39 : i32
    %dma_wait3A_150 = arith.constant 1 : i32
    %dma_wait3A_151 = arith.constant 0 : i32
    %dma_wait3A_152 = arith.constant 0 : i32
    %dma_wait3A_153 = tpu.memref_slice %arg9[%dma_wait3A_150, %dma_wait3A_151, %dma_wait3A_152] : memref<2x128x128xf32, #tpu.memory_space<vmem>> -> memref<1x128x128xf32, #tpu.memory_space<vmem>>
    %dma_wait3A_154 = tpu.memref_squeeze %dma_wait3A_153 : memref<1x128x128xf32, #tpu.memory_space<vmem>> -> memref<128x128xf32, #tpu.memory_space<vmem>>
    %dma_wait3A_155 = arith.constant 0 : i32
    %dma_wait3A_156 = tpu.memref_slice %arg7[%dma_wait3A_149, %dma_wait3A_155] : memref<40x128xi32, #tpu.memory_space<vmem>> -> memref<1x128xi32, #tpu.memory_space<vmem>>
    %dma_wait3A_157 = tpu.memref_squeeze %dma_wait3A_156 : memref<1x128xi32, #tpu.memory_space<vmem>> -> memref<128xi32, #tpu.memory_space<vmem>>
    %dma_wait3A_158 = arith.constant 0 : i32
    %dma_wait3A_159 = arith.constant 0 : i32
    %dma_wait3A_160 = tpu.memref_slice %arg2[%dma_wait3A_158, %dma_wait3A_159] : memref<10000x128xf32, #tpu.memory_space<hbm>> -> memref<10000x128xf32, #tpu.memory_space<hbm>>
    tpu.wait_indirect_dma semaphore(%arg12 : memref<!tpu.dma_semaphore, #tpu.memory_space<semaphore_mem>>) src(%dma_wait3A_160 : memref<10000x128xf32, #tpu.memory_space<hbm>>) dst(%dma_wait3A_154 : memref<128x128xf32, #tpu.memory_space<vmem>>)
    %run_scoped3A_161 = arith.constant 1 : i32
    %run_scoped3A_162 = arith.constant 39 : i32
    "tpu.region"() ({
      %run_scoped3A_171 = tpu.sem_alloc : memref<!tpu.dma_semaphore, #tpu.memory_space<semaphore_mem>>
      %dma_start3A_172 = arith.constant 0 : i32
      %dma_start3A_173 = arith.constant 0 : i32
      %dma_start3A_174 = tpu.memref_slice %arg9[%run_scoped3A_161, %dma_start3A_172, %dma_start3A_173] : memref<2x128x128xf32, #tpu.memory_space<vmem>> -> memref<1x128x128xf32, #tpu.memory_space<vmem>>
      %dma_start3A_175 = tpu.memref_squeeze %dma_start3A_174 : memref<1x128x128xf32, #tpu.memory_space<vmem>> -> memref<128x128xf32, #tpu.memory_space<vmem>>
      %dma_start3A_176 = arith.constant 0 : i32
      %dma_start3A_177 = tpu.memref_slice %arg8[%run_scoped3A_162, %dma_start3A_176] : memref<40x128xi32, #tpu.memory_space<vmem>> -> memref<1x128xi32, #tpu.memory_space<vmem>>
      %dma_start3A_178 = tpu.memref_squeeze %dma_start3A_177 : memref<1x128xi32, #tpu.memory_space<vmem>> -> memref<128xi32, #tpu.memory_space<vmem>>
      %dma_start3A_179 = arith.constant 0 : i32
      %dma_start3A_180 = arith.constant 0 : i32
      %dma_start3A_181 = tpu.memref_slice %arg10[%dma_start3A_179, %dma_start3A_180] : memref<10240x128xf32, #tpu.memory_space<vmem_shared>> -> memref<10240x128xf32, #tpu.memory_space<vmem_shared>>
      tpu.enqueue_indirect_dma source(%dma_start3A_175 : memref<128x128xf32, #tpu.memory_space<vmem>>) target(%dma_start3A_181 : memref<10240x128xf32, #tpu.memory_space<vmem_shared>>) offsets(%dma_start3A_178 : memref<128xi32, #tpu.memory_space<vmem>>) semaphore(%run_scoped3A_171 : memref<!tpu.dma_semaphore, #tpu.memory_space<semaphore_mem>>) {add = true}
      %dma_wait3A_182 = arith.constant 0 : i32
      %dma_wait3A_183 = arith.constant 0 : i32
      %dma_wait3A_184 = tpu.memref_slice %arg9[%run_scoped3A_161, %dma_wait3A_182, %dma_wait3A_183] : memref<2x128x128xf32, #tpu.memory_space<vmem>> -> memref<1x128x128xf32, #tpu.memory_space<vmem>>
      %dma_wait3A_185 = tpu.memref_squeeze %dma_wait3A_184 : memref<1x128x128xf32, #tpu.memory_space<vmem>> -> memref<128x128xf32, #tpu.memory_space<vmem>>
      %dma_wait3A_186 = arith.constant 0 : i32
      %dma_wait3A_187 = tpu.memref_slice %arg8[%run_scoped3A_162, %dma_wait3A_186] : memref<40x128xi32, #tpu.memory_space<vmem>> -> memref<1x128xi32, #tpu.memory_space<vmem>>
      %dma_wait3A_188 = tpu.memref_squeeze %dma_wait3A_187 : memref<1x128xi32, #tpu.memory_space<vmem>> -> memref<128xi32, #tpu.memory_space<vmem>>
      %dma_wait3A_189 = arith.constant 0 : i32
      %dma_wait3A_190 = arith.constant 0 : i32
      %dma_wait3A_191 = tpu.memref_slice %arg10[%dma_wait3A_189, %dma_wait3A_190] : memref<10240x128xf32, #tpu.memory_space<vmem_shared>> -> memref<10240x128xf32, #tpu.memory_space<vmem_shared>>
      tpu.wait_indirect_dma semaphore(%run_scoped3A_171 : memref<!tpu.dma_semaphore, #tpu.memory_space<semaphore_mem>>) src(%dma_wait3A_185 : memref<128x128xf32, #tpu.memory_space<vmem>>) dst(%dma_wait3A_191 : memref<10240x128xf32, #tpu.memory_space<vmem_shared>>)
      tpu.yield
    }) : () -> ()
    %barrier3A_163 = arith.constant 0 : index
    tpu.barrier barrier_id(%barrier3A_163)
    %eq3A = arith.constant 0 : i32
    %eq3A_164 = arith.cmpi eq, %arg0, %eq3A : i32
    %convert_element_type3A = arith.extui %eq3A_164 : i1 to i32
    %cond3A = arith.constant 0 : i32
    %cond3A_165 = arith.cmpi ne, %convert_element_type3A, %cond3A : i32
    scf.if %cond3A_165 {
      %mul3A_171 = arith.constant 640 : i32
      %mul3A_172 = arith.muli %arg1, %mul3A_171 : i32
      %mul3A_173 = arith.constant 640 : i32
      %mul3A_174 = arith.muli %arg1, %mul3A_173 : i32
      "tpu.region"() ({
        %run_scoped3A_175 = tpu.sem_alloc : memref<!tpu.dma_semaphore, #tpu.memory_space<semaphore_mem>>
        %dma_start3A_176 = arith.constant 0 : i32
        %dma_start3A_177 = tpu.memref_slice %arg5[%mul3A_174, %dma_start3A_176] : memref<10240x128xf32, #tpu.memory_space<hbm>> -> memref<640x128xf32, #tpu.memory_space<hbm>>
        %dma_start3A_178 = arith.constant 0 : i32
        %dma_start3A_179 = tpu.memref_slice %arg10[%mul3A_172, %dma_start3A_178] : memref<10240x128xf32, #tpu.memory_space<vmem_shared>> -> memref<640x128xf32, #tpu.memory_space<vmem_shared>>
        tpu.enqueue_dma source(%dma_start3A_179 : memref<640x128xf32, #tpu.memory_space<vmem_shared>>) target(%dma_start3A_177 : memref<640x128xf32, #tpu.memory_space<hbm>>) target_semaphore(%run_scoped3A_175 : memref<!tpu.dma_semaphore, #tpu.memory_space<semaphore_mem>>)
        %dma_wait3A_180 = arith.constant 0 : i32
        %dma_wait3A_181 = tpu.memref_slice %arg5[%mul3A_174, %dma_wait3A_180] : memref<10240x128xf32, #tpu.memory_space<hbm>> -> memref<640x128xf32, #tpu.memory_space<hbm>>
        %dma_wait3A_182 = arith.constant 0 : i32
        %dma_wait3A_183 = tpu.memref_slice %arg10[%mul3A_172, %dma_wait3A_182] : memref<10240x128xf32, #tpu.memory_space<vmem_shared>> -> memref<640x128xf32, #tpu.memory_space<vmem_shared>>
        tpu.wait_dma2 semaphore(%run_scoped3A_175 : memref<!tpu.dma_semaphore, #tpu.memory_space<semaphore_mem>>) src(%dma_wait3A_183 : memref<640x128xf32, #tpu.memory_space<vmem_shared>>) dst(%dma_wait3A_181 : memref<640x128xf32, #tpu.memory_space<hbm>>)
        tpu.yield
      }) : () -> ()
    } else {
    }
    %eq3A_166 = arith.constant 1 : i32
    %eq3A_167 = arith.cmpi eq, %arg0, %eq3A_166 : i32
    %convert_element_type3A_168 = arith.extui %eq3A_167 : i1 to i32
    %cond3A_169 = arith.constant 0 : i32
    %cond3A_170 = arith.cmpi ne, %convert_element_type3A_168, %cond3A_169 : i32
    scf.if %cond3A_170 {
      %mul3A_171 = arith.constant 640 : i32
      %mul3A_172 = arith.muli %arg1, %mul3A_171 : i32
      %mul3A_173 = arith.constant 640 : i32
      %mul3A_174 = arith.muli %arg1, %mul3A_173 : i32
      "tpu.region"() ({
        %run_scoped3A_175 = tpu.sem_alloc : memref<!tpu.dma_semaphore, #tpu.memory_space<semaphore_mem>>
        %dma_start3A_176 = arith.constant 0 : i32
        %dma_start3A_177 = tpu.memref_slice %arg6[%mul3A_174, %dma_start3A_176] : memref<10240x128xf32, #tpu.memory_space<hbm>> -> memref<640x128xf32, #tpu.memory_space<hbm>>
        %dma_start3A_178 = arith.constant 0 : i32
        %dma_start3A_179 = tpu.memref_slice %arg10[%mul3A_172, %dma_start3A_178] : memref<10240x128xf32, #tpu.memory_space<vmem_shared>> -> memref<640x128xf32, #tpu.memory_space<vmem_shared>>
        tpu.enqueue_dma source(%dma_start3A_179 : memref<640x128xf32, #tpu.memory_space<vmem_shared>>) target(%dma_start3A_177 : memref<640x128xf32, #tpu.memory_space<hbm>>) target_semaphore(%run_scoped3A_175 : memref<!tpu.dma_semaphore, #tpu.memory_space<semaphore_mem>>)
        %dma_wait3A_180 = arith.constant 0 : i32
        %dma_wait3A_181 = tpu.memref_slice %arg6[%mul3A_174, %dma_wait3A_180] : memref<10240x128xf32, #tpu.memory_space<hbm>> -> memref<640x128xf32, #tpu.memory_space<hbm>>
        %dma_wait3A_182 = arith.constant 0 : i32
        %dma_wait3A_183 = tpu.memref_slice %arg10[%mul3A_172, %dma_wait3A_182] : memref<10240x128xf32, #tpu.memory_space<vmem_shared>> -> memref<640x128xf32, #tpu.memory_space<vmem_shared>>
        tpu.wait_dma2 semaphore(%run_scoped3A_175 : memref<!tpu.dma_semaphore, #tpu.memory_space<semaphore_mem>>) src(%dma_wait3A_183 : memref<640x128xf32, #tpu.memory_space<vmem_shared>>) dst(%dma_wait3A_181 : memref<640x128xf32, #tpu.memory_space<hbm>>)
        tpu.yield
      }) : () -> ()
    } else {
    }
    return
  }
}

#map = affine_map<(d0, d1) -> (0, 0)>
module attributes {stable_mosaic.version = 14 : i64} {
  func.func @_agg_sc(%arg0: i32, %arg1: i32, %arg2: memref<10000x128xf32, #tpu.memory_space<hbm>>, %arg3: memref<2560x128xi32, #tpu.memory_space<hbm>>, %arg4: memref<2560x128xi32, #tpu.memory_space<hbm>>, %arg5: memref<10240x128xf32, #tpu.memory_space<hbm>>, %arg6: memref<10240x128xf32, #tpu.memory_space<hbm>>, %arg7: memref<40x128xi32, #tpu.memory_space<vmem>>, %arg8: memref<40x128xi32, #tpu.memory_space<vmem>>, %arg9: memref<2x128x128xf32, #tpu.memory_space<vmem>>, %arg10: memref<10240x128xf32, #tpu.memory_space<vmem_shared>>, %arg11: memref<!tpu.dma_semaphore, #tpu.memory_space<semaphore_mem>>, %arg12: memref<!tpu.dma_semaphore, #tpu.memory_space<semaphore_mem>>) attributes {dimension_semantics = [#tpu.dimension_semantics<core_parallel>, #tpu.dimension_semantics<subcore_parallel>], iteration_bounds = array<i64: 2, 16>, scalar_prefetch = 0 : i64, scratch_operands = 6 : i64, tpu.core_type = #tpu.core_type<sc_vector_subcore>, window_params = [{transform_indices = #map}, {transform_indices = #map}, {transform_indices = #map}, {transform_indices = #map}, {transform_indices = #map}]} {
    %mul3A = arith.constant 2 : i32
    %mul3A_0 = arith.muli %arg1, %mul3A : i32
    %add3A = arith.addi %mul3A_0, %arg0 : i32
    %scan3A = arith.constant 0 : i32
    %scan3A_1 = arith.constant 0 : i32
    %scan3A_2 = arith.constant 128 : i32
    %scan3A_3 = arith.addi %scan3A_1, %scan3A_2 : i32
    %scan3A_4 = arith.constant 1 : i32
    %scan3A_5 = scf.for %scan3A_171 = %scan3A_1 to %scan3A_3 step %scan3A_4 iter_args(%scan3A_172 = %scan3A) -> (i32)  : i32 {
      %scan3A_173 = arith.constant 0 : i32
      %scan3A_174 = arith.constant 0 : i32
      %scan3A_175 = arith.constant 8 : i32
      %scan3A_176 = arith.addi %scan3A_174, %scan3A_175 : i32
      %scan3A_177 = arith.constant 1 : i32
      %scan3A_178 = scf.for %scan3A_181 = %scan3A_174 to %scan3A_176 step %scan3A_177 iter_args(%scan3A_182 = %scan3A_173) -> (i32)  : i32 {
        %broadcast_in_dim3A = arith.constant 0.000000e+00 : f32
        %broadcast_in_dim3A_183 = vector.broadcast %broadcast_in_dim3A : f32 to vector<16xf32>
        %mul3A_184 = arith.constant 16 : i32
        %mul3A_185 = arith.muli %scan3A_181, %mul3A_184 : i32
        %swap3A = arith.constant 0 : i32
        %swap3A_186 = arith.index_cast %swap3A : i32 to index
        %swap3A_187 = arith.index_cast %scan3A_171 : i32 to index
        %swap3A_188 = arith.index_cast %mul3A_185 : i32 to index
        %swap3A_189 = tpu.vector_load %arg9[%swap3A_186, %swap3A_187, %swap3A_188] {strides = array<i32>} : memref<2x128x128xf32, #tpu.memory_space<vmem>>, vector<1x1x16xf32>,
        %swap3A_190 = vector.shape_cast %swap3A_189 : vector<1x1x16xf32> to vector<16xf32>
        %swap3A_191 = vector.shape_cast %broadcast_in_dim3A_183 : vector<16xf32> to vector<1x1x16xf32>
        tpu.vector_store %arg9[%swap3A_186, %swap3A_187, %swap3A_188], %swap3A_191 {strides = array<i32>} : memref<2x128x128xf32, #tpu.memory_space<vmem>>, vector<1x1x16xf32>,
        %scan3A_192 = arith.constant 0 : i32
        scf.yield %scan3A_192 : i32
      }
      %scan3A_179 = arith.constant 8 : i32
      %scan3A_180 = arith.constant 0 : i32
      scf.yield %scan3A_180 : i32
    }
    %scan3A_6 = arith.constant 128 : i32
    %mul3A_7 = arith.constant 640 : i32
    %mul3A_8 = arith.muli %arg1, %mul3A_7 : i32
    %add3A_9 = arith.constant 0 : i32
    %add3A_10 = arith.addi %mul3A_8, %add3A_9 : i32
    %run_scoped3A = arith.constant 0 : i32
    "tpu.region"() ({
      %run_scoped3A_171 = tpu.sem_alloc : memref<!tpu.dma_semaphore, #tpu.memory_space<semaphore_mem>>
      %dma_start3A_172 = arith.constant 0 : i32
      %dma_start3A_173 = arith.constant 0 : i32
      %dma_start3A_174 = tpu.memref_slice %arg9[%run_scoped3A, %dma_start3A_172, %dma_start3A_173] : memref<2x128x128xf32, #tpu.memory_space<vmem>> -> memref<1x128x128xf32, #tpu.memory_space<vmem>>
      %dma_start3A_175 = tpu.memref_squeeze %dma_start3A_174 : memref<1x128x128xf32, #tpu.memory_space<vmem>> -> memref<128x128xf32, #tpu.memory_space<vmem>>
      %dma_start3A_176 = arith.constant 0 : i32
      %dma_start3A_177 = tpu.memref_slice %arg10[%add3A_10, %dma_start3A_176] : memref<10240x128xf32, #tpu.memory_space<vmem_shared>> -> memref<128x128xf32, #tpu.memory_space<vmem_shared>>
      %dma_start3A_178 = arith.constant 0 : i32
      %dma_start3A_179 = tpu.memref_slice %arg10[%add3A_10, %dma_start3A_178] : memref<10240x128xf32, #tpu.memory_space<vmem_shared>> -> memref<128x128xf32, #tpu.memory_space<vmem_shared>>
      %dma_start3A_180 = arith.constant 0 : i32
      %dma_start3A_181 = arith.constant 0 : i32
      %dma_start3A_182 = tpu.memref_slice %arg9[%run_scoped3A, %dma_start3A_180, %dma_start3A_181] : memref<2x128x128xf32, #tpu.memory_space<vmem>> -> memref<1x128x128xf32, #tpu.memory_space<vmem>>
      %dma_start3A_183 = tpu.memref_squeeze %dma_start3A_182 : memref<1x128x128xf32, #tpu.memory_space<vmem>> -> memref<128x128xf32, #tpu.memory_space<vmem>>
      tpu.enqueue_dma source(%dma_start3A_183 : memref<128x128xf32, #tpu.memory_space<vmem>>) target(%dma_start3A_179 : memref<128x128xf32, #tpu.memory_space<vmem_shared>>) target_semaphore(%run_scoped3A_171 : memref<!tpu.dma_semaphore, #tpu.memory_space<semaphore_mem>>)
      %dma_wait3A_184 = arith.constant 0 : i32
      %dma_wait3A_185 = arith.constant 0 : i32
      %dma_wait3A_186 = tpu.memref_slice %arg9[%run_scoped3A, %dma_wait3A_184, %dma_wait3A_185] : memref<2x128x128xf32, #tpu.memory_space<vmem>> -> memref<1x128x128xf32, #tpu.memory_space<vmem>>
      %dma_wait3A_187 = tpu.memref_squeeze %dma_wait3A_186 : memref<1x128x128xf32, #tpu.memory_space<vmem>> -> memref<128x128xf32, #tpu.memory_space<vmem>>
      %dma_wait3A_188 = arith.constant 0 : i32
      %dma_wait3A_189 = tpu.memref_slice %arg10[%add3A_10, %dma_wait3A_188] : memref<10240x128xf32, #tpu.memory_space<vmem_shared>> -> memref<128x128xf32, #tpu.memory_space<vmem_shared>>
      %dma_wait3A_190 = arith.constant 0 : i32
      %dma_wait3A_191 = tpu.memref_slice %arg10[%add3A_10, %dma_wait3A_190] : memref<10240x128xf32, #tpu.memory_space<vmem_shared>> -> memref<128x128xf32, #tpu.memory_space<vmem_shared>>
      %dma_wait3A_192 = arith.constant 0 : i32
      %dma_wait3A_193 = arith.constant 0 : i32
      %dma_wait3A_194 = tpu.memref_slice %arg9[%run_scoped3A, %dma_wait3A_192, %dma_wait3A_193] : memref<2x128x128xf32, #tpu.memory_space<vmem>> -> memref<1x128x128xf32, #tpu.memory_space<vmem>>
      %dma_wait3A_195 = tpu.memref_squeeze %dma_wait3A_194 : memref<1x128x128xf32, #tpu.memory_space<vmem>> -> memref<128x128xf32, #tpu.memory_space<vmem>>
      tpu.wait_dma2 semaphore(%run_scoped3A_171 : memref<!tpu.dma_semaphore, #tpu.memory_space<semaphore_mem>>) src(%dma_wait3A_195 : memref<128x128xf32, #tpu.memory_space<vmem>>) dst(%dma_wait3A_191 : memref<128x128xf32, #tpu.memory_space<vmem_shared>>)
      tpu.yield
    }) : () -> ()
    %mul3A_11 = arith.constant 640 : i32
    %mul3A_12 = arith.muli %arg1, %mul3A_11 : i32
    %add3A_13 = arith.constant 128 : i32
    %add3A_14 = arith.addi %mul3A_12, %add3A_13 : i32
    %run_scoped3A_15 = arith.constant 0 : i32
    "tpu.region"() ({
      %run_scoped3A_171 = tpu.sem_alloc : memref<!tpu.dma_semaphore, #tpu.memory_space<semaphore_mem>>
      %dma_start3A_172 = arith.constant 0 : i32
      %dma_start3A_173 = arith.constant 0 : i32
      %dma_start3A_174 = tpu.memref_slice %arg9[%run_scoped3A_15, %dma_start3A_172, %dma_start3A_173] : memref<2x128x128xf32, #tpu.memory_space<vmem>> -> memref<1x128x128xf32, #tpu.memory_space<vmem>>
      %dma_start3A_175 = tpu.memref_squeeze %dma_start3A_174 : memref<1x128x128xf32, #tpu.memory_space<vmem>> -> memref<128x128xf32, #tpu.memory_space<vmem>>
      %dma_start3A_176 = arith.constant 0 : i32
      %dma_start3A_177 = tpu.memref_slice %arg10[%add3A_14, %dma_start3A_176] : memref<10240x128xf32, #tpu.memory_space<vmem_shared>> -> memref<128x128xf32, #tpu.memory_space<vmem_shared>>
      %dma_start3A_178 = arith.constant 0 : i32
      %dma_start3A_179 = tpu.memref_slice %arg10[%add3A_14, %dma_start3A_178] : memref<10240x128xf32, #tpu.memory_space<vmem_shared>> -> memref<128x128xf32, #tpu.memory_space<vmem_shared>>
      %dma_start3A_180 = arith.constant 0 : i32
      %dma_start3A_181 = arith.constant 0 : i32
      %dma_start3A_182 = tpu.memref_slice %arg9[%run_scoped3A_15, %dma_start3A_180, %dma_start3A_181] : memref<2x128x128xf32, #tpu.memory_space<vmem>> -> memref<1x128x128xf32, #tpu.memory_space<vmem>>
      %dma_start3A_183 = tpu.memref_squeeze %dma_start3A_182 : memref<1x128x128xf32, #tpu.memory_space<vmem>> -> memref<128x128xf32, #tpu.memory_space<vmem>>
      tpu.enqueue_dma source(%dma_start3A_183 : memref<128x128xf32, #tpu.memory_space<vmem>>) target(%dma_start3A_179 : memref<128x128xf32, #tpu.memory_space<vmem_shared>>) target_semaphore(%run_scoped3A_171 : memref<!tpu.dma_semaphore, #tpu.memory_space<semaphore_mem>>)
      %dma_wait3A_184 = arith.constant 0 : i32
      %dma_wait3A_185 = arith.constant 0 : i32
      %dma_wait3A_186 = tpu.memref_slice %arg9[%run_scoped3A_15, %dma_wait3A_184, %dma_wait3A_185] : memref<2x128x128xf32, #tpu.memory_space<vmem>> -> memref<1x128x128xf32, #tpu.memory_space<vmem>>
      %dma_wait3A_187 = tpu.memref_squeeze %dma_wait3A_186 : memref<1x128x128xf32, #tpu.memory_space<vmem>> -> memref<128x128xf32, #tpu.memory_space<vmem>>
      %dma_wait3A_188 = arith.constant 0 : i32
      %dma_wait3A_189 = tpu.memref_slice %arg10[%add3A_14, %dma_wait3A_188] : memref<10240x128xf32, #tpu.memory_space<vmem_shared>> -> memref<128x128xf32, #tpu.memory_space<vmem_shared>>
      %dma_wait3A_190 = arith.constant 0 : i32
      %dma_wait3A_191 = tpu.memref_slice %arg10[%add3A_14, %dma_wait3A_190] : memref<10240x128xf32, #tpu.memory_space<vmem_shared>> -> memref<128x128xf32, #tpu.memory_space<vmem_shared>>
      %dma_wait3A_192 = arith.constant 0 : i32
      %dma_wait3A_193 = arith.constant 0 : i32
      %dma_wait3A_194 = tpu.memref_slice %arg9[%run_scoped3A_15, %dma_wait3A_192, %dma_wait3A_193] : memref<2x128x128xf32, #tpu.memory_space<vmem>> -> memref<1x128x128xf32, #tpu.memory_space<vmem>>
      %dma_wait3A_195 = tpu.memref_squeeze %dma_wait3A_194 : memref<1x128x128xf32, #tpu.memory_space<vmem>> -> memref<128x128xf32, #tpu.memory_space<vmem>>
      tpu.wait_dma2 semaphore(%run_scoped3A_171 : memref<!tpu.dma_semaphore, #tpu.memory_space<semaphore_mem>>) src(%dma_wait3A_195 : memref<128x128xf32, #tpu.memory_space<vmem>>) dst(%dma_wait3A_191 : memref<128x128xf32, #tpu.memory_space<vmem_shared>>)
      tpu.yield
    }) : () -> ()
    %mul3A_16 = arith.constant 640 : i32
    %mul3A_17 = arith.muli %arg1, %mul3A_16 : i32
    %add3A_18 = arith.constant 256 : i32
    %add3A_19 = arith.addi %mul3A_17, %add3A_18 : i32
    %run_scoped3A_20 = arith.constant 0 : i32
    "tpu.region"() ({
      %run_scoped3A_171 = tpu.sem_alloc : memref<!tpu.dma_semaphore, #tpu.memory_space<semaphore_mem>>
      %dma_start3A_172 = arith.constant 0 : i32
      %dma_start3A_173 = arith.constant 0 : i32
      %dma_start3A_174 = tpu.memref_slice %arg9[%run_scoped3A_20, %dma_start3A_172, %dma_start3A_173] : memref<2x128x128xf32, #tpu.memory_space<vmem>> -> memref<1x128x128xf32, #tpu.memory_space<vmem>>
      %dma_start3A_175 = tpu.memref_squeeze %dma_start3A_174 : memref<1x128x128xf32, #tpu.memory_space<vmem>> -> memref<128x128xf32, #tpu.memory_space<vmem>>
      %dma_start3A_176 = arith.constant 0 : i32
      %dma_start3A_177 = tpu.memref_slice %arg10[%add3A_19, %dma_start3A_176] : memref<10240x128xf32, #tpu.memory_space<vmem_shared>> -> memref<128x128xf32, #tpu.memory_space<vmem_shared>>
      %dma_start3A_178 = arith.constant 0 : i32
      %dma_start3A_179 = tpu.memref_slice %arg10[%add3A_19, %dma_start3A_178] : memref<10240x128xf32, #tpu.memory_space<vmem_shared>> -> memref<128x128xf32, #tpu.memory_space<vmem_shared>>
      %dma_start3A_180 = arith.constant 0 : i32
      %dma_start3A_181 = arith.constant 0 : i32
      %dma_start3A_182 = tpu.memref_slice %arg9[%run_scoped3A_20, %dma_start3A_180, %dma_start3A_181] : memref<2x128x128xf32, #tpu.memory_space<vmem>> -> memref<1x128x128xf32, #tpu.memory_space<vmem>>
      %dma_start3A_183 = tpu.memref_squeeze %dma_start3A_182 : memref<1x128x128xf32, #tpu.memory_space<vmem>> -> memref<128x128xf32, #tpu.memory_space<vmem>>
      tpu.enqueue_dma source(%dma_start3A_183 : memref<128x128xf32, #tpu.memory_space<vmem>>) target(%dma_start3A_179 : memref<128x128xf32, #tpu.memory_space<vmem_shared>>) target_semaphore(%run_scoped3A_171 : memref<!tpu.dma_semaphore, #tpu.memory_space<semaphore_mem>>)
      %dma_wait3A_184 = arith.constant 0 : i32
      %dma_wait3A_185 = arith.constant 0 : i32
      %dma_wait3A_186 = tpu.memref_slice %arg9[%run_scoped3A_20, %dma_wait3A_184, %dma_wait3A_185] : memref<2x128x128xf32, #tpu.memory_space<vmem>> -> memref<1x128x128xf32, #tpu.memory_space<vmem>>
      %dma_wait3A_187 = tpu.memref_squeeze %dma_wait3A_186 : memref<1x128x128xf32, #tpu.memory_space<vmem>> -> memref<128x128xf32, #tpu.memory_space<vmem>>
      %dma_wait3A_188 = arith.constant 0 : i32
      %dma_wait3A_189 = tpu.memref_slice %arg10[%add3A_19, %dma_wait3A_188] : memref<10240x128xf32, #tpu.memory_space<vmem_shared>> -> memref<128x128xf32, #tpu.memory_space<vmem_shared>>
      %dma_wait3A_190 = arith.constant 0 : i32
      %dma_wait3A_191 = tpu.memref_slice %arg10[%add3A_19, %dma_wait3A_190] : memref<10240x128xf32, #tpu.memory_space<vmem_shared>> -> memref<128x128xf32, #tpu.memory_space<vmem_shared>>
      %dma_wait3A_192 = arith.constant 0 : i32
      %dma_wait3A_193 = arith.constant 0 : i32
      %dma_wait3A_194 = tpu.memref_slice %arg9[%run_scoped3A_20, %dma_wait3A_192, %dma_wait3A_193] : memref<2x128x128xf32, #tpu.memory_space<vmem>> -> memref<1x128x128xf32, #tpu.memory_space<vmem>>
      %dma_wait3A_195 = tpu.memref_squeeze %dma_wait3A_194 : memref<1x128x128xf32, #tpu.memory_space<vmem>> -> memref<128x128xf32, #tpu.memory_space<vmem>>
      tpu.wait_dma2 semaphore(%run_scoped3A_171 : memref<!tpu.dma_semaphore, #tpu.memory_space<semaphore_mem>>) src(%dma_wait3A_195 : memref<128x128xf32, #tpu.memory_space<vmem>>) dst(%dma_wait3A_191 : memref<128x128xf32, #tpu.memory_space<vmem_shared>>)
      tpu.yield
    }) : () -> ()
    %mul3A_21 = arith.constant 640 : i32
    %mul3A_22 = arith.muli %arg1, %mul3A_21 : i32
    %add3A_23 = arith.constant 384 : i32
    %add3A_24 = arith.addi %mul3A_22, %add3A_23 : i32
    %run_scoped3A_25 = arith.constant 0 : i32
    "tpu.region"() ({
      %run_scoped3A_171 = tpu.sem_alloc : memref<!tpu.dma_semaphore, #tpu.memory_space<semaphore_mem>>
      %dma_start3A_172 = arith.constant 0 : i32
      %dma_start3A_173 = arith.constant 0 : i32
      %dma_start3A_174 = tpu.memref_slice %arg9[%run_scoped3A_25, %dma_start3A_172, %dma_start3A_173] : memref<2x128x128xf32, #tpu.memory_space<vmem>> -> memref<1x128x128xf32, #tpu.memory_space<vmem>>
      %dma_start3A_175 = tpu.memref_squeeze %dma_start3A_174 : memref<1x128x128xf32, #tpu.memory_space<vmem>> -> memref<128x128xf32, #tpu.memory_space<vmem>>
      %dma_start3A_176 = arith.constant 0 : i32
      %dma_start3A_177 = tpu.memref_slice %arg10[%add3A_24, %dma_start3A_176] : memref<10240x128xf32, #tpu.memory_space<vmem_shared>> -> memref<128x128xf32, #tpu.memory_space<vmem_shared>>
      %dma_start3A_178 = arith.constant 0 : i32
      %dma_start3A_179 = tpu.memref_slice %arg10[%add3A_24, %dma_start3A_178] : memref<10240x128xf32, #tpu.memory_space<vmem_shared>> -> memref<128x128xf32, #tpu.memory_space<vmem_shared>>
      %dma_start3A_180 = arith.constant 0 : i32
      %dma_start3A_181 = arith.constant 0 : i32
      %dma_start3A_182 = tpu.memref_slice %arg9[%run_scoped3A_25, %dma_start3A_180, %dma_start3A_181] : memref<2x128x128xf32, #tpu.memory_space<vmem>> -> memref<1x128x128xf32, #tpu.memory_space<vmem>>
      %dma_start3A_183 = tpu.memref_squeeze %dma_start3A_182 : memref<1x128x128xf32, #tpu.memory_space<vmem>> -> memref<128x128xf32, #tpu.memory_space<vmem>>
      tpu.enqueue_dma source(%dma_start3A_183 : memref<128x128xf32, #tpu.memory_space<vmem>>) target(%dma_start3A_179 : memref<128x128xf32, #tpu.memory_space<vmem_shared>>) target_semaphore(%run_scoped3A_171 : memref<!tpu.dma_semaphore, #tpu.memory_space<semaphore_mem>>)
      %dma_wait3A_184 = arith.constant 0 : i32
      %dma_wait3A_185 = arith.constant 0 : i32
      %dma_wait3A_186 = tpu.memref_slice %arg9[%run_scoped3A_25, %dma_wait3A_184, %dma_wait3A_185] : memref<2x128x128xf32, #tpu.memory_space<vmem>> -> memref<1x128x128xf32, #tpu.memory_space<vmem>>
      %dma_wait3A_187 = tpu.memref_squeeze %dma_wait3A_186 : memref<1x128x128xf32, #tpu.memory_space<vmem>> -> memref<128x128xf32, #tpu.memory_space<vmem>>
      %dma_wait3A_188 = arith.constant 0 : i32
      %dma_wait3A_189 = tpu.memref_slice %arg10[%add3A_24, %dma_wait3A_188] : memref<10240x128xf32, #tpu.memory_space<vmem_shared>> -> memref<128x128xf32, #tpu.memory_space<vmem_shared>>
      %dma_wait3A_190 = arith.constant 0 : i32
      %dma_wait3A_191 = tpu.memref_slice %arg10[%add3A_24, %dma_wait3A_190] : memref<10240x128xf32, #tpu.memory_space<vmem_shared>> -> memref<128x128xf32, #tpu.memory_space<vmem_shared>>
      %dma_wait3A_192 = arith.constant 0 : i32
      %dma_wait3A_193 = arith.constant 0 : i32
      %dma_wait3A_194 = tpu.memref_slice %arg9[%run_scoped3A_25, %dma_wait3A_192, %dma_wait3A_193] : memref<2x128x128xf32, #tpu.memory_space<vmem>> -> memref<1x128x128xf32, #tpu.memory_space<vmem>>
      %dma_wait3A_195 = tpu.memref_squeeze %dma_wait3A_194 : memref<1x128x128xf32, #tpu.memory_space<vmem>> -> memref<128x128xf32, #tpu.memory_space<vmem>>
      tpu.wait_dma2 semaphore(%run_scoped3A_171 : memref<!tpu.dma_semaphore, #tpu.memory_space<semaphore_mem>>) src(%dma_wait3A_195 : memref<128x128xf32, #tpu.memory_space<vmem>>) dst(%dma_wait3A_191 : memref<128x128xf32, #tpu.memory_space<vmem_shared>>)
      tpu.yield
    }) : () -> ()
    %mul3A_26 = arith.constant 640 : i32
    %mul3A_27 = arith.muli %arg1, %mul3A_26 : i32
    %add3A_28 = arith.constant 512 : i32
    %add3A_29 = arith.addi %mul3A_27, %add3A_28 : i32
    %run_scoped3A_30 = arith.constant 0 : i32
    "tpu.region"() ({
      %run_scoped3A_171 = tpu.sem_alloc : memref<!tpu.dma_semaphore, #tpu.memory_space<semaphore_mem>>
      %dma_start3A_172 = arith.constant 0 : i32
      %dma_start3A_173 = arith.constant 0 : i32
      %dma_start3A_174 = tpu.memref_slice %arg9[%run_scoped3A_30, %dma_start3A_172, %dma_start3A_173] : memref<2x128x128xf32, #tpu.memory_space<vmem>> -> memref<1x128x128xf32, #tpu.memory_space<vmem>>
      %dma_start3A_175 = tpu.memref_squeeze %dma_start3A_174 : memref<1x128x128xf32, #tpu.memory_space<vmem>> -> memref<128x128xf32, #tpu.memory_space<vmem>>
      %dma_start3A_176 = arith.constant 0 : i32
      %dma_start3A_177 = tpu.memref_slice %arg10[%add3A_29, %dma_start3A_176] : memref<10240x128xf32, #tpu.memory_space<vmem_shared>> -> memref<128x128xf32, #tpu.memory_space<vmem_shared>>
      %dma_start3A_178 = arith.constant 0 : i32
      %dma_start3A_179 = tpu.memref_slice %arg10[%add3A_29, %dma_start3A_178] : memref<10240x128xf32, #tpu.memory_space<vmem_shared>> -> memref<128x128xf32, #tpu.memory_space<vmem_shared>>
      %dma_start3A_180 = arith.constant 0 : i32
      %dma_start3A_181 = arith.constant 0 : i32
      %dma_start3A_182 = tpu.memref_slice %arg9[%run_scoped3A_30, %dma_start3A_180, %dma_start3A_181] : memref<2x128x128xf32, #tpu.memory_space<vmem>> -> memref<1x128x128xf32, #tpu.memory_space<vmem>>
      %dma_start3A_183 = tpu.memref_squeeze %dma_start3A_182 : memref<1x128x128xf32, #tpu.memory_space<vmem>> -> memref<128x128xf32, #tpu.memory_space<vmem>>
      tpu.enqueue_dma source(%dma_start3A_183 : memref<128x128xf32, #tpu.memory_space<vmem>>) target(%dma_start3A_179 : memref<128x128xf32, #tpu.memory_space<vmem_shared>>) target_semaphore(%run_scoped3A_171 : memref<!tpu.dma_semaphore, #tpu.memory_space<semaphore_mem>>)
      %dma_wait3A_184 = arith.constant 0 : i32
      %dma_wait3A_185 = arith.constant 0 : i32
      %dma_wait3A_186 = tpu.memref_slice %arg9[%run_scoped3A_30, %dma_wait3A_184, %dma_wait3A_185] : memref<2x128x128xf32, #tpu.memory_space<vmem>> -> memref<1x128x128xf32, #tpu.memory_space<vmem>>
      %dma_wait3A_187 = tpu.memref_squeeze %dma_wait3A_186 : memref<1x128x128xf32, #tpu.memory_space<vmem>> -> memref<128x128xf32, #tpu.memory_space<vmem>>
      %dma_wait3A_188 = arith.constant 0 : i32
      %dma_wait3A_189 = tpu.memref_slice %arg10[%add3A_29, %dma_wait3A_188] : memref<10240x128xf32, #tpu.memory_space<vmem_shared>> -> memref<128x128xf32, #tpu.memory_space<vmem_shared>>
      %dma_wait3A_190 = arith.constant 0 : i32
      %dma_wait3A_191 = tpu.memref_slice %arg10[%add3A_29, %dma_wait3A_190] : memref<10240x128xf32, #tpu.memory_space<vmem_shared>> -> memref<128x128xf32, #tpu.memory_space<vmem_shared>>
      %dma_wait3A_192 = arith.constant 0 : i32
      %dma_wait3A_193 = arith.constant 0 : i32
      %dma_wait3A_194 = tpu.memref_slice %arg9[%run_scoped3A_30, %dma_wait3A_192, %dma_wait3A_193] : memref<2x128x128xf32, #tpu.memory_space<vmem>> -> memref<1x128x128xf32, #tpu.memory_space<vmem>>
      %dma_wait3A_195 = tpu.memref_squeeze %dma_wait3A_194 : memref<1x128x128xf32, #tpu.memory_space<vmem>> -> memref<128x128xf32, #tpu.memory_space<vmem>>
      tpu.wait_dma2 semaphore(%run_scoped3A_171 : memref<!tpu.dma_semaphore, #tpu.memory_space<semaphore_mem>>) src(%dma_wait3A_195 : memref<128x128xf32, #tpu.memory_space<vmem>>) dst(%dma_wait3A_191 : memref<128x128xf32, #tpu.memory_space<vmem_shared>>)
      tpu.yield
    }) : () -> ()
    %barrier3A = arith.constant 0 : index
    tpu.barrier barrier_id(%barrier3A)
    %mul3A_31 = arith.constant 80 : i32
    %mul3A_32 = arith.muli %add3A, %mul3A_31 : i32
    %add3A_33 = arith.constant 0 : i32
    %add3A_34 = arith.addi %mul3A_32, %add3A_33 : i32
    "tpu.region"() ({
      %run_scoped3A_171 = tpu.sem_alloc : memref<!tpu.dma_semaphore, #tpu.memory_space<semaphore_mem>>
      %dma_start3A_172 = arith.constant 0 : i32
      %dma_start3A_173 = tpu.memref_slice %arg3[%add3A_34, %dma_start3A_172] : memref<2560x128xi32, #tpu.memory_space<hbm>> -> memref<40x128xi32, #tpu.memory_space<hbm>>
      %dma_start3A_174 = arith.constant 0 : i32
      %dma_start3A_175 = tpu.memref_slice %arg3[%add3A_34, %dma_start3A_174] : memref<2560x128xi32, #tpu.memory_space<hbm>> -> memref<40x128xi32, #tpu.memory_space<hbm>>
      tpu.enqueue_dma source(%dma_start3A_175 : memref<40x128xi32, #tpu.memory_space<hbm>>) target(%arg7 : memref<40x128xi32, #tpu.memory_space<vmem>>) target_semaphore(%run_scoped3A_171 : memref<!tpu.dma_semaphore, #tpu.memory_space<semaphore_mem>>)
      %dma_wait3A_176 = arith.constant 0 : i32
      %dma_wait3A_177 = tpu.memref_slice %arg3[%add3A_34, %dma_wait3A_176] : memref<2560x128xi32, #tpu.memory_space<hbm>> -> memref<40x128xi32, #tpu.memory_space<hbm>>
      %dma_wait3A_178 = arith.constant 0 : i32
      %dma_wait3A_179 = tpu.memref_slice %arg3[%add3A_34, %dma_wait3A_178] : memref<2560x128xi32, #tpu.memory_space<hbm>> -> memref<40x128xi32, #tpu.memory_space<hbm>>
      tpu.wait_dma2 semaphore(%run_scoped3A_171 : memref<!tpu.dma_semaphore, #tpu.memory_space<semaphore_mem>>) src(%dma_wait3A_179 : memref<40x128xi32, #tpu.memory_space<hbm>>) dst(%arg7 : memref<40x128xi32, #tpu.memory_space<vmem>>)
      tpu.yield
    }) : () -> ()
    %mul3A_35 = arith.constant 80 : i32
    %mul3A_36 = arith.muli %add3A, %mul3A_35 : i32
    %add3A_37 = arith.constant 0 : i32
    %add3A_38 = arith.addi %mul3A_36, %add3A_37 : i32
    "tpu.region"() ({
      %run_scoped3A_171 = tpu.sem_alloc : memref<!tpu.dma_semaphore, #tpu.memory_space<semaphore_mem>>
      %dma_start3A_172 = arith.constant 0 : i32
      %dma_start3A_173 = tpu.memref_slice %arg4[%add3A_38, %dma_start3A_172] : memref<2560x128xi32, #tpu.memory_space<hbm>> -> memref<40x128xi32, #tpu.memory_space<hbm>>
      %dma_start3A_174 = arith.constant 0 : i32
      %dma_start3A_175 = tpu.memref_slice %arg4[%add3A_38, %dma_start3A_174] : memref<2560x128xi32, #tpu.memory_space<hbm>> -> memref<40x128xi32, #tpu.memory_space<hbm>>
      tpu.enqueue_dma source(%dma_start3A_175 : memref<40x128xi32, #tpu.memory_space<hbm>>) target(%arg8 : memref<40x128xi32, #tpu.memory_space<vmem>>) target_semaphore(%run_scoped3A_171 : memref<!tpu.dma_semaphore, #tpu.memory_space<semaphore_mem>>)
      %dma_wait3A_176 = arith.constant 0 : i32
      %dma_wait3A_177 = tpu.memref_slice %arg4[%add3A_38, %dma_wait3A_176] : memref<2560x128xi32, #tpu.memory_space<hbm>> -> memref<40x128xi32, #tpu.memory_space<hbm>>
      %dma_wait3A_178 = arith.constant 0 : i32
      %dma_wait3A_179 = tpu.memref_slice %arg4[%add3A_38, %dma_wait3A_178] : memref<2560x128xi32, #tpu.memory_space<hbm>> -> memref<40x128xi32, #tpu.memory_space<hbm>>
      tpu.wait_dma2 semaphore(%run_scoped3A_171 : memref<!tpu.dma_semaphore, #tpu.memory_space<semaphore_mem>>) src(%dma_wait3A_179 : memref<40x128xi32, #tpu.memory_space<hbm>>) dst(%arg8 : memref<40x128xi32, #tpu.memory_space<vmem>>)
      tpu.yield
    }) : () -> ()
    %dma_start3A = arith.constant 0 : i32
    %dma_start3A_39 = arith.constant 0 : i32
    %dma_start3A_40 = arith.constant 0 : i32
    %dma_start3A_41 = arith.constant 0 : i32
    %dma_start3A_42 = tpu.memref_slice %arg9[%dma_start3A_39, %dma_start3A_40, %dma_start3A_41] : memref<2x128x128xf32, #tpu.memory_space<vmem>> -> memref<1x128x128xf32, #tpu.memory_space<vmem>>
    %dma_start3A_43 = tpu.memref_squeeze %dma_start3A_42 : memref<1x128x128xf32, #tpu.memory_space<vmem>> -> memref<128x128xf32, #tpu.memory_space<vmem>>
    %dma_start3A_44 = arith.constant 0 : i32
    %dma_start3A_45 = tpu.memref_slice %arg7[%dma_start3A, %dma_start3A_44] : memref<40x128xi32, #tpu.memory_space<vmem>> -> memref<1x128xi32, #tpu.memory_space<vmem>>
    %dma_start3A_46 = tpu.memref_squeeze %dma_start3A_45 : memref<1x128xi32, #tpu.memory_space<vmem>> -> memref<128xi32, #tpu.memory_space<vmem>>
    %dma_start3A_47 = arith.constant 0 : i32
    %dma_start3A_48 = arith.constant 0 : i32
    %dma_start3A_49 = tpu.memref_slice %arg2[%dma_start3A_47, %dma_start3A_48] : memref<10000x128xf32, #tpu.memory_space<hbm>> -> memref<10000x128xf32, #tpu.memory_space<hbm>>
    tpu.enqueue_indirect_dma source(%dma_start3A_49 : memref<10000x128xf32, #tpu.memory_space<hbm>>) target(%dma_start3A_43 : memref<128x128xf32, #tpu.memory_space<vmem>>) offsets(%dma_start3A_46 : memref<128xi32, #tpu.memory_space<vmem>>) semaphore(%arg11 : memref<!tpu.dma_semaphore, #tpu.memory_space<semaphore_mem>>)
    %dma_start3A_50 = arith.constant 1 : i32
    %dma_start3A_51 = arith.constant 1 : i32
    %dma_start3A_52 = arith.constant 0 : i32
    %dma_start3A_53 = arith.constant 0 : i32
    %dma_start3A_54 = tpu.memref_slice %arg9[%dma_start3A_51, %dma_start3A_52, %dma_start3A_53] : memref<2x128x128xf32, #tpu.memory_space<vmem>> -> memref<1x128x128xf32, #tpu.memory_space<vmem>>
    %dma_start3A_55 = tpu.memref_squeeze %dma_start3A_54 : memref<1x128x128xf32, #tpu.memory_space<vmem>> -> memref<128x128xf32, #tpu.memory_space<vmem>>
    %dma_start3A_56 = arith.constant 0 : i32
    %dma_start3A_57 = tpu.memref_slice %arg7[%dma_start3A_50, %dma_start3A_56] : memref<40x128xi32, #tpu.memory_space<vmem>> -> memref<1x128xi32, #tpu.memory_space<vmem>>
    %dma_start3A_58 = tpu.memref_squeeze %dma_start3A_57 : memref<1x128xi32, #tpu.memory_space<vmem>> -> memref<128xi32, #tpu.memory_space<vmem>>
    %dma_start3A_59 = arith.constant 0 : i32
    %dma_start3A_60 = arith.constant 0 : i32
    %dma_start3A_61 = tpu.memref_slice %arg2[%dma_start3A_59, %dma_start3A_60] : memref<10000x128xf32, #tpu.memory_space<hbm>> -> memref<10000x128xf32, #tpu.memory_space<hbm>>
    tpu.enqueue_indirect_dma source(%dma_start3A_61 : memref<10000x128xf32, #tpu.memory_space<hbm>>) target(%dma_start3A_55 : memref<128x128xf32, #tpu.memory_space<vmem>>) offsets(%dma_start3A_58 : memref<128xi32, #tpu.memory_space<vmem>>) semaphore(%arg12 : memref<!tpu.dma_semaphore, #tpu.memory_space<semaphore_mem>>)
    %scan3A_62 = arith.constant 0 : i32
    %scan3A_63 = arith.constant 0 : i32
    %scan3A_64 = arith.constant 19 : i32
    %scan3A_65 = arith.addi %scan3A_63, %scan3A_64 : i32
    %scan3A_66 = arith.constant 1 : i32
    %scan3A_67 = scf.for %scan3A_171 = %scan3A_63 to %scan3A_65 step %scan3A_66 iter_args(%scan3A_172 = %scan3A_62) -> (i32)  : i32 {
      %mul3A_173 = arith.constant 2 : i32
      %mul3A_174 = arith.muli %mul3A_173, %scan3A_171 : i32
      %add3A_175 = arith.constant 0 : i32
      %add3A_176 = arith.addi %mul3A_174, %add3A_175 : i32
      %dma_wait3A_177 = arith.constant 0 : i32
      %dma_wait3A_178 = arith.constant 0 : i32
      %dma_wait3A_179 = arith.constant 0 : i32
      %dma_wait3A_180 = tpu.memref_slice %arg9[%dma_wait3A_177, %dma_wait3A_178, %dma_wait3A_179] : memref<2x128x128xf32, #tpu.memory_space<vmem>> -> memref<1x128x128xf32, #tpu.memory_space<vmem>>
      %dma_wait3A_181 = tpu.memref_squeeze %dma_wait3A_180 : memref<1x128x128xf32, #tpu.memory_space<vmem>> -> memref<128x128xf32, #tpu.memory_space<vmem>>
      %dma_wait3A_182 = arith.constant 0 : i32
      %dma_wait3A_183 = tpu.memref_slice %arg7[%add3A_176, %dma_wait3A_182] : memref<40x128xi32, #tpu.memory_space<vmem>> -> memref<1x128xi32, #tpu.memory_space<vmem>>
      %dma_wait3A_184 = tpu.memref_squeeze %dma_wait3A_183 : memref<1x128xi32, #tpu.memory_space<vmem>> -> memref<128xi32, #tpu.memory_space<vmem>>
      %dma_wait3A_185 = arith.constant 0 : i32
      %dma_wait3A_186 = arith.constant 0 : i32
      %dma_wait3A_187 = tpu.memref_slice %arg2[%dma_wait3A_185, %dma_wait3A_186] : memref<10000x128xf32, #tpu.memory_space<hbm>> -> memref<10000x128xf32, #tpu.memory_space<hbm>>
      tpu.wait_indirect_dma semaphore(%arg11 : memref<!tpu.dma_semaphore, #tpu.memory_space<semaphore_mem>>) src(%dma_wait3A_187 : memref<10000x128xf32, #tpu.memory_space<hbm>>) dst(%dma_wait3A_181 : memref<128x128xf32, #tpu.memory_space<vmem>>)
      %run_scoped3A_188 = arith.constant 0 : i32
      "tpu.region"() ({
        %run_scoped3A_232 = tpu.sem_alloc : memref<!tpu.dma_semaphore, #tpu.memory_space<semaphore_mem>>
        %dma_start3A_233 = arith.constant 0 : i32
        %dma_start3A_234 = arith.constant 0 : i32
        %dma_start3A_235 = tpu.memref_slice %arg9[%run_scoped3A_188, %dma_start3A_233, %dma_start3A_234] : memref<2x128x128xf32, #tpu.memory_space<vmem>> -> memref<1x128x128xf32, #tpu.memory_space<vmem>>
        %dma_start3A_236 = tpu.memref_squeeze %dma_start3A_235 : memref<1x128x128xf32, #tpu.memory_space<vmem>> -> memref<128x128xf32, #tpu.memory_space<vmem>>
        %dma_start3A_237 = arith.constant 0 : i32
        %dma_start3A_238 = tpu.memref_slice %arg8[%add3A_176, %dma_start3A_237] : memref<40x128xi32, #tpu.memory_space<vmem>> -> memref<1x128xi32, #tpu.memory_space<vmem>>
        %dma_start3A_239 = tpu.memref_squeeze %dma_start3A_238 : memref<1x128xi32, #tpu.memory_space<vmem>> -> memref<128xi32, #tpu.memory_space<vmem>>
        %dma_start3A_240 = arith.constant 0 : i32
        %dma_start3A_241 = arith.constant 0 : i32
        %dma_start3A_242 = tpu.memref_slice %arg10[%dma_start3A_240, %dma_start3A_241] : memref<10240x128xf32, #tpu.memory_space<vmem_shared>> -> memref<10240x128xf32, #tpu.memory_space<vmem_shared>>
        tpu.enqueue_indirect_dma source(%dma_start3A_236 : memref<128x128xf32, #tpu.memory_space<vmem>>) target(%dma_start3A_242 : memref<10240x128xf32, #tpu.memory_space<vmem_shared>>) offsets(%dma_start3A_239 : memref<128xi32, #tpu.memory_space<vmem>>) semaphore(%run_scoped3A_232 : memref<!tpu.dma_semaphore, #tpu.memory_space<semaphore_mem>>) {add = true}
        %dma_wait3A_243 = arith.constant 0 : i32
        %dma_wait3A_244 = arith.constant 0 : i32
        %dma_wait3A_245 = tpu.memref_slice %arg9[%run_scoped3A_188, %dma_wait3A_243, %dma_wait3A_244] : memref<2x128x128xf32, #tpu.memory_space<vmem>> -> memref<1x128x128xf32, #tpu.memory_space<vmem>>
        %dma_wait3A_246 = tpu.memref_squeeze %dma_wait3A_245 : memref<1x128x128xf32, #tpu.memory_space<vmem>> -> memref<128x128xf32, #tpu.memory_space<vmem>>
        %dma_wait3A_247 = arith.constant 0 : i32
        %dma_wait3A_248 = tpu.memref_slice %arg8[%add3A_176, %dma_wait3A_247] : memref<40x128xi32, #tpu.memory_space<vmem>> -> memref<1x128xi32, #tpu.memory_space<vmem>>
        %dma_wait3A_249 = tpu.memref_squeeze %dma_wait3A_248 : memref<1x128xi32, #tpu.memory_space<vmem>> -> memref<128xi32, #tpu.memory_space<vmem>>
        %dma_wait3A_250 = arith.constant 0 : i32
        %dma_wait3A_251 = arith.constant 0 : i32
        %dma_wait3A_252 = tpu.memref_slice %arg10[%dma_wait3A_250, %dma_wait3A_251] : memref<10240x128xf32, #tpu.memory_space<vmem_shared>> -> memref<10240x128xf32, #tpu.memory_space<vmem_shared>>
        tpu.wait_indirect_dma semaphore(%run_scoped3A_232 : memref<!tpu.dma_semaphore, #tpu.memory_space<semaphore_mem>>) src(%dma_wait3A_246 : memref<128x128xf32, #tpu.memory_space<vmem>>) dst(%dma_wait3A_252 : memref<10240x128xf32, #tpu.memory_space<vmem_shared>>)
        tpu.yield
      }) : () -> ()
      %add3A_189 = arith.constant 2 : i32
      %add3A_190 = arith.addi %add3A_176, %add3A_189 : i32
      %dma_start3A_191 = arith.constant 0 : i32
      %dma_start3A_192 = arith.constant 0 : i32
      %dma_start3A_193 = arith.constant 0 : i32
      %dma_start3A_194 = tpu.memref_slice %arg9[%dma_start3A_191, %dma_start3A_192, %dma_start3A_193] : memref<2x128x128xf32, #tpu.memory_space<vmem>> -> memref<1x128x128xf32, #tpu.memory_space<vmem>>
      %dma_start3A_195 = tpu.memref_squeeze %dma_start3A_194 : memref<1x128x128xf32, #tpu.memory_space<vmem>> -> memref<128x128xf32, #tpu.memory_space<vmem>>
      %dma_start3A_196 = arith.constant 0 : i32
      %dma_start3A_197 = tpu.memref_slice %arg7[%add3A_190, %dma_start3A_196] : memref<40x128xi32, #tpu.memory_space<vmem>> -> memref<1x128xi32, #tpu.memory_space<vmem>>
      %dma_start3A_198 = tpu.memref_squeeze %dma_start3A_197 : memref<1x128xi32, #tpu.memory_space<vmem>> -> memref<128xi32, #tpu.memory_space<vmem>>
      %dma_start3A_199 = arith.constant 0 : i32
      %dma_start3A_200 = arith.constant 0 : i32
      %dma_start3A_201 = tpu.memref_slice %arg2[%dma_start3A_199, %dma_start3A_200] : memref<10000x128xf32, #tpu.memory_space<hbm>> -> memref<10000x128xf32, #tpu.memory_space<hbm>>
      tpu.enqueue_indirect_dma source(%dma_start3A_201 : memref<10000x128xf32, #tpu.memory_space<hbm>>) target(%dma_start3A_195 : memref<128x128xf32, #tpu.memory_space<vmem>>) offsets(%dma_start3A_198 : memref<128xi32, #tpu.memory_space<vmem>>) semaphore(%arg11 : memref<!tpu.dma_semaphore, #tpu.memory_space<semaphore_mem>>)
      %mul3A_202 = arith.constant 2 : i32
      %mul3A_203 = arith.muli %mul3A_202, %scan3A_171 : i32
      %add3A_204 = arith.constant 1 : i32
      %add3A_205 = arith.addi %mul3A_203, %add3A_204 : i32
      %dma_wait3A_206 = arith.constant 1 : i32
      %dma_wait3A_207 = arith.constant 0 : i32
      %dma_wait3A_208 = arith.constant 0 : i32
      %dma_wait3A_209 = tpu.memref_slice %arg9[%dma_wait3A_206, %dma_wait3A_207, %dma_wait3A_208] : memref<2x128x128xf32, #tpu.memory_space<vmem>> -> memref<1x128x128xf32, #tpu.memory_space<vmem>>
      %dma_wait3A_210 = tpu.memref_squeeze %dma_wait3A_209 : memref<1x128x128xf32, #tpu.memory_space<vmem>> -> memref<128x128xf32, #tpu.memory_space<vmem>>
      %dma_wait3A_211 = arith.constant 0 : i32
      %dma_wait3A_212 = tpu.memref_slice %arg7[%add3A_205, %dma_wait3A_211] : memref<40x128xi32, #tpu.memory_space<vmem>> -> memref<1x128xi32, #tpu.memory_space<vmem>>
      %dma_wait3A_213 = tpu.memref_squeeze %dma_wait3A_212 : memref<1x128xi32, #tpu.memory_space<vmem>> -> memref<128xi32, #tpu.memory_space<vmem>>
      %dma_wait3A_214 = arith.constant 0 : i32
      %dma_wait3A_215 = arith.constant 0 : i32
      %dma_wait3A_216 = tpu.memref_slice %arg2[%dma_wait3A_214, %dma_wait3A_215] : memref<10000x128xf32, #tpu.memory_space<hbm>> -> memref<10000x128xf32, #tpu.memory_space<hbm>>
      tpu.wait_indirect_dma semaphore(%arg12 : memref<!tpu.dma_semaphore, #tpu.memory_space<semaphore_mem>>) src(%dma_wait3A_216 : memref<10000x128xf32, #tpu.memory_space<hbm>>) dst(%dma_wait3A_210 : memref<128x128xf32, #tpu.memory_space<vmem>>)
      %run_scoped3A_217 = arith.constant 1 : i32
      "tpu.region"() ({
        %run_scoped3A_232 = tpu.sem_alloc : memref<!tpu.dma_semaphore, #tpu.memory_space<semaphore_mem>>
        %dma_start3A_233 = arith.constant 0 : i32
        %dma_start3A_234 = arith.constant 0 : i32
        %dma_start3A_235 = tpu.memref_slice %arg9[%run_scoped3A_217, %dma_start3A_233, %dma_start3A_234] : memref<2x128x128xf32, #tpu.memory_space<vmem>> -> memref<1x128x128xf32, #tpu.memory_space<vmem>>
        %dma_start3A_236 = tpu.memref_squeeze %dma_start3A_235 : memref<1x128x128xf32, #tpu.memory_space<vmem>> -> memref<128x128xf32, #tpu.memory_space<vmem>>
        %dma_start3A_237 = arith.constant 0 : i32
        %dma_start3A_238 = tpu.memref_slice %arg8[%add3A_205, %dma_start3A_237] : memref<40x128xi32, #tpu.memory_space<vmem>> -> memref<1x128xi32, #tpu.memory_space<vmem>>
        %dma_start3A_239 = tpu.memref_squeeze %dma_start3A_238 : memref<1x128xi32, #tpu.memory_space<vmem>> -> memref<128xi32, #tpu.memory_space<vmem>>
        %dma_start3A_240 = arith.constant 0 : i32
        %dma_start3A_241 = arith.constant 0 : i32
        %dma_start3A_242 = tpu.memref_slice %arg10[%dma_start3A_240, %dma_start3A_241] : memref<10240x128xf32, #tpu.memory_space<vmem_shared>> -> memref<10240x128xf32, #tpu.memory_space<vmem_shared>>
        tpu.enqueue_indirect_dma source(%dma_start3A_236 : memref<128x128xf32, #tpu.memory_space<vmem>>) target(%dma_start3A_242 : memref<10240x128xf32, #tpu.memory_space<vmem_shared>>) offsets(%dma_start3A_239 : memref<128xi32, #tpu.memory_space<vmem>>) semaphore(%run_scoped3A_232 : memref<!tpu.dma_semaphore, #tpu.memory_space<semaphore_mem>>) {add = true}
        %dma_wait3A_243 = arith.constant 0 : i32
        %dma_wait3A_244 = arith.constant 0 : i32
        %dma_wait3A_245 = tpu.memref_slice %arg9[%run_scoped3A_217, %dma_wait3A_243, %dma_wait3A_244] : memref<2x128x128xf32, #tpu.memory_space<vmem>> -> memref<1x128x128xf32, #tpu.memory_space<vmem>>
        %dma_wait3A_246 = tpu.memref_squeeze %dma_wait3A_245 : memref<1x128x128xf32, #tpu.memory_space<vmem>> -> memref<128x128xf32, #tpu.memory_space<vmem>>
        %dma_wait3A_247 = arith.constant 0 : i32
        %dma_wait3A_248 = tpu.memref_slice %arg8[%add3A_205, %dma_wait3A_247] : memref<40x128xi32, #tpu.memory_space<vmem>> -> memref<1x128xi32, #tpu.memory_space<vmem>>
        %dma_wait3A_249 = tpu.memref_squeeze %dma_wait3A_248 : memref<1x128xi32, #tpu.memory_space<vmem>> -> memref<128xi32, #tpu.memory_space<vmem>>
        %dma_wait3A_250 = arith.constant 0 : i32
        %dma_wait3A_251 = arith.constant 0 : i32
        %dma_wait3A_252 = tpu.memref_slice %arg10[%dma_wait3A_250, %dma_wait3A_251] : memref<10240x128xf32, #tpu.memory_space<vmem_shared>> -> memref<10240x128xf32, #tpu.memory_space<vmem_shared>>
        tpu.wait_indirect_dma semaphore(%run_scoped3A_232 : memref<!tpu.dma_semaphore, #tpu.memory_space<semaphore_mem>>) src(%dma_wait3A_246 : memref<128x128xf32, #tpu.memory_space<vmem>>) dst(%dma_wait3A_252 : memref<10240x128xf32, #tpu.memory_space<vmem_shared>>)
        tpu.yield
      }) : () -> ()
      %add3A_218 = arith.constant 2 : i32
      %add3A_219 = arith.addi %add3A_205, %add3A_218 : i32
      %dma_start3A_220 = arith.constant 1 : i32
      %dma_start3A_221 = arith.constant 0 : i32
      %dma_start3A_222 = arith.constant 0 : i32
      %dma_start3A_223 = tpu.memref_slice %arg9[%dma_start3A_220, %dma_start3A_221, %dma_start3A_222] : memref<2x128x128xf32, #tpu.memory_space<vmem>> -> memref<1x128x128xf32, #tpu.memory_space<vmem>>
      %dma_start3A_224 = tpu.memref_squeeze %dma_start3A_223 : memref<1x128x128xf32, #tpu.memory_space<vmem>> -> memref<128x128xf32, #tpu.memory_space<vmem>>
      %dma_start3A_225 = arith.constant 0 : i32
      %dma_start3A_226 = tpu.memref_slice %arg7[%add3A_219, %dma_start3A_225] : memref<40x128xi32, #tpu.memory_space<vmem>> -> memref<1x128xi32, #tpu.memory_space<vmem>>
      %dma_start3A_227 = tpu.memref_squeeze %dma_start3A_226 : memref<1x128xi32, #tpu.memory_space<vmem>> -> memref<128xi32, #tpu.memory_space<vmem>>
      %dma_start3A_228 = arith.constant 0 : i32
      %dma_start3A_229 = arith.constant 0 : i32
      %dma_start3A_230 = tpu.memref_slice %arg2[%dma_start3A_228, %dma_start3A_229] : memref<10000x128xf32, #tpu.memory_space<hbm>> -> memref<10000x128xf32, #tpu.memory_space<hbm>>
      tpu.enqueue_indirect_dma source(%dma_start3A_230 : memref<10000x128xf32, #tpu.memory_space<hbm>>) target(%dma_start3A_224 : memref<128x128xf32, #tpu.memory_space<vmem>>) offsets(%dma_start3A_227 : memref<128xi32, #tpu.memory_space<vmem>>) semaphore(%arg12 : memref<!tpu.dma_semaphore, #tpu.memory_space<semaphore_mem>>)
      %scan3A_231 = arith.constant 0 : i32
      scf.yield %scan3A_231 : i32
    }
    %scan3A_68 = arith.constant 19 : i32
    %dma_wait3A = arith.constant 38 : i32
    %dma_wait3A_69 = arith.constant 0 : i32
    %dma_wait3A_70 = arith.constant 0 : i32
    %dma_wait3A_71 = arith.constant 0 : i32
    %dma_wait3A_72 = tpu.memref_slice %arg9[%dma_wait3A_69, %dma_wait3A_70, %dma_wait3A_71] : memref<2x128x128xf32, #tpu.memory_space<vmem>> -> memref<1x128x128xf32, #tpu.memory_space<vmem>>
    %dma_wait3A_73 = tpu.memref_squeeze %dma_wait3A_72 : memref<1x128x128xf32, #tpu.memory_space<vmem>> -> memref<128x128xf32, #tpu.memory_space<vmem>>
    %dma_wait3A_74 = arith.constant 0 : i32
    %dma_wait3A_75 = tpu.memref_slice %arg7[%dma_wait3A, %dma_wait3A_74] : memref<40x128xi32, #tpu.memory_space<vmem>> -> memref<1x128xi32, #tpu.memory_space<vmem>>
    %dma_wait3A_76 = tpu.memref_squeeze %dma_wait3A_75 : memref<1x128xi32, #tpu.memory_space<vmem>> -> memref<128xi32, #tpu.memory_space<vmem>>
    %dma_wait3A_77 = arith.constant 0 : i32
    %dma_wait3A_78 = arith.constant 0 : i32
    %dma_wait3A_79 = tpu.memref_slice %arg2[%dma_wait3A_77, %dma_wait3A_78] : memref<10000x128xf32, #tpu.memory_space<hbm>> -> memref<10000x128xf32, #tpu.memory_space<hbm>>
    tpu.wait_indirect_dma semaphore(%arg11 : memref<!tpu.dma_semaphore, #tpu.memory_space<semaphore_mem>>) src(%dma_wait3A_79 : memref<10000x128xf32, #tpu.memory_space<hbm>>) dst(%dma_wait3A_73 : memref<128x128xf32, #tpu.memory_space<vmem>>)
    %run_scoped3A_80 = arith.constant 0 : i32
    %run_scoped3A_81 = arith.constant 38 : i32
    "tpu.region"() ({
      %run_scoped3A_171 = tpu.sem_alloc : memref<!tpu.dma_semaphore, #tpu.memory_space<semaphore_mem>>
      %dma_start3A_172 = arith.constant 0 : i32
      %dma_start3A_173 = arith.constant 0 : i32
      %dma_start3A_174 = tpu.memref_slice %arg9[%run_scoped3A_80, %dma_start3A_172, %dma_start3A_173] : memref<2x128x128xf32, #tpu.memory_space<vmem>> -> memref<1x128x128xf32, #tpu.memory_space<vmem>>
      %dma_start3A_175 = tpu.memref_squeeze %dma_start3A_174 : memref<1x128x128xf32, #tpu.memory_space<vmem>> -> memref<128x128xf32, #tpu.memory_space<vmem>>
      %dma_start3A_176 = arith.constant 0 : i32
      %dma_start3A_177 = tpu.memref_slice %arg8[%run_scoped3A_81, %dma_start3A_176] : memref<40x128xi32, #tpu.memory_space<vmem>> -> memref<1x128xi32, #tpu.memory_space<vmem>>
      %dma_start3A_178 = tpu.memref_squeeze %dma_start3A_177 : memref<1x128xi32, #tpu.memory_space<vmem>> -> memref<128xi32, #tpu.memory_space<vmem>>
      %dma_start3A_179 = arith.constant 0 : i32
      %dma_start3A_180 = arith.constant 0 : i32
      %dma_start3A_181 = tpu.memref_slice %arg10[%dma_start3A_179, %dma_start3A_180] : memref<10240x128xf32, #tpu.memory_space<vmem_shared>> -> memref<10240x128xf32, #tpu.memory_space<vmem_shared>>
      tpu.enqueue_indirect_dma source(%dma_start3A_175 : memref<128x128xf32, #tpu.memory_space<vmem>>) target(%dma_start3A_181 : memref<10240x128xf32, #tpu.memory_space<vmem_shared>>) offsets(%dma_start3A_178 : memref<128xi32, #tpu.memory_space<vmem>>) semaphore(%run_scoped3A_171 : memref<!tpu.dma_semaphore, #tpu.memory_space<semaphore_mem>>) {add = true}
      %dma_wait3A_182 = arith.constant 0 : i32
      %dma_wait3A_183 = arith.constant 0 : i32
      %dma_wait3A_184 = tpu.memref_slice %arg9[%run_scoped3A_80, %dma_wait3A_182, %dma_wait3A_183] : memref<2x128x128xf32, #tpu.memory_space<vmem>> -> memref<1x128x128xf32, #tpu.memory_space<vmem>>
      %dma_wait3A_185 = tpu.memref_squeeze %dma_wait3A_184 : memref<1x128x128xf32, #tpu.memory_space<vmem>> -> memref<128x128xf32, #tpu.memory_space<vmem>>
      %dma_wait3A_186 = arith.constant 0 : i32
      %dma_wait3A_187 = tpu.memref_slice %arg8[%run_scoped3A_81, %dma_wait3A_186] : memref<40x128xi32, #tpu.memory_space<vmem>> -> memref<1x128xi32, #tpu.memory_space<vmem>>
      %dma_wait3A_188 = tpu.memref_squeeze %dma_wait3A_187 : memref<1x128xi32, #tpu.memory_space<vmem>> -> memref<128xi32, #tpu.memory_space<vmem>>
      %dma_wait3A_189 = arith.constant 0 : i32
      %dma_wait3A_190 = arith.constant 0 : i32
      %dma_wait3A_191 = tpu.memref_slice %arg10[%dma_wait3A_189, %dma_wait3A_190] : memref<10240x128xf32, #tpu.memory_space<vmem_shared>> -> memref<10240x128xf32, #tpu.memory_space<vmem_shared>>
      tpu.wait_indirect_dma semaphore(%run_scoped3A_171 : memref<!tpu.dma_semaphore, #tpu.memory_space<semaphore_mem>>) src(%dma_wait3A_185 : memref<128x128xf32, #tpu.memory_space<vmem>>) dst(%dma_wait3A_191 : memref<10240x128xf32, #tpu.memory_space<vmem_shared>>)
      tpu.yield
    }) : () -> ()
    %dma_wait3A_82 = arith.constant 39 : i32
    %dma_wait3A_83 = arith.constant 1 : i32
    %dma_wait3A_84 = arith.constant 0 : i32
    %dma_wait3A_85 = arith.constant 0 : i32
    %dma_wait3A_86 = tpu.memref_slice %arg9[%dma_wait3A_83, %dma_wait3A_84, %dma_wait3A_85] : memref<2x128x128xf32, #tpu.memory_space<vmem>> -> memref<1x128x128xf32, #tpu.memory_space<vmem>>
    %dma_wait3A_87 = tpu.memref_squeeze %dma_wait3A_86 : memref<1x128x128xf32, #tpu.memory_space<vmem>> -> memref<128x128xf32, #tpu.memory_space<vmem>>
    %dma_wait3A_88 = arith.constant 0 : i32
    %dma_wait3A_89 = tpu.memref_slice %arg7[%dma_wait3A_82, %dma_wait3A_88] : memref<40x128xi32, #tpu.memory_space<vmem>> -> memref<1x128xi32, #tpu.memory_space<vmem>>
    %dma_wait3A_90 = tpu.memref_squeeze %dma_wait3A_89 : memref<1x128xi32, #tpu.memory_space<vmem>> -> memref<128xi32, #tpu.memory_space<vmem>>
    %dma_wait3A_91 = arith.constant 0 : i32
    %dma_wait3A_92 = arith.constant 0 : i32
    %dma_wait3A_93 = tpu.memref_slice %arg2[%dma_wait3A_91, %dma_wait3A_92] : memref<10000x128xf32, #tpu.memory_space<hbm>> -> memref<10000x128xf32, #tpu.memory_space<hbm>>
    tpu.wait_indirect_dma semaphore(%arg12 : memref<!tpu.dma_semaphore, #tpu.memory_space<semaphore_mem>>) src(%dma_wait3A_93 : memref<10000x128xf32, #tpu.memory_space<hbm>>) dst(%dma_wait3A_87 : memref<128x128xf32, #tpu.memory_space<vmem>>)
    %run_scoped3A_94 = arith.constant 1 : i32
    %run_scoped3A_95 = arith.constant 39 : i32
    "tpu.region"() ({
      %run_scoped3A_171 = tpu.sem_alloc : memref<!tpu.dma_semaphore, #tpu.memory_space<semaphore_mem>>
      %dma_start3A_172 = arith.constant 0 : i32
      %dma_start3A_173 = arith.constant 0 : i32
      %dma_start3A_174 = tpu.memref_slice %arg9[%run_scoped3A_94, %dma_start3A_172, %dma_start3A_173] : memref<2x128x128xf32, #tpu.memory_space<vmem>> -> memref<1x128x128xf32, #tpu.memory_space<vmem>>
      %dma_start3A_175 = tpu.memref_squeeze %dma_start3A_174 : memref<1x128x128xf32, #tpu.memory_space<vmem>> -> memref<128x128xf32, #tpu.memory_space<vmem>>
      %dma_start3A_176 = arith.constant 0 : i32
      %dma_start3A_177 = tpu.memref_slice %arg8[%run_scoped3A_95, %dma_start3A_176] : memref<40x128xi32, #tpu.memory_space<vmem>> -> memref<1x128xi32, #tpu.memory_space<vmem>>
      %dma_start3A_178 = tpu.memref_squeeze %dma_start3A_177 : memref<1x128xi32, #tpu.memory_space<vmem>> -> memref<128xi32, #tpu.memory_space<vmem>>
      %dma_start3A_179 = arith.constant 0 : i32
      %dma_start3A_180 = arith.constant 0 : i32
      %dma_start3A_181 = tpu.memref_slice %arg10[%dma_start3A_179, %dma_start3A_180] : memref<10240x128xf32, #tpu.memory_space<vmem_shared>> -> memref<10240x128xf32, #tpu.memory_space<vmem_shared>>
      tpu.enqueue_indirect_dma source(%dma_start3A_175 : memref<128x128xf32, #tpu.memory_space<vmem>>) target(%dma_start3A_181 : memref<10240x128xf32, #tpu.memory_space<vmem_shared>>) offsets(%dma_start3A_178 : memref<128xi32, #tpu.memory_space<vmem>>) semaphore(%run_scoped3A_171 : memref<!tpu.dma_semaphore, #tpu.memory_space<semaphore_mem>>) {add = true}
      %dma_wait3A_182 = arith.constant 0 : i32
      %dma_wait3A_183 = arith.constant 0 : i32
      %dma_wait3A_184 = tpu.memref_slice %arg9[%run_scoped3A_94, %dma_wait3A_182, %dma_wait3A_183] : memref<2x128x128xf32, #tpu.memory_space<vmem>> -> memref<1x128x128xf32, #tpu.memory_space<vmem>>
      %dma_wait3A_185 = tpu.memref_squeeze %dma_wait3A_184 : memref<1x128x128xf32, #tpu.memory_space<vmem>> -> memref<128x128xf32, #tpu.memory_space<vmem>>
      %dma_wait3A_186 = arith.constant 0 : i32
      %dma_wait3A_187 = tpu.memref_slice %arg8[%run_scoped3A_95, %dma_wait3A_186] : memref<40x128xi32, #tpu.memory_space<vmem>> -> memref<1x128xi32, #tpu.memory_space<vmem>>
      %dma_wait3A_188 = tpu.memref_squeeze %dma_wait3A_187 : memref<1x128xi32, #tpu.memory_space<vmem>> -> memref<128xi32, #tpu.memory_space<vmem>>
      %dma_wait3A_189 = arith.constant 0 : i32
      %dma_wait3A_190 = arith.constant 0 : i32
      %dma_wait3A_191 = tpu.memref_slice %arg10[%dma_wait3A_189, %dma_wait3A_190] : memref<10240x128xf32, #tpu.memory_space<vmem_shared>> -> memref<10240x128xf32, #tpu.memory_space<vmem_shared>>
      tpu.wait_indirect_dma semaphore(%run_scoped3A_171 : memref<!tpu.dma_semaphore, #tpu.memory_space<semaphore_mem>>) src(%dma_wait3A_185 : memref<128x128xf32, #tpu.memory_space<vmem>>) dst(%dma_wait3A_191 : memref<10240x128xf32, #tpu.memory_space<vmem_shared>>)
      tpu.yield
    }) : () -> ()
    %mul3A_96 = arith.constant 80 : i32
    %mul3A_97 = arith.muli %add3A, %mul3A_96 : i32
    %add3A_98 = arith.constant 40 : i32
    %add3A_99 = arith.addi %mul3A_97, %add3A_98 : i32
    "tpu.region"() ({
      %run_scoped3A_171 = tpu.sem_alloc : memref<!tpu.dma_semaphore, #tpu.memory_space<semaphore_mem>>
      %dma_start3A_172 = arith.constant 0 : i32
      %dma_start3A_173 = tpu.memref_slice %arg3[%add3A_99, %dma_start3A_172] : memref<2560x128xi32, #tpu.memory_space<hbm>> -> memref<40x128xi32, #tpu.memory_space<hbm>>
      %dma_start3A_174 = arith.constant 0 : i32
      %dma_start3A_175 = tpu.memref_slice %arg3[%add3A_99, %dma_start3A_174] : memref<2560x128xi32, #tpu.memory_space<hbm>> -> memref<40x128xi32, #tpu.memory_space<hbm>>
      tpu.enqueue_dma source(%dma_start3A_175 : memref<40x128xi32, #tpu.memory_space<hbm>>) target(%arg7 : memref<40x128xi32, #tpu.memory_space<vmem>>) target_semaphore(%run_scoped3A_171 : memref<!tpu.dma_semaphore, #tpu.memory_space<semaphore_mem>>)
      %dma_wait3A_176 = arith.constant 0 : i32
      %dma_wait3A_177 = tpu.memref_slice %arg3[%add3A_99, %dma_wait3A_176] : memref<2560x128xi32, #tpu.memory_space<hbm>> -> memref<40x128xi32, #tpu.memory_space<hbm>>
      %dma_wait3A_178 = arith.constant 0 : i32
      %dma_wait3A_179 = tpu.memref_slice %arg3[%add3A_99, %dma_wait3A_178] : memref<2560x128xi32, #tpu.memory_space<hbm>> -> memref<40x128xi32, #tpu.memory_space<hbm>>
      tpu.wait_dma2 semaphore(%run_scoped3A_171 : memref<!tpu.dma_semaphore, #tpu.memory_space<semaphore_mem>>) src(%dma_wait3A_179 : memref<40x128xi32, #tpu.memory_space<hbm>>) dst(%arg7 : memref<40x128xi32, #tpu.memory_space<vmem>>)
      tpu.yield
    }) : () -> ()
    %mul3A_100 = arith.constant 80 : i32
    %mul3A_101 = arith.muli %add3A, %mul3A_100 : i32
    %add3A_102 = arith.constant 40 : i32
    %add3A_103 = arith.addi %mul3A_101, %add3A_102 : i32
    "tpu.region"() ({
      %run_scoped3A_171 = tpu.sem_alloc : memref<!tpu.dma_semaphore, #tpu.memory_space<semaphore_mem>>
      %dma_start3A_172 = arith.constant 0 : i32
      %dma_start3A_173 = tpu.memref_slice %arg4[%add3A_103, %dma_start3A_172] : memref<2560x128xi32, #tpu.memory_space<hbm>> -> memref<40x128xi32, #tpu.memory_space<hbm>>
      %dma_start3A_174 = arith.constant 0 : i32
      %dma_start3A_175 = tpu.memref_slice %arg4[%add3A_103, %dma_start3A_174] : memref<2560x128xi32, #tpu.memory_space<hbm>> -> memref<40x128xi32, #tpu.memory_space<hbm>>
      tpu.enqueue_dma source(%dma_start3A_175 : memref<40x128xi32, #tpu.memory_space<hbm>>) target(%arg8 : memref<40x128xi32, #tpu.memory_space<vmem>>) target_semaphore(%run_scoped3A_171 : memref<!tpu.dma_semaphore, #tpu.memory_space<semaphore_mem>>)
      %dma_wait3A_176 = arith.constant 0 : i32
      %dma_wait3A_177 = tpu.memref_slice %arg4[%add3A_103, %dma_wait3A_176] : memref<2560x128xi32, #tpu.memory_space<hbm>> -> memref<40x128xi32, #tpu.memory_space<hbm>>
      %dma_wait3A_178 = arith.constant 0 : i32
      %dma_wait3A_179 = tpu.memref_slice %arg4[%add3A_103, %dma_wait3A_178] : memref<2560x128xi32, #tpu.memory_space<hbm>> -> memref<40x128xi32, #tpu.memory_space<hbm>>
      tpu.wait_dma2 semaphore(%run_scoped3A_171 : memref<!tpu.dma_semaphore, #tpu.memory_space<semaphore_mem>>) src(%dma_wait3A_179 : memref<40x128xi32, #tpu.memory_space<hbm>>) dst(%arg8 : memref<40x128xi32, #tpu.memory_space<vmem>>)
      tpu.yield
    }) : () -> ()
    %dma_start3A_104 = arith.constant 0 : i32
    %dma_start3A_105 = arith.constant 0 : i32
    %dma_start3A_106 = arith.constant 0 : i32
    %dma_start3A_107 = arith.constant 0 : i32
    %dma_start3A_108 = tpu.memref_slice %arg9[%dma_start3A_105, %dma_start3A_106, %dma_start3A_107] : memref<2x128x128xf32, #tpu.memory_space<vmem>> -> memref<1x128x128xf32, #tpu.memory_space<vmem>>
    %dma_start3A_109 = tpu.memref_squeeze %dma_start3A_108 : memref<1x128x128xf32, #tpu.memory_space<vmem>> -> memref<128x128xf32, #tpu.memory_space<vmem>>
    %dma_start3A_110 = arith.constant 0 : i32
    %dma_start3A_111 = tpu.memref_slice %arg7[%dma_start3A_104, %dma_start3A_110] : memref<40x128xi32, #tpu.memory_space<vmem>> -> memref<1x128xi32, #tpu.memory_space<vmem>>
    %dma_start3A_112 = tpu.memref_squeeze %dma_start3A_111 : memref<1x128xi32, #tpu.memory_space<vmem>> -> memref<128xi32, #tpu.memory_space<vmem>>
    %dma_start3A_113 = arith.constant 0 : i32
    %dma_start3A_114 = arith.constant 0 : i32
    %dma_start3A_115 = tpu.memref_slice %arg2[%dma_start3A_113, %dma_start3A_114] : memref<10000x128xf32, #tpu.memory_space<hbm>> -> memref<10000x128xf32, #tpu.memory_space<hbm>>
    tpu.enqueue_indirect_dma source(%dma_start3A_115 : memref<10000x128xf32, #tpu.memory_space<hbm>>) target(%dma_start3A_109 : memref<128x128xf32, #tpu.memory_space<vmem>>) offsets(%dma_start3A_112 : memref<128xi32, #tpu.memory_space<vmem>>) semaphore(%arg11 : memref<!tpu.dma_semaphore, #tpu.memory_space<semaphore_mem>>)
    %dma_start3A_116 = arith.constant 1 : i32
    %dma_start3A_117 = arith.constant 1 : i32
    %dma_start3A_118 = arith.constant 0 : i32
    %dma_start3A_119 = arith.constant 0 : i32
    %dma_start3A_120 = tpu.memref_slice %arg9[%dma_start3A_117, %dma_start3A_118, %dma_start3A_119] : memref<2x128x128xf32, #tpu.memory_space<vmem>> -> memref<1x128x128xf32, #tpu.memory_space<vmem>>
    %dma_start3A_121 = tpu.memref_squeeze %dma_start3A_120 : memref<1x128x128xf32, #tpu.memory_space<vmem>> -> memref<128x128xf32, #tpu.memory_space<vmem>>
    %dma_start3A_122 = arith.constant 0 : i32
    %dma_start3A_123 = tpu.memref_slice %arg7[%dma_start3A_116, %dma_start3A_122] : memref<40x128xi32, #tpu.memory_space<vmem>> -> memref<1x128xi32, #tpu.memory_space<vmem>>
    %dma_start3A_124 = tpu.memref_squeeze %dma_start3A_123 : memref<1x128xi32, #tpu.memory_space<vmem>> -> memref<128xi32, #tpu.memory_space<vmem>>
    %dma_start3A_125 = arith.constant 0 : i32
    %dma_start3A_126 = arith.constant 0 : i32
    %dma_start3A_127 = tpu.memref_slice %arg2[%dma_start3A_125, %dma_start3A_126] : memref<10000x128xf32, #tpu.memory_space<hbm>> -> memref<10000x128xf32, #tpu.memory_space<hbm>>
    tpu.enqueue_indirect_dma source(%dma_start3A_127 : memref<10000x128xf32, #tpu.memory_space<hbm>>) target(%dma_start3A_121 : memref<128x128xf32, #tpu.memory_space<vmem>>) offsets(%dma_start3A_124 : memref<128xi32, #tpu.memory_space<vmem>>) semaphore(%arg12 : memref<!tpu.dma_semaphore, #tpu.memory_space<semaphore_mem>>)
    %scan3A_128 = arith.constant 0 : i32
    %scan3A_129 = arith.constant 0 : i32
    %scan3A_130 = arith.constant 19 : i32
    %scan3A_131 = arith.addi %scan3A_129, %scan3A_130 : i32
    %scan3A_132 = arith.constant 1 : i32
    %scan3A_133 = scf.for %scan3A_171 = %scan3A_129 to %scan3A_131 step %scan3A_132 iter_args(%scan3A_172 = %scan3A_128) -> (i32)  : i32 {
      %mul3A_173 = arith.constant 2 : i32
      %mul3A_174 = arith.muli %mul3A_173, %scan3A_171 : i32
      %add3A_175 = arith.constant 0 : i32
      %add3A_176 = arith.addi %mul3A_174, %add3A_175 : i32
      %dma_wait3A_177 = arith.constant 0 : i32
      %dma_wait3A_178 = arith.constant 0 : i32
      %dma_wait3A_179 = arith.constant 0 : i32
      %dma_wait3A_180 = tpu.memref_slice %arg9[%dma_wait3A_177, %dma_wait3A_178, %dma_wait3A_179] : memref<2x128x128xf32, #tpu.memory_space<vmem>> -> memref<1x128x128xf32, #tpu.memory_space<vmem>>
      %dma_wait3A_181 = tpu.memref_squeeze %dma_wait3A_180 : memref<1x128x128xf32, #tpu.memory_space<vmem>> -> memref<128x128xf32, #tpu.memory_space<vmem>>
      %dma_wait3A_182 = arith.constant 0 : i32
      %dma_wait3A_183 = tpu.memref_slice %arg7[%add3A_176, %dma_wait3A_182] : memref<40x128xi32, #tpu.memory_space<vmem>> -> memref<1x128xi32, #tpu.memory_space<vmem>>
      %dma_wait3A_184 = tpu.memref_squeeze %dma_wait3A_183 : memref<1x128xi32, #tpu.memory_space<vmem>> -> memref<128xi32, #tpu.memory_space<vmem>>
      %dma_wait3A_185 = arith.constant 0 : i32
      %dma_wait3A_186 = arith.constant 0 : i32
      %dma_wait3A_187 = tpu.memref_slice %arg2[%dma_wait3A_185, %dma_wait3A_186] : memref<10000x128xf32, #tpu.memory_space<hbm>> -> memref<10000x128xf32, #tpu.memory_space<hbm>>
      tpu.wait_indirect_dma semaphore(%arg11 : memref<!tpu.dma_semaphore, #tpu.memory_space<semaphore_mem>>) src(%dma_wait3A_187 : memref<10000x128xf32, #tpu.memory_space<hbm>>) dst(%dma_wait3A_181 : memref<128x128xf32, #tpu.memory_space<vmem>>)
      %run_scoped3A_188 = arith.constant 0 : i32
      "tpu.region"() ({
        %run_scoped3A_232 = tpu.sem_alloc : memref<!tpu.dma_semaphore, #tpu.memory_space<semaphore_mem>>
        %dma_start3A_233 = arith.constant 0 : i32
        %dma_start3A_234 = arith.constant 0 : i32
        %dma_start3A_235 = tpu.memref_slice %arg9[%run_scoped3A_188, %dma_start3A_233, %dma_start3A_234] : memref<2x128x128xf32, #tpu.memory_space<vmem>> -> memref<1x128x128xf32, #tpu.memory_space<vmem>>
        %dma_start3A_236 = tpu.memref_squeeze %dma_start3A_235 : memref<1x128x128xf32, #tpu.memory_space<vmem>> -> memref<128x128xf32, #tpu.memory_space<vmem>>
        %dma_start3A_237 = arith.constant 0 : i32
        %dma_start3A_238 = tpu.memref_slice %arg8[%add3A_176, %dma_start3A_237] : memref<40x128xi32, #tpu.memory_space<vmem>> -> memref<1x128xi32, #tpu.memory_space<vmem>>
        %dma_start3A_239 = tpu.memref_squeeze %dma_start3A_238 : memref<1x128xi32, #tpu.memory_space<vmem>> -> memref<128xi32, #tpu.memory_space<vmem>>
        %dma_start3A_240 = arith.constant 0 : i32
        %dma_start3A_241 = arith.constant 0 : i32
        %dma_start3A_242 = tpu.memref_slice %arg10[%dma_start3A_240, %dma_start3A_241] : memref<10240x128xf32, #tpu.memory_space<vmem_shared>> -> memref<10240x128xf32, #tpu.memory_space<vmem_shared>>
        tpu.enqueue_indirect_dma source(%dma_start3A_236 : memref<128x128xf32, #tpu.memory_space<vmem>>) target(%dma_start3A_242 : memref<10240x128xf32, #tpu.memory_space<vmem_shared>>) offsets(%dma_start3A_239 : memref<128xi32, #tpu.memory_space<vmem>>) semaphore(%run_scoped3A_232 : memref<!tpu.dma_semaphore, #tpu.memory_space<semaphore_mem>>) {add = true}
        %dma_wait3A_243 = arith.constant 0 : i32
        %dma_wait3A_244 = arith.constant 0 : i32
        %dma_wait3A_245 = tpu.memref_slice %arg9[%run_scoped3A_188, %dma_wait3A_243, %dma_wait3A_244] : memref<2x128x128xf32, #tpu.memory_space<vmem>> -> memref<1x128x128xf32, #tpu.memory_space<vmem>>
        %dma_wait3A_246 = tpu.memref_squeeze %dma_wait3A_245 : memref<1x128x128xf32, #tpu.memory_space<vmem>> -> memref<128x128xf32, #tpu.memory_space<vmem>>
        %dma_wait3A_247 = arith.constant 0 : i32
        %dma_wait3A_248 = tpu.memref_slice %arg8[%add3A_176, %dma_wait3A_247] : memref<40x128xi32, #tpu.memory_space<vmem>> -> memref<1x128xi32, #tpu.memory_space<vmem>>
        %dma_wait3A_249 = tpu.memref_squeeze %dma_wait3A_248 : memref<1x128xi32, #tpu.memory_space<vmem>> -> memref<128xi32, #tpu.memory_space<vmem>>
        %dma_wait3A_250 = arith.constant 0 : i32
        %dma_wait3A_251 = arith.constant 0 : i32
        %dma_wait3A_252 = tpu.memref_slice %arg10[%dma_wait3A_250, %dma_wait3A_251] : memref<10240x128xf32, #tpu.memory_space<vmem_shared>> -> memref<10240x128xf32, #tpu.memory_space<vmem_shared>>
        tpu.wait_indirect_dma semaphore(%run_scoped3A_232 : memref<!tpu.dma_semaphore, #tpu.memory_space<semaphore_mem>>) src(%dma_wait3A_246 : memref<128x128xf32, #tpu.memory_space<vmem>>) dst(%dma_wait3A_252 : memref<10240x128xf32, #tpu.memory_space<vmem_shared>>)
        tpu.yield
      }) : () -> ()
      %add3A_189 = arith.constant 2 : i32
      %add3A_190 = arith.addi %add3A_176, %add3A_189 : i32
      %dma_start3A_191 = arith.constant 0 : i32
      %dma_start3A_192 = arith.constant 0 : i32
      %dma_start3A_193 = arith.constant 0 : i32
      %dma_start3A_194 = tpu.memref_slice %arg9[%dma_start3A_191, %dma_start3A_192, %dma_start3A_193] : memref<2x128x128xf32, #tpu.memory_space<vmem>> -> memref<1x128x128xf32, #tpu.memory_space<vmem>>
      %dma_start3A_195 = tpu.memref_squeeze %dma_start3A_194 : memref<1x128x128xf32, #tpu.memory_space<vmem>> -> memref<128x128xf32, #tpu.memory_space<vmem>>
      %dma_start3A_196 = arith.constant 0 : i32
      %dma_start3A_197 = tpu.memref_slice %arg7[%add3A_190, %dma_start3A_196] : memref<40x128xi32, #tpu.memory_space<vmem>> -> memref<1x128xi32, #tpu.memory_space<vmem>>
      %dma_start3A_198 = tpu.memref_squeeze %dma_start3A_197 : memref<1x128xi32, #tpu.memory_space<vmem>> -> memref<128xi32, #tpu.memory_space<vmem>>
      %dma_start3A_199 = arith.constant 0 : i32
      %dma_start3A_200 = arith.constant 0 : i32
      %dma_start3A_201 = tpu.memref_slice %arg2[%dma_start3A_199, %dma_start3A_200] : memref<10000x128xf32, #tpu.memory_space<hbm>> -> memref<10000x128xf32, #tpu.memory_space<hbm>>
      tpu.enqueue_indirect_dma source(%dma_start3A_201 : memref<10000x128xf32, #tpu.memory_space<hbm>>) target(%dma_start3A_195 : memref<128x128xf32, #tpu.memory_space<vmem>>) offsets(%dma_start3A_198 : memref<128xi32, #tpu.memory_space<vmem>>) semaphore(%arg11 : memref<!tpu.dma_semaphore, #tpu.memory_space<semaphore_mem>>)
      %mul3A_202 = arith.constant 2 : i32
      %mul3A_203 = arith.muli %mul3A_202, %scan3A_171 : i32
      %add3A_204 = arith.constant 1 : i32
      %add3A_205 = arith.addi %mul3A_203, %add3A_204 : i32
      %dma_wait3A_206 = arith.constant 1 : i32
      %dma_wait3A_207 = arith.constant 0 : i32
      %dma_wait3A_208 = arith.constant 0 : i32
      %dma_wait3A_209 = tpu.memref_slice %arg9[%dma_wait3A_206, %dma_wait3A_207, %dma_wait3A_208] : memref<2x128x128xf32, #tpu.memory_space<vmem>> -> memref<1x128x128xf32, #tpu.memory_space<vmem>>
      %dma_wait3A_210 = tpu.memref_squeeze %dma_wait3A_209 : memref<1x128x128xf32, #tpu.memory_space<vmem>> -> memref<128x128xf32, #tpu.memory_space<vmem>>
      %dma_wait3A_211 = arith.constant 0 : i32
      %dma_wait3A_212 = tpu.memref_slice %arg7[%add3A_205, %dma_wait3A_211] : memref<40x128xi32, #tpu.memory_space<vmem>> -> memref<1x128xi32, #tpu.memory_space<vmem>>
      %dma_wait3A_213 = tpu.memref_squeeze %dma_wait3A_212 : memref<1x128xi32, #tpu.memory_space<vmem>> -> memref<128xi32, #tpu.memory_space<vmem>>
      %dma_wait3A_214 = arith.constant 0 : i32
      %dma_wait3A_215 = arith.constant 0 : i32
      %dma_wait3A_216 = tpu.memref_slice %arg2[%dma_wait3A_214, %dma_wait3A_215] : memref<10000x128xf32, #tpu.memory_space<hbm>> -> memref<10000x128xf32, #tpu.memory_space<hbm>>
      tpu.wait_indirect_dma semaphore(%arg12 : memref<!tpu.dma_semaphore, #tpu.memory_space<semaphore_mem>>) src(%dma_wait3A_216 : memref<10000x128xf32, #tpu.memory_space<hbm>>) dst(%dma_wait3A_210 : memref<128x128xf32, #tpu.memory_space<vmem>>)
      %run_scoped3A_217 = arith.constant 1 : i32
      "tpu.region"() ({
        %run_scoped3A_232 = tpu.sem_alloc : memref<!tpu.dma_semaphore, #tpu.memory_space<semaphore_mem>>
        %dma_start3A_233 = arith.constant 0 : i32
        %dma_start3A_234 = arith.constant 0 : i32
        %dma_start3A_235 = tpu.memref_slice %arg9[%run_scoped3A_217, %dma_start3A_233, %dma_start3A_234] : memref<2x128x128xf32, #tpu.memory_space<vmem>> -> memref<1x128x128xf32, #tpu.memory_space<vmem>>
        %dma_start3A_236 = tpu.memref_squeeze %dma_start3A_235 : memref<1x128x128xf32, #tpu.memory_space<vmem>> -> memref<128x128xf32, #tpu.memory_space<vmem>>
        %dma_start3A_237 = arith.constant 0 : i32
        %dma_start3A_238 = tpu.memref_slice %arg8[%add3A_205, %dma_start3A_237] : memref<40x128xi32, #tpu.memory_space<vmem>> -> memref<1x128xi32, #tpu.memory_space<vmem>>
        %dma_start3A_239 = tpu.memref_squeeze %dma_start3A_238 : memref<1x128xi32, #tpu.memory_space<vmem>> -> memref<128xi32, #tpu.memory_space<vmem>>
        %dma_start3A_240 = arith.constant 0 : i32
        %dma_start3A_241 = arith.constant 0 : i32
        %dma_start3A_242 = tpu.memref_slice %arg10[%dma_start3A_240, %dma_start3A_241] : memref<10240x128xf32, #tpu.memory_space<vmem_shared>> -> memref<10240x128xf32, #tpu.memory_space<vmem_shared>>
        tpu.enqueue_indirect_dma source(%dma_start3A_236 : memref<128x128xf32, #tpu.memory_space<vmem>>) target(%dma_start3A_242 : memref<10240x128xf32, #tpu.memory_space<vmem_shared>>) offsets(%dma_start3A_239 : memref<128xi32, #tpu.memory_space<vmem>>) semaphore(%run_scoped3A_232 : memref<!tpu.dma_semaphore, #tpu.memory_space<semaphore_mem>>) {add = true}
        %dma_wait3A_243 = arith.constant 0 : i32
        %dma_wait3A_244 = arith.constant 0 : i32
        %dma_wait3A_245 = tpu.memref_slice %arg9[%run_scoped3A_217, %dma_wait3A_243, %dma_wait3A_244] : memref<2x128x128xf32, #tpu.memory_space<vmem>> -> memref<1x128x128xf32, #tpu.memory_space<vmem>>
        %dma_wait3A_246 = tpu.memref_squeeze %dma_wait3A_245 : memref<1x128x128xf32, #tpu.memory_space<vmem>> -> memref<128x128xf32, #tpu.memory_space<vmem>>
        %dma_wait3A_247 = arith.constant 0 : i32
        %dma_wait3A_248 = tpu.memref_slice %arg8[%add3A_205, %dma_wait3A_247] : memref<40x128xi32, #tpu.memory_space<vmem>> -> memref<1x128xi32, #tpu.memory_space<vmem>>
        %dma_wait3A_249 = tpu.memref_squeeze %dma_wait3A_248 : memref<1x128xi32, #tpu.memory_space<vmem>> -> memref<128xi32, #tpu.memory_space<vmem>>
        %dma_wait3A_250 = arith.constant 0 : i32
        %dma_wait3A_251 = arith.constant 0 : i32
        %dma_wait3A_252 = tpu.memref_slice %arg10[%dma_wait3A_250, %dma_wait3A_251] : memref<10240x128xf32, #tpu.memory_space<vmem_shared>> -> memref<10240x128xf32, #tpu.memory_space<vmem_shared>>
        tpu.wait_indirect_dma semaphore(%run_scoped3A_232 : memref<!tpu.dma_semaphore, #tpu.memory_space<semaphore_mem>>) src(%dma_wait3A_246 : memref<128x128xf32, #tpu.memory_space<vmem>>) dst(%dma_wait3A_252 : memref<10240x128xf32, #tpu.memory_space<vmem_shared>>)
        tpu.yield
      }) : () -> ()
      %add3A_218 = arith.constant 2 : i32
      %add3A_219 = arith.addi %add3A_205, %add3A_218 : i32
      %dma_start3A_220 = arith.constant 1 : i32
      %dma_start3A_221 = arith.constant 0 : i32
      %dma_start3A_222 = arith.constant 0 : i32
      %dma_start3A_223 = tpu.memref_slice %arg9[%dma_start3A_220, %dma_start3A_221, %dma_start3A_222] : memref<2x128x128xf32, #tpu.memory_space<vmem>> -> memref<1x128x128xf32, #tpu.memory_space<vmem>>
      %dma_start3A_224 = tpu.memref_squeeze %dma_start3A_223 : memref<1x128x128xf32, #tpu.memory_space<vmem>> -> memref<128x128xf32, #tpu.memory_space<vmem>>
      %dma_start3A_225 = arith.constant 0 : i32
      %dma_start3A_226 = tpu.memref_slice %arg7[%add3A_219, %dma_start3A_225] : memref<40x128xi32, #tpu.memory_space<vmem>> -> memref<1x128xi32, #tpu.memory_space<vmem>>
      %dma_start3A_227 = tpu.memref_squeeze %dma_start3A_226 : memref<1x128xi32, #tpu.memory_space<vmem>> -> memref<128xi32, #tpu.memory_space<vmem>>
      %dma_start3A_228 = arith.constant 0 : i32
      %dma_start3A_229 = arith.constant 0 : i32
      %dma_start3A_230 = tpu.memref_slice %arg2[%dma_start3A_228, %dma_start3A_229] : memref<10000x128xf32, #tpu.memory_space<hbm>> -> memref<10000x128xf32, #tpu.memory_space<hbm>>
      tpu.enqueue_indirect_dma source(%dma_start3A_230 : memref<10000x128xf32, #tpu.memory_space<hbm>>) target(%dma_start3A_224 : memref<128x128xf32, #tpu.memory_space<vmem>>) offsets(%dma_start3A_227 : memref<128xi32, #tpu.memory_space<vmem>>) semaphore(%arg12 : memref<!tpu.dma_semaphore, #tpu.memory_space<semaphore_mem>>)
      %scan3A_231 = arith.constant 0 : i32
      scf.yield %scan3A_231 : i32
    }
    %scan3A_134 = arith.constant 19 : i32
    %dma_wait3A_135 = arith.constant 38 : i32
    %dma_wait3A_136 = arith.constant 0 : i32
    %dma_wait3A_137 = arith.constant 0 : i32
    %dma_wait3A_138 = arith.constant 0 : i32
    %dma_wait3A_139 = tpu.memref_slice %arg9[%dma_wait3A_136, %dma_wait3A_137, %dma_wait3A_138] : memref<2x128x128xf32, #tpu.memory_space<vmem>> -> memref<1x128x128xf32, #tpu.memory_space<vmem>>
    %dma_wait3A_140 = tpu.memref_squeeze %dma_wait3A_139 : memref<1x128x128xf32, #tpu.memory_space<vmem>> -> memref<128x128xf32, #tpu.memory_space<vmem>>
    %dma_wait3A_141 = arith.constant 0 : i32
    %dma_wait3A_142 = tpu.memref_slice %arg7[%dma_wait3A_135, %dma_wait3A_141] : memref<40x128xi32, #tpu.memory_space<vmem>> -> memref<1x128xi32, #tpu.memory_space<vmem>>
    %dma_wait3A_143 = tpu.memref_squeeze %dma_wait3A_142 : memref<1x128xi32, #tpu.memory_space<vmem>> -> memref<128xi32, #tpu.memory_space<vmem>>
    %dma_wait3A_144 = arith.constant 0 : i32
    %dma_wait3A_145 = arith.constant 0 : i32
    %dma_wait3A_146 = tpu.memref_slice %arg2[%dma_wait3A_144, %dma_wait3A_145] : memref<10000x128xf32, #tpu.memory_space<hbm>> -> memref<10000x128xf32, #tpu.memory_space<hbm>>
    tpu.wait_indirect_dma semaphore(%arg11 : memref<!tpu.dma_semaphore, #tpu.memory_space<semaphore_mem>>) src(%dma_wait3A_146 : memref<10000x128xf32, #tpu.memory_space<hbm>>) dst(%dma_wait3A_140 : memref<128x128xf32, #tpu.memory_space<vmem>>)
    %run_scoped3A_147 = arith.constant 0 : i32
    %run_scoped3A_148 = arith.constant 38 : i32
    "tpu.region"() ({
      %run_scoped3A_171 = tpu.sem_alloc : memref<!tpu.dma_semaphore, #tpu.memory_space<semaphore_mem>>
      %dma_start3A_172 = arith.constant 0 : i32
      %dma_start3A_173 = arith.constant 0 : i32
      %dma_start3A_174 = tpu.memref_slice %arg9[%run_scoped3A_147, %dma_start3A_172, %dma_start3A_173] : memref<2x128x128xf32, #tpu.memory_space<vmem>> -> memref<1x128x128xf32, #tpu.memory_space<vmem>>
      %dma_start3A_175 = tpu.memref_squeeze %dma_start3A_174 : memref<1x128x128xf32, #tpu.memory_space<vmem>> -> memref<128x128xf32, #tpu.memory_space<vmem>>
      %dma_start3A_176 = arith.constant 0 : i32
      %dma_start3A_177 = tpu.memref_slice %arg8[%run_scoped3A_148, %dma_start3A_176] : memref<40x128xi32, #tpu.memory_space<vmem>> -> memref<1x128xi32, #tpu.memory_space<vmem>>
      %dma_start3A_178 = tpu.memref_squeeze %dma_start3A_177 : memref<1x128xi32, #tpu.memory_space<vmem>> -> memref<128xi32, #tpu.memory_space<vmem>>
      %dma_start3A_179 = arith.constant 0 : i32
      %dma_start3A_180 = arith.constant 0 : i32
      %dma_start3A_181 = tpu.memref_slice %arg10[%dma_start3A_179, %dma_start3A_180] : memref<10240x128xf32, #tpu.memory_space<vmem_shared>> -> memref<10240x128xf32, #tpu.memory_space<vmem_shared>>
      tpu.enqueue_indirect_dma source(%dma_start3A_175 : memref<128x128xf32, #tpu.memory_space<vmem>>) target(%dma_start3A_181 : memref<10240x128xf32, #tpu.memory_space<vmem_shared>>) offsets(%dma_start3A_178 : memref<128xi32, #tpu.memory_space<vmem>>) semaphore(%run_scoped3A_171 : memref<!tpu.dma_semaphore, #tpu.memory_space<semaphore_mem>>) {add = true}
      %dma_wait3A_182 = arith.constant 0 : i32
      %dma_wait3A_183 = arith.constant 0 : i32
      %dma_wait3A_184 = tpu.memref_slice %arg9[%run_scoped3A_147, %dma_wait3A_182, %dma_wait3A_183] : memref<2x128x128xf32, #tpu.memory_space<vmem>> -> memref<1x128x128xf32, #tpu.memory_space<vmem>>
      %dma_wait3A_185 = tpu.memref_squeeze %dma_wait3A_184 : memref<1x128x128xf32, #tpu.memory_space<vmem>> -> memref<128x128xf32, #tpu.memory_space<vmem>>
      %dma_wait3A_186 = arith.constant 0 : i32
      %dma_wait3A_187 = tpu.memref_slice %arg8[%run_scoped3A_148, %dma_wait3A_186] : memref<40x128xi32, #tpu.memory_space<vmem>> -> memref<1x128xi32, #tpu.memory_space<vmem>>
      %dma_wait3A_188 = tpu.memref_squeeze %dma_wait3A_187 : memref<1x128xi32, #tpu.memory_space<vmem>> -> memref<128xi32, #tpu.memory_space<vmem>>
      %dma_wait3A_189 = arith.constant 0 : i32
      %dma_wait3A_190 = arith.constant 0 : i32
      %dma_wait3A_191 = tpu.memref_slice %arg10[%dma_wait3A_189, %dma_wait3A_190] : memref<10240x128xf32, #tpu.memory_space<vmem_shared>> -> memref<10240x128xf32, #tpu.memory_space<vmem_shared>>
      tpu.wait_indirect_dma semaphore(%run_scoped3A_171 : memref<!tpu.dma_semaphore, #tpu.memory_space<semaphore_mem>>) src(%dma_wait3A_185 : memref<128x128xf32, #tpu.memory_space<vmem>>) dst(%dma_wait3A_191 : memref<10240x128xf32, #tpu.memory_space<vmem_shared>>)
      tpu.yield
    }) : () -> ()
    %dma_wait3A_149 = arith.constant 39 : i32
    %dma_wait3A_150 = arith.constant 1 : i32
    %dma_wait3A_151 = arith.constant 0 : i32
    %dma_wait3A_152 = arith.constant 0 : i32
    %dma_wait3A_153 = tpu.memref_slice %arg9[%dma_wait3A_150, %dma_wait3A_151, %dma_wait3A_152] : memref<2x128x128xf32, #tpu.memory_space<vmem>> -> memref<1x128x128xf32, #tpu.memory_space<vmem>>
    %dma_wait3A_154 = tpu.memref_squeeze %dma_wait3A_153 : memref<1x128x128xf32, #tpu.memory_space<vmem>> -> memref<128x128xf32, #tpu.memory_space<vmem>>
    %dma_wait3A_155 = arith.constant 0 : i32
    %dma_wait3A_156 = tpu.memref_slice %arg7[%dma_wait3A_149, %dma_wait3A_155] : memref<40x128xi32, #tpu.memory_space<vmem>> -> memref<1x128xi32, #tpu.memory_space<vmem>>
    %dma_wait3A_157 = tpu.memref_squeeze %dma_wait3A_156 : memref<1x128xi32, #tpu.memory_space<vmem>> -> memref<128xi32, #tpu.memory_space<vmem>>
    %dma_wait3A_158 = arith.constant 0 : i32
    %dma_wait3A_159 = arith.constant 0 : i32
    %dma_wait3A_160 = tpu.memref_slice %arg2[%dma_wait3A_158, %dma_wait3A_159] : memref<10000x128xf32, #tpu.memory_space<hbm>> -> memref<10000x128xf32, #tpu.memory_space<hbm>>
    tpu.wait_indirect_dma semaphore(%arg12 : memref<!tpu.dma_semaphore, #tpu.memory_space<semaphore_mem>>) src(%dma_wait3A_160 : memref<10000x128xf32, #tpu.memory_space<hbm>>) dst(%dma_wait3A_154 : memref<128x128xf32, #tpu.memory_space<vmem>>)
    %run_scoped3A_161 = arith.constant 1 : i32
    %run_scoped3A_162 = arith.constant 39 : i32
    "tpu.region"() ({
      %run_scoped3A_171 = tpu.sem_alloc : memref<!tpu.dma_semaphore, #tpu.memory_space<semaphore_mem>>
      %dma_start3A_172 = arith.constant 0 : i32
      %dma_start3A_173 = arith.constant 0 : i32
      %dma_start3A_174 = tpu.memref_slice %arg9[%run_scoped3A_161, %dma_start3A_172, %dma_start3A_173] : memref<2x128x128xf32, #tpu.memory_space<vmem>> -> memref<1x128x128xf32, #tpu.memory_space<vmem>>
      %dma_start3A_175 = tpu.memref_squeeze %dma_start3A_174 : memref<1x128x128xf32, #tpu.memory_space<vmem>> -> memref<128x128xf32, #tpu.memory_space<vmem>>
      %dma_start3A_176 = arith.constant 0 : i32
      %dma_start3A_177 = tpu.memref_slice %arg8[%run_scoped3A_162, %dma_start3A_176] : memref<40x128xi32, #tpu.memory_space<vmem>> -> memref<1x128xi32, #tpu.memory_space<vmem>>
      %dma_start3A_178 = tpu.memref_squeeze %dma_start3A_177 : memref<1x128xi32, #tpu.memory_space<vmem>> -> memref<128xi32, #tpu.memory_space<vmem>>
      %dma_start3A_179 = arith.constant 0 : i32
      %dma_start3A_180 = arith.constant 0 : i32
      %dma_start3A_181 = tpu.memref_slice %arg10[%dma_start3A_179, %dma_start3A_180] : memref<10240x128xf32, #tpu.memory_space<vmem_shared>> -> memref<10240x128xf32, #tpu.memory_space<vmem_shared>>
      tpu.enqueue_indirect_dma source(%dma_start3A_175 : memref<128x128xf32, #tpu.memory_space<vmem>>) target(%dma_start3A_181 : memref<10240x128xf32, #tpu.memory_space<vmem_shared>>) offsets(%dma_start3A_178 : memref<128xi32, #tpu.memory_space<vmem>>) semaphore(%run_scoped3A_171 : memref<!tpu.dma_semaphore, #tpu.memory_space<semaphore_mem>>) {add = true}
      %dma_wait3A_182 = arith.constant 0 : i32
      %dma_wait3A_183 = arith.constant 0 : i32
      %dma_wait3A_184 = tpu.memref_slice %arg9[%run_scoped3A_161, %dma_wait3A_182, %dma_wait3A_183] : memref<2x128x128xf32, #tpu.memory_space<vmem>> -> memref<1x128x128xf32, #tpu.memory_space<vmem>>
      %dma_wait3A_185 = tpu.memref_squeeze %dma_wait3A_184 : memref<1x128x128xf32, #tpu.memory_space<vmem>> -> memref<128x128xf32, #tpu.memory_space<vmem>>
      %dma_wait3A_186 = arith.constant 0 : i32
      %dma_wait3A_187 = tpu.memref_slice %arg8[%run_scoped3A_162, %dma_wait3A_186] : memref<40x128xi32, #tpu.memory_space<vmem>> -> memref<1x128xi32, #tpu.memory_space<vmem>>
      %dma_wait3A_188 = tpu.memref_squeeze %dma_wait3A_187 : memref<1x128xi32, #tpu.memory_space<vmem>> -> memref<128xi32, #tpu.memory_space<vmem>>
      %dma_wait3A_189 = arith.constant 0 : i32
      %dma_wait3A_190 = arith.constant 0 : i32
      %dma_wait3A_191 = tpu.memref_slice %arg10[%dma_wait3A_189, %dma_wait3A_190] : memref<10240x128xf32, #tpu.memory_space<vmem_shared>> -> memref<10240x128xf32, #tpu.memory_space<vmem_shared>>
      tpu.wait_indirect_dma semaphore(%run_scoped3A_171 : memref<!tpu.dma_semaphore, #tpu.memory_space<semaphore_mem>>) src(%dma_wait3A_185 : memref<128x128xf32, #tpu.memory_space<vmem>>) dst(%dma_wait3A_191 : memref<10240x128xf32, #tpu.memory_space<vmem_shared>>)
      tpu.yield
    }) : () -> ()
    %barrier3A_163 = arith.constant 0 : index
    tpu.barrier barrier_id(%barrier3A_163)
    %eq3A = arith.constant 0 : i32
    %eq3A_164 = arith.cmpi eq, %arg0, %eq3A : i32
    %convert_element_type3A = arith.extui %eq3A_164 : i1 to i32
    %cond3A = arith.constant 0 : i32
    %cond3A_165 = arith.cmpi ne, %convert_element_type3A, %cond3A : i32
    scf.if %cond3A_165 {
      %mul3A_171 = arith.constant 640 : i32
      %mul3A_172 = arith.muli %arg1, %mul3A_171 : i32
      %mul3A_173 = arith.constant 640 : i32
      %mul3A_174 = arith.muli %arg1, %mul3A_173 : i32
      "tpu.region"() ({
        %run_scoped3A_175 = tpu.sem_alloc : memref<!tpu.dma_semaphore, #tpu.memory_space<semaphore_mem>>
        %dma_start3A_176 = arith.constant 0 : i32
        %dma_start3A_177 = tpu.memref_slice %arg5[%mul3A_174, %dma_start3A_176] : memref<10240x128xf32, #tpu.memory_space<hbm>> -> memref<640x128xf32, #tpu.memory_space<hbm>>
        %dma_start3A_178 = arith.constant 0 : i32
        %dma_start3A_179 = tpu.memref_slice %arg10[%mul3A_172, %dma_start3A_178] : memref<10240x128xf32, #tpu.memory_space<vmem_shared>> -> memref<640x128xf32, #tpu.memory_space<vmem_shared>>
        tpu.enqueue_dma source(%dma_start3A_179 : memref<640x128xf32, #tpu.memory_space<vmem_shared>>) target(%dma_start3A_177 : memref<640x128xf32, #tpu.memory_space<hbm>>) target_semaphore(%run_scoped3A_175 : memref<!tpu.dma_semaphore, #tpu.memory_space<semaphore_mem>>)
        %dma_wait3A_180 = arith.constant 0 : i32
        %dma_wait3A_181 = tpu.memref_slice %arg5[%mul3A_174, %dma_wait3A_180] : memref<10240x128xf32, #tpu.memory_space<hbm>> -> memref<640x128xf32, #tpu.memory_space<hbm>>
        %dma_wait3A_182 = arith.constant 0 : i32
        %dma_wait3A_183 = tpu.memref_slice %arg10[%mul3A_172, %dma_wait3A_182] : memref<10240x128xf32, #tpu.memory_space<vmem_shared>> -> memref<640x128xf32, #tpu.memory_space<vmem_shared>>
        tpu.wait_dma2 semaphore(%run_scoped3A_175 : memref<!tpu.dma_semaphore, #tpu.memory_space<semaphore_mem>>) src(%dma_wait3A_183 : memref<640x128xf32, #tpu.memory_space<vmem_shared>>) dst(%dma_wait3A_181 : memref<640x128xf32, #tpu.memory_space<hbm>>)
        tpu.yield
      }) : () -> ()
    } else {
    }
    %eq3A_166 = arith.constant 1 : i32
    %eq3A_167 = arith.cmpi eq, %arg0, %eq3A_166 : i32
    %convert_element_type3A_168 = arith.extui %eq3A_167 : i1 to i32
    %cond3A_169 = arith.constant 0 : i32
    %cond3A_170 = arith.cmpi ne, %convert_element_type3A_168, %cond3A_169 : i32
    scf.if %cond3A_170 {
      %mul3A_171 = arith.constant 640 : i32
      %mul3A_172 = arith.muli %arg1, %mul3A_171 : i32
      %mul3A_173 = arith.constant 640 : i32
      %mul3A_174 = arith.muli %arg1, %mul3A_173 : i32
      "tpu.region"() ({
        %run_scoped3A_175 = tpu.sem_alloc : memref<!tpu.dma_semaphore, #tpu.memory_space<semaphore_mem>>
        %dma_start3A_176 = arith.constant 0 : i32
        %dma_start3A_177 = tpu.memref_slice %arg6[%mul3A_174, %dma_start3A_176] : memref<10240x128xf32, #tpu.memory_space<hbm>> -> memref<640x128xf32, #tpu.memory_space<hbm>>
        %dma_start3A_178 = arith.constant 0 : i32
        %dma_start3A_179 = tpu.memref_slice %arg10[%mul3A_172, %dma_start3A_178] : memref<10240x128xf32, #tpu.memory_space<vmem_shared>> -> memref<640x128xf32, #tpu.memory_space<vmem_shared>>
        tpu.enqueue_dma source(%dma_start3A_179 : memref<640x128xf32, #tpu.memory_space<vmem_shared>>) target(%dma_start3A_177 : memref<640x128xf32, #tpu.memory_space<hbm>>) target_semaphore(%run_scoped3A_175 : memref<!tpu.dma_semaphore, #tpu.memory_space<semaphore_mem>>)
        %dma_wait3A_180 = arith.constant 0 : i32
        %dma_wait3A_181 = tpu.memref_slice %arg6[%mul3A_174, %dma_wait3A_180] : memref<10240x128xf32, #tpu.memory_space<hbm>> -> memref<640x128xf32, #tpu.memory_space<hbm>>
        %dma_wait3A_182 = arith.constant 0 : i32
        %dma_wait3A_183 = tpu.memref_slice %arg10[%mul3A_172, %dma_wait3A_182] : memref<10240x128xf32, #tpu.memory_space<vmem_shared>> -> memref<640x128xf32, #tpu.memory_space<vmem_shared>>
        tpu.wait_dma2 semaphore(%run_scoped3A_175 : memref<!tpu.dma_semaphore, #tpu.memory_space<semaphore_mem>>) src(%dma_wait3A_183 : memref<640x128xf32, #tpu.memory_space<vmem_shared>>) dst(%dma_wait3A_181 : memref<640x128xf32, #tpu.memory_space<hbm>>)
        tpu.yield
      }) : () -> ()
    } else {
    }
    return
  }
}

#map = affine_map<(d0, d1) -> (0, 0)>
module attributes {stable_mosaic.version = 14 : i64} {
  func.func @_agg_sc(%arg0: i32, %arg1: i32, %arg2: memref<10000x128xf32, #tpu.memory_space<hbm>>, %arg3: memref<2560x128xi32, #tpu.memory_space<hbm>>, %arg4: memref<2560x128xi32, #tpu.memory_space<hbm>>, %arg5: memref<10240x128xf32, #tpu.memory_space<hbm>>, %arg6: memref<10240x128xf32, #tpu.memory_space<hbm>>, %arg7: memref<40x128xi32, #tpu.memory_space<vmem>>, %arg8: memref<40x128xi32, #tpu.memory_space<vmem>>, %arg9: memref<2x128x128xf32, #tpu.memory_space<vmem>>, %arg10: memref<10240x128xf32, #tpu.memory_space<vmem_shared>>, %arg11: memref<!tpu.dma_semaphore, #tpu.memory_space<semaphore_mem>>, %arg12: memref<!tpu.dma_semaphore, #tpu.memory_space<semaphore_mem>>) attributes {dimension_semantics = [#tpu.dimension_semantics<core_parallel>, #tpu.dimension_semantics<subcore_parallel>], iteration_bounds = array<i64: 2, 16>, scalar_prefetch = 0 : i64, scratch_operands = 6 : i64, tpu.core_type = #tpu.core_type<sc_vector_subcore>, window_params = [{transform_indices = #map}, {transform_indices = #map}, {transform_indices = #map}, {transform_indices = #map}, {transform_indices = #map}]} {
    %mul3A = arith.constant 2 : i32
    %mul3A_0 = arith.muli %arg1, %mul3A : i32
    %add3A = arith.addi %mul3A_0, %arg0 : i32
    %scan3A = arith.constant 0 : i32
    %scan3A_1 = arith.constant 0 : i32
    %scan3A_2 = arith.constant 128 : i32
    %scan3A_3 = arith.addi %scan3A_1, %scan3A_2 : i32
    %scan3A_4 = arith.constant 1 : i32
    %scan3A_5 = scf.for %scan3A_171 = %scan3A_1 to %scan3A_3 step %scan3A_4 iter_args(%scan3A_172 = %scan3A) -> (i32)  : i32 {
      %scan3A_173 = arith.constant 0 : i32
      %scan3A_174 = arith.constant 0 : i32
      %scan3A_175 = arith.constant 8 : i32
      %scan3A_176 = arith.addi %scan3A_174, %scan3A_175 : i32
      %scan3A_177 = arith.constant 1 : i32
      %scan3A_178 = scf.for %scan3A_181 = %scan3A_174 to %scan3A_176 step %scan3A_177 iter_args(%scan3A_182 = %scan3A_173) -> (i32)  : i32 {
        %broadcast_in_dim3A = arith.constant 0.000000e+00 : f32
        %broadcast_in_dim3A_183 = vector.broadcast %broadcast_in_dim3A : f32 to vector<16xf32>
        %mul3A_184 = arith.constant 16 : i32
        %mul3A_185 = arith.muli %scan3A_181, %mul3A_184 : i32
        %swap3A = arith.constant 0 : i32
        %swap3A_186 = arith.index_cast %swap3A : i32 to index
        %swap3A_187 = arith.index_cast %scan3A_171 : i32 to index
        %swap3A_188 = arith.index_cast %mul3A_185 : i32 to index
        %swap3A_189 = tpu.vector_load %arg9[%swap3A_186, %swap3A_187, %swap3A_188] {strides = array<i32>} : memref<2x128x128xf32, #tpu.memory_space<vmem>>, vector<1x1x16xf32>,
        %swap3A_190 = vector.shape_cast %swap3A_189 : vector<1x1x16xf32> to vector<16xf32>
        %swap3A_191 = vector.shape_cast %broadcast_in_dim3A_183 : vector<16xf32> to vector<1x1x16xf32>
        tpu.vector_store %arg9[%swap3A_186, %swap3A_187, %swap3A_188], %swap3A_191 {strides = array<i32>} : memref<2x128x128xf32, #tpu.memory_space<vmem>>, vector<1x1x16xf32>,
        %scan3A_192 = arith.constant 0 : i32
        scf.yield %scan3A_192 : i32
      }
      %scan3A_179 = arith.constant 8 : i32
      %scan3A_180 = arith.constant 0 : i32
      scf.yield %scan3A_180 : i32
    }
    %scan3A_6 = arith.constant 128 : i32
    %mul3A_7 = arith.constant 640 : i32
    %mul3A_8 = arith.muli %arg1, %mul3A_7 : i32
    %add3A_9 = arith.constant 0 : i32
    %add3A_10 = arith.addi %mul3A_8, %add3A_9 : i32
    %run_scoped3A = arith.constant 0 : i32
    "tpu.region"() ({
      %run_scoped3A_171 = tpu.sem_alloc : memref<!tpu.dma_semaphore, #tpu.memory_space<semaphore_mem>>
      %dma_start3A_172 = arith.constant 0 : i32
      %dma_start3A_173 = arith.constant 0 : i32
      %dma_start3A_174 = tpu.memref_slice %arg9[%run_scoped3A, %dma_start3A_172, %dma_start3A_173] : memref<2x128x128xf32, #tpu.memory_space<vmem>> -> memref<1x128x128xf32, #tpu.memory_space<vmem>>
      %dma_start3A_175 = tpu.memref_squeeze %dma_start3A_174 : memref<1x128x128xf32, #tpu.memory_space<vmem>> -> memref<128x128xf32, #tpu.memory_space<vmem>>
      %dma_start3A_176 = arith.constant 0 : i32
      %dma_start3A_177 = tpu.memref_slice %arg10[%add3A_10, %dma_start3A_176] : memref<10240x128xf32, #tpu.memory_space<vmem_shared>> -> memref<128x128xf32, #tpu.memory_space<vmem_shared>>
      %dma_start3A_178 = arith.constant 0 : i32
      %dma_start3A_179 = tpu.memref_slice %arg10[%add3A_10, %dma_start3A_178] : memref<10240x128xf32, #tpu.memory_space<vmem_shared>> -> memref<128x128xf32, #tpu.memory_space<vmem_shared>>
      %dma_start3A_180 = arith.constant 0 : i32
      %dma_start3A_181 = arith.constant 0 : i32
      %dma_start3A_182 = tpu.memref_slice %arg9[%run_scoped3A, %dma_start3A_180, %dma_start3A_181] : memref<2x128x128xf32, #tpu.memory_space<vmem>> -> memref<1x128x128xf32, #tpu.memory_space<vmem>>
      %dma_start3A_183 = tpu.memref_squeeze %dma_start3A_182 : memref<1x128x128xf32, #tpu.memory_space<vmem>> -> memref<128x128xf32, #tpu.memory_space<vmem>>
      tpu.enqueue_dma source(%dma_start3A_183 : memref<128x128xf32, #tpu.memory_space<vmem>>) target(%dma_start3A_179 : memref<128x128xf32, #tpu.memory_space<vmem_shared>>) target_semaphore(%run_scoped3A_171 : memref<!tpu.dma_semaphore, #tpu.memory_space<semaphore_mem>>)
      %dma_wait3A_184 = arith.constant 0 : i32
      %dma_wait3A_185 = arith.constant 0 : i32
      %dma_wait3A_186 = tpu.memref_slice %arg9[%run_scoped3A, %dma_wait3A_184, %dma_wait3A_185] : memref<2x128x128xf32, #tpu.memory_space<vmem>> -> memref<1x128x128xf32, #tpu.memory_space<vmem>>
      %dma_wait3A_187 = tpu.memref_squeeze %dma_wait3A_186 : memref<1x128x128xf32, #tpu.memory_space<vmem>> -> memref<128x128xf32, #tpu.memory_space<vmem>>
      %dma_wait3A_188 = arith.constant 0 : i32
      %dma_wait3A_189 = tpu.memref_slice %arg10[%add3A_10, %dma_wait3A_188] : memref<10240x128xf32, #tpu.memory_space<vmem_shared>> -> memref<128x128xf32, #tpu.memory_space<vmem_shared>>
      %dma_wait3A_190 = arith.constant 0 : i32
      %dma_wait3A_191 = tpu.memref_slice %arg10[%add3A_10, %dma_wait3A_190] : memref<10240x128xf32, #tpu.memory_space<vmem_shared>> -> memref<128x128xf32, #tpu.memory_space<vmem_shared>>
      %dma_wait3A_192 = arith.constant 0 : i32
      %dma_wait3A_193 = arith.constant 0 : i32
      %dma_wait3A_194 = tpu.memref_slice %arg9[%run_scoped3A, %dma_wait3A_192, %dma_wait3A_193] : memref<2x128x128xf32, #tpu.memory_space<vmem>> -> memref<1x128x128xf32, #tpu.memory_space<vmem>>
      %dma_wait3A_195 = tpu.memref_squeeze %dma_wait3A_194 : memref<1x128x128xf32, #tpu.memory_space<vmem>> -> memref<128x128xf32, #tpu.memory_space<vmem>>
      tpu.wait_dma2 semaphore(%run_scoped3A_171 : memref<!tpu.dma_semaphore, #tpu.memory_space<semaphore_mem>>) src(%dma_wait3A_195 : memref<128x128xf32, #tpu.memory_space<vmem>>) dst(%dma_wait3A_191 : memref<128x128xf32, #tpu.memory_space<vmem_shared>>)
      tpu.yield
    }) : () -> ()
    %mul3A_11 = arith.constant 640 : i32
    %mul3A_12 = arith.muli %arg1, %mul3A_11 : i32
    %add3A_13 = arith.constant 128 : i32
    %add3A_14 = arith.addi %mul3A_12, %add3A_13 : i32
    %run_scoped3A_15 = arith.constant 0 : i32
    "tpu.region"() ({
      %run_scoped3A_171 = tpu.sem_alloc : memref<!tpu.dma_semaphore, #tpu.memory_space<semaphore_mem>>
      %dma_start3A_172 = arith.constant 0 : i32
      %dma_start3A_173 = arith.constant 0 : i32
      %dma_start3A_174 = tpu.memref_slice %arg9[%run_scoped3A_15, %dma_start3A_172, %dma_start3A_173] : memref<2x128x128xf32, #tpu.memory_space<vmem>> -> memref<1x128x128xf32, #tpu.memory_space<vmem>>
      %dma_start3A_175 = tpu.memref_squeeze %dma_start3A_174 : memref<1x128x128xf32, #tpu.memory_space<vmem>> -> memref<128x128xf32, #tpu.memory_space<vmem>>
      %dma_start3A_176 = arith.constant 0 : i32
      %dma_start3A_177 = tpu.memref_slice %arg10[%add3A_14, %dma_start3A_176] : memref<10240x128xf32, #tpu.memory_space<vmem_shared>> -> memref<128x128xf32, #tpu.memory_space<vmem_shared>>
      %dma_start3A_178 = arith.constant 0 : i32
      %dma_start3A_179 = tpu.memref_slice %arg10[%add3A_14, %dma_start3A_178] : memref<10240x128xf32, #tpu.memory_space<vmem_shared>> -> memref<128x128xf32, #tpu.memory_space<vmem_shared>>
      %dma_start3A_180 = arith.constant 0 : i32
      %dma_start3A_181 = arith.constant 0 : i32
      %dma_start3A_182 = tpu.memref_slice %arg9[%run_scoped3A_15, %dma_start3A_180, %dma_start3A_181] : memref<2x128x128xf32, #tpu.memory_space<vmem>> -> memref<1x128x128xf32, #tpu.memory_space<vmem>>
      %dma_start3A_183 = tpu.memref_squeeze %dma_start3A_182 : memref<1x128x128xf32, #tpu.memory_space<vmem>> -> memref<128x128xf32, #tpu.memory_space<vmem>>
      tpu.enqueue_dma source(%dma_start3A_183 : memref<128x128xf32, #tpu.memory_space<vmem>>) target(%dma_start3A_179 : memref<128x128xf32, #tpu.memory_space<vmem_shared>>) target_semaphore(%run_scoped3A_171 : memref<!tpu.dma_semaphore, #tpu.memory_space<semaphore_mem>>)
      %dma_wait3A_184 = arith.constant 0 : i32
      %dma_wait3A_185 = arith.constant 0 : i32
      %dma_wait3A_186 = tpu.memref_slice %arg9[%run_scoped3A_15, %dma_wait3A_184, %dma_wait3A_185] : memref<2x128x128xf32, #tpu.memory_space<vmem>> -> memref<1x128x128xf32, #tpu.memory_space<vmem>>
      %dma_wait3A_187 = tpu.memref_squeeze %dma_wait3A_186 : memref<1x128x128xf32, #tpu.memory_space<vmem>> -> memref<128x128xf32, #tpu.memory_space<vmem>>
      %dma_wait3A_188 = arith.constant 0 : i32
      %dma_wait3A_189 = tpu.memref_slice %arg10[%add3A_14, %dma_wait3A_188] : memref<10240x128xf32, #tpu.memory_space<vmem_shared>> -> memref<128x128xf32, #tpu.memory_space<vmem_shared>>
      %dma_wait3A_190 = arith.constant 0 : i32
      %dma_wait3A_191 = tpu.memref_slice %arg10[%add3A_14, %dma_wait3A_190] : memref<10240x128xf32, #tpu.memory_space<vmem_shared>> -> memref<128x128xf32, #tpu.memory_space<vmem_shared>>
      %dma_wait3A_192 = arith.constant 0 : i32
      %dma_wait3A_193 = arith.constant 0 : i32
      %dma_wait3A_194 = tpu.memref_slice %arg9[%run_scoped3A_15, %dma_wait3A_192, %dma_wait3A_193] : memref<2x128x128xf32, #tpu.memory_space<vmem>> -> memref<1x128x128xf32, #tpu.memory_space<vmem>>
      %dma_wait3A_195 = tpu.memref_squeeze %dma_wait3A_194 : memref<1x128x128xf32, #tpu.memory_space<vmem>> -> memref<128x128xf32, #tpu.memory_space<vmem>>
      tpu.wait_dma2 semaphore(%run_scoped3A_171 : memref<!tpu.dma_semaphore, #tpu.memory_space<semaphore_mem>>) src(%dma_wait3A_195 : memref<128x128xf32, #tpu.memory_space<vmem>>) dst(%dma_wait3A_191 : memref<128x128xf32, #tpu.memory_space<vmem_shared>>)
      tpu.yield
    }) : () -> ()
    %mul3A_16 = arith.constant 640 : i32
    %mul3A_17 = arith.muli %arg1, %mul3A_16 : i32
    %add3A_18 = arith.constant 256 : i32
    %add3A_19 = arith.addi %mul3A_17, %add3A_18 : i32
    %run_scoped3A_20 = arith.constant 0 : i32
    "tpu.region"() ({
      %run_scoped3A_171 = tpu.sem_alloc : memref<!tpu.dma_semaphore, #tpu.memory_space<semaphore_mem>>
      %dma_start3A_172 = arith.constant 0 : i32
      %dma_start3A_173 = arith.constant 0 : i32
      %dma_start3A_174 = tpu.memref_slice %arg9[%run_scoped3A_20, %dma_start3A_172, %dma_start3A_173] : memref<2x128x128xf32, #tpu.memory_space<vmem>> -> memref<1x128x128xf32, #tpu.memory_space<vmem>>
      %dma_start3A_175 = tpu.memref_squeeze %dma_start3A_174 : memref<1x128x128xf32, #tpu.memory_space<vmem>> -> memref<128x128xf32, #tpu.memory_space<vmem>>
      %dma_start3A_176 = arith.constant 0 : i32
      %dma_start3A_177 = tpu.memref_slice %arg10[%add3A_19, %dma_start3A_176] : memref<10240x128xf32, #tpu.memory_space<vmem_shared>> -> memref<128x128xf32, #tpu.memory_space<vmem_shared>>
      %dma_start3A_178 = arith.constant 0 : i32
      %dma_start3A_179 = tpu.memref_slice %arg10[%add3A_19, %dma_start3A_178] : memref<10240x128xf32, #tpu.memory_space<vmem_shared>> -> memref<128x128xf32, #tpu.memory_space<vmem_shared>>
      %dma_start3A_180 = arith.constant 0 : i32
      %dma_start3A_181 = arith.constant 0 : i32
      %dma_start3A_182 = tpu.memref_slice %arg9[%run_scoped3A_20, %dma_start3A_180, %dma_start3A_181] : memref<2x128x128xf32, #tpu.memory_space<vmem>> -> memref<1x128x128xf32, #tpu.memory_space<vmem>>
      %dma_start3A_183 = tpu.memref_squeeze %dma_start3A_182 : memref<1x128x128xf32, #tpu.memory_space<vmem>> -> memref<128x128xf32, #tpu.memory_space<vmem>>
      tpu.enqueue_dma source(%dma_start3A_183 : memref<128x128xf32, #tpu.memory_space<vmem>>) target(%dma_start3A_179 : memref<128x128xf32, #tpu.memory_space<vmem_shared>>) target_semaphore(%run_scoped3A_171 : memref<!tpu.dma_semaphore, #tpu.memory_space<semaphore_mem>>)
      %dma_wait3A_184 = arith.constant 0 : i32
      %dma_wait3A_185 = arith.constant 0 : i32
      %dma_wait3A_186 = tpu.memref_slice %arg9[%run_scoped3A_20, %dma_wait3A_184, %dma_wait3A_185] : memref<2x128x128xf32, #tpu.memory_space<vmem>> -> memref<1x128x128xf32, #tpu.memory_space<vmem>>
      %dma_wait3A_187 = tpu.memref_squeeze %dma_wait3A_186 : memref<1x128x128xf32, #tpu.memory_space<vmem>> -> memref<128x128xf32, #tpu.memory_space<vmem>>
      %dma_wait3A_188 = arith.constant 0 : i32
      %dma_wait3A_189 = tpu.memref_slice %arg10[%add3A_19, %dma_wait3A_188] : memref<10240x128xf32, #tpu.memory_space<vmem_shared>> -> memref<128x128xf32, #tpu.memory_space<vmem_shared>>
      %dma_wait3A_190 = arith.constant 0 : i32
      %dma_wait3A_191 = tpu.memref_slice %arg10[%add3A_19, %dma_wait3A_190] : memref<10240x128xf32, #tpu.memory_space<vmem_shared>> -> memref<128x128xf32, #tpu.memory_space<vmem_shared>>
      %dma_wait3A_192 = arith.constant 0 : i32
      %dma_wait3A_193 = arith.constant 0 : i32
      %dma_wait3A_194 = tpu.memref_slice %arg9[%run_scoped3A_20, %dma_wait3A_192, %dma_wait3A_193] : memref<2x128x128xf32, #tpu.memory_space<vmem>> -> memref<1x128x128xf32, #tpu.memory_space<vmem>>
      %dma_wait3A_195 = tpu.memref_squeeze %dma_wait3A_194 : memref<1x128x128xf32, #tpu.memory_space<vmem>> -> memref<128x128xf32, #tpu.memory_space<vmem>>
      tpu.wait_dma2 semaphore(%run_scoped3A_171 : memref<!tpu.dma_semaphore, #tpu.memory_space<semaphore_mem>>) src(%dma_wait3A_195 : memref<128x128xf32, #tpu.memory_space<vmem>>) dst(%dma_wait3A_191 : memref<128x128xf32, #tpu.memory_space<vmem_shared>>)
      tpu.yield
    }) : () -> ()
    %mul3A_21 = arith.constant 640 : i32
    %mul3A_22 = arith.muli %arg1, %mul3A_21 : i32
    %add3A_23 = arith.constant 384 : i32
    %add3A_24 = arith.addi %mul3A_22, %add3A_23 : i32
    %run_scoped3A_25 = arith.constant 0 : i32
    "tpu.region"() ({
      %run_scoped3A_171 = tpu.sem_alloc : memref<!tpu.dma_semaphore, #tpu.memory_space<semaphore_mem>>
      %dma_start3A_172 = arith.constant 0 : i32
      %dma_start3A_173 = arith.constant 0 : i32
      %dma_start3A_174 = tpu.memref_slice %arg9[%run_scoped3A_25, %dma_start3A_172, %dma_start3A_173] : memref<2x128x128xf32, #tpu.memory_space<vmem>> -> memref<1x128x128xf32, #tpu.memory_space<vmem>>
      %dma_start3A_175 = tpu.memref_squeeze %dma_start3A_174 : memref<1x128x128xf32, #tpu.memory_space<vmem>> -> memref<128x128xf32, #tpu.memory_space<vmem>>
      %dma_start3A_176 = arith.constant 0 : i32
      %dma_start3A_177 = tpu.memref_slice %arg10[%add3A_24, %dma_start3A_176] : memref<10240x128xf32, #tpu.memory_space<vmem_shared>> -> memref<128x128xf32, #tpu.memory_space<vmem_shared>>
      %dma_start3A_178 = arith.constant 0 : i32
      %dma_start3A_179 = tpu.memref_slice %arg10[%add3A_24, %dma_start3A_178] : memref<10240x128xf32, #tpu.memory_space<vmem_shared>> -> memref<128x128xf32, #tpu.memory_space<vmem_shared>>
      %dma_start3A_180 = arith.constant 0 : i32
      %dma_start3A_181 = arith.constant 0 : i32
      %dma_start3A_182 = tpu.memref_slice %arg9[%run_scoped3A_25, %dma_start3A_180, %dma_start3A_181] : memref<2x128x128xf32, #tpu.memory_space<vmem>> -> memref<1x128x128xf32, #tpu.memory_space<vmem>>
      %dma_start3A_183 = tpu.memref_squeeze %dma_start3A_182 : memref<1x128x128xf32, #tpu.memory_space<vmem>> -> memref<128x128xf32, #tpu.memory_space<vmem>>
      tpu.enqueue_dma source(%dma_start3A_183 : memref<128x128xf32, #tpu.memory_space<vmem>>) target(%dma_start3A_179 : memref<128x128xf32, #tpu.memory_space<vmem_shared>>) target_semaphore(%run_scoped3A_171 : memref<!tpu.dma_semaphore, #tpu.memory_space<semaphore_mem>>)
      %dma_wait3A_184 = arith.constant 0 : i32
      %dma_wait3A_185 = arith.constant 0 : i32
      %dma_wait3A_186 = tpu.memref_slice %arg9[%run_scoped3A_25, %dma_wait3A_184, %dma_wait3A_185] : memref<2x128x128xf32, #tpu.memory_space<vmem>> -> memref<1x128x128xf32, #tpu.memory_space<vmem>>
      %dma_wait3A_187 = tpu.memref_squeeze %dma_wait3A_186 : memref<1x128x128xf32, #tpu.memory_space<vmem>> -> memref<128x128xf32, #tpu.memory_space<vmem>>
      %dma_wait3A_188 = arith.constant 0 : i32
      %dma_wait3A_189 = tpu.memref_slice %arg10[%add3A_24, %dma_wait3A_188] : memref<10240x128xf32, #tpu.memory_space<vmem_shared>> -> memref<128x128xf32, #tpu.memory_space<vmem_shared>>
      %dma_wait3A_190 = arith.constant 0 : i32
      %dma_wait3A_191 = tpu.memref_slice %arg10[%add3A_24, %dma_wait3A_190] : memref<10240x128xf32, #tpu.memory_space<vmem_shared>> -> memref<128x128xf32, #tpu.memory_space<vmem_shared>>
      %dma_wait3A_192 = arith.constant 0 : i32
      %dma_wait3A_193 = arith.constant 0 : i32
      %dma_wait3A_194 = tpu.memref_slice %arg9[%run_scoped3A_25, %dma_wait3A_192, %dma_wait3A_193] : memref<2x128x128xf32, #tpu.memory_space<vmem>> -> memref<1x128x128xf32, #tpu.memory_space<vmem>>
      %dma_wait3A_195 = tpu.memref_squeeze %dma_wait3A_194 : memref<1x128x128xf32, #tpu.memory_space<vmem>> -> memref<128x128xf32, #tpu.memory_space<vmem>>
      tpu.wait_dma2 semaphore(%run_scoped3A_171 : memref<!tpu.dma_semaphore, #tpu.memory_space<semaphore_mem>>) src(%dma_wait3A_195 : memref<128x128xf32, #tpu.memory_space<vmem>>) dst(%dma_wait3A_191 : memref<128x128xf32, #tpu.memory_space<vmem_shared>>)
      tpu.yield
    }) : () -> ()
    %mul3A_26 = arith.constant 640 : i32
    %mul3A_27 = arith.muli %arg1, %mul3A_26 : i32
    %add3A_28 = arith.constant 512 : i32
    %add3A_29 = arith.addi %mul3A_27, %add3A_28 : i32
    %run_scoped3A_30 = arith.constant 0 : i32
    "tpu.region"() ({
      %run_scoped3A_171 = tpu.sem_alloc : memref<!tpu.dma_semaphore, #tpu.memory_space<semaphore_mem>>
      %dma_start3A_172 = arith.constant 0 : i32
      %dma_start3A_173 = arith.constant 0 : i32
      %dma_start3A_174 = tpu.memref_slice %arg9[%run_scoped3A_30, %dma_start3A_172, %dma_start3A_173] : memref<2x128x128xf32, #tpu.memory_space<vmem>> -> memref<1x128x128xf32, #tpu.memory_space<vmem>>
      %dma_start3A_175 = tpu.memref_squeeze %dma_start3A_174 : memref<1x128x128xf32, #tpu.memory_space<vmem>> -> memref<128x128xf32, #tpu.memory_space<vmem>>
      %dma_start3A_176 = arith.constant 0 : i32
      %dma_start3A_177 = tpu.memref_slice %arg10[%add3A_29, %dma_start3A_176] : memref<10240x128xf32, #tpu.memory_space<vmem_shared>> -> memref<128x128xf32, #tpu.memory_space<vmem_shared>>
      %dma_start3A_178 = arith.constant 0 : i32
      %dma_start3A_179 = tpu.memref_slice %arg10[%add3A_29, %dma_start3A_178] : memref<10240x128xf32, #tpu.memory_space<vmem_shared>> -> memref<128x128xf32, #tpu.memory_space<vmem_shared>>
      %dma_start3A_180 = arith.constant 0 : i32
      %dma_start3A_181 = arith.constant 0 : i32
      %dma_start3A_182 = tpu.memref_slice %arg9[%run_scoped3A_30, %dma_start3A_180, %dma_start3A_181] : memref<2x128x128xf32, #tpu.memory_space<vmem>> -> memref<1x128x128xf32, #tpu.memory_space<vmem>>
      %dma_start3A_183 = tpu.memref_squeeze %dma_start3A_182 : memref<1x128x128xf32, #tpu.memory_space<vmem>> -> memref<128x128xf32, #tpu.memory_space<vmem>>
      tpu.enqueue_dma source(%dma_start3A_183 : memref<128x128xf32, #tpu.memory_space<vmem>>) target(%dma_start3A_179 : memref<128x128xf32, #tpu.memory_space<vmem_shared>>) target_semaphore(%run_scoped3A_171 : memref<!tpu.dma_semaphore, #tpu.memory_space<semaphore_mem>>)
      %dma_wait3A_184 = arith.constant 0 : i32
      %dma_wait3A_185 = arith.constant 0 : i32
      %dma_wait3A_186 = tpu.memref_slice %arg9[%run_scoped3A_30, %dma_wait3A_184, %dma_wait3A_185] : memref<2x128x128xf32, #tpu.memory_space<vmem>> -> memref<1x128x128xf32, #tpu.memory_space<vmem>>
      %dma_wait3A_187 = tpu.memref_squeeze %dma_wait3A_186 : memref<1x128x128xf32, #tpu.memory_space<vmem>> -> memref<128x128xf32, #tpu.memory_space<vmem>>
      %dma_wait3A_188 = arith.constant 0 : i32
      %dma_wait3A_189 = tpu.memref_slice %arg10[%add3A_29, %dma_wait3A_188] : memref<10240x128xf32, #tpu.memory_space<vmem_shared>> -> memref<128x128xf32, #tpu.memory_space<vmem_shared>>
      %dma_wait3A_190 = arith.constant 0 : i32
      %dma_wait3A_191 = tpu.memref_slice %arg10[%add3A_29, %dma_wait3A_190] : memref<10240x128xf32, #tpu.memory_space<vmem_shared>> -> memref<128x128xf32, #tpu.memory_space<vmem_shared>>
      %dma_wait3A_192 = arith.constant 0 : i32
      %dma_wait3A_193 = arith.constant 0 : i32
      %dma_wait3A_194 = tpu.memref_slice %arg9[%run_scoped3A_30, %dma_wait3A_192, %dma_wait3A_193] : memref<2x128x128xf32, #tpu.memory_space<vmem>> -> memref<1x128x128xf32, #tpu.memory_space<vmem>>
      %dma_wait3A_195 = tpu.memref_squeeze %dma_wait3A_194 : memref<1x128x128xf32, #tpu.memory_space<vmem>> -> memref<128x128xf32, #tpu.memory_space<vmem>>
      tpu.wait_dma2 semaphore(%run_scoped3A_171 : memref<!tpu.dma_semaphore, #tpu.memory_space<semaphore_mem>>) src(%dma_wait3A_195 : memref<128x128xf32, #tpu.memory_space<vmem>>) dst(%dma_wait3A_191 : memref<128x128xf32, #tpu.memory_space<vmem_shared>>)
      tpu.yield
    }) : () -> ()
    %barrier3A = arith.constant 0 : index
    tpu.barrier barrier_id(%barrier3A)
    %mul3A_31 = arith.constant 80 : i32
    %mul3A_32 = arith.muli %add3A, %mul3A_31 : i32
    %add3A_33 = arith.constant 0 : i32
    %add3A_34 = arith.addi %mul3A_32, %add3A_33 : i32
    "tpu.region"() ({
      %run_scoped3A_171 = tpu.sem_alloc : memref<!tpu.dma_semaphore, #tpu.memory_space<semaphore_mem>>
      %dma_start3A_172 = arith.constant 0 : i32
      %dma_start3A_173 = tpu.memref_slice %arg3[%add3A_34, %dma_start3A_172] : memref<2560x128xi32, #tpu.memory_space<hbm>> -> memref<40x128xi32, #tpu.memory_space<hbm>>
      %dma_start3A_174 = arith.constant 0 : i32
      %dma_start3A_175 = tpu.memref_slice %arg3[%add3A_34, %dma_start3A_174] : memref<2560x128xi32, #tpu.memory_space<hbm>> -> memref<40x128xi32, #tpu.memory_space<hbm>>
      tpu.enqueue_dma source(%dma_start3A_175 : memref<40x128xi32, #tpu.memory_space<hbm>>) target(%arg7 : memref<40x128xi32, #tpu.memory_space<vmem>>) target_semaphore(%run_scoped3A_171 : memref<!tpu.dma_semaphore, #tpu.memory_space<semaphore_mem>>)
      %dma_wait3A_176 = arith.constant 0 : i32
      %dma_wait3A_177 = tpu.memref_slice %arg3[%add3A_34, %dma_wait3A_176] : memref<2560x128xi32, #tpu.memory_space<hbm>> -> memref<40x128xi32, #tpu.memory_space<hbm>>
      %dma_wait3A_178 = arith.constant 0 : i32
      %dma_wait3A_179 = tpu.memref_slice %arg3[%add3A_34, %dma_wait3A_178] : memref<2560x128xi32, #tpu.memory_space<hbm>> -> memref<40x128xi32, #tpu.memory_space<hbm>>
      tpu.wait_dma2 semaphore(%run_scoped3A_171 : memref<!tpu.dma_semaphore, #tpu.memory_space<semaphore_mem>>) src(%dma_wait3A_179 : memref<40x128xi32, #tpu.memory_space<hbm>>) dst(%arg7 : memref<40x128xi32, #tpu.memory_space<vmem>>)
      tpu.yield
    }) : () -> ()
    %mul3A_35 = arith.constant 80 : i32
    %mul3A_36 = arith.muli %add3A, %mul3A_35 : i32
    %add3A_37 = arith.constant 0 : i32
    %add3A_38 = arith.addi %mul3A_36, %add3A_37 : i32
    "tpu.region"() ({
      %run_scoped3A_171 = tpu.sem_alloc : memref<!tpu.dma_semaphore, #tpu.memory_space<semaphore_mem>>
      %dma_start3A_172 = arith.constant 0 : i32
      %dma_start3A_173 = tpu.memref_slice %arg4[%add3A_38, %dma_start3A_172] : memref<2560x128xi32, #tpu.memory_space<hbm>> -> memref<40x128xi32, #tpu.memory_space<hbm>>
      %dma_start3A_174 = arith.constant 0 : i32
      %dma_start3A_175 = tpu.memref_slice %arg4[%add3A_38, %dma_start3A_174] : memref<2560x128xi32, #tpu.memory_space<hbm>> -> memref<40x128xi32, #tpu.memory_space<hbm>>
      tpu.enqueue_dma source(%dma_start3A_175 : memref<40x128xi32, #tpu.memory_space<hbm>>) target(%arg8 : memref<40x128xi32, #tpu.memory_space<vmem>>) target_semaphore(%run_scoped3A_171 : memref<!tpu.dma_semaphore, #tpu.memory_space<semaphore_mem>>)
      %dma_wait3A_176 = arith.constant 0 : i32
      %dma_wait3A_177 = tpu.memref_slice %arg4[%add3A_38, %dma_wait3A_176] : memref<2560x128xi32, #tpu.memory_space<hbm>> -> memref<40x128xi32, #tpu.memory_space<hbm>>
      %dma_wait3A_178 = arith.constant 0 : i32
      %dma_wait3A_179 = tpu.memref_slice %arg4[%add3A_38, %dma_wait3A_178] : memref<2560x128xi32, #tpu.memory_space<hbm>> -> memref<40x128xi32, #tpu.memory_space<hbm>>
      tpu.wait_dma2 semaphore(%run_scoped3A_171 : memref<!tpu.dma_semaphore, #tpu.memory_space<semaphore_mem>>) src(%dma_wait3A_179 : memref<40x128xi32, #tpu.memory_space<hbm>>) dst(%arg8 : memref<40x128xi32, #tpu.memory_space<vmem>>)
      tpu.yield
    }) : () -> ()
    %dma_start3A = arith.constant 0 : i32
    %dma_start3A_39 = arith.constant 0 : i32
    %dma_start3A_40 = arith.constant 0 : i32
    %dma_start3A_41 = arith.constant 0 : i32
    %dma_start3A_42 = tpu.memref_slice %arg9[%dma_start3A_39, %dma_start3A_40, %dma_start3A_41] : memref<2x128x128xf32, #tpu.memory_space<vmem>> -> memref<1x128x128xf32, #tpu.memory_space<vmem>>
    %dma_start3A_43 = tpu.memref_squeeze %dma_start3A_42 : memref<1x128x128xf32, #tpu.memory_space<vmem>> -> memref<128x128xf32, #tpu.memory_space<vmem>>
    %dma_start3A_44 = arith.constant 0 : i32
    %dma_start3A_45 = tpu.memref_slice %arg7[%dma_start3A, %dma_start3A_44] : memref<40x128xi32, #tpu.memory_space<vmem>> -> memref<1x128xi32, #tpu.memory_space<vmem>>
    %dma_start3A_46 = tpu.memref_squeeze %dma_start3A_45 : memref<1x128xi32, #tpu.memory_space<vmem>> -> memref<128xi32, #tpu.memory_space<vmem>>
    %dma_start3A_47 = arith.constant 0 : i32
    %dma_start3A_48 = arith.constant 0 : i32
    %dma_start3A_49 = tpu.memref_slice %arg2[%dma_start3A_47, %dma_start3A_48] : memref<10000x128xf32, #tpu.memory_space<hbm>> -> memref<10000x128xf32, #tpu.memory_space<hbm>>
    tpu.enqueue_indirect_dma source(%dma_start3A_49 : memref<10000x128xf32, #tpu.memory_space<hbm>>) target(%dma_start3A_43 : memref<128x128xf32, #tpu.memory_space<vmem>>) offsets(%dma_start3A_46 : memref<128xi32, #tpu.memory_space<vmem>>) semaphore(%arg11 : memref<!tpu.dma_semaphore, #tpu.memory_space<semaphore_mem>>)
    %dma_start3A_50 = arith.constant 1 : i32
    %dma_start3A_51 = arith.constant 1 : i32
    %dma_start3A_52 = arith.constant 0 : i32
    %dma_start3A_53 = arith.constant 0 : i32
    %dma_start3A_54 = tpu.memref_slice %arg9[%dma_start3A_51, %dma_start3A_52, %dma_start3A_53] : memref<2x128x128xf32, #tpu.memory_space<vmem>> -> memref<1x128x128xf32, #tpu.memory_space<vmem>>
    %dma_start3A_55 = tpu.memref_squeeze %dma_start3A_54 : memref<1x128x128xf32, #tpu.memory_space<vmem>> -> memref<128x128xf32, #tpu.memory_space<vmem>>
    %dma_start3A_56 = arith.constant 0 : i32
    %dma_start3A_57 = tpu.memref_slice %arg7[%dma_start3A_50, %dma_start3A_56] : memref<40x128xi32, #tpu.memory_space<vmem>> -> memref<1x128xi32, #tpu.memory_space<vmem>>
    %dma_start3A_58 = tpu.memref_squeeze %dma_start3A_57 : memref<1x128xi32, #tpu.memory_space<vmem>> -> memref<128xi32, #tpu.memory_space<vmem>>
    %dma_start3A_59 = arith.constant 0 : i32
    %dma_start3A_60 = arith.constant 0 : i32
    %dma_start3A_61 = tpu.memref_slice %arg2[%dma_start3A_59, %dma_start3A_60] : memref<10000x128xf32, #tpu.memory_space<hbm>> -> memref<10000x128xf32, #tpu.memory_space<hbm>>
    tpu.enqueue_indirect_dma source(%dma_start3A_61 : memref<10000x128xf32, #tpu.memory_space<hbm>>) target(%dma_start3A_55 : memref<128x128xf32, #tpu.memory_space<vmem>>) offsets(%dma_start3A_58 : memref<128xi32, #tpu.memory_space<vmem>>) semaphore(%arg12 : memref<!tpu.dma_semaphore, #tpu.memory_space<semaphore_mem>>)
    %scan3A_62 = arith.constant 0 : i32
    %scan3A_63 = arith.constant 0 : i32
    %scan3A_64 = arith.constant 19 : i32
    %scan3A_65 = arith.addi %scan3A_63, %scan3A_64 : i32
    %scan3A_66 = arith.constant 1 : i32
    %scan3A_67 = scf.for %scan3A_171 = %scan3A_63 to %scan3A_65 step %scan3A_66 iter_args(%scan3A_172 = %scan3A_62) -> (i32)  : i32 {
      %mul3A_173 = arith.constant 2 : i32
      %mul3A_174 = arith.muli %mul3A_173, %scan3A_171 : i32
      %add3A_175 = arith.constant 0 : i32
      %add3A_176 = arith.addi %mul3A_174, %add3A_175 : i32
      %dma_wait3A_177 = arith.constant 0 : i32
      %dma_wait3A_178 = arith.constant 0 : i32
      %dma_wait3A_179 = arith.constant 0 : i32
      %dma_wait3A_180 = tpu.memref_slice %arg9[%dma_wait3A_177, %dma_wait3A_178, %dma_wait3A_179] : memref<2x128x128xf32, #tpu.memory_space<vmem>> -> memref<1x128x128xf32, #tpu.memory_space<vmem>>
      %dma_wait3A_181 = tpu.memref_squeeze %dma_wait3A_180 : memref<1x128x128xf32, #tpu.memory_space<vmem>> -> memref<128x128xf32, #tpu.memory_space<vmem>>
      %dma_wait3A_182 = arith.constant 0 : i32
      %dma_wait3A_183 = tpu.memref_slice %arg7[%add3A_176, %dma_wait3A_182] : memref<40x128xi32, #tpu.memory_space<vmem>> -> memref<1x128xi32, #tpu.memory_space<vmem>>
      %dma_wait3A_184 = tpu.memref_squeeze %dma_wait3A_183 : memref<1x128xi32, #tpu.memory_space<vmem>> -> memref<128xi32, #tpu.memory_space<vmem>>
      %dma_wait3A_185 = arith.constant 0 : i32
      %dma_wait3A_186 = arith.constant 0 : i32
      %dma_wait3A_187 = tpu.memref_slice %arg2[%dma_wait3A_185, %dma_wait3A_186] : memref<10000x128xf32, #tpu.memory_space<hbm>> -> memref<10000x128xf32, #tpu.memory_space<hbm>>
      tpu.wait_indirect_dma semaphore(%arg11 : memref<!tpu.dma_semaphore, #tpu.memory_space<semaphore_mem>>) src(%dma_wait3A_187 : memref<10000x128xf32, #tpu.memory_space<hbm>>) dst(%dma_wait3A_181 : memref<128x128xf32, #tpu.memory_space<vmem>>)
      %run_scoped3A_188 = arith.constant 0 : i32
      "tpu.region"() ({
        %run_scoped3A_232 = tpu.sem_alloc : memref<!tpu.dma_semaphore, #tpu.memory_space<semaphore_mem>>
        %dma_start3A_233 = arith.constant 0 : i32
        %dma_start3A_234 = arith.constant 0 : i32
        %dma_start3A_235 = tpu.memref_slice %arg9[%run_scoped3A_188, %dma_start3A_233, %dma_start3A_234] : memref<2x128x128xf32, #tpu.memory_space<vmem>> -> memref<1x128x128xf32, #tpu.memory_space<vmem>>
        %dma_start3A_236 = tpu.memref_squeeze %dma_start3A_235 : memref<1x128x128xf32, #tpu.memory_space<vmem>> -> memref<128x128xf32, #tpu.memory_space<vmem>>
        %dma_start3A_237 = arith.constant 0 : i32
        %dma_start3A_238 = tpu.memref_slice %arg8[%add3A_176, %dma_start3A_237] : memref<40x128xi32, #tpu.memory_space<vmem>> -> memref<1x128xi32, #tpu.memory_space<vmem>>
        %dma_start3A_239 = tpu.memref_squeeze %dma_start3A_238 : memref<1x128xi32, #tpu.memory_space<vmem>> -> memref<128xi32, #tpu.memory_space<vmem>>
        %dma_start3A_240 = arith.constant 0 : i32
        %dma_start3A_241 = arith.constant 0 : i32
        %dma_start3A_242 = tpu.memref_slice %arg10[%dma_start3A_240, %dma_start3A_241] : memref<10240x128xf32, #tpu.memory_space<vmem_shared>> -> memref<10240x128xf32, #tpu.memory_space<vmem_shared>>
        tpu.enqueue_indirect_dma source(%dma_start3A_236 : memref<128x128xf32, #tpu.memory_space<vmem>>) target(%dma_start3A_242 : memref<10240x128xf32, #tpu.memory_space<vmem_shared>>) offsets(%dma_start3A_239 : memref<128xi32, #tpu.memory_space<vmem>>) semaphore(%run_scoped3A_232 : memref<!tpu.dma_semaphore, #tpu.memory_space<semaphore_mem>>) {add = true}
        %dma_wait3A_243 = arith.constant 0 : i32
        %dma_wait3A_244 = arith.constant 0 : i32
        %dma_wait3A_245 = tpu.memref_slice %arg9[%run_scoped3A_188, %dma_wait3A_243, %dma_wait3A_244] : memref<2x128x128xf32, #tpu.memory_space<vmem>> -> memref<1x128x128xf32, #tpu.memory_space<vmem>>
        %dma_wait3A_246 = tpu.memref_squeeze %dma_wait3A_245 : memref<1x128x128xf32, #tpu.memory_space<vmem>> -> memref<128x128xf32, #tpu.memory_space<vmem>>
        %dma_wait3A_247 = arith.constant 0 : i32
        %dma_wait3A_248 = tpu.memref_slice %arg8[%add3A_176, %dma_wait3A_247] : memref<40x128xi32, #tpu.memory_space<vmem>> -> memref<1x128xi32, #tpu.memory_space<vmem>>
        %dma_wait3A_249 = tpu.memref_squeeze %dma_wait3A_248 : memref<1x128xi32, #tpu.memory_space<vmem>> -> memref<128xi32, #tpu.memory_space<vmem>>
        %dma_wait3A_250 = arith.constant 0 : i32
        %dma_wait3A_251 = arith.constant 0 : i32
        %dma_wait3A_252 = tpu.memref_slice %arg10[%dma_wait3A_250, %dma_wait3A_251] : memref<10240x128xf32, #tpu.memory_space<vmem_shared>> -> memref<10240x128xf32, #tpu.memory_space<vmem_shared>>
        tpu.wait_indirect_dma semaphore(%run_scoped3A_232 : memref<!tpu.dma_semaphore, #tpu.memory_space<semaphore_mem>>) src(%dma_wait3A_246 : memref<128x128xf32, #tpu.memory_space<vmem>>) dst(%dma_wait3A_252 : memref<10240x128xf32, #tpu.memory_space<vmem_shared>>)
        tpu.yield
      }) : () -> ()
      %add3A_189 = arith.constant 2 : i32
      %add3A_190 = arith.addi %add3A_176, %add3A_189 : i32
      %dma_start3A_191 = arith.constant 0 : i32
      %dma_start3A_192 = arith.constant 0 : i32
      %dma_start3A_193 = arith.constant 0 : i32
      %dma_start3A_194 = tpu.memref_slice %arg9[%dma_start3A_191, %dma_start3A_192, %dma_start3A_193] : memref<2x128x128xf32, #tpu.memory_space<vmem>> -> memref<1x128x128xf32, #tpu.memory_space<vmem>>
      %dma_start3A_195 = tpu.memref_squeeze %dma_start3A_194 : memref<1x128x128xf32, #tpu.memory_space<vmem>> -> memref<128x128xf32, #tpu.memory_space<vmem>>
      %dma_start3A_196 = arith.constant 0 : i32
      %dma_start3A_197 = tpu.memref_slice %arg7[%add3A_190, %dma_start3A_196] : memref<40x128xi32, #tpu.memory_space<vmem>> -> memref<1x128xi32, #tpu.memory_space<vmem>>
      %dma_start3A_198 = tpu.memref_squeeze %dma_start3A_197 : memref<1x128xi32, #tpu.memory_space<vmem>> -> memref<128xi32, #tpu.memory_space<vmem>>
      %dma_start3A_199 = arith.constant 0 : i32
      %dma_start3A_200 = arith.constant 0 : i32
      %dma_start3A_201 = tpu.memref_slice %arg2[%dma_start3A_199, %dma_start3A_200] : memref<10000x128xf32, #tpu.memory_space<hbm>> -> memref<10000x128xf32, #tpu.memory_space<hbm>>
      tpu.enqueue_indirect_dma source(%dma_start3A_201 : memref<10000x128xf32, #tpu.memory_space<hbm>>) target(%dma_start3A_195 : memref<128x128xf32, #tpu.memory_space<vmem>>) offsets(%dma_start3A_198 : memref<128xi32, #tpu.memory_space<vmem>>) semaphore(%arg11 : memref<!tpu.dma_semaphore, #tpu.memory_space<semaphore_mem>>)
      %mul3A_202 = arith.constant 2 : i32
      %mul3A_203 = arith.muli %mul3A_202, %scan3A_171 : i32
      %add3A_204 = arith.constant 1 : i32
      %add3A_205 = arith.addi %mul3A_203, %add3A_204 : i32
      %dma_wait3A_206 = arith.constant 1 : i32
      %dma_wait3A_207 = arith.constant 0 : i32
      %dma_wait3A_208 = arith.constant 0 : i32
      %dma_wait3A_209 = tpu.memref_slice %arg9[%dma_wait3A_206, %dma_wait3A_207, %dma_wait3A_208] : memref<2x128x128xf32, #tpu.memory_space<vmem>> -> memref<1x128x128xf32, #tpu.memory_space<vmem>>
      %dma_wait3A_210 = tpu.memref_squeeze %dma_wait3A_209 : memref<1x128x128xf32, #tpu.memory_space<vmem>> -> memref<128x128xf32, #tpu.memory_space<vmem>>
      %dma_wait3A_211 = arith.constant 0 : i32
      %dma_wait3A_212 = tpu.memref_slice %arg7[%add3A_205, %dma_wait3A_211] : memref<40x128xi32, #tpu.memory_space<vmem>> -> memref<1x128xi32, #tpu.memory_space<vmem>>
      %dma_wait3A_213 = tpu.memref_squeeze %dma_wait3A_212 : memref<1x128xi32, #tpu.memory_space<vmem>> -> memref<128xi32, #tpu.memory_space<vmem>>
      %dma_wait3A_214 = arith.constant 0 : i32
      %dma_wait3A_215 = arith.constant 0 : i32
      %dma_wait3A_216 = tpu.memref_slice %arg2[%dma_wait3A_214, %dma_wait3A_215] : memref<10000x128xf32, #tpu.memory_space<hbm>> -> memref<10000x128xf32, #tpu.memory_space<hbm>>
      tpu.wait_indirect_dma semaphore(%arg12 : memref<!tpu.dma_semaphore, #tpu.memory_space<semaphore_mem>>) src(%dma_wait3A_216 : memref<10000x128xf32, #tpu.memory_space<hbm>>) dst(%dma_wait3A_210 : memref<128x128xf32, #tpu.memory_space<vmem>>)
      %run_scoped3A_217 = arith.constant 1 : i32
      "tpu.region"() ({
        %run_scoped3A_232 = tpu.sem_alloc : memref<!tpu.dma_semaphore, #tpu.memory_space<semaphore_mem>>
        %dma_start3A_233 = arith.constant 0 : i32
        %dma_start3A_234 = arith.constant 0 : i32
        %dma_start3A_235 = tpu.memref_slice %arg9[%run_scoped3A_217, %dma_start3A_233, %dma_start3A_234] : memref<2x128x128xf32, #tpu.memory_space<vmem>> -> memref<1x128x128xf32, #tpu.memory_space<vmem>>
        %dma_start3A_236 = tpu.memref_squeeze %dma_start3A_235 : memref<1x128x128xf32, #tpu.memory_space<vmem>> -> memref<128x128xf32, #tpu.memory_space<vmem>>
        %dma_start3A_237 = arith.constant 0 : i32
        %dma_start3A_238 = tpu.memref_slice %arg8[%add3A_205, %dma_start3A_237] : memref<40x128xi32, #tpu.memory_space<vmem>> -> memref<1x128xi32, #tpu.memory_space<vmem>>
        %dma_start3A_239 = tpu.memref_squeeze %dma_start3A_238 : memref<1x128xi32, #tpu.memory_space<vmem>> -> memref<128xi32, #tpu.memory_space<vmem>>
        %dma_start3A_240 = arith.constant 0 : i32
        %dma_start3A_241 = arith.constant 0 : i32
        %dma_start3A_242 = tpu.memref_slice %arg10[%dma_start3A_240, %dma_start3A_241] : memref<10240x128xf32, #tpu.memory_space<vmem_shared>> -> memref<10240x128xf32, #tpu.memory_space<vmem_shared>>
        tpu.enqueue_indirect_dma source(%dma_start3A_236 : memref<128x128xf32, #tpu.memory_space<vmem>>) target(%dma_start3A_242 : memref<10240x128xf32, #tpu.memory_space<vmem_shared>>) offsets(%dma_start3A_239 : memref<128xi32, #tpu.memory_space<vmem>>) semaphore(%run_scoped3A_232 : memref<!tpu.dma_semaphore, #tpu.memory_space<semaphore_mem>>) {add = true}
        %dma_wait3A_243 = arith.constant 0 : i32
        %dma_wait3A_244 = arith.constant 0 : i32
        %dma_wait3A_245 = tpu.memref_slice %arg9[%run_scoped3A_217, %dma_wait3A_243, %dma_wait3A_244] : memref<2x128x128xf32, #tpu.memory_space<vmem>> -> memref<1x128x128xf32, #tpu.memory_space<vmem>>
        %dma_wait3A_246 = tpu.memref_squeeze %dma_wait3A_245 : memref<1x128x128xf32, #tpu.memory_space<vmem>> -> memref<128x128xf32, #tpu.memory_space<vmem>>
        %dma_wait3A_247 = arith.constant 0 : i32
        %dma_wait3A_248 = tpu.memref_slice %arg8[%add3A_205, %dma_wait3A_247] : memref<40x128xi32, #tpu.memory_space<vmem>> -> memref<1x128xi32, #tpu.memory_space<vmem>>
        %dma_wait3A_249 = tpu.memref_squeeze %dma_wait3A_248 : memref<1x128xi32, #tpu.memory_space<vmem>> -> memref<128xi32, #tpu.memory_space<vmem>>
        %dma_wait3A_250 = arith.constant 0 : i32
        %dma_wait3A_251 = arith.constant 0 : i32
        %dma_wait3A_252 = tpu.memref_slice %arg10[%dma_wait3A_250, %dma_wait3A_251] : memref<10240x128xf32, #tpu.memory_space<vmem_shared>> -> memref<10240x128xf32, #tpu.memory_space<vmem_shared>>
        tpu.wait_indirect_dma semaphore(%run_scoped3A_232 : memref<!tpu.dma_semaphore, #tpu.memory_space<semaphore_mem>>) src(%dma_wait3A_246 : memref<128x128xf32, #tpu.memory_space<vmem>>) dst(%dma_wait3A_252 : memref<10240x128xf32, #tpu.memory_space<vmem_shared>>)
        tpu.yield
      }) : () -> ()
      %add3A_218 = arith.constant 2 : i32
      %add3A_219 = arith.addi %add3A_205, %add3A_218 : i32
      %dma_start3A_220 = arith.constant 1 : i32
      %dma_start3A_221 = arith.constant 0 : i32
      %dma_start3A_222 = arith.constant 0 : i32
      %dma_start3A_223 = tpu.memref_slice %arg9[%dma_start3A_220, %dma_start3A_221, %dma_start3A_222] : memref<2x128x128xf32, #tpu.memory_space<vmem>> -> memref<1x128x128xf32, #tpu.memory_space<vmem>>
      %dma_start3A_224 = tpu.memref_squeeze %dma_start3A_223 : memref<1x128x128xf32, #tpu.memory_space<vmem>> -> memref<128x128xf32, #tpu.memory_space<vmem>>
      %dma_start3A_225 = arith.constant 0 : i32
      %dma_start3A_226 = tpu.memref_slice %arg7[%add3A_219, %dma_start3A_225] : memref<40x128xi32, #tpu.memory_space<vmem>> -> memref<1x128xi32, #tpu.memory_space<vmem>>
      %dma_start3A_227 = tpu.memref_squeeze %dma_start3A_226 : memref<1x128xi32, #tpu.memory_space<vmem>> -> memref<128xi32, #tpu.memory_space<vmem>>
      %dma_start3A_228 = arith.constant 0 : i32
      %dma_start3A_229 = arith.constant 0 : i32
      %dma_start3A_230 = tpu.memref_slice %arg2[%dma_start3A_228, %dma_start3A_229] : memref<10000x128xf32, #tpu.memory_space<hbm>> -> memref<10000x128xf32, #tpu.memory_space<hbm>>
      tpu.enqueue_indirect_dma source(%dma_start3A_230 : memref<10000x128xf32, #tpu.memory_space<hbm>>) target(%dma_start3A_224 : memref<128x128xf32, #tpu.memory_space<vmem>>) offsets(%dma_start3A_227 : memref<128xi32, #tpu.memory_space<vmem>>) semaphore(%arg12 : memref<!tpu.dma_semaphore, #tpu.memory_space<semaphore_mem>>)
      %scan3A_231 = arith.constant 0 : i32
      scf.yield %scan3A_231 : i32
    }
    %scan3A_68 = arith.constant 19 : i32
    %dma_wait3A = arith.constant 38 : i32
    %dma_wait3A_69 = arith.constant 0 : i32
    %dma_wait3A_70 = arith.constant 0 : i32
    %dma_wait3A_71 = arith.constant 0 : i32
    %dma_wait3A_72 = tpu.memref_slice %arg9[%dma_wait3A_69, %dma_wait3A_70, %dma_wait3A_71] : memref<2x128x128xf32, #tpu.memory_space<vmem>> -> memref<1x128x128xf32, #tpu.memory_space<vmem>>
    %dma_wait3A_73 = tpu.memref_squeeze %dma_wait3A_72 : memref<1x128x128xf32, #tpu.memory_space<vmem>> -> memref<128x128xf32, #tpu.memory_space<vmem>>
    %dma_wait3A_74 = arith.constant 0 : i32
    %dma_wait3A_75 = tpu.memref_slice %arg7[%dma_wait3A, %dma_wait3A_74] : memref<40x128xi32, #tpu.memory_space<vmem>> -> memref<1x128xi32, #tpu.memory_space<vmem>>
    %dma_wait3A_76 = tpu.memref_squeeze %dma_wait3A_75 : memref<1x128xi32, #tpu.memory_space<vmem>> -> memref<128xi32, #tpu.memory_space<vmem>>
    %dma_wait3A_77 = arith.constant 0 : i32
    %dma_wait3A_78 = arith.constant 0 : i32
    %dma_wait3A_79 = tpu.memref_slice %arg2[%dma_wait3A_77, %dma_wait3A_78] : memref<10000x128xf32, #tpu.memory_space<hbm>> -> memref<10000x128xf32, #tpu.memory_space<hbm>>
    tpu.wait_indirect_dma semaphore(%arg11 : memref<!tpu.dma_semaphore, #tpu.memory_space<semaphore_mem>>) src(%dma_wait3A_79 : memref<10000x128xf32, #tpu.memory_space<hbm>>) dst(%dma_wait3A_73 : memref<128x128xf32, #tpu.memory_space<vmem>>)
    %run_scoped3A_80 = arith.constant 0 : i32
    %run_scoped3A_81 = arith.constant 38 : i32
    "tpu.region"() ({
      %run_scoped3A_171 = tpu.sem_alloc : memref<!tpu.dma_semaphore, #tpu.memory_space<semaphore_mem>>
      %dma_start3A_172 = arith.constant 0 : i32
      %dma_start3A_173 = arith.constant 0 : i32
      %dma_start3A_174 = tpu.memref_slice %arg9[%run_scoped3A_80, %dma_start3A_172, %dma_start3A_173] : memref<2x128x128xf32, #tpu.memory_space<vmem>> -> memref<1x128x128xf32, #tpu.memory_space<vmem>>
      %dma_start3A_175 = tpu.memref_squeeze %dma_start3A_174 : memref<1x128x128xf32, #tpu.memory_space<vmem>> -> memref<128x128xf32, #tpu.memory_space<vmem>>
      %dma_start3A_176 = arith.constant 0 : i32
      %dma_start3A_177 = tpu.memref_slice %arg8[%run_scoped3A_81, %dma_start3A_176] : memref<40x128xi32, #tpu.memory_space<vmem>> -> memref<1x128xi32, #tpu.memory_space<vmem>>
      %dma_start3A_178 = tpu.memref_squeeze %dma_start3A_177 : memref<1x128xi32, #tpu.memory_space<vmem>> -> memref<128xi32, #tpu.memory_space<vmem>>
      %dma_start3A_179 = arith.constant 0 : i32
      %dma_start3A_180 = arith.constant 0 : i32
      %dma_start3A_181 = tpu.memref_slice %arg10[%dma_start3A_179, %dma_start3A_180] : memref<10240x128xf32, #tpu.memory_space<vmem_shared>> -> memref<10240x128xf32, #tpu.memory_space<vmem_shared>>
      tpu.enqueue_indirect_dma source(%dma_start3A_175 : memref<128x128xf32, #tpu.memory_space<vmem>>) target(%dma_start3A_181 : memref<10240x128xf32, #tpu.memory_space<vmem_shared>>) offsets(%dma_start3A_178 : memref<128xi32, #tpu.memory_space<vmem>>) semaphore(%run_scoped3A_171 : memref<!tpu.dma_semaphore, #tpu.memory_space<semaphore_mem>>) {add = true}
      %dma_wait3A_182 = arith.constant 0 : i32
      %dma_wait3A_183 = arith.constant 0 : i32
      %dma_wait3A_184 = tpu.memref_slice %arg9[%run_scoped3A_80, %dma_wait3A_182, %dma_wait3A_183] : memref<2x128x128xf32, #tpu.memory_space<vmem>> -> memref<1x128x128xf32, #tpu.memory_space<vmem>>
      %dma_wait3A_185 = tpu.memref_squeeze %dma_wait3A_184 : memref<1x128x128xf32, #tpu.memory_space<vmem>> -> memref<128x128xf32, #tpu.memory_space<vmem>>
      %dma_wait3A_186 = arith.constant 0 : i32
      %dma_wait3A_187 = tpu.memref_slice %arg8[%run_scoped3A_81, %dma_wait3A_186] : memref<40x128xi32, #tpu.memory_space<vmem>> -> memref<1x128xi32, #tpu.memory_space<vmem>>
      %dma_wait3A_188 = tpu.memref_squeeze %dma_wait3A_187 : memref<1x128xi32, #tpu.memory_space<vmem>> -> memref<128xi32, #tpu.memory_space<vmem>>
      %dma_wait3A_189 = arith.constant 0 : i32
      %dma_wait3A_190 = arith.constant 0 : i32
      %dma_wait3A_191 = tpu.memref_slice %arg10[%dma_wait3A_189, %dma_wait3A_190] : memref<10240x128xf32, #tpu.memory_space<vmem_shared>> -> memref<10240x128xf32, #tpu.memory_space<vmem_shared>>
      tpu.wait_indirect_dma semaphore(%run_scoped3A_171 : memref<!tpu.dma_semaphore, #tpu.memory_space<semaphore_mem>>) src(%dma_wait3A_185 : memref<128x128xf32, #tpu.memory_space<vmem>>) dst(%dma_wait3A_191 : memref<10240x128xf32, #tpu.memory_space<vmem_shared>>)
      tpu.yield
    }) : () -> ()
    %dma_wait3A_82 = arith.constant 39 : i32
    %dma_wait3A_83 = arith.constant 1 : i32
    %dma_wait3A_84 = arith.constant 0 : i32
    %dma_wait3A_85 = arith.constant 0 : i32
    %dma_wait3A_86 = tpu.memref_slice %arg9[%dma_wait3A_83, %dma_wait3A_84, %dma_wait3A_85] : memref<2x128x128xf32, #tpu.memory_space<vmem>> -> memref<1x128x128xf32, #tpu.memory_space<vmem>>
    %dma_wait3A_87 = tpu.memref_squeeze %dma_wait3A_86 : memref<1x128x128xf32, #tpu.memory_space<vmem>> -> memref<128x128xf32, #tpu.memory_space<vmem>>
    %dma_wait3A_88 = arith.constant 0 : i32
    %dma_wait3A_89 = tpu.memref_slice %arg7[%dma_wait3A_82, %dma_wait3A_88] : memref<40x128xi32, #tpu.memory_space<vmem>> -> memref<1x128xi32, #tpu.memory_space<vmem>>
    %dma_wait3A_90 = tpu.memref_squeeze %dma_wait3A_89 : memref<1x128xi32, #tpu.memory_space<vmem>> -> memref<128xi32, #tpu.memory_space<vmem>>
    %dma_wait3A_91 = arith.constant 0 : i32
    %dma_wait3A_92 = arith.constant 0 : i32
    %dma_wait3A_93 = tpu.memref_slice %arg2[%dma_wait3A_91, %dma_wait3A_92] : memref<10000x128xf32, #tpu.memory_space<hbm>> -> memref<10000x128xf32, #tpu.memory_space<hbm>>
    tpu.wait_indirect_dma semaphore(%arg12 : memref<!tpu.dma_semaphore, #tpu.memory_space<semaphore_mem>>) src(%dma_wait3A_93 : memref<10000x128xf32, #tpu.memory_space<hbm>>) dst(%dma_wait3A_87 : memref<128x128xf32, #tpu.memory_space<vmem>>)
    %run_scoped3A_94 = arith.constant 1 : i32
    %run_scoped3A_95 = arith.constant 39 : i32
    "tpu.region"() ({
      %run_scoped3A_171 = tpu.sem_alloc : memref<!tpu.dma_semaphore, #tpu.memory_space<semaphore_mem>>
      %dma_start3A_172 = arith.constant 0 : i32
      %dma_start3A_173 = arith.constant 0 : i32
      %dma_start3A_174 = tpu.memref_slice %arg9[%run_scoped3A_94, %dma_start3A_172, %dma_start3A_173] : memref<2x128x128xf32, #tpu.memory_space<vmem>> -> memref<1x128x128xf32, #tpu.memory_space<vmem>>
      %dma_start3A_175 = tpu.memref_squeeze %dma_start3A_174 : memref<1x128x128xf32, #tpu.memory_space<vmem>> -> memref<128x128xf32, #tpu.memory_space<vmem>>
      %dma_start3A_176 = arith.constant 0 : i32
      %dma_start3A_177 = tpu.memref_slice %arg8[%run_scoped3A_95, %dma_start3A_176] : memref<40x128xi32, #tpu.memory_space<vmem>> -> memref<1x128xi32, #tpu.memory_space<vmem>>
      %dma_start3A_178 = tpu.memref_squeeze %dma_start3A_177 : memref<1x128xi32, #tpu.memory_space<vmem>> -> memref<128xi32, #tpu.memory_space<vmem>>
      %dma_start3A_179 = arith.constant 0 : i32
      %dma_start3A_180 = arith.constant 0 : i32
      %dma_start3A_181 = tpu.memref_slice %arg10[%dma_start3A_179, %dma_start3A_180] : memref<10240x128xf32, #tpu.memory_space<vmem_shared>> -> memref<10240x128xf32, #tpu.memory_space<vmem_shared>>
      tpu.enqueue_indirect_dma source(%dma_start3A_175 : memref<128x128xf32, #tpu.memory_space<vmem>>) target(%dma_start3A_181 : memref<10240x128xf32, #tpu.memory_space<vmem_shared>>) offsets(%dma_start3A_178 : memref<128xi32, #tpu.memory_space<vmem>>) semaphore(%run_scoped3A_171 : memref<!tpu.dma_semaphore, #tpu.memory_space<semaphore_mem>>) {add = true}
      %dma_wait3A_182 = arith.constant 0 : i32
      %dma_wait3A_183 = arith.constant 0 : i32
      %dma_wait3A_184 = tpu.memref_slice %arg9[%run_scoped3A_94, %dma_wait3A_182, %dma_wait3A_183] : memref<2x128x128xf32, #tpu.memory_space<vmem>> -> memref<1x128x128xf32, #tpu.memory_space<vmem>>
      %dma_wait3A_185 = tpu.memref_squeeze %dma_wait3A_184 : memref<1x128x128xf32, #tpu.memory_space<vmem>> -> memref<128x128xf32, #tpu.memory_space<vmem>>
      %dma_wait3A_186 = arith.constant 0 : i32
      %dma_wait3A_187 = tpu.memref_slice %arg8[%run_scoped3A_95, %dma_wait3A_186] : memref<40x128xi32, #tpu.memory_space<vmem>> -> memref<1x128xi32, #tpu.memory_space<vmem>>
      %dma_wait3A_188 = tpu.memref_squeeze %dma_wait3A_187 : memref<1x128xi32, #tpu.memory_space<vmem>> -> memref<128xi32, #tpu.memory_space<vmem>>
      %dma_wait3A_189 = arith.constant 0 : i32
      %dma_wait3A_190 = arith.constant 0 : i32
      %dma_wait3A_191 = tpu.memref_slice %arg10[%dma_wait3A_189, %dma_wait3A_190] : memref<10240x128xf32, #tpu.memory_space<vmem_shared>> -> memref<10240x128xf32, #tpu.memory_space<vmem_shared>>
      tpu.wait_indirect_dma semaphore(%run_scoped3A_171 : memref<!tpu.dma_semaphore, #tpu.memory_space<semaphore_mem>>) src(%dma_wait3A_185 : memref<128x128xf32, #tpu.memory_space<vmem>>) dst(%dma_wait3A_191 : memref<10240x128xf32, #tpu.memory_space<vmem_shared>>)
      tpu.yield
    }) : () -> ()
    %mul3A_96 = arith.constant 80 : i32
    %mul3A_97 = arith.muli %add3A, %mul3A_96 : i32
    %add3A_98 = arith.constant 40 : i32
    %add3A_99 = arith.addi %mul3A_97, %add3A_98 : i32
    "tpu.region"() ({
      %run_scoped3A_171 = tpu.sem_alloc : memref<!tpu.dma_semaphore, #tpu.memory_space<semaphore_mem>>
      %dma_start3A_172 = arith.constant 0 : i32
      %dma_start3A_173 = tpu.memref_slice %arg3[%add3A_99, %dma_start3A_172] : memref<2560x128xi32, #tpu.memory_space<hbm>> -> memref<40x128xi32, #tpu.memory_space<hbm>>
      %dma_start3A_174 = arith.constant 0 : i32
      %dma_start3A_175 = tpu.memref_slice %arg3[%add3A_99, %dma_start3A_174] : memref<2560x128xi32, #tpu.memory_space<hbm>> -> memref<40x128xi32, #tpu.memory_space<hbm>>
      tpu.enqueue_dma source(%dma_start3A_175 : memref<40x128xi32, #tpu.memory_space<hbm>>) target(%arg7 : memref<40x128xi32, #tpu.memory_space<vmem>>) target_semaphore(%run_scoped3A_171 : memref<!tpu.dma_semaphore, #tpu.memory_space<semaphore_mem>>)
      %dma_wait3A_176 = arith.constant 0 : i32
      %dma_wait3A_177 = tpu.memref_slice %arg3[%add3A_99, %dma_wait3A_176] : memref<2560x128xi32, #tpu.memory_space<hbm>> -> memref<40x128xi32, #tpu.memory_space<hbm>>
      %dma_wait3A_178 = arith.constant 0 : i32
      %dma_wait3A_179 = tpu.memref_slice %arg3[%add3A_99, %dma_wait3A_178] : memref<2560x128xi32, #tpu.memory_space<hbm>> -> memref<40x128xi32, #tpu.memory_space<hbm>>
      tpu.wait_dma2 semaphore(%run_scoped3A_171 : memref<!tpu.dma_semaphore, #tpu.memory_space<semaphore_mem>>) src(%dma_wait3A_179 : memref<40x128xi32, #tpu.memory_space<hbm>>) dst(%arg7 : memref<40x128xi32, #tpu.memory_space<vmem>>)
      tpu.yield
    }) : () -> ()
    %mul3A_100 = arith.constant 80 : i32
    %mul3A_101 = arith.muli %add3A, %mul3A_100 : i32
    %add3A_102 = arith.constant 40 : i32
    %add3A_103 = arith.addi %mul3A_101, %add3A_102 : i32
    "tpu.region"() ({
      %run_scoped3A_171 = tpu.sem_alloc : memref<!tpu.dma_semaphore, #tpu.memory_space<semaphore_mem>>
      %dma_start3A_172 = arith.constant 0 : i32
      %dma_start3A_173 = tpu.memref_slice %arg4[%add3A_103, %dma_start3A_172] : memref<2560x128xi32, #tpu.memory_space<hbm>> -> memref<40x128xi32, #tpu.memory_space<hbm>>
      %dma_start3A_174 = arith.constant 0 : i32
      %dma_start3A_175 = tpu.memref_slice %arg4[%add3A_103, %dma_start3A_174] : memref<2560x128xi32, #tpu.memory_space<hbm>> -> memref<40x128xi32, #tpu.memory_space<hbm>>
      tpu.enqueue_dma source(%dma_start3A_175 : memref<40x128xi32, #tpu.memory_space<hbm>>) target(%arg8 : memref<40x128xi32, #tpu.memory_space<vmem>>) target_semaphore(%run_scoped3A_171 : memref<!tpu.dma_semaphore, #tpu.memory_space<semaphore_mem>>)
      %dma_wait3A_176 = arith.constant 0 : i32
      %dma_wait3A_177 = tpu.memref_slice %arg4[%add3A_103, %dma_wait3A_176] : memref<2560x128xi32, #tpu.memory_space<hbm>> -> memref<40x128xi32, #tpu.memory_space<hbm>>
      %dma_wait3A_178 = arith.constant 0 : i32
      %dma_wait3A_179 = tpu.memref_slice %arg4[%add3A_103, %dma_wait3A_178] : memref<2560x128xi32, #tpu.memory_space<hbm>> -> memref<40x128xi32, #tpu.memory_space<hbm>>
      tpu.wait_dma2 semaphore(%run_scoped3A_171 : memref<!tpu.dma_semaphore, #tpu.memory_space<semaphore_mem>>) src(%dma_wait3A_179 : memref<40x128xi32, #tpu.memory_space<hbm>>) dst(%arg8 : memref<40x128xi32, #tpu.memory_space<vmem>>)
      tpu.yield
    }) : () -> ()
    %dma_start3A_104 = arith.constant 0 : i32
    %dma_start3A_105 = arith.constant 0 : i32
    %dma_start3A_106 = arith.constant 0 : i32
    %dma_start3A_107 = arith.constant 0 : i32
    %dma_start3A_108 = tpu.memref_slice %arg9[%dma_start3A_105, %dma_start3A_106, %dma_start3A_107] : memref<2x128x128xf32, #tpu.memory_space<vmem>> -> memref<1x128x128xf32, #tpu.memory_space<vmem>>
    %dma_start3A_109 = tpu.memref_squeeze %dma_start3A_108 : memref<1x128x128xf32, #tpu.memory_space<vmem>> -> memref<128x128xf32, #tpu.memory_space<vmem>>
    %dma_start3A_110 = arith.constant 0 : i32
    %dma_start3A_111 = tpu.memref_slice %arg7[%dma_start3A_104, %dma_start3A_110] : memref<40x128xi32, #tpu.memory_space<vmem>> -> memref<1x128xi32, #tpu.memory_space<vmem>>
    %dma_start3A_112 = tpu.memref_squeeze %dma_start3A_111 : memref<1x128xi32, #tpu.memory_space<vmem>> -> memref<128xi32, #tpu.memory_space<vmem>>
    %dma_start3A_113 = arith.constant 0 : i32
    %dma_start3A_114 = arith.constant 0 : i32
    %dma_start3A_115 = tpu.memref_slice %arg2[%dma_start3A_113, %dma_start3A_114] : memref<10000x128xf32, #tpu.memory_space<hbm>> -> memref<10000x128xf32, #tpu.memory_space<hbm>>
    tpu.enqueue_indirect_dma source(%dma_start3A_115 : memref<10000x128xf32, #tpu.memory_space<hbm>>) target(%dma_start3A_109 : memref<128x128xf32, #tpu.memory_space<vmem>>) offsets(%dma_start3A_112 : memref<128xi32, #tpu.memory_space<vmem>>) semaphore(%arg11 : memref<!tpu.dma_semaphore, #tpu.memory_space<semaphore_mem>>)
    %dma_start3A_116 = arith.constant 1 : i32
    %dma_start3A_117 = arith.constant 1 : i32
    %dma_start3A_118 = arith.constant 0 : i32
    %dma_start3A_119 = arith.constant 0 : i32
    %dma_start3A_120 = tpu.memref_slice %arg9[%dma_start3A_117, %dma_start3A_118, %dma_start3A_119] : memref<2x128x128xf32, #tpu.memory_space<vmem>> -> memref<1x128x128xf32, #tpu.memory_space<vmem>>
    %dma_start3A_121 = tpu.memref_squeeze %dma_start3A_120 : memref<1x128x128xf32, #tpu.memory_space<vmem>> -> memref<128x128xf32, #tpu.memory_space<vmem>>
    %dma_start3A_122 = arith.constant 0 : i32
    %dma_start3A_123 = tpu.memref_slice %arg7[%dma_start3A_116, %dma_start3A_122] : memref<40x128xi32, #tpu.memory_space<vmem>> -> memref<1x128xi32, #tpu.memory_space<vmem>>
    %dma_start3A_124 = tpu.memref_squeeze %dma_start3A_123 : memref<1x128xi32, #tpu.memory_space<vmem>> -> memref<128xi32, #tpu.memory_space<vmem>>
    %dma_start3A_125 = arith.constant 0 : i32
    %dma_start3A_126 = arith.constant 0 : i32
    %dma_start3A_127 = tpu.memref_slice %arg2[%dma_start3A_125, %dma_start3A_126] : memref<10000x128xf32, #tpu.memory_space<hbm>> -> memref<10000x128xf32, #tpu.memory_space<hbm>>
    tpu.enqueue_indirect_dma source(%dma_start3A_127 : memref<10000x128xf32, #tpu.memory_space<hbm>>) target(%dma_start3A_121 : memref<128x128xf32, #tpu.memory_space<vmem>>) offsets(%dma_start3A_124 : memref<128xi32, #tpu.memory_space<vmem>>) semaphore(%arg12 : memref<!tpu.dma_semaphore, #tpu.memory_space<semaphore_mem>>)
    %scan3A_128 = arith.constant 0 : i32
    %scan3A_129 = arith.constant 0 : i32
    %scan3A_130 = arith.constant 19 : i32
    %scan3A_131 = arith.addi %scan3A_129, %scan3A_130 : i32
    %scan3A_132 = arith.constant 1 : i32
    %scan3A_133 = scf.for %scan3A_171 = %scan3A_129 to %scan3A_131 step %scan3A_132 iter_args(%scan3A_172 = %scan3A_128) -> (i32)  : i32 {
      %mul3A_173 = arith.constant 2 : i32
      %mul3A_174 = arith.muli %mul3A_173, %scan3A_171 : i32
      %add3A_175 = arith.constant 0 : i32
      %add3A_176 = arith.addi %mul3A_174, %add3A_175 : i32
      %dma_wait3A_177 = arith.constant 0 : i32
      %dma_wait3A_178 = arith.constant 0 : i32
      %dma_wait3A_179 = arith.constant 0 : i32
      %dma_wait3A_180 = tpu.memref_slice %arg9[%dma_wait3A_177, %dma_wait3A_178, %dma_wait3A_179] : memref<2x128x128xf32, #tpu.memory_space<vmem>> -> memref<1x128x128xf32, #tpu.memory_space<vmem>>
      %dma_wait3A_181 = tpu.memref_squeeze %dma_wait3A_180 : memref<1x128x128xf32, #tpu.memory_space<vmem>> -> memref<128x128xf32, #tpu.memory_space<vmem>>
      %dma_wait3A_182 = arith.constant 0 : i32
      %dma_wait3A_183 = tpu.memref_slice %arg7[%add3A_176, %dma_wait3A_182] : memref<40x128xi32, #tpu.memory_space<vmem>> -> memref<1x128xi32, #tpu.memory_space<vmem>>
      %dma_wait3A_184 = tpu.memref_squeeze %dma_wait3A_183 : memref<1x128xi32, #tpu.memory_space<vmem>> -> memref<128xi32, #tpu.memory_space<vmem>>
      %dma_wait3A_185 = arith.constant 0 : i32
      %dma_wait3A_186 = arith.constant 0 : i32
      %dma_wait3A_187 = tpu.memref_slice %arg2[%dma_wait3A_185, %dma_wait3A_186] : memref<10000x128xf32, #tpu.memory_space<hbm>> -> memref<10000x128xf32, #tpu.memory_space<hbm>>
      tpu.wait_indirect_dma semaphore(%arg11 : memref<!tpu.dma_semaphore, #tpu.memory_space<semaphore_mem>>) src(%dma_wait3A_187 : memref<10000x128xf32, #tpu.memory_space<hbm>>) dst(%dma_wait3A_181 : memref<128x128xf32, #tpu.memory_space<vmem>>)
      %run_scoped3A_188 = arith.constant 0 : i32
      "tpu.region"() ({
        %run_scoped3A_232 = tpu.sem_alloc : memref<!tpu.dma_semaphore, #tpu.memory_space<semaphore_mem>>
        %dma_start3A_233 = arith.constant 0 : i32
        %dma_start3A_234 = arith.constant 0 : i32
        %dma_start3A_235 = tpu.memref_slice %arg9[%run_scoped3A_188, %dma_start3A_233, %dma_start3A_234] : memref<2x128x128xf32, #tpu.memory_space<vmem>> -> memref<1x128x128xf32, #tpu.memory_space<vmem>>
        %dma_start3A_236 = tpu.memref_squeeze %dma_start3A_235 : memref<1x128x128xf32, #tpu.memory_space<vmem>> -> memref<128x128xf32, #tpu.memory_space<vmem>>
        %dma_start3A_237 = arith.constant 0 : i32
        %dma_start3A_238 = tpu.memref_slice %arg8[%add3A_176, %dma_start3A_237] : memref<40x128xi32, #tpu.memory_space<vmem>> -> memref<1x128xi32, #tpu.memory_space<vmem>>
        %dma_start3A_239 = tpu.memref_squeeze %dma_start3A_238 : memref<1x128xi32, #tpu.memory_space<vmem>> -> memref<128xi32, #tpu.memory_space<vmem>>
        %dma_start3A_240 = arith.constant 0 : i32
        %dma_start3A_241 = arith.constant 0 : i32
        %dma_start3A_242 = tpu.memref_slice %arg10[%dma_start3A_240, %dma_start3A_241] : memref<10240x128xf32, #tpu.memory_space<vmem_shared>> -> memref<10240x128xf32, #tpu.memory_space<vmem_shared>>
        tpu.enqueue_indirect_dma source(%dma_start3A_236 : memref<128x128xf32, #tpu.memory_space<vmem>>) target(%dma_start3A_242 : memref<10240x128xf32, #tpu.memory_space<vmem_shared>>) offsets(%dma_start3A_239 : memref<128xi32, #tpu.memory_space<vmem>>) semaphore(%run_scoped3A_232 : memref<!tpu.dma_semaphore, #tpu.memory_space<semaphore_mem>>) {add = true}
        %dma_wait3A_243 = arith.constant 0 : i32
        %dma_wait3A_244 = arith.constant 0 : i32
        %dma_wait3A_245 = tpu.memref_slice %arg9[%run_scoped3A_188, %dma_wait3A_243, %dma_wait3A_244] : memref<2x128x128xf32, #tpu.memory_space<vmem>> -> memref<1x128x128xf32, #tpu.memory_space<vmem>>
        %dma_wait3A_246 = tpu.memref_squeeze %dma_wait3A_245 : memref<1x128x128xf32, #tpu.memory_space<vmem>> -> memref<128x128xf32, #tpu.memory_space<vmem>>
        %dma_wait3A_247 = arith.constant 0 : i32
        %dma_wait3A_248 = tpu.memref_slice %arg8[%add3A_176, %dma_wait3A_247] : memref<40x128xi32, #tpu.memory_space<vmem>> -> memref<1x128xi32, #tpu.memory_space<vmem>>
        %dma_wait3A_249 = tpu.memref_squeeze %dma_wait3A_248 : memref<1x128xi32, #tpu.memory_space<vmem>> -> memref<128xi32, #tpu.memory_space<vmem>>
        %dma_wait3A_250 = arith.constant 0 : i32
        %dma_wait3A_251 = arith.constant 0 : i32
        %dma_wait3A_252 = tpu.memref_slice %arg10[%dma_wait3A_250, %dma_wait3A_251] : memref<10240x128xf32, #tpu.memory_space<vmem_shared>> -> memref<10240x128xf32, #tpu.memory_space<vmem_shared>>
        tpu.wait_indirect_dma semaphore(%run_scoped3A_232 : memref<!tpu.dma_semaphore, #tpu.memory_space<semaphore_mem>>) src(%dma_wait3A_246 : memref<128x128xf32, #tpu.memory_space<vmem>>) dst(%dma_wait3A_252 : memref<10240x128xf32, #tpu.memory_space<vmem_shared>>)
        tpu.yield
      }) : () -> ()
      %add3A_189 = arith.constant 2 : i32
      %add3A_190 = arith.addi %add3A_176, %add3A_189 : i32
      %dma_start3A_191 = arith.constant 0 : i32
      %dma_start3A_192 = arith.constant 0 : i32
      %dma_start3A_193 = arith.constant 0 : i32
      %dma_start3A_194 = tpu.memref_slice %arg9[%dma_start3A_191, %dma_start3A_192, %dma_start3A_193] : memref<2x128x128xf32, #tpu.memory_space<vmem>> -> memref<1x128x128xf32, #tpu.memory_space<vmem>>
      %dma_start3A_195 = tpu.memref_squeeze %dma_start3A_194 : memref<1x128x128xf32, #tpu.memory_space<vmem>> -> memref<128x128xf32, #tpu.memory_space<vmem>>
      %dma_start3A_196 = arith.constant 0 : i32
      %dma_start3A_197 = tpu.memref_slice %arg7[%add3A_190, %dma_start3A_196] : memref<40x128xi32, #tpu.memory_space<vmem>> -> memref<1x128xi32, #tpu.memory_space<vmem>>
      %dma_start3A_198 = tpu.memref_squeeze %dma_start3A_197 : memref<1x128xi32, #tpu.memory_space<vmem>> -> memref<128xi32, #tpu.memory_space<vmem>>
      %dma_start3A_199 = arith.constant 0 : i32
      %dma_start3A_200 = arith.constant 0 : i32
      %dma_start3A_201 = tpu.memref_slice %arg2[%dma_start3A_199, %dma_start3A_200] : memref<10000x128xf32, #tpu.memory_space<hbm>> -> memref<10000x128xf32, #tpu.memory_space<hbm>>
      tpu.enqueue_indirect_dma source(%dma_start3A_201 : memref<10000x128xf32, #tpu.memory_space<hbm>>) target(%dma_start3A_195 : memref<128x128xf32, #tpu.memory_space<vmem>>) offsets(%dma_start3A_198 : memref<128xi32, #tpu.memory_space<vmem>>) semaphore(%arg11 : memref<!tpu.dma_semaphore, #tpu.memory_space<semaphore_mem>>)
      %mul3A_202 = arith.constant 2 : i32
      %mul3A_203 = arith.muli %mul3A_202, %scan3A_171 : i32
      %add3A_204 = arith.constant 1 : i32
      %add3A_205 = arith.addi %mul3A_203, %add3A_204 : i32
      %dma_wait3A_206 = arith.constant 1 : i32
      %dma_wait3A_207 = arith.constant 0 : i32
      %dma_wait3A_208 = arith.constant 0 : i32
      %dma_wait3A_209 = tpu.memref_slice %arg9[%dma_wait3A_206, %dma_wait3A_207, %dma_wait3A_208] : memref<2x128x128xf32, #tpu.memory_space<vmem>> -> memref<1x128x128xf32, #tpu.memory_space<vmem>>
      %dma_wait3A_210 = tpu.memref_squeeze %dma_wait3A_209 : memref<1x128x128xf32, #tpu.memory_space<vmem>> -> memref<128x128xf32, #tpu.memory_space<vmem>>
      %dma_wait3A_211 = arith.constant 0 : i32
      %dma_wait3A_212 = tpu.memref_slice %arg7[%add3A_205, %dma_wait3A_211] : memref<40x128xi32, #tpu.memory_space<vmem>> -> memref<1x128xi32, #tpu.memory_space<vmem>>
      %dma_wait3A_213 = tpu.memref_squeeze %dma_wait3A_212 : memref<1x128xi32, #tpu.memory_space<vmem>> -> memref<128xi32, #tpu.memory_space<vmem>>
      %dma_wait3A_214 = arith.constant 0 : i32
      %dma_wait3A_215 = arith.constant 0 : i32
      %dma_wait3A_216 = tpu.memref_slice %arg2[%dma_wait3A_214, %dma_wait3A_215] : memref<10000x128xf32, #tpu.memory_space<hbm>> -> memref<10000x128xf32, #tpu.memory_space<hbm>>
      tpu.wait_indirect_dma semaphore(%arg12 : memref<!tpu.dma_semaphore, #tpu.memory_space<semaphore_mem>>) src(%dma_wait3A_216 : memref<10000x128xf32, #tpu.memory_space<hbm>>) dst(%dma_wait3A_210 : memref<128x128xf32, #tpu.memory_space<vmem>>)
      %run_scoped3A_217 = arith.constant 1 : i32
      "tpu.region"() ({
        %run_scoped3A_232 = tpu.sem_alloc : memref<!tpu.dma_semaphore, #tpu.memory_space<semaphore_mem>>
        %dma_start3A_233 = arith.constant 0 : i32
        %dma_start3A_234 = arith.constant 0 : i32
        %dma_start3A_235 = tpu.memref_slice %arg9[%run_scoped3A_217, %dma_start3A_233, %dma_start3A_234] : memref<2x128x128xf32, #tpu.memory_space<vmem>> -> memref<1x128x128xf32, #tpu.memory_space<vmem>>
        %dma_start3A_236 = tpu.memref_squeeze %dma_start3A_235 : memref<1x128x128xf32, #tpu.memory_space<vmem>> -> memref<128x128xf32, #tpu.memory_space<vmem>>
        %dma_start3A_237 = arith.constant 0 : i32
        %dma_start3A_238 = tpu.memref_slice %arg8[%add3A_205, %dma_start3A_237] : memref<40x128xi32, #tpu.memory_space<vmem>> -> memref<1x128xi32, #tpu.memory_space<vmem>>
        %dma_start3A_239 = tpu.memref_squeeze %dma_start3A_238 : memref<1x128xi32, #tpu.memory_space<vmem>> -> memref<128xi32, #tpu.memory_space<vmem>>
        %dma_start3A_240 = arith.constant 0 : i32
        %dma_start3A_241 = arith.constant 0 : i32
        %dma_start3A_242 = tpu.memref_slice %arg10[%dma_start3A_240, %dma_start3A_241] : memref<10240x128xf32, #tpu.memory_space<vmem_shared>> -> memref<10240x128xf32, #tpu.memory_space<vmem_shared>>
        tpu.enqueue_indirect_dma source(%dma_start3A_236 : memref<128x128xf32, #tpu.memory_space<vmem>>) target(%dma_start3A_242 : memref<10240x128xf32, #tpu.memory_space<vmem_shared>>) offsets(%dma_start3A_239 : memref<128xi32, #tpu.memory_space<vmem>>) semaphore(%run_scoped3A_232 : memref<!tpu.dma_semaphore, #tpu.memory_space<semaphore_mem>>) {add = true}
        %dma_wait3A_243 = arith.constant 0 : i32
        %dma_wait3A_244 = arith.constant 0 : i32
        %dma_wait3A_245 = tpu.memref_slice %arg9[%run_scoped3A_217, %dma_wait3A_243, %dma_wait3A_244] : memref<2x128x128xf32, #tpu.memory_space<vmem>> -> memref<1x128x128xf32, #tpu.memory_space<vmem>>
        %dma_wait3A_246 = tpu.memref_squeeze %dma_wait3A_245 : memref<1x128x128xf32, #tpu.memory_space<vmem>> -> memref<128x128xf32, #tpu.memory_space<vmem>>
        %dma_wait3A_247 = arith.constant 0 : i32
        %dma_wait3A_248 = tpu.memref_slice %arg8[%add3A_205, %dma_wait3A_247] : memref<40x128xi32, #tpu.memory_space<vmem>> -> memref<1x128xi32, #tpu.memory_space<vmem>>
        %dma_wait3A_249 = tpu.memref_squeeze %dma_wait3A_248 : memref<1x128xi32, #tpu.memory_space<vmem>> -> memref<128xi32, #tpu.memory_space<vmem>>
        %dma_wait3A_250 = arith.constant 0 : i32
        %dma_wait3A_251 = arith.constant 0 : i32
        %dma_wait3A_252 = tpu.memref_slice %arg10[%dma_wait3A_250, %dma_wait3A_251] : memref<10240x128xf32, #tpu.memory_space<vmem_shared>> -> memref<10240x128xf32, #tpu.memory_space<vmem_shared>>
        tpu.wait_indirect_dma semaphore(%run_scoped3A_232 : memref<!tpu.dma_semaphore, #tpu.memory_space<semaphore_mem>>) src(%dma_wait3A_246 : memref<128x128xf32, #tpu.memory_space<vmem>>) dst(%dma_wait3A_252 : memref<10240x128xf32, #tpu.memory_space<vmem_shared>>)
        tpu.yield
      }) : () -> ()
      %add3A_218 = arith.constant 2 : i32
      %add3A_219 = arith.addi %add3A_205, %add3A_218 : i32
      %dma_start3A_220 = arith.constant 1 : i32
      %dma_start3A_221 = arith.constant 0 : i32
      %dma_start3A_222 = arith.constant 0 : i32
      %dma_start3A_223 = tpu.memref_slice %arg9[%dma_start3A_220, %dma_start3A_221, %dma_start3A_222] : memref<2x128x128xf32, #tpu.memory_space<vmem>> -> memref<1x128x128xf32, #tpu.memory_space<vmem>>
      %dma_start3A_224 = tpu.memref_squeeze %dma_start3A_223 : memref<1x128x128xf32, #tpu.memory_space<vmem>> -> memref<128x128xf32, #tpu.memory_space<vmem>>
      %dma_start3A_225 = arith.constant 0 : i32
      %dma_start3A_226 = tpu.memref_slice %arg7[%add3A_219, %dma_start3A_225] : memref<40x128xi32, #tpu.memory_space<vmem>> -> memref<1x128xi32, #tpu.memory_space<vmem>>
      %dma_start3A_227 = tpu.memref_squeeze %dma_start3A_226 : memref<1x128xi32, #tpu.memory_space<vmem>> -> memref<128xi32, #tpu.memory_space<vmem>>
      %dma_start3A_228 = arith.constant 0 : i32
      %dma_start3A_229 = arith.constant 0 : i32
      %dma_start3A_230 = tpu.memref_slice %arg2[%dma_start3A_228, %dma_start3A_229] : memref<10000x128xf32, #tpu.memory_space<hbm>> -> memref<10000x128xf32, #tpu.memory_space<hbm>>
      tpu.enqueue_indirect_dma source(%dma_start3A_230 : memref<10000x128xf32, #tpu.memory_space<hbm>>) target(%dma_start3A_224 : memref<128x128xf32, #tpu.memory_space<vmem>>) offsets(%dma_start3A_227 : memref<128xi32, #tpu.memory_space<vmem>>) semaphore(%arg12 : memref<!tpu.dma_semaphore, #tpu.memory_space<semaphore_mem>>)
      %scan3A_231 = arith.constant 0 : i32
      scf.yield %scan3A_231 : i32
    }
    %scan3A_134 = arith.constant 19 : i32
    %dma_wait3A_135 = arith.constant 38 : i32
    %dma_wait3A_136 = arith.constant 0 : i32
    %dma_wait3A_137 = arith.constant 0 : i32
    %dma_wait3A_138 = arith.constant 0 : i32
    %dma_wait3A_139 = tpu.memref_slice %arg9[%dma_wait3A_136, %dma_wait3A_137, %dma_wait3A_138] : memref<2x128x128xf32, #tpu.memory_space<vmem>> -> memref<1x128x128xf32, #tpu.memory_space<vmem>>
    %dma_wait3A_140 = tpu.memref_squeeze %dma_wait3A_139 : memref<1x128x128xf32, #tpu.memory_space<vmem>> -> memref<128x128xf32, #tpu.memory_space<vmem>>
    %dma_wait3A_141 = arith.constant 0 : i32
    %dma_wait3A_142 = tpu.memref_slice %arg7[%dma_wait3A_135, %dma_wait3A_141] : memref<40x128xi32, #tpu.memory_space<vmem>> -> memref<1x128xi32, #tpu.memory_space<vmem>>
    %dma_wait3A_143 = tpu.memref_squeeze %dma_wait3A_142 : memref<1x128xi32, #tpu.memory_space<vmem>> -> memref<128xi32, #tpu.memory_space<vmem>>
    %dma_wait3A_144 = arith.constant 0 : i32
    %dma_wait3A_145 = arith.constant 0 : i32
    %dma_wait3A_146 = tpu.memref_slice %arg2[%dma_wait3A_144, %dma_wait3A_145] : memref<10000x128xf32, #tpu.memory_space<hbm>> -> memref<10000x128xf32, #tpu.memory_space<hbm>>
    tpu.wait_indirect_dma semaphore(%arg11 : memref<!tpu.dma_semaphore, #tpu.memory_space<semaphore_mem>>) src(%dma_wait3A_146 : memref<10000x128xf32, #tpu.memory_space<hbm>>) dst(%dma_wait3A_140 : memref<128x128xf32, #tpu.memory_space<vmem>>)
    %run_scoped3A_147 = arith.constant 0 : i32
    %run_scoped3A_148 = arith.constant 38 : i32
    "tpu.region"() ({
      %run_scoped3A_171 = tpu.sem_alloc : memref<!tpu.dma_semaphore, #tpu.memory_space<semaphore_mem>>
      %dma_start3A_172 = arith.constant 0 : i32
      %dma_start3A_173 = arith.constant 0 : i32
      %dma_start3A_174 = tpu.memref_slice %arg9[%run_scoped3A_147, %dma_start3A_172, %dma_start3A_173] : memref<2x128x128xf32, #tpu.memory_space<vmem>> -> memref<1x128x128xf32, #tpu.memory_space<vmem>>
      %dma_start3A_175 = tpu.memref_squeeze %dma_start3A_174 : memref<1x128x128xf32, #tpu.memory_space<vmem>> -> memref<128x128xf32, #tpu.memory_space<vmem>>
      %dma_start3A_176 = arith.constant 0 : i32
      %dma_start3A_177 = tpu.memref_slice %arg8[%run_scoped3A_148, %dma_start3A_176] : memref<40x128xi32, #tpu.memory_space<vmem>> -> memref<1x128xi32, #tpu.memory_space<vmem>>
      %dma_start3A_178 = tpu.memref_squeeze %dma_start3A_177 : memref<1x128xi32, #tpu.memory_space<vmem>> -> memref<128xi32, #tpu.memory_space<vmem>>
      %dma_start3A_179 = arith.constant 0 : i32
      %dma_start3A_180 = arith.constant 0 : i32
      %dma_start3A_181 = tpu.memref_slice %arg10[%dma_start3A_179, %dma_start3A_180] : memref<10240x128xf32, #tpu.memory_space<vmem_shared>> -> memref<10240x128xf32, #tpu.memory_space<vmem_shared>>
      tpu.enqueue_indirect_dma source(%dma_start3A_175 : memref<128x128xf32, #tpu.memory_space<vmem>>) target(%dma_start3A_181 : memref<10240x128xf32, #tpu.memory_space<vmem_shared>>) offsets(%dma_start3A_178 : memref<128xi32, #tpu.memory_space<vmem>>) semaphore(%run_scoped3A_171 : memref<!tpu.dma_semaphore, #tpu.memory_space<semaphore_mem>>) {add = true}
      %dma_wait3A_182 = arith.constant 0 : i32
      %dma_wait3A_183 = arith.constant 0 : i32
      %dma_wait3A_184 = tpu.memref_slice %arg9[%run_scoped3A_147, %dma_wait3A_182, %dma_wait3A_183] : memref<2x128x128xf32, #tpu.memory_space<vmem>> -> memref<1x128x128xf32, #tpu.memory_space<vmem>>
      %dma_wait3A_185 = tpu.memref_squeeze %dma_wait3A_184 : memref<1x128x128xf32, #tpu.memory_space<vmem>> -> memref<128x128xf32, #tpu.memory_space<vmem>>
      %dma_wait3A_186 = arith.constant 0 : i32
      %dma_wait3A_187 = tpu.memref_slice %arg8[%run_scoped3A_148, %dma_wait3A_186] : memref<40x128xi32, #tpu.memory_space<vmem>> -> memref<1x128xi32, #tpu.memory_space<vmem>>
      %dma_wait3A_188 = tpu.memref_squeeze %dma_wait3A_187 : memref<1x128xi32, #tpu.memory_space<vmem>> -> memref<128xi32, #tpu.memory_space<vmem>>
      %dma_wait3A_189 = arith.constant 0 : i32
      %dma_wait3A_190 = arith.constant 0 : i32
      %dma_wait3A_191 = tpu.memref_slice %arg10[%dma_wait3A_189, %dma_wait3A_190] : memref<10240x128xf32, #tpu.memory_space<vmem_shared>> -> memref<10240x128xf32, #tpu.memory_space<vmem_shared>>
      tpu.wait_indirect_dma semaphore(%run_scoped3A_171 : memref<!tpu.dma_semaphore, #tpu.memory_space<semaphore_mem>>) src(%dma_wait3A_185 : memref<128x128xf32, #tpu.memory_space<vmem>>) dst(%dma_wait3A_191 : memref<10240x128xf32, #tpu.memory_space<vmem_shared>>)
      tpu.yield
    }) : () -> ()
    %dma_wait3A_149 = arith.constant 39 : i32
    %dma_wait3A_150 = arith.constant 1 : i32
    %dma_wait3A_151 = arith.constant 0 : i32
    %dma_wait3A_152 = arith.constant 0 : i32
    %dma_wait3A_153 = tpu.memref_slice %arg9[%dma_wait3A_150, %dma_wait3A_151, %dma_wait3A_152] : memref<2x128x128xf32, #tpu.memory_space<vmem>> -> memref<1x128x128xf32, #tpu.memory_space<vmem>>
    %dma_wait3A_154 = tpu.memref_squeeze %dma_wait3A_153 : memref<1x128x128xf32, #tpu.memory_space<vmem>> -> memref<128x128xf32, #tpu.memory_space<vmem>>
    %dma_wait3A_155 = arith.constant 0 : i32
    %dma_wait3A_156 = tpu.memref_slice %arg7[%dma_wait3A_149, %dma_wait3A_155] : memref<40x128xi32, #tpu.memory_space<vmem>> -> memref<1x128xi32, #tpu.memory_space<vmem>>
    %dma_wait3A_157 = tpu.memref_squeeze %dma_wait3A_156 : memref<1x128xi32, #tpu.memory_space<vmem>> -> memref<128xi32, #tpu.memory_space<vmem>>
    %dma_wait3A_158 = arith.constant 0 : i32
    %dma_wait3A_159 = arith.constant 0 : i32
    %dma_wait3A_160 = tpu.memref_slice %arg2[%dma_wait3A_158, %dma_wait3A_159] : memref<10000x128xf32, #tpu.memory_space<hbm>> -> memref<10000x128xf32, #tpu.memory_space<hbm>>
    tpu.wait_indirect_dma semaphore(%arg12 : memref<!tpu.dma_semaphore, #tpu.memory_space<semaphore_mem>>) src(%dma_wait3A_160 : memref<10000x128xf32, #tpu.memory_space<hbm>>) dst(%dma_wait3A_154 : memref<128x128xf32, #tpu.memory_space<vmem>>)
    %run_scoped3A_161 = arith.constant 1 : i32
    %run_scoped3A_162 = arith.constant 39 : i32
    "tpu.region"() ({
      %run_scoped3A_171 = tpu.sem_alloc : memref<!tpu.dma_semaphore, #tpu.memory_space<semaphore_mem>>
      %dma_start3A_172 = arith.constant 0 : i32
      %dma_start3A_173 = arith.constant 0 : i32
      %dma_start3A_174 = tpu.memref_slice %arg9[%run_scoped3A_161, %dma_start3A_172, %dma_start3A_173] : memref<2x128x128xf32, #tpu.memory_space<vmem>> -> memref<1x128x128xf32, #tpu.memory_space<vmem>>
      %dma_start3A_175 = tpu.memref_squeeze %dma_start3A_174 : memref<1x128x128xf32, #tpu.memory_space<vmem>> -> memref<128x128xf32, #tpu.memory_space<vmem>>
      %dma_start3A_176 = arith.constant 0 : i32
      %dma_start3A_177 = tpu.memref_slice %arg8[%run_scoped3A_162, %dma_start3A_176] : memref<40x128xi32, #tpu.memory_space<vmem>> -> memref<1x128xi32, #tpu.memory_space<vmem>>
      %dma_start3A_178 = tpu.memref_squeeze %dma_start3A_177 : memref<1x128xi32, #tpu.memory_space<vmem>> -> memref<128xi32, #tpu.memory_space<vmem>>
      %dma_start3A_179 = arith.constant 0 : i32
      %dma_start3A_180 = arith.constant 0 : i32
      %dma_start3A_181 = tpu.memref_slice %arg10[%dma_start3A_179, %dma_start3A_180] : memref<10240x128xf32, #tpu.memory_space<vmem_shared>> -> memref<10240x128xf32, #tpu.memory_space<vmem_shared>>
      tpu.enqueue_indirect_dma source(%dma_start3A_175 : memref<128x128xf32, #tpu.memory_space<vmem>>) target(%dma_start3A_181 : memref<10240x128xf32, #tpu.memory_space<vmem_shared>>) offsets(%dma_start3A_178 : memref<128xi32, #tpu.memory_space<vmem>>) semaphore(%run_scoped3A_171 : memref<!tpu.dma_semaphore, #tpu.memory_space<semaphore_mem>>) {add = true}
      %dma_wait3A_182 = arith.constant 0 : i32
      %dma_wait3A_183 = arith.constant 0 : i32
      %dma_wait3A_184 = tpu.memref_slice %arg9[%run_scoped3A_161, %dma_wait3A_182, %dma_wait3A_183] : memref<2x128x128xf32, #tpu.memory_space<vmem>> -> memref<1x128x128xf32, #tpu.memory_space<vmem>>
      %dma_wait3A_185 = tpu.memref_squeeze %dma_wait3A_184 : memref<1x128x128xf32, #tpu.memory_space<vmem>> -> memref<128x128xf32, #tpu.memory_space<vmem>>
      %dma_wait3A_186 = arith.constant 0 : i32
      %dma_wait3A_187 = tpu.memref_slice %arg8[%run_scoped3A_162, %dma_wait3A_186] : memref<40x128xi32, #tpu.memory_space<vmem>> -> memref<1x128xi32, #tpu.memory_space<vmem>>
      %dma_wait3A_188 = tpu.memref_squeeze %dma_wait3A_187 : memref<1x128xi32, #tpu.memory_space<vmem>> -> memref<128xi32, #tpu.memory_space<vmem>>
      %dma_wait3A_189 = arith.constant 0 : i32
      %dma_wait3A_190 = arith.constant 0 : i32
      %dma_wait3A_191 = tpu.memref_slice %arg10[%dma_wait3A_189, %dma_wait3A_190] : memref<10240x128xf32, #tpu.memory_space<vmem_shared>> -> memref<10240x128xf32, #tpu.memory_space<vmem_shared>>
      tpu.wait_indirect_dma semaphore(%run_scoped3A_171 : memref<!tpu.dma_semaphore, #tpu.memory_space<semaphore_mem>>) src(%dma_wait3A_185 : memref<128x128xf32, #tpu.memory_space<vmem>>) dst(%dma_wait3A_191 : memref<10240x128xf32, #tpu.memory_space<vmem_shared>>)
      tpu.yield
    }) : () -> ()
    %barrier3A_163 = arith.constant 0 : index
    tpu.barrier barrier_id(%barrier3A_163)
    %eq3A = arith.constant 0 : i32
    %eq3A_164 = arith.cmpi eq, %arg0, %eq3A : i32
    %convert_element_type3A = arith.extui %eq3A_164 : i1 to i32
    %cond3A = arith.constant 0 : i32
    %cond3A_165 = arith.cmpi ne, %convert_element_type3A, %cond3A : i32
    scf.if %cond3A_165 {
      %mul3A_171 = arith.constant 640 : i32
      %mul3A_172 = arith.muli %arg1, %mul3A_171 : i32
      %mul3A_173 = arith.constant 640 : i32
      %mul3A_174 = arith.muli %arg1, %mul3A_173 : i32
      "tpu.region"() ({
        %run_scoped3A_175 = tpu.sem_alloc : memref<!tpu.dma_semaphore, #tpu.memory_space<semaphore_mem>>
        %dma_start3A_176 = arith.constant 0 : i32
        %dma_start3A_177 = tpu.memref_slice %arg5[%mul3A_174, %dma_start3A_176] : memref<10240x128xf32, #tpu.memory_space<hbm>> -> memref<640x128xf32, #tpu.memory_space<hbm>>
        %dma_start3A_178 = arith.constant 0 : i32
        %dma_start3A_179 = tpu.memref_slice %arg10[%mul3A_172, %dma_start3A_178] : memref<10240x128xf32, #tpu.memory_space<vmem_shared>> -> memref<640x128xf32, #tpu.memory_space<vmem_shared>>
        tpu.enqueue_dma source(%dma_start3A_179 : memref<640x128xf32, #tpu.memory_space<vmem_shared>>) target(%dma_start3A_177 : memref<640x128xf32, #tpu.memory_space<hbm>>) target_semaphore(%run_scoped3A_175 : memref<!tpu.dma_semaphore, #tpu.memory_space<semaphore_mem>>)
        %dma_wait3A_180 = arith.constant 0 : i32
        %dma_wait3A_181 = tpu.memref_slice %arg5[%mul3A_174, %dma_wait3A_180] : memref<10240x128xf32, #tpu.memory_space<hbm>> -> memref<640x128xf32, #tpu.memory_space<hbm>>
        %dma_wait3A_182 = arith.constant 0 : i32
        %dma_wait3A_183 = tpu.memref_slice %arg10[%mul3A_172, %dma_wait3A_182] : memref<10240x128xf32, #tpu.memory_space<vmem_shared>> -> memref<640x128xf32, #tpu.memory_space<vmem_shared>>
        tpu.wait_dma2 semaphore(%run_scoped3A_175 : memref<!tpu.dma_semaphore, #tpu.memory_space<semaphore_mem>>) src(%dma_wait3A_183 : memref<640x128xf32, #tpu.memory_space<vmem_shared>>) dst(%dma_wait3A_181 : memref<640x128xf32, #tpu.memory_space<hbm>>)
        tpu.yield
      }) : () -> ()
    } else {
    }
    %eq3A_166 = arith.constant 1 : i32
    %eq3A_167 = arith.cmpi eq, %arg0, %eq3A_166 : i32
    %convert_element_type3A_168 = arith.extui %eq3A_167 : i1 to i32
    %cond3A_169 = arith.constant 0 : i32
    %cond3A_170 = arith.cmpi ne, %convert_element_type3A_168, %cond3A_169 : i32
    scf.if %cond3A_170 {
      %mul3A_171 = arith.constant 640 : i32
      %mul3A_172 = arith.muli %arg1, %mul3A_171 : i32
      %mul3A_173 = arith.constant 640 : i32
      %mul3A_174 = arith.muli %arg1, %mul3A_173 : i32
      "tpu.region"() ({
        %run_scoped3A_175 = tpu.sem_alloc : memref<!tpu.dma_semaphore, #tpu.memory_space<semaphore_mem>>
        %dma_start3A_176 = arith.constant 0 : i32
        %dma_start3A_177 = tpu.memref_slice %arg6[%mul3A_174, %dma_start3A_176] : memref<10240x128xf32, #tpu.memory_space<hbm>> -> memref<640x128xf32, #tpu.memory_space<hbm>>
        %dma_start3A_178 = arith.constant 0 : i32
        %dma_start3A_179 = tpu.memref_slice %arg10[%mul3A_172, %dma_start3A_178] : memref<10240x128xf32, #tpu.memory_space<vmem_shared>> -> memref<640x128xf32, #tpu.memory_space<vmem_shared>>
        tpu.enqueue_dma source(%dma_start3A_179 : memref<640x128xf32, #tpu.memory_space<vmem_shared>>) target(%dma_start3A_177 : memref<640x128xf32, #tpu.memory_space<hbm>>) target_semaphore(%run_scoped3A_175 : memref<!tpu.dma_semaphore, #tpu.memory_space<semaphore_mem>>)
        %dma_wait3A_180 = arith.constant 0 : i32
        %dma_wait3A_181 = tpu.memref_slice %arg6[%mul3A_174, %dma_wait3A_180] : memref<10240x128xf32, #tpu.memory_space<hbm>> -> memref<640x128xf32, #tpu.memory_space<hbm>>
        %dma_wait3A_182 = arith.constant 0 : i32
        %dma_wait3A_183 = tpu.memref_slice %arg10[%mul3A_172, %dma_wait3A_182] : memref<10240x128xf32, #tpu.memory_space<vmem_shared>> -> memref<640x128xf32, #tpu.memory_space<vmem_shared>>
        tpu.wait_dma2 semaphore(%run_scoped3A_175 : memref<!tpu.dma_semaphore, #tpu.memory_space<semaphore_mem>>) src(%dma_wait3A_183 : memref<640x128xf32, #tpu.memory_space<vmem_shared>>) dst(%dma_wait3A_181 : memref<640x128xf32, #tpu.memory_space<hbm>>)
        tpu.yield
      }) : () -> ()
    } else {
    }
    return
  }
}

module attributes {stable_mosaic.version = 14 : i64} {
  func.func @_mm_first_body(%arg0: i32, %arg1: memref<1024x128xf32, #tpu.memory_space<vmem>>, %arg2: memref<128x128xf32, #tpu.memory_space<vmem>>, %arg3: memref<1024x1xf32, #tpu.memory_space<vmem>>, %arg4: memref<1024x1xf32, #tpu.memory_space<vmem>>, %arg5: memref<1024x128xf32, #tpu.memory_space<vmem>>) attributes {dimension_semantics = [#tpu.dimension_semantics<arbitrary>], iteration_bounds = array<i64: 10>, scalar_prefetch = 0 : i64, scratch_operands = 0 : i64, tpu.core_type = #tpu.core_type<tc>, window_params = [{transform_indices = @transform_0, window_bounds = array<i64: 1024, 128>}, {pipeline_mode = #tpu.pipeline_mode<synchronous>, transform_indices = @transform_1, window_bounds = array<i64: 128, 128>}, {transform_indices = @transform_2, window_bounds = array<i64: 1024, 1>}, {transform_indices = @transform_3, window_bounds = array<i64: 1024, 1>}, {transform_indices = @transform_4, window_bounds = array<i64: 1024, 128>}]} {
    %get3A = arith.constant 0 : index
    %get3A_0 = arith.constant 0 : index
    %get3A_1 = vector.load %arg3[%get3A, %get3A_0] : memref<1024x1xf32, #tpu.memory_space<vmem>>, vector<1024x1xf32>
    %get3A_2 = arith.constant 0 : index
    %get3A_3 = arith.constant 0 : index
    %get3A_4 = vector.load %arg4[%get3A_2, %get3A_3] : memref<1024x1xf32, #tpu.memory_space<vmem>>, vector<1024x1xf32>
    %add3A = arith.addf %get3A_1, %get3A_4 : vector<1024x1xf32>
    %add3A_5 = arith.constant 1.000000e+00 : f32
    %add3A_6 = vector.broadcast %add3A_5 : f32 to vector<1024x1xf32>
    %add3A_7 = arith.addf %add3A, %add3A_6 : vector<1024x1xf32>
    %rsqrt3A = math.rsqrt %add3A_7 : vector<1024x1xf32>
    %get3A_8 = arith.constant 0 : index
    %get3A_9 = arith.constant 0 : index
    %get3A_10 = vector.load %arg1[%get3A_8, %get3A_9] : memref<1024x128xf32, #tpu.memory_space<vmem>>, vector<1024x128xf32>
    %get3A_11 = arith.constant 0 : index
    %get3A_12 = arith.constant 0 : index
    %get3A_13 = vector.load %arg2[%get3A_11, %get3A_12] : memref<128x128xf32, #tpu.memory_space<vmem>>, vector<128x128xf32>
    %dot_general3A = arith.constant dense<0.000000e+00> : vector<1024x128xf32>
    %dot_general3A_14 = tpu.matmul %get3A_10, %get3A_13, %dot_general3A {dimension_numbers = #tpu.dot_dimension_numbers<[1], [0], [0], [1], [0, 0, 1, 1], [], []>, transpose_lhs_hint = false} : vector<1024x128xf32>, vector<128x128xf32>, vector<1024x128xf32> -> vector<1024x128xf32>
    %mul3A = vector.broadcast %rsqrt3A : vector<1024x1xf32> to vector<1024x128xf32>
    %mul3A_15 = arith.mulf %dot_general3A_14, %mul3A : vector<1024x128xf32>
    %swap3A = arith.constant 0 : index
    %swap3A_16 = arith.constant 0 : index
    %swap3A_17 = vector.load %arg5[%swap3A, %swap3A_16] : memref<1024x128xf32, #tpu.memory_space<vmem>>, vector<1024x128xf32>
    tpu.vector_store %arg5[%swap3A, %swap3A_16], %mul3A_15 {strides = array<i32>} : memref<1024x128xf32, #tpu.memory_space<vmem>>, vector<1024x128xf32>,
    return
  }
  func.func @transform_0(%arg0: i32) -> (i32, i32) {
    %c0_i32 = arith.constant 0 : i32
    %c0_i32_0 = arith.constant 0 : i32
    return %arg0, %c0_i32 : i32, i32
  }
  func.func @transform_1(%arg0: i32) -> (i32, i32) {
    %c0_i32 = arith.constant 0 : i32
    %c0_i32_0 = arith.constant 0 : i32
    %c0_i32_1 = arith.constant 0 : i32
    return %c0_i32, %c0_i32_0 : i32, i32
  }
  func.func @transform_2(%arg0: i32) -> (i32, i32) {
    %c0_i32 = arith.constant 0 : i32
    %c0_i32_0 = arith.constant 0 : i32
    return %arg0, %c0_i32 : i32, i32
  }
  func.func @transform_3(%arg0: i32) -> (i32, i32) {
    %c0_i32 = arith.constant 0 : i32
    %c0_i32_0 = arith.constant 0 : i32
    return %arg0, %c0_i32 : i32, i32
  }
  func.func @transform_4(%arg0: i32) -> (i32, i32) {
    %c0_i32 = arith.constant 0 : i32
    %c0_i32_0 = arith.constant 0 : i32
    return %arg0, %c0_i32 : i32, i32
  }
}

module attributes {stable_mosaic.version = 14 : i64} {
  func.func @_mm_mid_body(%arg0: i32, %arg1: memref<1024x128xf32, #tpu.memory_space<vmem>>, %arg2: memref<1024x128xf32, #tpu.memory_space<vmem>>, %arg3: memref<1024x128xf32, #tpu.memory_space<vmem>>, %arg4: memref<1024x1xf32, #tpu.memory_space<vmem>>, %arg5: memref<1024x1xf32, #tpu.memory_space<vmem>>, %arg6: memref<1x128xf32, #tpu.memory_space<vmem>>, %arg7: memref<128x128xf32, #tpu.memory_space<vmem>>, %arg8: memref<1024x128xf32, #tpu.memory_space<vmem>>) attributes {dimension_semantics = [#tpu.dimension_semantics<arbitrary>], iteration_bounds = array<i64: 10>, scalar_prefetch = 0 : i64, scratch_operands = 0 : i64, tpu.core_type = #tpu.core_type<tc>, window_params = [{transform_indices = @transform_0, window_bounds = array<i64: 1024, 128>}, {transform_indices = @transform_1, window_bounds = array<i64: 1024, 128>}, {transform_indices = @transform_2, window_bounds = array<i64: 1024, 128>}, {transform_indices = @transform_3, window_bounds = array<i64: 1024, 1>}, {transform_indices = @transform_4, window_bounds = array<i64: 1024, 1>}, {pipeline_mode = #tpu.pipeline_mode<synchronous>, transform_indices = @transform_5, window_bounds = array<i64: 1, 128>}, {pipeline_mode = #tpu.pipeline_mode<synchronous>, transform_indices = @transform_6, window_bounds = array<i64: 128, 128>}, {transform_indices = @transform_7, window_bounds = array<i64: 1024, 128>}]} {
    %get3A = arith.constant 0 : index
    %get3A_0 = arith.constant 0 : index
    %get3A_1 = vector.load %arg4[%get3A, %get3A_0] : memref<1024x1xf32, #tpu.memory_space<vmem>>, vector<1024x1xf32>
    %get3A_2 = arith.constant 0 : index
    %get3A_3 = arith.constant 0 : index
    %get3A_4 = vector.load %arg5[%get3A_2, %get3A_3] : memref<1024x1xf32, #tpu.memory_space<vmem>>, vector<1024x1xf32>
    %add3A = arith.addf %get3A_1, %get3A_4 : vector<1024x1xf32>
    %add3A_5 = arith.constant 1.000000e+00 : f32
    %add3A_6 = vector.broadcast %add3A_5 : f32 to vector<1024x1xf32>
    %add3A_7 = arith.addf %add3A, %add3A_6 : vector<1024x1xf32>
    %rsqrt3A = math.rsqrt %add3A_7 : vector<1024x1xf32>
    %get3A_8 = arith.constant 0 : index
    %get3A_9 = arith.constant 0 : index
    %get3A_10 = vector.load %arg1[%get3A_8, %get3A_9] : memref<1024x128xf32, #tpu.memory_space<vmem>>, vector<1024x128xf32>
    %get3A_11 = arith.constant 0 : index
    %get3A_12 = arith.constant 0 : index
    %get3A_13 = vector.load %arg2[%get3A_11, %get3A_12] : memref<1024x128xf32, #tpu.memory_space<vmem>>, vector<1024x128xf32>
    %add3A_14 = arith.addf %get3A_10, %get3A_13 : vector<1024x128xf32>
    %get3A_15 = arith.constant 0 : index
    %get3A_16 = arith.constant 0 : index
    %get3A_17 = vector.load %arg3[%get3A_15, %get3A_16] : memref<1024x128xf32, #tpu.memory_space<vmem>>, vector<1024x128xf32>
    %add3A_18 = arith.addf %add3A_14, %get3A_17 : vector<1024x128xf32>
    %mul3A = vector.broadcast %rsqrt3A : vector<1024x1xf32> to vector<1024x128xf32>
    %mul3A_19 = arith.mulf %mul3A, %add3A_18 : vector<1024x128xf32>
    %get3A_20 = arith.constant 0 : index
    %get3A_21 = arith.constant 0 : index
    %get3A_22 = vector.load %arg6[%get3A_20, %get3A_21] : memref<1x128xf32, #tpu.memory_space<vmem>>, vector<1x128xf32>
    %add3A_23 = vector.broadcast %get3A_22 : vector<1x128xf32> to vector<1024x128xf32>
    %add3A_24 = arith.addf %mul3A_19, %add3A_23 : vector<1024x128xf32>
    %max3A = arith.constant 0.000000e+00 : f32
    %max3A_25 = vector.broadcast %max3A : f32 to vector<1024x128xf32>
    %max3A_26 = arith.maximumf %add3A_24, %max3A_25 : vector<1024x128xf32>
    %get3A_27 = arith.constant 0 : index
    %get3A_28 = arith.constant 0 : index
    %get3A_29 = vector.load %arg7[%get3A_27, %get3A_28] : memref<128x128xf32, #tpu.memory_space<vmem>>, vector<128x128xf32>
    %dot_general3A = arith.constant dense<0.000000e+00> : vector<1024x128xf32>
    %dot_general3A_30 = tpu.matmul %max3A_26, %get3A_29, %dot_general3A {dimension_numbers = #tpu.dot_dimension_numbers<[1], [0], [0], [1], [0, 0, 1, 1], [], []>, transpose_lhs_hint = false} : vector<1024x128xf32>, vector<128x128xf32>, vector<1024x128xf32> -> vector<1024x128xf32>
    %mul3A_31 = vector.broadcast %rsqrt3A : vector<1024x1xf32> to vector<1024x128xf32>
    %mul3A_32 = arith.mulf %dot_general3A_30, %mul3A_31 : vector<1024x128xf32>
    %swap3A = arith.constant 0 : index
    %swap3A_33 = arith.constant 0 : index
    %swap3A_34 = vector.load %arg8[%swap3A, %swap3A_33] : memref<1024x128xf32, #tpu.memory_space<vmem>>, vector<1024x128xf32>
    tpu.vector_store %arg8[%swap3A, %swap3A_33], %mul3A_32 {strides = array<i32>} : memref<1024x128xf32, #tpu.memory_space<vmem>>, vector<1024x128xf32>,
    return
  }
  func.func @transform_0(%arg0: i32) -> (i32, i32) {
    %c0_i32 = arith.constant 0 : i32
    %c0_i32_0 = arith.constant 0 : i32
    return %arg0, %c0_i32 : i32, i32
  }
  func.func @transform_1(%arg0: i32) -> (i32, i32) {
    %c0_i32 = arith.constant 0 : i32
    %c0_i32_0 = arith.constant 0 : i32
    return %arg0, %c0_i32 : i32, i32
  }
  func.func @transform_2(%arg0: i32) -> (i32, i32) {
    %c0_i32 = arith.constant 0 : i32
    %c0_i32_0 = arith.constant 0 : i32
    return %arg0, %c0_i32 : i32, i32
  }
  func.func @transform_3(%arg0: i32) -> (i32, i32) {
    %c0_i32 = arith.constant 0 : i32
    %c0_i32_0 = arith.constant 0 : i32
    return %arg0, %c0_i32 : i32, i32
  }
  func.func @transform_4(%arg0: i32) -> (i32, i32) {
    %c0_i32 = arith.constant 0 : i32
    %c0_i32_0 = arith.constant 0 : i32
    return %arg0, %c0_i32 : i32, i32
  }
  func.func @transform_5(%arg0: i32) -> (i32, i32) {
    %c0_i32 = arith.constant 0 : i32
    %c0_i32_0 = arith.constant 0 : i32
    %c0_i32_1 = arith.constant 0 : i32
    return %c0_i32, %c0_i32_0 : i32, i32
  }
  func.func @transform_6(%arg0: i32) -> (i32, i32) {
    %c0_i32 = arith.constant 0 : i32
    %c0_i32_0 = arith.constant 0 : i32
    %c0_i32_1 = arith.constant 0 : i32
    return %c0_i32, %c0_i32_0 : i32, i32
  }
  func.func @transform_7(%arg0: i32) -> (i32, i32) {
    %c0_i32 = arith.constant 0 : i32
    %c0_i32_0 = arith.constant 0 : i32
    return %arg0, %c0_i32 : i32, i32
  }
}

module attributes {stable_mosaic.version = 14 : i64} {
  func.func @_epi_body(%arg0: i32, %arg1: memref<1024x128xf32, #tpu.memory_space<vmem>>, %arg2: memref<1024x128xf32, #tpu.memory_space<vmem>>, %arg3: memref<1024x128xf32, #tpu.memory_space<vmem>>, %arg4: memref<1024x1xf32, #tpu.memory_space<vmem>>, %arg5: memref<1024x1xf32, #tpu.memory_space<vmem>>, %arg6: memref<1x128xf32, #tpu.memory_space<vmem>>, %arg7: memref<1024x128xf32, #tpu.memory_space<vmem>>) attributes {dimension_semantics = [#tpu.dimension_semantics<arbitrary>], iteration_bounds = array<i64: 10>, scalar_prefetch = 0 : i64, scratch_operands = 0 : i64, tpu.core_type = #tpu.core_type<tc>, window_params = [{transform_indices = @transform_0, window_bounds = array<i64: 1024, 128>}, {transform_indices = @transform_1, window_bounds = array<i64: 1024, 128>}, {transform_indices = @transform_2, window_bounds = array<i64: 1024, 128>}, {transform_indices = @transform_3, window_bounds = array<i64: 1024, 1>}, {transform_indices = @transform_4, window_bounds = array<i64: 1024, 1>}, {pipeline_mode = #tpu.pipeline_mode<synchronous>, transform_indices = @transform_5, window_bounds = array<i64: 1, 128>}, {transform_indices = @transform_6, window_bounds = array<i64: 1024, 128>}]} {
    %get3A = arith.constant 0 : index
    %get3A_0 = arith.constant 0 : index
    %get3A_1 = vector.load %arg4[%get3A, %get3A_0] : memref<1024x1xf32, #tpu.memory_space<vmem>>, vector<1024x1xf32>
    %get3A_2 = arith.constant 0 : index
    %get3A_3 = arith.constant 0 : index
    %get3A_4 = vector.load %arg5[%get3A_2, %get3A_3] : memref<1024x1xf32, #tpu.memory_space<vmem>>, vector<1024x1xf32>
    %add3A = arith.addf %get3A_1, %get3A_4 : vector<1024x1xf32>
    %add3A_5 = arith.constant 1.000000e+00 : f32
    %add3A_6 = vector.broadcast %add3A_5 : f32 to vector<1024x1xf32>
    %add3A_7 = arith.addf %add3A, %add3A_6 : vector<1024x1xf32>
    %rsqrt3A = math.rsqrt %add3A_7 : vector<1024x1xf32>
    %get3A_8 = arith.constant 0 : index
    %get3A_9 = arith.constant 0 : index
    %get3A_10 = vector.load %arg1[%get3A_8, %get3A_9] : memref<1024x128xf32, #tpu.memory_space<vmem>>, vector<1024x128xf32>
    %get3A_11 = arith.constant 0 : index
    %get3A_12 = arith.constant 0 : index
    %get3A_13 = vector.load %arg2[%get3A_11, %get3A_12] : memref<1024x128xf32, #tpu.memory_space<vmem>>, vector<1024x128xf32>
    %add3A_14 = arith.addf %get3A_10, %get3A_13 : vector<1024x128xf32>
    %get3A_15 = arith.constant 0 : index
    %get3A_16 = arith.constant 0 : index
    %get3A_17 = vector.load %arg3[%get3A_15, %get3A_16] : memref<1024x128xf32, #tpu.memory_space<vmem>>, vector<1024x128xf32>
    %add3A_18 = arith.addf %add3A_14, %get3A_17 : vector<1024x128xf32>
    %mul3A = vector.broadcast %rsqrt3A : vector<1024x1xf32> to vector<1024x128xf32>
    %mul3A_19 = arith.mulf %mul3A, %add3A_18 : vector<1024x128xf32>
    %get3A_20 = arith.constant 0 : index
    %get3A_21 = arith.constant 0 : index
    %get3A_22 = vector.load %arg6[%get3A_20, %get3A_21] : memref<1x128xf32, #tpu.memory_space<vmem>>, vector<1x128xf32>
    %add3A_23 = vector.broadcast %get3A_22 : vector<1x128xf32> to vector<1024x128xf32>
    %add3A_24 = arith.addf %mul3A_19, %add3A_23 : vector<1024x128xf32>
    %swap3A = arith.constant 0 : index
    %swap3A_25 = arith.constant 0 : index
    %swap3A_26 = vector.load %arg7[%swap3A, %swap3A_25] : memref<1024x128xf32, #tpu.memory_space<vmem>>, vector<1024x128xf32>
    tpu.vector_store %arg7[%swap3A, %swap3A_25], %add3A_24 {strides = array<i32>} : memref<1024x128xf32, #tpu.memory_space<vmem>>, vector<1024x128xf32>,
    return
  }
  func.func @transform_0(%arg0: i32) -> (i32, i32) {
    %c0_i32 = arith.constant 0 : i32
    %c0_i32_0 = arith.constant 0 : i32
    return %arg0, %c0_i32 : i32, i32
  }
  func.func @transform_1(%arg0: i32) -> (i32, i32) {
    %c0_i32 = arith.constant 0 : i32
    %c0_i32_0 = arith.constant 0 : i32
    return %arg0, %c0_i32 : i32, i32
  }
  func.func @transform_2(%arg0: i32) -> (i32, i32) {
    %c0_i32 = arith.constant 0 : i32
    %c0_i32_0 = arith.constant 0 : i32
    return %arg0, %c0_i32 : i32, i32
  }
  func.func @transform_3(%arg0: i32) -> (i32, i32) {
    %c0_i32 = arith.constant 0 : i32
    %c0_i32_0 = arith.constant 0 : i32
    return %arg0, %c0_i32 : i32, i32
  }
  func.func @transform_4(%arg0: i32) -> (i32, i32) {
    %c0_i32 = arith.constant 0 : i32
    %c0_i32_0 = arith.constant 0 : i32
    return %arg0, %c0_i32 : i32, i32
  }
  func.func @transform_5(%arg0: i32) -> (i32, i32) {
    %c0_i32 = arith.constant 0 : i32
    %c0_i32_0 = arith.constant 0 : i32
    %c0_i32_1 = arith.constant 0 : i32
    return %c0_i32, %c0_i32_0 : i32, i32
  }
  func.func @transform_6(%arg0: i32) -> (i32, i32) {
    %c0_i32 = arith.constant 0 : i32
    %c0_i32_0 = arith.constant 0 : i32
    return %arg0, %c0_i32 : i32, i32
  }
}

</mosaic_0001>

<sc_bundles>
// kernel: kernel.10.cloned.1.call-start
scs
__scs_entry_jumppad:
0x0: {  	(pc) =	sbr.rel $0x88, $3  }
0x1: {  	(tag) =	ssettag $0x0;
	lr =	simm.s32 $0x1  }
0x2: {  	[smem:$0x3F99] =	sst lr;
	_ =	strace $0xD0000000  }
0x3: {  	_ = 	snop  }
0x4: {  	_ = 	snop  }
0x5: {  	_ = 	snop  }
0x6: {  	_ = 	snop  }
0x7: {  	_ = 	snop  }
__scs_overlays_trampoline_lowered:
0x8: {  	[smem:$0x3FA8] =	sst s0  }
0x9: {  	[smem:$0x3FA9] =	sst s1  }
0xa: {  	[smem:$0x3FAA] =	sst s2  }
0xb: {  	[smem:$0x3FAB] =	sst s3  }
0xc: {  	[smem:$0x3FAC] =	sst s4  }
0xd: {  	[smem:$0x3FAD] =	sst s5  }
0xe: {  	[smem:$0x3FAE] =	sst s6  }
0xf: {  	[smem:$0x3FAF] =	sst s7  }
0x10: {  	[smem:$0x3FB0] =	sst s8  }
0x11: {  	[smem:$0x3FB1] =	sst s9;
	s0 =	simm.s32 @!p0 $0x0  }
0x12: {  	s1 =	sld [smem:$0x3F97];
	s0 =	simm.s32 @p0 $0x1  }
0x13: {  	[smem:$0x3FB2] =	sst s0;
	s0 =	simm.s32 @!p1 $0x0  }
0x14: {  	s2 =	sld [smem:$0x3F96];
	s0 =	simm.s32 @p1 $0x1  }
0x15: {  	[smem:$0x3FB3] =	sst s0;
	s0 =	simm.s32 @!p2 $0x0  }
0x16: {  	s3 =	sld [smem:$0x3FDB];
	s0 =	simm.s32 @p2 $0x1  }
0x17: {  	s4 =	simm.s32 $0x1BF5;
	[smem:$0x3FB5] =	sst s0  }
0x18: {  	s0 =	sld [smem:$0x3F98];
	_ =	swait.ge [sflag:s4], $0x0  }
0x19: {  	s7 =	sld [smem:$0x3F99]  }
0x1a: {  	s8 =	sadd.s32 $0xFFFFE003, lr  }
0x1b: {  	s9 =	sadd.s32 $0xFFFFFEF7, lr;
	s5 =	simm.s32 $0xFFFFFFFF;
	p2 =	slt.u32 s8, $0xFFFFF086  }
0x1c: {  	p1 =	slt.u32 s9, $0xF7A;
	s5 =	simm.s32 @!p2 $0x0  }
0x1d: {  	s5 =	simm.s32 @p1 $0x1;
	p0 =	seq.s32 s7, s2  }
0x1e: {  	s7 =	smul.u32 @!p0 $0xF7A, s2;
	p2 =	seq.s32 @!p0 s5, $0x0  }
0x1f: {  	s9 =	smul.u32 $0xF7A, s1;
	s8 =	simm.s32 @!p0 $0x1BF5;
	p2 =	por !p2, p0  }
0x20: {  	[sflag:s8] =	ssyncset.s32 @!p0 $0xFFFFF086;
	s6 =	sadd.s32 @!p0 s3, s7;
	s7 =	simm.s32 @!p0 $0x108  }
0x21: {  	s3 =	sadd.s32 s3, s9;
	s6 =	sadd.s32 @!p0 $0x88, s6;
	s7 =	simm.s32 @p2 $0x1082  }
0x22: {  	[simem:s7], [sflag:s8] =	dma.local @!p0 [hbm:s6], $0xF7A  }
0x23: {  	s9 =	sor.u32 $0xD0000000, s2;
	s6 =	simm.s32 $0x108;
	_ =	swait.ge @!p0 [sflag:s8], $0x0  }
0x24: {  	s3 =	sadd.s32 $0x88, s3;
	s6 =	simm.s32 @!p1 $0x1082;
	[sflag:s4] =	ssyncset.s32 $0xFFFFF086  }
0x25: {  	[simem:s6], [sflag:s4] =	dma.local [hbm:s3], $0xF7A  }
0x26: {  	[smem:$0x3F99] =	sst s1;
	(tag) =	ssettag s2;
	_ =	strace s9  }
0x27: {  	s1 =	sld [smem:$0x3FA9]  }
0x28: {  	s2 =	sld [smem:$0x3FAA]  }
0x29: {  	s4 =	sld [smem:$0x3FAC]  }
0x2a: {  	p0 =	seq.s32 s5, $0x0;
	s5 =	sld [smem:$0x3FAD]  }
0x2b: {  	s6 =	sld [smem:$0x3FAE]  }
0x2c: {  	s7 =	sld [smem:$0x3FAF]  }
0x2d: {  	s3 =	simm.s32 $0x108;
	s8 =	sld [smem:$0x3FB0]  }
0x2e: {  	s3 =	simm.s32 @!p0 $0x1082;
	s9 =	sld [smem:$0x3FB1]  }
0x2f: {  	lr =	sadd.s32 s0, s3;
	s0 =	sld [smem:$0x3FA8]  }
0x30: {  	s3 =	sld [smem:$0x3FAB]  }
0x31: {  	[smem:$0x3FB4] =	sst s10  }
0x32: {  	s10 =	sld [smem:$0x3FB2];
	_ =	sdelay $0x3  }
0x33: {  	p0 =	seq.s32 s10, $0x1;
	s10 =	sld [smem:$0x3FB4];
	_ =	sdelay $0x3  }
0x34: {  	[smem:$0x3FB4] =	sst s10  }
0x35: {  	s10 =	sld [smem:$0x3FB3];
	_ =	sdelay $0x3  }
0x36: {  	p1 =	seq.s32 s10, $0x1;
	s10 =	sld [smem:$0x3FB4];
	_ =	sdelay $0x3  }
0x37: {  	[smem:$0x3FB4] =	sst s10  }
0x38: {  	s10 =	sld [smem:$0x3FB5]  }
0x39: {  	_ = 	snop;
	(pc) =	sbr.ind lr, $3  }
0x3a: {  	_ = 	snop  }
0x3b: {  	_ = 	snop  }
0x3c: {  	p2 =	seq.s32 s10, $0x1;
	s10 =	sld [smem:$0x3FB4]  }
0x3d: {  	_ =	shalt  }
0x3e: {  	_ =	shalt  }
0x3f: {  	_ =	shalt  }
0x40: {  	_ =	shalt  }
0x41: {  	_ =	shalt  }
0x42: {  	_ =	shalt  }
0x43: {  	_ =	shalt  }
0x44: {  	_ =	shalt  }
0x45: {  	_ =	shalt  }
0x46: {  	_ =	shalt  }
0x47: {  	_ =	shalt  }
0x48: {  	_ =	shalt  }
0x49: {  	_ =	shalt  }
0x4a: {  	_ =	shalt  }
0x4b: {  	_ =	shalt  }
0x4c: {  	_ =	shalt  }
0x4d: {  	_ =	shalt  }
0x4e: {  	_ =	shalt  }
0x4f: {  	_ =	shalt  }
0x50: {  	_ =	shalt  }
0x51: {  	_ =	shalt  }
0x52: {  	_ =	shalt  }
0x53: {  	_ =	shalt  }
0x54: {  	_ =	shalt  }
0x55: {  	_ =	shalt  }
0x56: {  	_ =	shalt  }
0x57: {  	_ =	shalt  }
0x58: {  	_ =	shalt  }
0x59: {  	_ =	shalt  }
0x5a: {  	_ =	shalt  }
0x5b: {  	_ =	shalt  }
0x5c: {  	_ =	shalt  }
0x5d: {  	_ =	shalt  }
0x5e: {  	_ =	shalt  }
0x5f: {  	_ =	shalt  }
0x60: {  	_ =	shalt  }
0x61: {  	_ =	shalt  }
0x62: {  	_ =	shalt  }
0x63: {  	_ =	shalt  }
0x64: {  	_ =	shalt  }
0x65: {  	_ =	shalt  }
0x66: {  	_ =	shalt  }
0x67: {  	_ =	shalt  }
0x68: {  	_ =	shalt  }
0x69: {  	_ =	shalt  }
0x6a: {  	_ =	shalt  }
0x6b: {  	_ =	shalt  }
0x6c: {  	_ =	shalt  }
0x6d: {  	_ =	shalt  }
0x6e: {  	_ =	shalt  }
0x6f: {  	_ =	shalt  }
0x70: {  	_ =	shalt  }
0x71: {  	_ =	shalt  }
0x72: {  	_ =	shalt  }
0x73: {  	_ =	shalt  }
0x74: {  	_ =	shalt  }
0x75: {  	_ =	shalt  }
0x76: {  	_ =	shalt  }
0x77: {  	_ =	shalt  }
0x78: {  	_ =	shalt  }
0x79: {  	_ =	shalt  }
0x7a: {  	_ =	shalt  }
0x7b: {  	_ =	shalt  }
0x7c: {  	_ =	shalt  }
0x7d: {  	_ =	shalt  }
0x7e: {  	_ =	shalt  }
0x7f: {  	_ =	shalt  }
0x80: {  	_ =	shalt  }
0x81: {  	_ =	shalt  }
0x82: {  	_ =	shalt  }
0x83: {  	_ =	shalt  }
0x84: {  	_ =	shalt  }
0x85: {  	_ =	shalt  }
0x86: {  	_ =	shalt  }
0x87: {  	_ =	shalt  }
.Lfunc_end0:
.L_simem_size_0:
called_computation_lowered:
.L_overlay_start_0:
0x88: {  	s2 =	sld [smem:$0x3FD9]  }
0x89: {  	s3 =	sld [smem:$0x3FFE];
	_ =	sdelay $0x1  }
0x8a: {  	s1 =	srdreg.scid  }
0x8b: {  	s0 =	sand.u32 $0x1, s1  }
0x8c: {  	s17 =	sshll.u32 s0, $0xA;
	s2 =	sadd.s32 s3, s2  }
0x8d: {  	s2 =	sadd.s32 s2, s17  }
0x8e: {  	[smem:$0x3FC0] =	sst s2  }
0x8f: {  	_ = 	snop  }
0x90: {  	s2 =	sld [smem:$0x3FD0];
	(tm) =	ssettm $0x1  }
0x91: {  	s18 =	sld [smem:$0x3FFB];
	_ =	sdelay $0x3  }
0x92: {  	_ =	strace s18  }
0x93: {  	s3 =	sld [smem:$0x3FFC];
	_ =	sdelay $0x3  }
0x94: {  	_ =	strace s3  }
0x95: {  	s3 =	sld [smem:$0x3FFD];
	_ =	sdelay $0x3  }
0x96: {  	_ =	strace s3  }
0x97: {  	_ =	strace $0x8FFFFFFF  }
0x98: {  	s19 =	sld [smem:$0x3FDB];
	_ =	sdelay $0x1  }
0x99: {  	s4 =	simm.s32 $_scs_section_size  }
0x9a: {  	s5 =	simm.s32 $_size__tile_overlayer_lowered;
	s6 =	simm.s32 $_tile_overlayer_lowered  }
0x9b: {  	s22 =	simm.s32 $0x1BFF;
	s21 =	sshll.u32 s6, $0x1;
	s3 =	sadd.s32 s4, s19  }
0x9c: {  	s7 =	simm.s32 $0x0;
	s20 =	sshll.u32 s5, $0x1;
	s5 =	sadd.s32 s21, s3  }
0x9d: {  	[timem:s7], [sflag:s22] =	dma.local [hbm:s5], s20  }
0x9e: {  	_ =	swait.ge [sflag:s22], s20  }
0x9f: {  	s4 =	ssub.s32 $0x0, s20;
	[sflag:s22] =	ssyncset.done $0x0  }
0xa0: {  	[sflag:s22] =	ssyncadd.s32 s4;
	_ =	sdelay $0x1  }
0xa1: {  	s23 =	simm.s32 $0x1B8B  }
0xa2: {  	_ =	swait.ge [sflag:s23], $0x1  }
0xa3: {  	[sflag:s23] =	ssyncset.done $0x0  }
0xa4: {  	s25 =	simm.s32 $0x1B8E;
	s24 =	sld [smem:$0x3FFE];
	[sflag:s23] =	ssyncadd.s32 $0xFFFFFFFF  }
0xa5: {  	s26 =	simm.s32 $execute0_lowered;
	[smem:$0x3FD2] =	sst s25  }
0xa6: {  	s5 =	sshll.u32 s26, $0x1;
	_ =	strace $0x80000046;
	[dreg:$0x1] =	wrdreg $0xFFFFFFFF  }
0xa7: {  	s28 =	simm.s32 $_size_execute0_lowered;
	s3 =	sadd.s32 s3, s5;
	[dreg:$0x0] =	wrdreg $0x0  }
0xa8: {  	s5 =	sshll.u32 s28, $0x1;
	[dreg:$0x2] =	wrdreg s3  }
0xa9: {  	[dreg:$0x3] =	wrdreg s5  }
0xaa: {  	[dreg:$0x4] =	wrdreg $0xC0  }
0xab: {  	_ =	task [dreg:s7], $0x5FFFF  }
0xac: {  	[dreg:$0x1] =	wrdreg $0xFFFFFFFF  }
0xad: {  	[dreg:$0x0] =	wrdreg $0x60  }
0xae: {  	[dreg:$0x2] =	wrdreg s24  }
0xaf: {  	[dreg:$0x3] =	wrdreg s2  }
0xb0: {  	[dreg:$0x4] =	wrdreg $0x2B000  }
0xb1: {  	[dreg:$0x5] =	wrdreg $0x9  }
0xb2: {  	_ =	task.clear_ibuf [dreg:s7], $0x6FFFF;
	_ =	strace $0x90000046  }
0xb3: {  	s29 =	simm.s32 $0x9;
	_ =	strace $0x80000048  }
0xb4: {  	_ =	swait.ge [sflag:s29], $0x1  }
0xb5: {  	[sflag:s29] =	ssyncadd.s32 $0xFFFFFFFF  }
0xb6: {  	_ =	strace $0x90000048  }
0xb7: {  	_ =	sfence  }
0xb8: {  	s30 =	sld [smem:$0x0];
	_ =	sdelay $0x2  }
0xb9: {  	s31 =	sshll.u32 s1, $0xD;
	s1 =	sshrl.u32 s1, $0x2  }
0xba: {  	s3 =	sand.u32 $0x4000, s31;
	s1 =	sadd.s32 s1, s30  }
0xbb: {  	s0 =	sor.u32 s3, s0;
	s1 =	sshll.u32 s1, $0x11  }
0xbc: {  	s0 =	sor.u32 s1, s0  }
0xbd: {  	s0 =	sadd.s32 $0x8F2B, s0  }
0xbe: {  	[sflag:s0] =	ssyncadd.remote.s32 $0x1  }
0xbf: {  	_ =	sfence.sel $0xFFFF  }
0xc0: {  	[dreg:$0x0] =	wrdreg $0xFFFFFFFF;
	(pc) =	sbr.abs _section_cstart, $3  }
0xc1: {  	[dreg:$0x1] =	wrdreg $0xFFFFFFFF  }
0xc2: {  	_ =	task.clear_ibuf [dreg:s7], $0x2FFFF;
	_ =	strace $0x9FFFFFFF  }
0xc3: {  	(tm) =	ssettm $0x7FFFFFFF  }
tec
execute0_lowered:
.L_overlay_start_1:
0x0: {  	(tag) =	ssettag $0x1  }
0x1: {  	s4 =	rddreg [dreg:$0x0]  }
0x2: {  	s7 =	rddreg [dreg:$0x1]  }
0x3: {  	s1 =	srdreg.scid;
	s0 =	stileid.u32  }
0x4: {  	s2 =	rddreg [dreg:$0x2];
	s3 =	simm.s32 $0x0;
	s14 =	simm.s32 $0x0  }
0x5: {  	s6 =	sand.u32 $0x1, s1;
	s5 =	sshll.u32 s0, $0x1;
	s1 =	rddreg [dreg:$0x3]  }
0x6: {  	[smem:$0x7FF] =	sst s3;
	s10 =	smul.u32 $0x280, s0;
	s11 =	sadd.s32 $0x19A00, s4  }
0x7: {  	s12 =	sshll.u32 s0, $0x6;
	s5 =	sor.u32 s6, s5;
	s8 =	ssub.s32 $0x2, s6  }
0x8: {  	_ =	strace $0x80000047;
	p0 =	seq.s32 s6, $0x1;
	s12 =	sor.u32 $0x1C01, s12  }
0x9: {  	s5 =	smul.u32 $0x500, s5;
	s9 =	sshrl.u32 s8, $0x1;
	s31 =	sshrl.u32 s10, $0x3  }
0xa: {  	s7 =	smov.u32 @p0 s11;
	s11 =	simm.s32 $0x2800;
	s8 =	ssub.s32 s8, s9  }
0xb: {  	s7 =	sadd.s32 s7, s31;
	s9 =	simm.s32 $0x1;
	s5 =	sadd.s32 s5, s4  }
0xc: {  	s4 =	sadd.s32 s10, s2;
	s6 =	smax.u32 s8, $0x1;
	s8 =	simm.s32 $0x2880  }
0xd: {  	v0 =	vimm.f32 $1.000000000e+00;
	v1 =	vimm.f32 $0.0e+00;
	s10 =	simm.s32 $0x80;
	s5 =	sadd.s32 $0x5A00, s5;
	s13 =	sshrl.u32 s4, $0x3  }
.LBB2_1:
0xe: {  	[tilespmem:$0x2800] =	vst v0  }
0xf: {  	[tilespmem:$0x2810] =	vst v0  }
0x10: {  	[tilespmem:$0x2820] =	vst v0  }
0x11: {  	[tilespmem:$0x2830] =	vst v0  }
0x12: {  	[tilespmem:$0x2840] =	vst v0  }
0x13: {  	[tilespmem:$0x2850] =	vst v0  }
0x14: {  	[tilespmem:$0x2860] =	vst v0  }
0x15: {  	[tilespmem:$0x2870] =	vst v0  }
0x16: {  	[tilespmem:$0x2880] =	vst v1  }
0x17: {  	[tilespmem:$0x2890] =	vst v1  }
0x18: {  	[tilespmem:$0x28A0] =	vst v1  }
0x19: {  	[tilespmem:$0x28B0] =	vst v1  }
0x1a: {  	[tilespmem:$0x28C0] =	vst v1  }
0x1b: {  	[tilespmem:$0x28D0] =	vst v1  }
0x1c: {  	[tilespmem:$0x28E0] =	vst v1  }
0x1d: {  	[tilespmem:$0x28F0] =	vst v1  }
0x1e: {  	[tilespmem:$0x2900] =	vst v1  }
0x1f: {  	[tilespmem:$0x2910] =	vst v1  }
0x20: {  	[tilespmem:$0x2920] =	vst v1  }
0x21: {  	[tilespmem:$0x2930] =	vst v1  }
0x22: {  	[tilespmem:$0x2940] =	vst v1  }
0x23: {  	[tilespmem:$0x2950] =	vst v1  }
0x24: {  	[tilespmem:$0x2960] =	vst v1  }
0x25: {  	[tilespmem:$0x2970] =	vst v1  }
0x26: {  	[tilespmem:$0x2980] =	vst v1  }
0x27: {  	[tilespmem:$0x2990] =	vst v1  }
0x28: {  	[tilespmem:$0x29A0] =	vst v1  }
0x29: {  	[tilespmem:$0x29B0] =	vst v1  }
0x2a: {  	[tilespmem:$0x29C0] =	vst v1  }
0x2b: {  	[tilespmem:$0x29D0] =	vst v1  }
0x2c: {  	[tilespmem:$0x29E0] =	vst v1  }
0x2d: {  	[tilespmem:$0x29F0] =	vst v1  }
0x2e: {  	[tilespmem:$0x2A00] =	vst v1  }
0x2f: {  	[tilespmem:$0x2A10] =	vst v1  }
0x30: {  	[tilespmem:$0x2A20] =	vst v1  }
0x31: {  	[tilespmem:$0x2A30] =	vst v1  }
0x32: {  	[tilespmem:$0x2A40] =	vst v1  }
0x33: {  	[tilespmem:$0x2A50] =	vst v1  }
0x34: {  	[tilespmem:$0x2A60] =	vst v1  }
0x35: {  	[tilespmem:$0x2A70] =	vst v1  }
0x36: {  	[tilespmem:$0x2A80] =	vst v1  }
0x37: {  	[tilespmem:$0x2A90] =	vst v1  }
0x38: {  	[tilespmem:$0x2AA0] =	vst v1  }
0x39: {  	[tilespmem:$0x2AB0] =	vst v1  }
0x3a: {  	[tilespmem:$0x2AC0] =	vst v1  }
0x3b: {  	[tilespmem:$0x2AD0] =	vst v1  }
0x3c: {  	[tilespmem:$0x2AE0] =	vst v1  }
0x3d: {  	[tilespmem:$0x2AF0] =	vst v1  }
0x3e: {  	[spmem:s4] =	stream.linear.scatter [tilespmem:s8], [sflag:$0x1], $0x280, $0x38;
	[tilespmem:$0x2D80] =	vst v63  }
0x3f: {  	_ =	swait.ge [sflag:s9], $0x280  }
0x40: {  	[sflag:s9] =	ssyncset.done $0x0  }
0x41: {  	[sflag:s9] =	ssyncadd.s32 $0xFFFFFD80  }
0x42: {  	[tilespmem:s3], [sflag:$0x1] =	stream.linear.gather [hbm4b:s5+s3], $0x2800, $0x38;
	[tilespmem:$0x2D80] =	vst v63  }
0x43: {  	_ =	swait.ge [sflag:s9], $0x2800  }
0x44: {  	[sflag:s9] =	ssyncset.done $0x0  }
0x45: {  	[sflag:s9] =	ssyncadd.s32 $0xFFFFD800  }
0x46: {  	s15 =	simm.s32 $0x0;
	[bflag:$0x0] =	sbarrier.arrive $0xFFFF  }
0x47: {  	[spmem:s2] =	stream.indirect.scatter.add.f32 [tilespmem:s11], [sflag:$0x1], $0x1, s15, s10, $0xb8;
	[tilespmem:$0x2D80] =	vst v63  }
0x48: {  	_ =	swait.ge [sflag:s9], $0x80  }
0x49: {  	s15 =	simm.s32 $0x200;
	[sflag:s9] =	ssyncset.done $0x0  }
.LBB2_2:
0x4a: {  	s16 =	sshra.s32 s15, $0x2;
	[sflag:s9] =	ssyncadd.s32 $0xFFFFFF80;
	p0 =	sne.s32 s15, $0x9E00  }
0x4b: {  	[spmem:s2] =	stream.indirect.scatter.add.f32 [tilespmem:s11], [sflag:$0x1], $0x1, s16, s10, $0xb8;
	[tilespmem:$0x2D80] =	vst v63  }
.Ltmp0:
0x4c: {  	_ = 	snop;
	(pc) =	sbr.rel @p0 .LBB2_2-.Ltmp0, $4  }
0x4d: {  	_ = 	snop  }
0x4e: {  	s15 =	sadd.s32 $0x200, s15  }
0x4f: {  	_ =	swait.ge [sflag:s9], $0x80  }
0x50: {  	[sflag:s9] =	ssyncset.done $0x0  }
0x51: {  	s14 =	sadd.s32 $0x1, s14  }
0x52: {  	[sflag:s9] =	ssyncadd.s32 $0xFFFFFF80;
	p0 =	sne.s32 s14, s6  }
.Ltmp1:
0x53: {  	[bflag:$0x0] =	sbarrier.arrive $0xFFFF;
	(pc) =	sbr.rel @p0 .LBB2_1-.Ltmp1, $4  }
0x54: {  	[hbm:s7], [sflag:s12] =	dma.local [spmem:s13], $0x50  }
0x55: {  	_ =	swait.ge [sflag:s9], $0x50  }
0x56: {  	[sflag:s9] =	ssyncset.done $0x0  }
0x57: {  	[sflag:s9] =	ssyncadd.s32 $0xFFFFFFB0  }
0x58: {  	_ =	sfence.sel $0x180000  }
0x59: {  	[bflag:$0x0] =	sbarrier.arrive $0xFFFF  }
0x5a: {  	p0 =	sne.s32 s0, $0x0;
	_ =	strace $0x90000047  }
0x5b: {  	s0 =	sadd.s32 @!p0 $0x100000, s1;
	[bflag:$0x2] =	sbarrier.arrive $0xFFFF  }
0x5c: {  	[sflag:s0] =	ssyncadd.tile.s32 @!p0 $0x1;
	_ =	shalt  }
.Lfunc_end2:
_tile_overlayer_lowered:
.L_overlay_start_2:
0x5d: {  	(tag) =	ssettag $0x2  }
0x5e: {  	s0 =	rddreg [dreg:$0x0];
	s2 =	stileid.u32  }
0x5f: {  	s1 =	rddreg [dreg:$0x1];
	p0 =	sne.s32 s2, $0x0  }
0x60: {  	s3 =	rddreg [dreg:$0x2];
	[bflag:$0x3] =	sbarrier.arrive $0xFFFF;
	s2 =	simm.s32 @!p0 $0x1C01  }
0x61: {  	[timem:s3], [sflag:s2] =	dma.local @!p0 [hbm:s0], s1  }
0x62: {  	s0 =	simm.s32 @!p0 $0x1  }
0x63: {  	_ =	swait.ge @!p0 [sflag:s0], s1  }
0x64: {  	s1 =	ssub.s32 @!p0 $0x0, s1;
	[sflag:s0] =	ssyncset.done @!p0 $0x0  }
0x65: {  	[sflag:s0] =	ssyncadd.s32 @!p0 s1  }
0x66: {  	[bflag:$0x3] =	sbarrier.arrive $0xFFFF  }
0x67: {  	_ =	shalt  }

// kernel: kernel.13.cloned.1.call-start
scs
__scs_entry_jumppad:
0x0: {  	(pc) =	sbr.rel $0x88, $3  }
0x1: {  	(tag) =	ssettag $0x0;
	lr =	simm.s32 $0x1  }
0x2: {  	[smem:$0x3F99] =	sst lr;
	_ =	strace $0xD0000000  }
0x3: {  	_ = 	snop  }
0x4: {  	_ = 	snop  }
0x5: {  	_ = 	snop  }
0x6: {  	_ = 	snop  }
0x7: {  	_ = 	snop  }
__scs_overlays_trampoline_lowered:
0x8: {  	[smem:$0x3FA8] =	sst s0  }
0x9: {  	[smem:$0x3FA9] =	sst s1  }
0xa: {  	[smem:$0x3FAA] =	sst s2  }
0xb: {  	[smem:$0x3FAB] =	sst s3  }
0xc: {  	[smem:$0x3FAC] =	sst s4  }
0xd: {  	[smem:$0x3FAD] =	sst s5  }
0xe: {  	[smem:$0x3FAE] =	sst s6  }
0xf: {  	[smem:$0x3FAF] =	sst s7  }
0x10: {  	[smem:$0x3FB0] =	sst s8  }
0x11: {  	[smem:$0x3FB1] =	sst s9;
	s0 =	simm.s32 @!p0 $0x0  }
0x12: {  	s1 =	sld [smem:$0x3F97];
	s0 =	simm.s32 @p0 $0x1  }
0x13: {  	[smem:$0x3FB2] =	sst s0;
	s0 =	simm.s32 @!p1 $0x0  }
0x14: {  	s2 =	sld [smem:$0x3F96];
	s0 =	simm.s32 @p1 $0x1  }
0x15: {  	[smem:$0x3FB3] =	sst s0;
	s0 =	simm.s32 @!p2 $0x0  }
0x16: {  	s3 =	sld [smem:$0x3FDB];
	s0 =	simm.s32 @p2 $0x1  }
0x17: {  	s4 =	simm.s32 $0x1BF5;
	[smem:$0x3FB5] =	sst s0  }
0x18: {  	s0 =	sld [smem:$0x3F98];
	_ =	swait.ge [sflag:s4], $0x0  }
0x19: {  	s7 =	sld [smem:$0x3F99]  }
0x1a: {  	s8 =	sadd.s32 $0xFFFFE003, lr  }
0x1b: {  	s9 =	sadd.s32 $0xFFFFFEF7, lr;
	s5 =	simm.s32 $0xFFFFFFFF;
	p2 =	slt.u32 s8, $0xFFFFF086  }
0x1c: {  	p1 =	slt.u32 s9, $0xF7A;
	s5 =	simm.s32 @!p2 $0x0  }
0x1d: {  	s5 =	simm.s32 @p1 $0x1;
	p0 =	seq.s32 s7, s2  }
0x1e: {  	s7 =	smul.u32 @!p0 $0xF7A, s2;
	p2 =	seq.s32 @!p0 s5, $0x0  }
0x1f: {  	s9 =	smul.u32 $0xF7A, s1;
	s8 =	simm.s32 @!p0 $0x1BF5;
	p2 =	por !p2, p0  }
0x20: {  	[sflag:s8] =	ssyncset.s32 @!p0 $0xFFFFF086;
	s6 =	sadd.s32 @!p0 s3, s7;
	s7 =	simm.s32 @!p0 $0x108  }
0x21: {  	s3 =	sadd.s32 s3, s9;
	s6 =	sadd.s32 @!p0 $0x88, s6;
	s7 =	simm.s32 @p2 $0x1082  }
0x22: {  	[simem:s7], [sflag:s8] =	dma.local @!p0 [hbm:s6], $0xF7A  }
0x23: {  	s9 =	sor.u32 $0xD0000000, s2;
	s6 =	simm.s32 $0x108;
	_ =	swait.ge @!p0 [sflag:s8], $0x0  }
0x24: {  	s3 =	sadd.s32 $0x88, s3;
	s6 =	simm.s32 @!p1 $0x1082;
	[sflag:s4] =	ssyncset.s32 $0xFFFFF086  }
0x25: {  	[simem:s6], [sflag:s4] =	dma.local [hbm:s3], $0xF7A  }
0x26: {  	[smem:$0x3F99] =	sst s1;
	(tag) =	ssettag s2;
	_ =	strace s9  }
0x27: {  	s1 =	sld [smem:$0x3FA9]  }
0x28: {  	s2 =	sld [smem:$0x3FAA]  }
0x29: {  	s4 =	sld [smem:$0x3FAC]  }
0x2a: {  	p0 =	seq.s32 s5, $0x0;
	s5 =	sld [smem:$0x3FAD]  }
0x2b: {  	s6 =	sld [smem:$0x3FAE]  }
0x2c: {  	s7 =	sld [smem:$0x3FAF]  }
0x2d: {  	s3 =	simm.s32 $0x108;
	s8 =	sld [smem:$0x3FB0]  }
0x2e: {  	s3 =	simm.s32 @!p0 $0x1082;
	s9 =	sld [smem:$0x3FB1]  }
0x2f: {  	lr =	sadd.s32 s0, s3;
	s0 =	sld [smem:$0x3FA8]  }
0x30: {  	s3 =	sld [smem:$0x3FAB]  }
0x31: {  	[smem:$0x3FB4] =	sst s10  }
0x32: {  	s10 =	sld [smem:$0x3FB2];
	_ =	sdelay $0x3  }
0x33: {  	p0 =	seq.s32 s10, $0x1;
	s10 =	sld [smem:$0x3FB4];
	_ =	sdelay $0x3  }
0x34: {  	[smem:$0x3FB4] =	sst s10  }
0x35: {  	s10 =	sld [smem:$0x3FB3];
	_ =	sdelay $0x3  }
0x36: {  	p1 =	seq.s32 s10, $0x1;
	s10 =	sld [smem:$0x3FB4];
	_ =	sdelay $0x3  }
0x37: {  	[smem:$0x3FB4] =	sst s10  }
0x38: {  	s10 =	sld [smem:$0x3FB5]  }
0x39: {  	_ = 	snop;
	(pc) =	sbr.ind lr, $3  }
0x3a: {  	_ = 	snop  }
0x3b: {  	_ = 	snop  }
0x3c: {  	p2 =	seq.s32 s10, $0x1;
	s10 =	sld [smem:$0x3FB4]  }
0x3d: {  	_ =	shalt  }
0x3e: {  	_ =	shalt  }
0x3f: {  	_ =	shalt  }
0x40: {  	_ =	shalt  }
0x41: {  	_ =	shalt  }
0x42: {  	_ =	shalt  }
0x43: {  	_ =	shalt  }
0x44: {  	_ =	shalt  }
0x45: {  	_ =	shalt  }
0x46: {  	_ =	shalt  }
0x47: {  	_ =	shalt  }
0x48: {  	_ =	shalt  }
0x49: {  	_ =	shalt  }
0x4a: {  	_ =	shalt  }
0x4b: {  	_ =	shalt  }
0x4c: {  	_ =	shalt  }
0x4d: {  	_ =	shalt  }
0x4e: {  	_ =	shalt  }
0x4f: {  	_ =	shalt  }
0x50: {  	_ =	shalt  }
0x51: {  	_ =	shalt  }
0x52: {  	_ =	shalt  }
0x53: {  	_ =	shalt  }
0x54: {  	_ =	shalt  }
0x55: {  	_ =	shalt  }
0x56: {  	_ =	shalt  }
0x57: {  	_ =	shalt  }
0x58: {  	_ =	shalt  }
0x59: {  	_ =	shalt  }
0x5a: {  	_ =	shalt  }
0x5b: {  	_ =	shalt  }
0x5c: {  	_ =	shalt  }
0x5d: {  	_ =	shalt  }
0x5e: {  	_ =	shalt  }
0x5f: {  	_ =	shalt  }
0x60: {  	_ =	shalt  }
0x61: {  	_ =	shalt  }
0x62: {  	_ =	shalt  }
0x63: {  	_ =	shalt  }
0x64: {  	_ =	shalt  }
0x65: {  	_ =	shalt  }
0x66: {  	_ =	shalt  }
0x67: {  	_ =	shalt  }
0x68: {  	_ =	shalt  }
0x69: {  	_ =	shalt  }
0x6a: {  	_ =	shalt  }
0x6b: {  	_ =	shalt  }
0x6c: {  	_ =	shalt  }
0x6d: {  	_ =	shalt  }
0x6e: {  	_ =	shalt  }
0x6f: {  	_ =	shalt  }
0x70: {  	_ =	shalt  }
0x71: {  	_ =	shalt  }
0x72: {  	_ =	shalt  }
0x73: {  	_ =	shalt  }
0x74: {  	_ =	shalt  }
0x75: {  	_ =	shalt  }
0x76: {  	_ =	shalt  }
0x77: {  	_ =	shalt  }
0x78: {  	_ =	shalt  }
0x79: {  	_ =	shalt  }
0x7a: {  	_ =	shalt  }
0x7b: {  	_ =	shalt  }
0x7c: {  	_ =	shalt  }
0x7d: {  	_ =	shalt  }
0x7e: {  	_ =	shalt  }
0x7f: {  	_ =	shalt  }
0x80: {  	_ =	shalt  }
0x81: {  	_ =	shalt  }
0x82: {  	_ =	shalt  }
0x83: {  	_ =	shalt  }
0x84: {  	_ =	shalt  }
0x85: {  	_ =	shalt  }
0x86: {  	_ =	shalt  }
0x87: {  	_ =	shalt  }
.Lfunc_end0:
.L_simem_size_0:
called_computation.1_lowered:
.L_overlay_start_0:
0x88: {  	s2 =	sld [smem:$0x3FD9]  }
0x89: {  	s3 =	sld [smem:$0x3FFE];
	_ =	sdelay $0x1  }
0x8a: {  	s1 =	srdreg.scid  }
0x8b: {  	s0 =	sand.u32 $0x1, s1  }
0x8c: {  	s17 =	sshll.u32 s0, $0xA;
	s2 =	sadd.s32 s3, s2  }
0x8d: {  	s2 =	sadd.s32 s2, s17  }
0x8e: {  	[smem:$0x3FC0] =	sst s2  }
0x8f: {  	_ = 	snop  }
0x90: {  	s2 =	sld [smem:$0x3FD0];
	(tm) =	ssettm $0x1  }
0x91: {  	s18 =	sld [smem:$0x3FFB];
	_ =	sdelay $0x3  }
0x92: {  	_ =	strace s18  }
0x93: {  	s3 =	sld [smem:$0x3FFC];
	_ =	sdelay $0x3  }
0x94: {  	_ =	strace s3  }
0x95: {  	s3 =	sld [smem:$0x3FFD];
	_ =	sdelay $0x3  }
0x96: {  	_ =	strace s3  }
0x97: {  	_ =	strace $0x8FFFFFFF  }
0x98: {  	s19 =	sld [smem:$0x3FDB];
	_ =	sdelay $0x1  }
0x99: {  	s4 =	simm.s32 $_scs_section_size  }
0x9a: {  	s5 =	simm.s32 $_size__tile_overlayer_lowered;
	s6 =	simm.s32 $_tile_overlayer_lowered  }
0x9b: {  	s22 =	simm.s32 $0x1BFF;
	s21 =	sshll.u32 s6, $0x1;
	s3 =	sadd.s32 s4, s19  }
0x9c: {  	s7 =	simm.s32 $0x0;
	s20 =	sshll.u32 s5, $0x1;
	s5 =	sadd.s32 s21, s3  }
0x9d: {  	[timem:s7], [sflag:s22] =	dma.local [hbm:s5], s20  }
0x9e: {  	_ =	swait.ge [sflag:s22], s20  }
0x9f: {  	s4 =	ssub.s32 $0x0, s20;
	[sflag:s22] =	ssyncset.done $0x0  }
0xa0: {  	[sflag:s22] =	ssyncadd.s32 s4;
	_ =	sdelay $0x1  }
0xa1: {  	s23 =	simm.s32 $0x1B8B  }
0xa2: {  	_ =	swait.ge [sflag:s23], $0x1  }
0xa3: {  	[sflag:s23] =	ssyncset.done $0x0  }
0xa4: {  	s25 =	simm.s32 $0x1B8E;
	s24 =	sld [smem:$0x3FFE];
	[sflag:s23] =	ssyncadd.s32 $0xFFFFFFFF  }
0xa5: {  	s26 =	simm.s32 $execute0_lowered;
	[smem:$0x3FD2] =	sst s25  }
0xa6: {  	s5 =	sshll.u32 s26, $0x1;
	_ =	strace $0x80000049;
	[dreg:$0x1] =	wrdreg $0xFFFFFFFF  }
0xa7: {  	s28 =	simm.s32 $_size_execute0_lowered;
	s3 =	sadd.s32 s3, s5;
	[dreg:$0x0] =	wrdreg $0x0  }
0xa8: {  	s5 =	sshll.u32 s28, $0x1;
	[dreg:$0x2] =	wrdreg s3  }
0xa9: {  	[dreg:$0x3] =	wrdreg s5  }
0xaa: {  	[dreg:$0x4] =	wrdreg $0xC0  }
0xab: {  	_ =	task [dreg:s7], $0x5FFFF  }
0xac: {  	[dreg:$0x1] =	wrdreg $0xFFFFFFFF  }
0xad: {  	[dreg:$0x0] =	wrdreg $0x60  }
0xae: {  	[dreg:$0x2] =	wrdreg s2  }
0xaf: {  	[dreg:$0x3] =	wrdreg s24  }
0xb0: {  	[dreg:$0x4] =	wrdreg $0xA8000  }
0xb1: {  	[dreg:$0x5] =	wrdreg $0x9  }
0xb2: {  	_ =	task.clear_ibuf [dreg:s7], $0x6FFFF;
	_ =	strace $0x90000049  }
0xb3: {  	s29 =	simm.s32 $0x9;
	_ =	strace $0x8000004B  }
0xb4: {  	_ =	swait.ge [sflag:s29], $0x1  }
0xb5: {  	[sflag:s29] =	ssyncadd.s32 $0xFFFFFFFF  }
0xb6: {  	_ =	strace $0x9000004B  }
0xb7: {  	_ =	sfence  }
0xb8: {  	s30 =	sld [smem:$0x0];
	_ =	sdelay $0x2  }
0xb9: {  	s31 =	sshll.u32 s1, $0xD;
	s1 =	sshrl.u32 s1, $0x2  }
0xba: {  	s3 =	sand.u32 $0x4000, s31;
	s1 =	sadd.s32 s1, s30  }
0xbb: {  	s0 =	sor.u32 s3, s0;
	s1 =	sshll.u32 s1, $0x11  }
0xbc: {  	s0 =	sor.u32 s1, s0  }
0xbd: {  	s0 =	sadd.s32 $0x8F2B, s0  }
0xbe: {  	[sflag:s0] =	ssyncadd.remote.s32 $0x1  }
0xbf: {  	_ =	sfence.sel $0xFFFF  }
0xc0: {  	[dreg:$0x0] =	wrdreg $0xFFFFFFFF;
	(pc) =	sbr.abs _section_cstart, $3  }
0xc1: {  	[dreg:$0x1] =	wrdreg $0xFFFFFFFF  }
0xc2: {  	_ =	task.clear_ibuf [dreg:s7], $0x2FFFF;
	_ =	strace $0x9FFFFFFF  }
0xc3: {  	(tm) =	ssettm $0x7FFFFFFF  }
tec
execute0_lowered:
.L_overlay_start_1:
0x0: {  	(tag) =	ssettag $0x1  }
0x1: {  	s1 =	rddreg [dreg:$0x0]  }
0x2: {  	s13 =	rddreg [dreg:$0x1]  }
0x3: {  	s2 =	rddreg [dreg:$0x2]  }
0x4: {  	s0 =	rddreg [dreg:$0x3];
	s4 =	simm.s32 $0x0;
	s5 =	srdreg.scid  }
0x5: {  	s3 =	stileid.u32;
	s18 =	simm.s32 $0x91A00;
	s20 =	simm.s32 $0x6800  }
0x6: {  	s21 =	simm.s32 $0x1;
	s22 =	simm.s32 $0x2;
	s23 =	simm.s32 $0x2700  }
0x7: {  	s24 =	simm.s32 $0x2780;
	[smem:$0x7FF] =	sst s4;
	s12 =	sadd.s32 $0xFA00, s13  }
0x8: {  	s11 =	sand.u32 $0x1, s5;
	s30 =	smul.u32 $0x50000, s3;
	s14 =	sadd.s32 $0x5A00, s13  }
0x9: {  	s7 =	sshll.u32 s3, $0x1;
	s19 =	smul.u32 $0x2800, s3;
	_ =	strace $0x8000004A  }
0xa: {  	s6 =	ssub.s32 $0x2, s11;
	s9 =	sor.u32 s11, s7;
	p0 =	seq.s32 s11, $0x1  }
0xb: {  	s8 =	sshrl.u32 s6, $0x1;
	s5 =	sshrl.u32 s30, $0x2;
	s16 =	smul.u32 $0x500, s9  }
0xc: {  	s17 =	smul.u32 $0x2800, s9;
	s18 =	simm.s32 @!p0 $0x69A00;
	s15 =	ssub.s32 s6, s8  }
0xd: {  	s5 =	sadd.s32 s5, s2;
	s31 =	sadd.s32 s18, s13;
	s18 =	simm.s32 $0x1400  }
0xe: {  	s6 =	sadd.s32 $0x4000, s5;
	s7 =	sadd.s32 $0x8000, s5;
	s8 =	sadd.s32 $0xC000, s5  }
0xf: {  	s9 =	sadd.s32 $0x10000, s5;
	s10 =	sadd.s32 s12, s16;
	s17 =	sshrl.u32 s17, $0x3  }
0x10: {  	s11 =	sadd.s32 s14, s16;
	s16 =	simm.s32 $0x2800;
	s17 =	sadd.s32 $0x280, s17  }
0x11: {  	s12 =	sadd.s32 s12, s17;
	s13 =	sadd.s32 s14, s17;
	s14 =	smax.u32 s15, $0x1  }
0x12: {  	v0 =	vimm.f32 $0.0e+00;
	s15 =	sadd.s32 s31, s19;
	s17 =	simm.s32 $0x3;
	s19 =	simm.s32 $0x80  }
.LBB2_1:
0x13: {  	s25 =	simm.s32 $0x0;
	s26 =	simm.s32 $0x200  }
.LBB2_2:
0x14: {  	p0 =	sne.s32 s26, $0xFE00;
	[tilespmem:s25+$0x2870] =	vst v0  }
0x15: {  	[tilespmem:s25+$0x2800] =	vst v0  }
0x16: {  	[tilespmem:s25+$0x2810] =	vst v0  }
.Ltmp0:
0x17: {  	[tilespmem:s25+$0x2820] =	vst v0;
	(pc) =	sbr.rel @p0 .LBB2_2-.Ltmp0, $4  }
0x18: {  	[tilespmem:s25+$0x2830] =	vst v0  }
0x19: {  	[tilespmem:s25+$0x2840] =	vst v0  }
0x1a: {  	[tilespmem:s25+$0x2850] =	vst v0  }
0x1b: {  	[tilespmem:s25+$0x2860] =	vst v0;
	s25 =	sshra.s32 s26, $0x2;
	s26 =	sadd.s32 $0x200, s26  }
0x1c: {  	[tilespmem:s25+$0x2870] =	vst v0  }
0x1d: {  	[tilespmem:s25+$0x2800] =	vst v0  }
0x1e: {  	[tilespmem:s25+$0x2810] =	vst v0  }
0x1f: {  	[tilespmem:s25+$0x2820] =	vst v0  }
0x20: {  	[tilespmem:s25+$0x2830] =	vst v0  }
0x21: {  	[tilespmem:s25+$0x2840] =	vst v0  }
0x22: {  	[tilespmem:s25+$0x2850] =	vst v0  }
0x23: {  	[tilespmem:s25+$0x2860] =	vst v0  }
0x24: {  	[spmem:s5] =	stream.linear.scatter [tilespmem:s16], [sflag:$0x3], $0x4000, $0x38;
	[tilespmem:$0x1E800] =	vst v63  }
0x25: {  	_ =	swait.ge [sflag:s17], $0x4000  }
0x26: {  	[sflag:s17] =	ssyncset.done $0x0  }
0x27: {  	[sflag:s17] =	ssyncadd.s32 $0xFFFFC000  }
0x28: {  	[spmem:s6] =	stream.linear.scatter [tilespmem:s16], [sflag:$0x3], $0x4000, $0x38;
	[tilespmem:$0x1E800] =	vst v63  }
0x29: {  	_ =	swait.ge [sflag:s17], $0x4000  }
0x2a: {  	[sflag:s17] =	ssyncset.done $0x0  }
0x2b: {  	[sflag:s17] =	ssyncadd.s32 $0xFFFFC000  }
0x2c: {  	[spmem:s7] =	stream.linear.scatter [tilespmem:s16], [sflag:$0x3], $0x4000, $0x38;
	[tilespmem:$0x1E800] =	vst v63  }
0x2d: {  	_ =	swait.ge [sflag:s17], $0x4000  }
0x2e: {  	[sflag:s17] =	ssyncset.done $0x0  }
0x2f: {  	[sflag:s17] =	ssyncadd.s32 $0xFFFFC000  }
0x30: {  	[spmem:s8] =	stream.linear.scatter [tilespmem:s16], [sflag:$0x3], $0x4000, $0x38;
	[tilespmem:$0x1E800] =	vst v63  }
0x31: {  	_ =	swait.ge [sflag:s17], $0x4000  }
0x32: {  	[sflag:s17] =	ssyncset.done $0x0  }
0x33: {  	[sflag:s17] =	ssyncadd.s32 $0xFFFFC000  }
0x34: {  	[spmem:s9] =	stream.linear.scatter [tilespmem:s16], [sflag:$0x3], $0x4000, $0x38;
	[tilespmem:$0x1E800] =	vst v63  }
0x35: {  	_ =	swait.ge [sflag:s17], $0x4000  }
0x36: {  	[sflag:s17] =	ssyncset.done $0x0  }
0x37: {  	[sflag:s17] =	ssyncadd.s32 $0xFFFFC000  }
0x38: {  	s28 =	simm.s32 $0x0;
	[bflag:$0x0] =	sbarrier.arrive $0xFFFF  }
0x39: {  	[tilespmem:s28], [sflag:$0x3] =	stream.linear.gather [hbm4b:s10+s28], $0x1400, $0x38;
	[tilespmem:$0x1E800] =	vst v63  }
0x3a: {  	_ =	swait.ge [sflag:s17], $0x1400  }
0x3b: {  	[sflag:s17] =	ssyncset.done $0x0  }
0x3c: {  	[sflag:s17] =	ssyncadd.s32 $0xFFFFEC00  }
0x3d: {  	[tilespmem:s18], [sflag:$0x3] =	stream.linear.gather [hbm4b:s11+s28], $0x1400, $0x38;
	[tilespmem:$0x1E800] =	vst v63  }
0x3e: {  	_ =	swait.ge [sflag:s17], $0x1400  }
0x3f: {  	[sflag:s17] =	ssyncset.done $0x0  }
0x40: {  	[sflag:s17] =	ssyncadd.s32 $0xFFFFEC00  }
0x41: {  	[tilespmem:s16], [sflag:$0x1] =	stream.indirect.gather [hbm4b:s1+s19], $0x80, s28, s19, $0xb8;
	[tilespmem:$0x1E800] =	vst v63  }
0x42: {  	_ = 	snop  }
0x43: {  	[tilespmem:s20], [sflag:$0x2] =	stream.indirect.gather [hbm4b:s1+s19], $0x80, s19, s19, $0xb8;
	[tilespmem:$0x1E800] =	vst v63  }
0x44: {  	_ =	swait.ge [sflag:s21], $0x4000  }
0x45: {  	[sflag:s21] =	ssyncset.done $0x0  }
0x46: {  	s29 =	simm.s32 $0x1400;
	[sflag:s21] =	ssyncadd.s32 $0xFFFFC000  }
0x47: {  	[spmem:s2] =	stream.indirect.scatter.add.f32 [tilespmem:s16], [sflag:$0x3], $0x80, s29, s19, $0xb8;
	[tilespmem:$0x1E800] =	vst v63  }
0x48: {  	_ =	swait.ge [sflag:s17], $0x4000  }
0x49: {  	[sflag:s17] =	ssyncset.done $0x0  }
0x4a: {  	s30 =	simm.s32 $0x100;
	[sflag:s17] =	ssyncadd.s32 $0xFFFFC000  }
0x4b: {  	[tilespmem:s16], [sflag:$0x1] =	stream.indirect.gather [hbm4b:s1+s19], $0x80, s30, s19, $0xb8;
	[tilespmem:$0x1E800] =	vst v63  }
0x4c: {  	_ =	swait.ge [sflag:s22], $0x4000  }
0x4d: {  	[sflag:s22] =	ssyncset.done $0x0  }
0x4e: {  	s31 =	simm.s32 $0x1480;
	[sflag:s22] =	ssyncadd.s32 $0xFFFFC000  }
0x4f: {  	[spmem:s2] =	stream.indirect.scatter.add.f32 [tilespmem:s20], [sflag:$0x3], $0x80, s31, s19, $0xb8;
	[tilespmem:$0x1E800] =	vst v63  }
0x50: {  	_ =	swait.ge [sflag:s17], $0x4000  }
0x51: {  	[sflag:s17] =	ssyncset.done $0x0  }
0x52: {  	s25 =	simm.s32 $0x400;
	s26 =	simm.s32 $0x180;
	[sflag:s17] =	ssyncadd.s32 $0xFFFFC000  }
.LBB2_4:
0x53: {  	[tilespmem:s20], [sflag:$0x2] =	stream.indirect.gather [hbm4b:s1+s19], $0x80, s26, s19, $0xb8;
	[tilespmem:$0x1E800] =	vst v63  }
0x54: {  	s26 =	smov.u32 s25  }
0x55: {  	p0 =	sne.s32 s25, $0x4800;
	s25 =	sadd.s32 $0x400, s25;
	_ =	swait.ge [sflag:s21], $0x4000  }
0x56: {  	s26 =	sshra.s32 s26, $0x2;
	[sflag:s21] =	ssyncset.done $0x0  }
0x57: {  	s28 =	sadd.s32 $0x1400, s26;
	[sflag:s21] =	ssyncadd.s32 $0xFFFFC000  }
0x58: {  	[spmem:s2] =	stream.indirect.scatter.add.f32 [tilespmem:s16], [sflag:$0x3], $0x80, s28, s19, $0xb8;
	[tilespmem:$0x1E800] =	vst v63  }
0x59: {  	_ =	swait.ge [sflag:s17], $0x4000  }
0x5a: {  	[sflag:s17] =	ssyncset.done $0x0  }
0x5b: {  	s28 =	sadd.s32 $0x100, s26;
	[sflag:s17] =	ssyncadd.s32 $0xFFFFC000  }
0x5c: {  	[tilespmem:s16], [sflag:$0x1] =	stream.indirect.gather [hbm4b:s1+s19], $0x80, s28, s19, $0xb8;
	[tilespmem:$0x1E800] =	vst v63  }
0x5d: {  	_ =	swait.ge [sflag:s22], $0x4000  }
0x5e: {  	[sflag:s22] =	ssyncset.done $0x0  }
.Ltmp1:
0x5f: {  	s28 =	sadd.s32 $0x1480, s26;
	[sflag:s22] =	ssyncadd.s32 $0xFFFFC000;
	(pc) =	sbr.rel @p0 .LBB2_4-.Ltmp1, $4  }
0x60: {  	[spmem:s2] =	stream.indirect.scatter.add.f32 [tilespmem:s20], [sflag:$0x3], $0x80, s28, s19, $0xb8;
	[tilespmem:$0x1E800] =	vst v63  }
0x61: {  	_ =	swait.ge [sflag:s17], $0x4000  }
0x62: {  	[sflag:s17] =	ssyncset.done $0x0  }
0x63: {  	s26 =	sadd.s32 $0x180, s26;
	[sflag:s17] =	ssyncadd.s32 $0xFFFFC000  }
0x64: {  	[tilespmem:s20], [sflag:$0x2] =	stream.indirect.gather [hbm4b:s1+s19], $0x80, s26, s19, $0xb8;
	[tilespmem:$0x1E800] =	vst v63  }
0x65: {  	_ =	swait.ge [sflag:s21], $0x4000  }
0x66: {  	[sflag:s21] =	ssyncset.done $0x0  }
0x67: {  	[sflag:s21] =	ssyncadd.s32 $0xFFFFC000  }
0x68: {  	[spmem:s2] =	stream.indirect.scatter.add.f32 [tilespmem:s16], [sflag:$0x3], $0x80, s23, s19, $0xb8;
	[tilespmem:$0x1E800] =	vst v63  }
0x69: {  	_ =	swait.ge [sflag:s17], $0x4000  }
0x6a: {  	[sflag:s17] =	ssyncset.done $0x0  }
0x6b: {  	[sflag:s17] =	ssyncadd.s32 $0xFFFFC000  }
0x6c: {  	_ =	swait.ge [sflag:s22], $0x4000  }
0x6d: {  	[sflag:s22] =	ssyncset.done $0x0  }
0x6e: {  	[sflag:s22] =	ssyncadd.s32 $0xFFFFC000  }
0x6f: {  	[spmem:s2] =	stream.indirect.scatter.add.f32 [tilespmem:s20], [sflag:$0x3], $0x80, s24, s19, $0xb8;
	[tilespmem:$0x1E800] =	vst v63  }
0x70: {  	_ =	swait.ge [sflag:s17], $0x4000  }
0x71: {  	[sflag:s17] =	ssyncset.done $0x0  }
0x72: {  	s25 =	simm.s32 $0x0;
	[sflag:s17] =	ssyncadd.s32 $0xFFFFC000  }
0x73: {  	[tilespmem:s25], [sflag:$0x3] =	stream.linear.gather [hbm4b:s12+s25], $0x1400, $0x38;
	[tilespmem:$0x1E800] =	vst v63  }
0x74: {  	_ =	swait.ge [sflag:s17], $0x1400  }
0x75: {  	[sflag:s17] =	ssyncset.done $0x0  }
0x76: {  	[sflag:s17] =	ssyncadd.s32 $0xFFFFEC00  }
0x77: {  	[tilespmem:s18], [sflag:$0x3] =	stream.linear.gather [hbm4b:s13+s25], $0x1400, $0x38;
	[tilespmem:$0x1E800] =	vst v63  }
0x78: {  	_ =	swait.ge [sflag:s17], $0x1400  }
0x79: {  	[sflag:s17] =	ssyncset.done $0x0  }
0x7a: {  	[sflag:s17] =	ssyncadd.s32 $0xFFFFEC00  }
0x7b: {  	[tilespmem:s16], [sflag:$0x1] =	stream.indirect.gather [hbm4b:s1+s19], $0x80, s25, s19, $0xb8;
	[tilespmem:$0x1E800] =	vst v63  }
0x7c: {  	_ = 	snop  }
0x7d: {  	[tilespmem:s20], [sflag:$0x2] =	stream.indirect.gather [hbm4b:s1+s19], $0x80, s19, s19, $0xb8;
	[tilespmem:$0x1E800] =	vst v63  }
0x7e: {  	_ =	swait.ge [sflag:s21], $0x4000  }
0x7f: {  	[sflag:s21] =	ssyncset.done $0x0  }
0x80: {  	s29 =	simm.s32 $0x1400;
	[sflag:s21] =	ssyncadd.s32 $0xFFFFC000  }
0x81: {  	[spmem:s2] =	stream.indirect.scatter.add.f32 [tilespmem:s16], [sflag:$0x3], $0x80, s29, s19, $0xb8;
	[tilespmem:$0x1E800] =	vst v63  }
0x82: {  	_ =	swait.ge [sflag:s17], $0x4000  }
0x83: {  	[sflag:s17] =	ssyncset.done $0x0  }
0x84: {  	s30 =	simm.s32 $0x100;
	[sflag:s17] =	ssyncadd.s32 $0xFFFFC000  }
0x85: {  	[tilespmem:s16], [sflag:$0x1] =	stream.indirect.gather [hbm4b:s1+s19], $0x80, s30, s19, $0xb8;
	[tilespmem:$0x1E800] =	vst v63  }
0x86: {  	_ =	swait.ge [sflag:s22], $0x4000  }
0x87: {  	[sflag:s22] =	ssyncset.done $0x0  }
0x88: {  	s31 =	simm.s32 $0x1480;
	[sflag:s22] =	ssyncadd.s32 $0xFFFFC000  }
0x89: {  	[spmem:s2] =	stream.indirect.scatter.add.f32 [tilespmem:s20], [sflag:$0x3], $0x80, s31, s19, $0xb8;
	[tilespmem:$0x1E800] =	vst v63  }
0x8a: {  	_ =	swait.ge [sflag:s17], $0x4000  }
0x8b: {  	[sflag:s17] =	ssyncset.done $0x0  }
0x8c: {  	s26 =	simm.s32 $0x180;
	s25 =	simm.s32 $0x400;
	[sflag:s17] =	ssyncadd.s32 $0xFFFFC000  }
.LBB2_6:
0x8d: {  	[tilespmem:s20], [sflag:$0x2] =	stream.indirect.gather [hbm4b:s1+s19], $0x80, s26, s19, $0xb8;
	[tilespmem:$0x1E800] =	vst v63  }
0x8e: {  	s26 =	smov.u32 s25  }
0x8f: {  	p0 =	sne.s32 s25, $0x4800;
	s25 =	sadd.s32 $0x400, s25;
	_ =	swait.ge [sflag:s21], $0x4000  }
0x90: {  	s26 =	sshra.s32 s26, $0x2;
	[sflag:s21] =	ssyncset.done $0x0  }
0x91: {  	s28 =	sadd.s32 $0x1400, s26;
	[sflag:s21] =	ssyncadd.s32 $0xFFFFC000  }
0x92: {  	[spmem:s2] =	stream.indirect.scatter.add.f32 [tilespmem:s16], [sflag:$0x3], $0x80, s28, s19, $0xb8;
	[tilespmem:$0x1E800] =	vst v63  }
0x93: {  	_ =	swait.ge [sflag:s17], $0x4000  }
0x94: {  	[sflag:s17] =	ssyncset.done $0x0  }
0x95: {  	s28 =	sadd.s32 $0x100, s26;
	[sflag:s17] =	ssyncadd.s32 $0xFFFFC000  }
0x96: {  	[tilespmem:s16], [sflag:$0x1] =	stream.indirect.gather [hbm4b:s1+s19], $0x80, s28, s19, $0xb8;
	[tilespmem:$0x1E800] =	vst v63  }
0x97: {  	_ =	swait.ge [sflag:s22], $0x4000  }
0x98: {  	[sflag:s22] =	ssyncset.done $0x0  }
.Ltmp2:
0x99: {  	s28 =	sadd.s32 $0x1480, s26;
	[sflag:s22] =	ssyncadd.s32 $0xFFFFC000;
	(pc) =	sbr.rel @p0 .LBB2_6-.Ltmp2, $4  }
0x9a: {  	[spmem:s2] =	stream.indirect.scatter.add.f32 [tilespmem:s20], [sflag:$0x3], $0x80, s28, s19, $0xb8;
	[tilespmem:$0x1E800] =	vst v63  }
0x9b: {  	_ =	swait.ge [sflag:s17], $0x4000  }
0x9c: {  	[sflag:s17] =	ssyncset.done $0x0  }
0x9d: {  	s26 =	sadd.s32 $0x180, s26;
	[sflag:s17] =	ssyncadd.s32 $0xFFFFC000  }
0x9e: {  	[tilespmem:s20], [sflag:$0x2] =	stream.indirect.gather [hbm4b:s1+s19], $0x80, s26, s19, $0xb8;
	[tilespmem:$0x1E800] =	vst v63  }
0x9f: {  	_ =	swait.ge [sflag:s21], $0x4000  }
0xa0: {  	[sflag:s21] =	ssyncset.done $0x0  }
0xa1: {  	[sflag:s21] =	ssyncadd.s32 $0xFFFFC000  }
0xa2: {  	[spmem:s2] =	stream.indirect.scatter.add.f32 [tilespmem:s16], [sflag:$0x3], $0x80, s23, s19, $0xb8;
	[tilespmem:$0x1E800] =	vst v63  }
0xa3: {  	_ =	swait.ge [sflag:s17], $0x4000  }
0xa4: {  	[sflag:s17] =	ssyncset.done $0x0  }
0xa5: {  	[sflag:s17] =	ssyncadd.s32 $0xFFFFC000  }
0xa6: {  	_ =	swait.ge [sflag:s22], $0x4000  }
0xa7: {  	[sflag:s22] =	ssyncset.done $0x0  }
0xa8: {  	[sflag:s22] =	ssyncadd.s32 $0xFFFFC000  }
0xa9: {  	[spmem:s2] =	stream.indirect.scatter.add.f32 [tilespmem:s20], [sflag:$0x3], $0x80, s24, s19, $0xb8;
	[tilespmem:$0x1E800] =	vst v63  }
0xaa: {  	_ =	swait.ge [sflag:s17], $0x4000  }
0xab: {  	s25 =	sshll.u32 s3, $0x6;
	s4 =	sadd.s32 $0x1, s4;
	[sflag:s17] =	ssyncset.done $0x0  }
0xac: {  	s31 =	sshrl.u32 s5, $0x3;
	p0 =	sne.s32 s4, s14;
	[sflag:s17] =	ssyncadd.s32 $0xFFFFC000  }
.Ltmp3:
0xad: {  	s25 =	sor.u32 $0x1C03, s25;
	[bflag:$0x0] =	sbarrier.arrive $0xFFFF;
	(pc) =	sbr.rel @p0 .LBB2_1-.Ltmp3, $4  }
0xae: {  	[hbm:s15], [sflag:s25] =	dma.local [spmem:s31], $0x2800  }
0xaf: {  	_ =	swait.ge [sflag:s17], $0x2800  }
0xb0: {  	[sflag:s17] =	ssyncset.done $0x0  }
0xb1: {  	[sflag:s17] =	ssyncadd.s32 $0xFFFFD800  }
0xb2: {  	_ =	sfence.sel $0x180000  }
0xb3: {  	[bflag:$0x0] =	sbarrier.arrive $0xFFFF  }
0xb4: {  	p0 =	sne.s32 s3, $0x0;
	_ =	strace $0x9000004A  }
0xb5: {  	s0 =	sadd.s32 @!p0 $0x100000, s0;
	[bflag:$0x2] =	sbarrier.arrive $0xFFFF  }
0xb6: {  	[sflag:s0] =	ssyncadd.tile.s32 @!p0 $0x1;
	_ =	shalt  }
.Lfunc_end2:
_tile_overlayer_lowered:
.L_overlay_start_2:
0xb7: {  	(tag) =	ssettag $0x2  }
0xb8: {  	s0 =	rddreg [dreg:$0x0];
	s2 =	stileid.u32  }
0xb9: {  	s1 =	rddreg [dreg:$0x1];
	p0 =	sne.s32 s2, $0x0  }
0xba: {  	s3 =	rddreg [dreg:$0x2];
	[bflag:$0x3] =	sbarrier.arrive $0xFFFF;
	s2 =	simm.s32 @!p0 $0x1C03  }
0xbb: {  	[timem:s3], [sflag:s2] =	dma.local @!p0 [hbm:s0], s1  }
0xbc: {  	s0 =	simm.s32 @!p0 $0x3  }
0xbd: {  	_ =	swait.ge @!p0 [sflag:s0], s1  }
0xbe: {  	s1 =	ssub.s32 @!p0 $0x0, s1;
	[sflag:s0] =	ssyncset.done @!p0 $0x0  }
0xbf: {  	[sflag:s0] =	ssyncadd.s32 @!p0 s1  }
0xc0: {  	[bflag:$0x3] =	sbarrier.arrive $0xFFFF  }
0xc1: {  	_ =	shalt  }

// kernel: kernel.16.cloned.1.call-start
scs
__scs_entry_jumppad:
0x0: {  	(pc) =	sbr.rel $0x88, $3  }
0x1: {  	(tag) =	ssettag $0x0;
	lr =	simm.s32 $0x1  }
0x2: {  	[smem:$0x3F99] =	sst lr;
	_ =	strace $0xD0000000  }
0x3: {  	_ = 	snop  }
0x4: {  	_ = 	snop  }
0x5: {  	_ = 	snop  }
0x6: {  	_ = 	snop  }
0x7: {  	_ = 	snop  }
__scs_overlays_trampoline_lowered:
0x8: {  	[smem:$0x3FA8] =	sst s0  }
0x9: {  	[smem:$0x3FA9] =	sst s1  }
0xa: {  	[smem:$0x3FAA] =	sst s2  }
0xb: {  	[smem:$0x3FAB] =	sst s3  }
0xc: {  	[smem:$0x3FAC] =	sst s4  }
0xd: {  	[smem:$0x3FAD] =	sst s5  }
0xe: {  	[smem:$0x3FAE] =	sst s6  }
0xf: {  	[smem:$0x3FAF] =	sst s7  }
0x10: {  	[smem:$0x3FB0] =	sst s8  }
0x11: {  	[smem:$0x3FB1] =	sst s9;
	s0 =	simm.s32 @!p0 $0x0  }
0x12: {  	s1 =	sld [smem:$0x3F97];
	s0 =	simm.s32 @p0 $0x1  }
0x13: {  	[smem:$0x3FB2] =	sst s0;
	s0 =	simm.s32 @!p1 $0x0  }
0x14: {  	s2 =	sld [smem:$0x3F96];
	s0 =	simm.s32 @p1 $0x1  }
0x15: {  	[smem:$0x3FB3] =	sst s0;
	s0 =	simm.s32 @!p2 $0x0  }
0x16: {  	s3 =	sld [smem:$0x3FDB];
	s0 =	simm.s32 @p2 $0x1  }
0x17: {  	s4 =	simm.s32 $0x1BF5;
	[smem:$0x3FB5] =	sst s0  }
0x18: {  	s0 =	sld [smem:$0x3F98];
	_ =	swait.ge [sflag:s4], $0x0  }
0x19: {  	s7 =	sld [smem:$0x3F99]  }
0x1a: {  	s8 =	sadd.s32 $0xFFFFE003, lr  }
0x1b: {  	s9 =	sadd.s32 $0xFFFFFEF7, lr;
	s5 =	simm.s32 $0xFFFFFFFF;
	p2 =	slt.u32 s8, $0xFFFFF086  }
0x1c: {  	p1 =	slt.u32 s9, $0xF7A;
	s5 =	simm.s32 @!p2 $0x0  }
0x1d: {  	s5 =	simm.s32 @p1 $0x1;
	p0 =	seq.s32 s7, s2  }
0x1e: {  	s7 =	smul.u32 @!p0 $0xF7A, s2;
	p2 =	seq.s32 @!p0 s5, $0x0  }
0x1f: {  	s9 =	smul.u32 $0xF7A, s1;
	s8 =	simm.s32 @!p0 $0x1BF5;
	p2 =	por !p2, p0  }
0x20: {  	[sflag:s8] =	ssyncset.s32 @!p0 $0xFFFFF086;
	s6 =	sadd.s32 @!p0 s3, s7;
	s7 =	simm.s32 @!p0 $0x108  }
0x21: {  	s3 =	sadd.s32 s3, s9;
	s6 =	sadd.s32 @!p0 $0x88, s6;
	s7 =	simm.s32 @p2 $0x1082  }
0x22: {  	[simem:s7], [sflag:s8] =	dma.local @!p0 [hbm:s6], $0xF7A  }
0x23: {  	s9 =	sor.u32 $0xD0000000, s2;
	s6 =	simm.s32 $0x108;
	_ =	swait.ge @!p0 [sflag:s8], $0x0  }
0x24: {  	s3 =	sadd.s32 $0x88, s3;
	s6 =	simm.s32 @!p1 $0x1082;
	[sflag:s4] =	ssyncset.s32 $0xFFFFF086  }
0x25: {  	[simem:s6], [sflag:s4] =	dma.local [hbm:s3], $0xF7A  }
0x26: {  	[smem:$0x3F99] =	sst s1;
	(tag) =	ssettag s2;
	_ =	strace s9  }
0x27: {  	s1 =	sld [smem:$0x3FA9]  }
0x28: {  	s2 =	sld [smem:$0x3FAA]  }
0x29: {  	s4 =	sld [smem:$0x3FAC]  }
0x2a: {  	p0 =	seq.s32 s5, $0x0;
	s5 =	sld [smem:$0x3FAD]  }
0x2b: {  	s6 =	sld [smem:$0x3FAE]  }
0x2c: {  	s7 =	sld [smem:$0x3FAF]  }
0x2d: {  	s3 =	simm.s32 $0x108;
	s8 =	sld [smem:$0x3FB0]  }
0x2e: {  	s3 =	simm.s32 @!p0 $0x1082;
	s9 =	sld [smem:$0x3FB1]  }
0x2f: {  	lr =	sadd.s32 s0, s3;
	s0 =	sld [smem:$0x3FA8]  }
0x30: {  	s3 =	sld [smem:$0x3FAB]  }
0x31: {  	[smem:$0x3FB4] =	sst s10  }
0x32: {  	s10 =	sld [smem:$0x3FB2];
	_ =	sdelay $0x3  }
0x33: {  	p0 =	seq.s32 s10, $0x1;
	s10 =	sld [smem:$0x3FB4];
	_ =	sdelay $0x3  }
0x34: {  	[smem:$0x3FB4] =	sst s10  }
0x35: {  	s10 =	sld [smem:$0x3FB3];
	_ =	sdelay $0x3  }
0x36: {  	p1 =	seq.s32 s10, $0x1;
	s10 =	sld [smem:$0x3FB4];
	_ =	sdelay $0x3  }
0x37: {  	[smem:$0x3FB4] =	sst s10  }
0x38: {  	s10 =	sld [smem:$0x3FB5]  }
0x39: {  	_ = 	snop;
	(pc) =	sbr.ind lr, $3  }
0x3a: {  	_ = 	snop  }
0x3b: {  	_ = 	snop  }
0x3c: {  	p2 =	seq.s32 s10, $0x1;
	s10 =	sld [smem:$0x3FB4]  }
0x3d: {  	_ =	shalt  }
0x3e: {  	_ =	shalt  }
0x3f: {  	_ =	shalt  }
0x40: {  	_ =	shalt  }
0x41: {  	_ =	shalt  }
0x42: {  	_ =	shalt  }
0x43: {  	_ =	shalt  }
0x44: {  	_ =	shalt  }
0x45: {  	_ =	shalt  }
0x46: {  	_ =	shalt  }
0x47: {  	_ =	shalt  }
0x48: {  	_ =	shalt  }
0x49: {  	_ =	shalt  }
0x4a: {  	_ =	shalt  }
0x4b: {  	_ =	shalt  }
0x4c: {  	_ =	shalt  }
0x4d: {  	_ =	shalt  }
0x4e: {  	_ =	shalt  }
0x4f: {  	_ =	shalt  }
0x50: {  	_ =	shalt  }
0x51: {  	_ =	shalt  }
0x52: {  	_ =	shalt  }
0x53: {  	_ =	shalt  }
0x54: {  	_ =	shalt  }
0x55: {  	_ =	shalt  }
0x56: {  	_ =	shalt  }
0x57: {  	_ =	shalt  }
0x58: {  	_ =	shalt  }
0x59: {  	_ =	shalt  }
0x5a: {  	_ =	shalt  }
0x5b: {  	_ =	shalt  }
0x5c: {  	_ =	shalt  }
0x5d: {  	_ =	shalt  }
0x5e: {  	_ =	shalt  }
0x5f: {  	_ =	shalt  }
0x60: {  	_ =	shalt  }
0x61: {  	_ =	shalt  }
0x62: {  	_ =	shalt  }
0x63: {  	_ =	shalt  }
0x64: {  	_ =	shalt  }
0x65: {  	_ =	shalt  }
0x66: {  	_ =	shalt  }
0x67: {  	_ =	shalt  }
0x68: {  	_ =	shalt  }
0x69: {  	_ =	shalt  }
0x6a: {  	_ =	shalt  }
0x6b: {  	_ =	shalt  }
0x6c: {  	_ =	shalt  }
0x6d: {  	_ =	shalt  }
0x6e: {  	_ =	shalt  }
0x6f: {  	_ =	shalt  }
0x70: {  	_ =	shalt  }
0x71: {  	_ =	shalt  }
0x72: {  	_ =	shalt  }
0x73: {  	_ =	shalt  }
0x74: {  	_ =	shalt  }
0x75: {  	_ =	shalt  }
0x76: {  	_ =	shalt  }
0x77: {  	_ =	shalt  }
0x78: {  	_ =	shalt  }
0x79: {  	_ =	shalt  }
0x7a: {  	_ =	shalt  }
0x7b: {  	_ =	shalt  }
0x7c: {  	_ =	shalt  }
0x7d: {  	_ =	shalt  }
0x7e: {  	_ =	shalt  }
0x7f: {  	_ =	shalt  }
0x80: {  	_ =	shalt  }
0x81: {  	_ =	shalt  }
0x82: {  	_ =	shalt  }
0x83: {  	_ =	shalt  }
0x84: {  	_ =	shalt  }
0x85: {  	_ =	shalt  }
0x86: {  	_ =	shalt  }
0x87: {  	_ =	shalt  }
.Lfunc_end0:
.L_simem_size_0:
called_computation.2_lowered:
.L_overlay_start_0:
0x88: {  	s2 =	sld [smem:$0x3FD9]  }
0x89: {  	s3 =	sld [smem:$0x3FFE];
	_ =	sdelay $0x1  }
0x8a: {  	s1 =	srdreg.scid  }
0x8b: {  	s0 =	sand.u32 $0x1, s1  }
0x8c: {  	s17 =	sshll.u32 s0, $0xA;
	s2 =	sadd.s32 s3, s2  }
0x8d: {  	s2 =	sadd.s32 s2, s17  }
0x8e: {  	[smem:$0x3FC0] =	sst s2  }
0x8f: {  	_ = 	snop  }
0x90: {  	s2 =	sld [smem:$0x3FD0];
	(tm) =	ssettm $0x1  }
0x91: {  	s18 =	sld [smem:$0x3FFB];
	_ =	sdelay $0x3  }
0x92: {  	_ =	strace s18  }
0x93: {  	s3 =	sld [smem:$0x3FFC];
	_ =	sdelay $0x3  }
0x94: {  	_ =	strace s3  }
0x95: {  	s3 =	sld [smem:$0x3FFD];
	_ =	sdelay $0x3  }
0x96: {  	_ =	strace s3  }
0x97: {  	_ =	strace $0x8FFFFFFF  }
0x98: {  	s19 =	sld [smem:$0x3FDB];
	_ =	sdelay $0x1  }
0x99: {  	s4 =	simm.s32 $_scs_section_size  }
0x9a: {  	s5 =	simm.s32 $_size__tile_overlayer_lowered;
	s6 =	simm.s32 $_tile_overlayer_lowered  }
0x9b: {  	s22 =	simm.s32 $0x1BFF;
	s21 =	sshll.u32 s6, $0x1;
	s3 =	sadd.s32 s4, s19  }
0x9c: {  	s7 =	simm.s32 $0x0;
	s20 =	sshll.u32 s5, $0x1;
	s5 =	sadd.s32 s21, s3  }
0x9d: {  	[timem:s7], [sflag:s22] =	dma.local [hbm:s5], s20  }
0x9e: {  	_ =	swait.ge [sflag:s22], s20  }
0x9f: {  	s4 =	ssub.s32 $0x0, s20;
	[sflag:s22] =	ssyncset.done $0x0  }
0xa0: {  	[sflag:s22] =	ssyncadd.s32 s4;
	_ =	sdelay $0x1  }
0xa1: {  	s23 =	simm.s32 $0x1B8B  }
0xa2: {  	_ =	swait.ge [sflag:s23], $0x1  }
0xa3: {  	[sflag:s23] =	ssyncset.done $0x0  }
0xa4: {  	s25 =	simm.s32 $0x1B8E;
	s24 =	sld [smem:$0x3FFE];
	[sflag:s23] =	ssyncadd.s32 $0xFFFFFFFF  }
0xa5: {  	s26 =	simm.s32 $execute0_lowered;
	[smem:$0x3FD2] =	sst s25  }
0xa6: {  	s5 =	sshll.u32 s26, $0x1;
	_ =	strace $0x8000004C;
	[dreg:$0x1] =	wrdreg $0xFFFFFFFF  }
0xa7: {  	s28 =	simm.s32 $_size_execute0_lowered;
	s3 =	sadd.s32 s3, s5;
	[dreg:$0x0] =	wrdreg $0x0  }
0xa8: {  	s5 =	sshll.u32 s28, $0x1;
	[dreg:$0x2] =	wrdreg s3  }
0xa9: {  	[dreg:$0x3] =	wrdreg s5  }
0xaa: {  	[dreg:$0x4] =	wrdreg $0xC0  }
0xab: {  	_ =	task [dreg:s7], $0x5FFFF  }
0xac: {  	[dreg:$0x1] =	wrdreg $0xFFFFFFFF  }
0xad: {  	[dreg:$0x0] =	wrdreg $0x60  }
0xae: {  	[dreg:$0x2] =	wrdreg s2  }
0xaf: {  	[dreg:$0x3] =	wrdreg s24  }
0xb0: {  	[dreg:$0x4] =	wrdreg $0xA8000  }
0xb1: {  	[dreg:$0x5] =	wrdreg $0x9  }
0xb2: {  	_ =	task.clear_ibuf [dreg:s7], $0x6FFFF;
	_ =	strace $0x9000004C  }
0xb3: {  	s29 =	simm.s32 $0x9;
	_ =	strace $0x8000004E  }
0xb4: {  	_ =	swait.ge [sflag:s29], $0x1  }
0xb5: {  	[sflag:s29] =	ssyncadd.s32 $0xFFFFFFFF  }
0xb6: {  	_ =	strace $0x9000004E  }
0xb7: {  	_ =	sfence  }
0xb8: {  	s30 =	sld [smem:$0x0];
	_ =	sdelay $0x2  }
0xb9: {  	s31 =	sshll.u32 s1, $0xD;
	s1 =	sshrl.u32 s1, $0x2  }
0xba: {  	s3 =	sand.u32 $0x4000, s31;
	s1 =	sadd.s32 s1, s30  }
0xbb: {  	s0 =	sor.u32 s3, s0;
	s1 =	sshll.u32 s1, $0x11  }
0xbc: {  	s0 =	sor.u32 s1, s0  }
0xbd: {  	s0 =	sadd.s32 $0x8F2B, s0  }
0xbe: {  	[sflag:s0] =	ssyncadd.remote.s32 $0x1  }
0xbf: {  	_ =	sfence.sel $0xFFFF  }
0xc0: {  	[dreg:$0x0] =	wrdreg $0xFFFFFFFF;
	(pc) =	sbr.abs _section_cstart, $3  }
0xc1: {  	[dreg:$0x1] =	wrdreg $0xFFFFFFFF  }
0xc2: {  	_ =	task.clear_ibuf [dreg:s7], $0x2FFFF;
	_ =	strace $0x9FFFFFFF  }
0xc3: {  	(tm) =	ssettm $0x7FFFFFFF  }
tec
execute0_lowered:
.L_overlay_start_1:
0x0: {  	(tag) =	ssettag $0x1  }
0x1: {  	s1 =	rddreg [dreg:$0x0]  }
0x2: {  	s13 =	rddreg [dreg:$0x1]  }
0x3: {  	s2 =	rddreg [dreg:$0x2]  }
0x4: {  	s0 =	rddreg [dreg:$0x3];
	s4 =	simm.s32 $0x0;
	s5 =	srdreg.scid  }
0x5: {  	s3 =	stileid.u32;
	s18 =	simm.s32 $0x91A00;
	s20 =	simm.s32 $0x6800  }
0x6: {  	s21 =	simm.s32 $0x1;
	s22 =	simm.s32 $0x2;
	s23 =	simm.s32 $0x2700  }
0x7: {  	s24 =	simm.s32 $0x2780;
	[smem:$0x7FF] =	sst s4;
	s12 =	sadd.s32 $0xFA00, s13  }
0x8: {  	s11 =	sand.u32 $0x1, s5;
	s30 =	smul.u32 $0x50000, s3;
	s14 =	sadd.s32 $0x5A00, s13  }
0x9: {  	s7 =	sshll.u32 s3, $0x1;
	s19 =	smul.u32 $0x2800, s3;
	_ =	strace $0x8000004D  }
0xa: {  	s6 =	ssub.s32 $0x2, s11;
	s9 =	sor.u32 s11, s7;
	p0 =	seq.s32 s11, $0x1  }
0xb: {  	s8 =	sshrl.u32 s6, $0x1;
	s5 =	sshrl.u32 s30, $0x2;
	s16 =	smul.u32 $0x500, s9  }
0xc: {  	s17 =	smul.u32 $0x2800, s9;
	s18 =	simm.s32 @!p0 $0x69A00;
	s15 =	ssub.s32 s6, s8  }
0xd: {  	s5 =	sadd.s32 s5, s2;
	s31 =	sadd.s32 s18, s13;
	s18 =	simm.s32 $0x1400  }
0xe: {  	s6 =	sadd.s32 $0x4000, s5;
	s7 =	sadd.s32 $0x8000, s5;
	s8 =	sadd.s32 $0xC000, s5  }
0xf: {  	s9 =	sadd.s32 $0x10000, s5;
	s10 =	sadd.s32 s12, s16;
	s17 =	sshrl.u32 s17, $0x3  }
0x10: {  	s11 =	sadd.s32 s14, s16;
	s16 =	simm.s32 $0x2800;
	s17 =	sadd.s32 $0x280, s17  }
0x11: {  	s12 =	sadd.s32 s12, s17;
	s13 =	sadd.s32 s14, s17;
	s14 =	smax.u32 s15, $0x1  }
0x12: {  	v0 =	vimm.f32 $0.0e+00;
	s15 =	sadd.s32 s31, s19;
	s17 =	simm.s32 $0x3;
	s19 =	simm.s32 $0x80  }
.LBB2_1:
0x13: {  	s25 =	simm.s32 $0x0;
	s26 =	simm.s32 $0x200  }
.LBB2_2:
0x14: {  	p0 =	sne.s32 s26, $0xFE00;
	[tilespmem:s25+$0x2870] =	vst v0  }
0x15: {  	[tilespmem:s25+$0x2800] =	vst v0  }
0x16: {  	[tilespmem:s25+$0x2810] =	vst v0  }
.Ltmp0:
0x17: {  	[tilespmem:s25+$0x2820] =	vst v0;
	(pc) =	sbr.rel @p0 .LBB2_2-.Ltmp0, $4  }
0x18: {  	[tilespmem:s25+$0x2830] =	vst v0  }
0x19: {  	[tilespmem:s25+$0x2840] =	vst v0  }
0x1a: {  	[tilespmem:s25+$0x2850] =	vst v0  }
0x1b: {  	[tilespmem:s25+$0x2860] =	vst v0;
	s25 =	sshra.s32 s26, $0x2;
	s26 =	sadd.s32 $0x200, s26  }
0x1c: {  	[tilespmem:s25+$0x2870] =	vst v0  }
0x1d: {  	[tilespmem:s25+$0x2800] =	vst v0  }
0x1e: {  	[tilespmem:s25+$0x2810] =	vst v0  }
0x1f: {  	[tilespmem:s25+$0x2820] =	vst v0  }
0x20: {  	[tilespmem:s25+$0x2830] =	vst v0  }
0x21: {  	[tilespmem:s25+$0x2840] =	vst v0  }
0x22: {  	[tilespmem:s25+$0x2850] =	vst v0  }
0x23: {  	[tilespmem:s25+$0x2860] =	vst v0  }
0x24: {  	[spmem:s5] =	stream.linear.scatter [tilespmem:s16], [sflag:$0x3], $0x4000, $0x38;
	[tilespmem:$0x1E800] =	vst v63  }
0x25: {  	_ =	swait.ge [sflag:s17], $0x4000  }
0x26: {  	[sflag:s17] =	ssyncset.done $0x0  }
0x27: {  	[sflag:s17] =	ssyncadd.s32 $0xFFFFC000  }
0x28: {  	[spmem:s6] =	stream.linear.scatter [tilespmem:s16], [sflag:$0x3], $0x4000, $0x38;
	[tilespmem:$0x1E800] =	vst v63  }
0x29: {  	_ =	swait.ge [sflag:s17], $0x4000  }
0x2a: {  	[sflag:s17] =	ssyncset.done $0x0  }
0x2b: {  	[sflag:s17] =	ssyncadd.s32 $0xFFFFC000  }
0x2c: {  	[spmem:s7] =	stream.linear.scatter [tilespmem:s16], [sflag:$0x3], $0x4000, $0x38;
	[tilespmem:$0x1E800] =	vst v63  }
0x2d: {  	_ =	swait.ge [sflag:s17], $0x4000  }
0x2e: {  	[sflag:s17] =	ssyncset.done $0x0  }
0x2f: {  	[sflag:s17] =	ssyncadd.s32 $0xFFFFC000  }
0x30: {  	[spmem:s8] =	stream.linear.scatter [tilespmem:s16], [sflag:$0x3], $0x4000, $0x38;
	[tilespmem:$0x1E800] =	vst v63  }
0x31: {  	_ =	swait.ge [sflag:s17], $0x4000  }
0x32: {  	[sflag:s17] =	ssyncset.done $0x0  }
0x33: {  	[sflag:s17] =	ssyncadd.s32 $0xFFFFC000  }
0x34: {  	[spmem:s9] =	stream.linear.scatter [tilespmem:s16], [sflag:$0x3], $0x4000, $0x38;
	[tilespmem:$0x1E800] =	vst v63  }
0x35: {  	_ =	swait.ge [sflag:s17], $0x4000  }
0x36: {  	[sflag:s17] =	ssyncset.done $0x0  }
0x37: {  	[sflag:s17] =	ssyncadd.s32 $0xFFFFC000  }
0x38: {  	s28 =	simm.s32 $0x0;
	[bflag:$0x0] =	sbarrier.arrive $0xFFFF  }
0x39: {  	[tilespmem:s28], [sflag:$0x3] =	stream.linear.gather [hbm4b:s10+s28], $0x1400, $0x38;
	[tilespmem:$0x1E800] =	vst v63  }
0x3a: {  	_ =	swait.ge [sflag:s17], $0x1400  }
0x3b: {  	[sflag:s17] =	ssyncset.done $0x0  }
0x3c: {  	[sflag:s17] =	ssyncadd.s32 $0xFFFFEC00  }
0x3d: {  	[tilespmem:s18], [sflag:$0x3] =	stream.linear.gather [hbm4b:s11+s28], $0x1400, $0x38;
	[tilespmem:$0x1E800] =	vst v63  }
0x3e: {  	_ =	swait.ge [sflag:s17], $0x1400  }
0x3f: {  	[sflag:s17] =	ssyncset.done $0x0  }
0x40: {  	[sflag:s17] =	ssyncadd.s32 $0xFFFFEC00  }
0x41: {  	[tilespmem:s16], [sflag:$0x1] =	stream.indirect.gather [hbm4b:s1+s19], $0x80, s28, s19, $0xb8;
	[tilespmem:$0x1E800] =	vst v63  }
0x42: {  	_ = 	snop  }
0x43: {  	[tilespmem:s20], [sflag:$0x2] =	stream.indirect.gather [hbm4b:s1+s19], $0x80, s19, s19, $0xb8;
	[tilespmem:$0x1E800] =	vst v63  }
0x44: {  	_ =	swait.ge [sflag:s21], $0x4000  }
0x45: {  	[sflag:s21] =	ssyncset.done $0x0  }
0x46: {  	s29 =	simm.s32 $0x1400;
	[sflag:s21] =	ssyncadd.s32 $0xFFFFC000  }
0x47: {  	[spmem:s2] =	stream.indirect.scatter.add.f32 [tilespmem:s16], [sflag:$0x3], $0x80, s29, s19, $0xb8;
	[tilespmem:$0x1E800] =	vst v63  }
0x48: {  	_ =	swait.ge [sflag:s17], $0x4000  }
0x49: {  	[sflag:s17] =	ssyncset.done $0x0  }
0x4a: {  	s30 =	simm.s32 $0x100;
	[sflag:s17] =	ssyncadd.s32 $0xFFFFC000  }
0x4b: {  	[tilespmem:s16], [sflag:$0x1] =	stream.indirect.gather [hbm4b:s1+s19], $0x80, s30, s19, $0xb8;
	[tilespmem:$0x1E800] =	vst v63  }
0x4c: {  	_ =	swait.ge [sflag:s22], $0x4000  }
0x4d: {  	[sflag:s22] =	ssyncset.done $0x0  }
0x4e: {  	s31 =	simm.s32 $0x1480;
	[sflag:s22] =	ssyncadd.s32 $0xFFFFC000  }
0x4f: {  	[spmem:s2] =	stream.indirect.scatter.add.f32 [tilespmem:s20], [sflag:$0x3], $0x80, s31, s19, $0xb8;
	[tilespmem:$0x1E800] =	vst v63  }
0x50: {  	_ =	swait.ge [sflag:s17], $0x4000  }
0x51: {  	[sflag:s17] =	ssyncset.done $0x0  }
0x52: {  	s25 =	simm.s32 $0x400;
	s26 =	simm.s32 $0x180;
	[sflag:s17] =	ssyncadd.s32 $0xFFFFC000  }
.LBB2_4:
0x53: {  	[tilespmem:s20], [sflag:$0x2] =	stream.indirect.gather [hbm4b:s1+s19], $0x80, s26, s19, $0xb8;
	[tilespmem:$0x1E800] =	vst v63  }
0x54: {  	s26 =	smov.u32 s25  }
0x55: {  	p0 =	sne.s32 s25, $0x4800;
	s25 =	sadd.s32 $0x400, s25;
	_ =	swait.ge [sflag:s21], $0x4000  }
0x56: {  	s26 =	sshra.s32 s26, $0x2;
	[sflag:s21] =	ssyncset.done $0x0  }
0x57: {  	s28 =	sadd.s32 $0x1400, s26;
	[sflag:s21] =	ssyncadd.s32 $0xFFFFC000  }
0x58: {  	[spmem:s2] =	stream.indirect.scatter.add.f32 [tilespmem:s16], [sflag:$0x3], $0x80, s28, s19, $0xb8;
	[tilespmem:$0x1E800] =	vst v63  }
0x59: {  	_ =	swait.ge [sflag:s17], $0x4000  }
0x5a: {  	[sflag:s17] =	ssyncset.done $0x0  }
0x5b: {  	s28 =	sadd.s32 $0x100, s26;
	[sflag:s17] =	ssyncadd.s32 $0xFFFFC000  }
0x5c: {  	[tilespmem:s16], [sflag:$0x1] =	stream.indirect.gather [hbm4b:s1+s19], $0x80, s28, s19, $0xb8;
	[tilespmem:$0x1E800] =	vst v63  }
0x5d: {  	_ =	swait.ge [sflag:s22], $0x4000  }
0x5e: {  	[sflag:s22] =	ssyncset.done $0x0  }
.Ltmp1:
0x5f: {  	s28 =	sadd.s32 $0x1480, s26;
	[sflag:s22] =	ssyncadd.s32 $0xFFFFC000;
	(pc) =	sbr.rel @p0 .LBB2_4-.Ltmp1, $4  }
0x60: {  	[spmem:s2] =	stream.indirect.scatter.add.f32 [tilespmem:s20], [sflag:$0x3], $0x80, s28, s19, $0xb8;
	[tilespmem:$0x1E800] =	vst v63  }
0x61: {  	_ =	swait.ge [sflag:s17], $0x4000  }
0x62: {  	[sflag:s17] =	ssyncset.done $0x0  }
0x63: {  	s26 =	sadd.s32 $0x180, s26;
	[sflag:s17] =	ssyncadd.s32 $0xFFFFC000  }
0x64: {  	[tilespmem:s20], [sflag:$0x2] =	stream.indirect.gather [hbm4b:s1+s19], $0x80, s26, s19, $0xb8;
	[tilespmem:$0x1E800] =	vst v63  }
0x65: {  	_ =	swait.ge [sflag:s21], $0x4000  }
0x66: {  	[sflag:s21] =	ssyncset.done $0x0  }
0x67: {  	[sflag:s21] =	ssyncadd.s32 $0xFFFFC000  }
0x68: {  	[spmem:s2] =	stream.indirect.scatter.add.f32 [tilespmem:s16], [sflag:$0x3], $0x80, s23, s19, $0xb8;
	[tilespmem:$0x1E800] =	vst v63  }
0x69: {  	_ =	swait.ge [sflag:s17], $0x4000  }
0x6a: {  	[sflag:s17] =	ssyncset.done $0x0  }
0x6b: {  	[sflag:s17] =	ssyncadd.s32 $0xFFFFC000  }
0x6c: {  	_ =	swait.ge [sflag:s22], $0x4000  }
0x6d: {  	[sflag:s22] =	ssyncset.done $0x0  }
0x6e: {  	[sflag:s22] =	ssyncadd.s32 $0xFFFFC000  }
0x6f: {  	[spmem:s2] =	stream.indirect.scatter.add.f32 [tilespmem:s20], [sflag:$0x3], $0x80, s24, s19, $0xb8;
	[tilespmem:$0x1E800] =	vst v63  }
0x70: {  	_ =	swait.ge [sflag:s17], $0x4000  }
0x71: {  	[sflag:s17] =	ssyncset.done $0x0  }
0x72: {  	s25 =	simm.s32 $0x0;
	[sflag:s17] =	ssyncadd.s32 $0xFFFFC000  }
0x73: {  	[tilespmem:s25], [sflag:$0x3] =	stream.linear.gather [hbm4b:s12+s25], $0x1400, $0x38;
	[tilespmem:$0x1E800] =	vst v63  }
0x74: {  	_ =	swait.ge [sflag:s17], $0x1400  }
0x75: {  	[sflag:s17] =	ssyncset.done $0x0  }
0x76: {  	[sflag:s17] =	ssyncadd.s32 $0xFFFFEC00  }
0x77: {  	[tilespmem:s18], [sflag:$0x3] =	stream.linear.gather [hbm4b:s13+s25], $0x1400, $0x38;
	[tilespmem:$0x1E800] =	vst v63  }
0x78: {  	_ =	swait.ge [sflag:s17], $0x1400  }
0x79: {  	[sflag:s17] =	ssyncset.done $0x0  }
0x7a: {  	[sflag:s17] =	ssyncadd.s32 $0xFFFFEC00  }
0x7b: {  	[tilespmem:s16], [sflag:$0x1] =	stream.indirect.gather [hbm4b:s1+s19], $0x80, s25, s19, $0xb8;
	[tilespmem:$0x1E800] =	vst v63  }
0x7c: {  	_ = 	snop  }
0x7d: {  	[tilespmem:s20], [sflag:$0x2] =	stream.indirect.gather [hbm4b:s1+s19], $0x80, s19, s19, $0xb8;
	[tilespmem:$0x1E800] =	vst v63  }
0x7e: {  	_ =	swait.ge [sflag:s21], $0x4000  }
0x7f: {  	[sflag:s21] =	ssyncset.done $0x0  }
0x80: {  	s29 =	simm.s32 $0x1400;
	[sflag:s21] =	ssyncadd.s32 $0xFFFFC000  }
0x81: {  	[spmem:s2] =	stream.indirect.scatter.add.f32 [tilespmem:s16], [sflag:$0x3], $0x80, s29, s19, $0xb8;
	[tilespmem:$0x1E800] =	vst v63  }
0x82: {  	_ =	swait.ge [sflag:s17], $0x4000  }
0x83: {  	[sflag:s17] =	ssyncset.done $0x0  }
0x84: {  	s30 =	simm.s32 $0x100;
	[sflag:s17] =	ssyncadd.s32 $0xFFFFC000  }
0x85: {  	[tilespmem:s16], [sflag:$0x1] =	stream.indirect.gather [hbm4b:s1+s19], $0x80, s30, s19, $0xb8;
	[tilespmem:$0x1E800] =	vst v63  }
0x86: {  	_ =	swait.ge [sflag:s22], $0x4000  }
0x87: {  	[sflag:s22] =	ssyncset.done $0x0  }
0x88: {  	s31 =	simm.s32 $0x1480;
	[sflag:s22] =	ssyncadd.s32 $0xFFFFC000  }
0x89: {  	[spmem:s2] =	stream.indirect.scatter.add.f32 [tilespmem:s20], [sflag:$0x3], $0x80, s31, s19, $0xb8;
	[tilespmem:$0x1E800] =	vst v63  }
0x8a: {  	_ =	swait.ge [sflag:s17], $0x4000  }
0x8b: {  	[sflag:s17] =	ssyncset.done $0x0  }
0x8c: {  	s26 =	simm.s32 $0x180;
	s25 =	simm.s32 $0x400;
	[sflag:s17] =	ssyncadd.s32 $0xFFFFC000  }
.LBB2_6:
0x8d: {  	[tilespmem:s20], [sflag:$0x2] =	stream.indirect.gather [hbm4b:s1+s19], $0x80, s26, s19, $0xb8;
	[tilespmem:$0x1E800] =	vst v63  }
0x8e: {  	s26 =	smov.u32 s25  }
0x8f: {  	p0 =	sne.s32 s25, $0x4800;
	s25 =	sadd.s32 $0x400, s25;
	_ =	swait.ge [sflag:s21], $0x4000  }
0x90: {  	s26 =	sshra.s32 s26, $0x2;
	[sflag:s21] =	ssyncset.done $0x0  }
0x91: {  	s28 =	sadd.s32 $0x1400, s26;
	[sflag:s21] =	ssyncadd.s32 $0xFFFFC000  }
0x92: {  	[spmem:s2] =	stream.indirect.scatter.add.f32 [tilespmem:s16], [sflag:$0x3], $0x80, s28, s19, $0xb8;
	[tilespmem:$0x1E800] =	vst v63  }
0x93: {  	_ =	swait.ge [sflag:s17], $0x4000  }
0x94: {  	[sflag:s17] =	ssyncset.done $0x0  }
0x95: {  	s28 =	sadd.s32 $0x100, s26;
	[sflag:s17] =	ssyncadd.s32 $0xFFFFC000  }
0x96: {  	[tilespmem:s16], [sflag:$0x1] =	stream.indirect.gather [hbm4b:s1+s19], $0x80, s28, s19, $0xb8;
	[tilespmem:$0x1E800] =	vst v63  }
0x97: {  	_ =	swait.ge [sflag:s22], $0x4000  }
0x98: {  	[sflag:s22] =	ssyncset.done $0x0  }
.Ltmp2:
0x99: {  	s28 =	sadd.s32 $0x1480, s26;
	[sflag:s22] =	ssyncadd.s32 $0xFFFFC000;
	(pc) =	sbr.rel @p0 .LBB2_6-.Ltmp2, $4  }
0x9a: {  	[spmem:s2] =	stream.indirect.scatter.add.f32 [tilespmem:s20], [sflag:$0x3], $0x80, s28, s19, $0xb8;
	[tilespmem:$0x1E800] =	vst v63  }
0x9b: {  	_ =	swait.ge [sflag:s17], $0x4000  }
0x9c: {  	[sflag:s17] =	ssyncset.done $0x0  }
0x9d: {  	s26 =	sadd.s32 $0x180, s26;
	[sflag:s17] =	ssyncadd.s32 $0xFFFFC000  }
0x9e: {  	[tilespmem:s20], [sflag:$0x2] =	stream.indirect.gather [hbm4b:s1+s19], $0x80, s26, s19, $0xb8;
	[tilespmem:$0x1E800] =	vst v63  }
0x9f: {  	_ =	swait.ge [sflag:s21], $0x4000  }
0xa0: {  	[sflag:s21] =	ssyncset.done $0x0  }
0xa1: {  	[sflag:s21] =	ssyncadd.s32 $0xFFFFC000  }
0xa2: {  	[spmem:s2] =	stream.indirect.scatter.add.f32 [tilespmem:s16], [sflag:$0x3], $0x80, s23, s19, $0xb8;
	[tilespmem:$0x1E800] =	vst v63  }
0xa3: {  	_ =	swait.ge [sflag:s17], $0x4000  }
0xa4: {  	[sflag:s17] =	ssyncset.done $0x0  }
0xa5: {  	[sflag:s17] =	ssyncadd.s32 $0xFFFFC000  }
0xa6: {  	_ =	swait.ge [sflag:s22], $0x4000  }
0xa7: {  	[sflag:s22] =	ssyncset.done $0x0  }
0xa8: {  	[sflag:s22] =	ssyncadd.s32 $0xFFFFC000  }
0xa9: {  	[spmem:s2] =	stream.indirect.scatter.add.f32 [tilespmem:s20], [sflag:$0x3], $0x80, s24, s19, $0xb8;
	[tilespmem:$0x1E800] =	vst v63  }
0xaa: {  	_ =	swait.ge [sflag:s17], $0x4000  }
0xab: {  	s25 =	sshll.u32 s3, $0x6;
	s4 =	sadd.s32 $0x1, s4;
	[sflag:s17] =	ssyncset.done $0x0  }
0xac: {  	s31 =	sshrl.u32 s5, $0x3;
	p0 =	sne.s32 s4, s14;
	[sflag:s17] =	ssyncadd.s32 $0xFFFFC000  }
.Ltmp3:
0xad: {  	s25 =	sor.u32 $0x1C03, s25;
	[bflag:$0x0] =	sbarrier.arrive $0xFFFF;
	(pc) =	sbr.rel @p0 .LBB2_1-.Ltmp3, $4  }
0xae: {  	[hbm:s15], [sflag:s25] =	dma.local [spmem:s31], $0x2800  }
0xaf: {  	_ =	swait.ge [sflag:s17], $0x2800  }
0xb0: {  	[sflag:s17] =	ssyncset.done $0x0  }
0xb1: {  	[sflag:s17] =	ssyncadd.s32 $0xFFFFD800  }
0xb2: {  	_ =	sfence.sel $0x180000  }
0xb3: {  	[bflag:$0x0] =	sbarrier.arrive $0xFFFF  }
0xb4: {  	p0 =	sne.s32 s3, $0x0;
	_ =	strace $0x9000004D  }
0xb5: {  	s0 =	sadd.s32 @!p0 $0x100000, s0;
	[bflag:$0x2] =	sbarrier.arrive $0xFFFF  }
0xb6: {  	[sflag:s0] =	ssyncadd.tile.s32 @!p0 $0x1;
	_ =	shalt  }
.Lfunc_end2:
_tile_overlayer_lowered:
.L_overlay_start_2:
0xb7: {  	(tag) =	ssettag $0x2  }
0xb8: {  	s0 =	rddreg [dreg:$0x0];
	s2 =	stileid.u32  }
0xb9: {  	s1 =	rddreg [dreg:$0x1];
	p0 =	sne.s32 s2, $0x0  }
0xba: {  	s3 =	rddreg [dreg:$0x2];
	[bflag:$0x3] =	sbarrier.arrive $0xFFFF;
	s2 =	simm.s32 @!p0 $0x1C03  }
0xbb: {  	[timem:s3], [sflag:s2] =	dma.local @!p0 [hbm:s0], s1  }
0xbc: {  	s0 =	simm.s32 @!p0 $0x3  }
0xbd: {  	_ =	swait.ge @!p0 [sflag:s0], s1  }
0xbe: {  	s1 =	ssub.s32 @!p0 $0x0, s1;
	[sflag:s0] =	ssyncset.done @!p0 $0x0  }
0xbf: {  	[sflag:s0] =	ssyncadd.s32 @!p0 s1  }
0xc0: {  	[bflag:$0x3] =	sbarrier.arrive $0xFFFF  }
0xc1: {  	_ =	shalt  }

// kernel: kernel.19.cloned.1.call-start
scs
__scs_entry_jumppad:
0x0: {  	(pc) =	sbr.rel $0x88, $3  }
0x1: {  	(tag) =	ssettag $0x0;
	lr =	simm.s32 $0x1  }
0x2: {  	[smem:$0x3F99] =	sst lr;
	_ =	strace $0xD0000000  }
0x3: {  	_ = 	snop  }
0x4: {  	_ = 	snop  }
0x5: {  	_ = 	snop  }
0x6: {  	_ = 	snop  }
0x7: {  	_ = 	snop  }
__scs_overlays_trampoline_lowered:
0x8: {  	[smem:$0x3FA8] =	sst s0  }
0x9: {  	[smem:$0x3FA9] =	sst s1  }
0xa: {  	[smem:$0x3FAA] =	sst s2  }
0xb: {  	[smem:$0x3FAB] =	sst s3  }
0xc: {  	[smem:$0x3FAC] =	sst s4  }
0xd: {  	[smem:$0x3FAD] =	sst s5  }
0xe: {  	[smem:$0x3FAE] =	sst s6  }
0xf: {  	[smem:$0x3FAF] =	sst s7  }
0x10: {  	[smem:$0x3FB0] =	sst s8  }
0x11: {  	[smem:$0x3FB1] =	sst s9;
	s0 =	simm.s32 @!p0 $0x0  }
0x12: {  	s1 =	sld [smem:$0x3F97];
	s0 =	simm.s32 @p0 $0x1  }
0x13: {  	[smem:$0x3FB2] =	sst s0;
	s0 =	simm.s32 @!p1 $0x0  }
0x14: {  	s2 =	sld [smem:$0x3F96];
	s0 =	simm.s32 @p1 $0x1  }
0x15: {  	[smem:$0x3FB3] =	sst s0;
	s0 =	simm.s32 @!p2 $0x0  }
0x16: {  	s3 =	sld [smem:$0x3FDB];
	s0 =	simm.s32 @p2 $0x1  }
0x17: {  	s4 =	simm.s32 $0x1BF5;
	[smem:$0x3FB5] =	sst s0  }
0x18: {  	s0 =	sld [smem:$0x3F98];
	_ =	swait.ge [sflag:s4], $0x0  }
0x19: {  	s7 =	sld [smem:$0x3F99]  }
0x1a: {  	s8 =	sadd.s32 $0xFFFFE003, lr  }
0x1b: {  	s9 =	sadd.s32 $0xFFFFFEF7, lr;
	s5 =	simm.s32 $0xFFFFFFFF;
	p2 =	slt.u32 s8, $0xFFFFF086  }
0x1c: {  	p1 =	slt.u32 s9, $0xF7A;
	s5 =	simm.s32 @!p2 $0x0  }
0x1d: {  	s5 =	simm.s32 @p1 $0x1;
	p0 =	seq.s32 s7, s2  }
0x1e: {  	s7 =	smul.u32 @!p0 $0xF7A, s2;
	p2 =	seq.s32 @!p0 s5, $0x0  }
0x1f: {  	s9 =	smul.u32 $0xF7A, s1;
	s8 =	simm.s32 @!p0 $0x1BF5;
	p2 =	por !p2, p0  }
0x20: {  	[sflag:s8] =	ssyncset.s32 @!p0 $0xFFFFF086;
	s6 =	sadd.s32 @!p0 s3, s7;
	s7 =	simm.s32 @!p0 $0x108  }
0x21: {  	s3 =	sadd.s32 s3, s9;
	s6 =	sadd.s32 @!p0 $0x88, s6;
	s7 =	simm.s32 @p2 $0x1082  }
0x22: {  	[simem:s7], [sflag:s8] =	dma.local @!p0 [hbm:s6], $0xF7A  }
0x23: {  	s9 =	sor.u32 $0xD0000000, s2;
	s6 =	simm.s32 $0x108;
	_ =	swait.ge @!p0 [sflag:s8], $0x0  }
0x24: {  	s3 =	sadd.s32 $0x88, s3;
	s6 =	simm.s32 @!p1 $0x1082;
	[sflag:s4] =	ssyncset.s32 $0xFFFFF086  }
0x25: {  	[simem:s6], [sflag:s4] =	dma.local [hbm:s3], $0xF7A  }
0x26: {  	[smem:$0x3F99] =	sst s1;
	(tag) =	ssettag s2;
	_ =	strace s9  }
0x27: {  	s1 =	sld [smem:$0x3FA9]  }
0x28: {  	s2 =	sld [smem:$0x3FAA]  }
0x29: {  	s4 =	sld [smem:$0x3FAC]  }
0x2a: {  	p0 =	seq.s32 s5, $0x0;
	s5 =	sld [smem:$0x3FAD]  }
0x2b: {  	s6 =	sld [smem:$0x3FAE]  }
0x2c: {  	s7 =	sld [smem:$0x3FAF]  }
0x2d: {  	s3 =	simm.s32 $0x108;
	s8 =	sld [smem:$0x3FB0]  }
0x2e: {  	s3 =	simm.s32 @!p0 $0x1082;
	s9 =	sld [smem:$0x3FB1]  }
0x2f: {  	lr =	sadd.s32 s0, s3;
	s0 =	sld [smem:$0x3FA8]  }
0x30: {  	s3 =	sld [smem:$0x3FAB]  }
0x31: {  	[smem:$0x3FB4] =	sst s10  }
0x32: {  	s10 =	sld [smem:$0x3FB2];
	_ =	sdelay $0x3  }
0x33: {  	p0 =	seq.s32 s10, $0x1;
	s10 =	sld [smem:$0x3FB4];
	_ =	sdelay $0x3  }
0x34: {  	[smem:$0x3FB4] =	sst s10  }
0x35: {  	s10 =	sld [smem:$0x3FB3];
	_ =	sdelay $0x3  }
0x36: {  	p1 =	seq.s32 s10, $0x1;
	s10 =	sld [smem:$0x3FB4];
	_ =	sdelay $0x3  }
0x37: {  	[smem:$0x3FB4] =	sst s10  }
0x38: {  	s10 =	sld [smem:$0x3FB5]  }
0x39: {  	_ = 	snop;
	(pc) =	sbr.ind lr, $3  }
0x3a: {  	_ = 	snop  }
0x3b: {  	_ = 	snop  }
0x3c: {  	p2 =	seq.s32 s10, $0x1;
	s10 =	sld [smem:$0x3FB4]  }
0x3d: {  	_ =	shalt  }
0x3e: {  	_ =	shalt  }
0x3f: {  	_ =	shalt  }
0x40: {  	_ =	shalt  }
0x41: {  	_ =	shalt  }
0x42: {  	_ =	shalt  }
0x43: {  	_ =	shalt  }
0x44: {  	_ =	shalt  }
0x45: {  	_ =	shalt  }
0x46: {  	_ =	shalt  }
0x47: {  	_ =	shalt  }
0x48: {  	_ =	shalt  }
0x49: {  	_ =	shalt  }
0x4a: {  	_ =	shalt  }
0x4b: {  	_ =	shalt  }
0x4c: {  	_ =	shalt  }
0x4d: {  	_ =	shalt  }
0x4e: {  	_ =	shalt  }
0x4f: {  	_ =	shalt  }
0x50: {  	_ =	shalt  }
0x51: {  	_ =	shalt  }
0x52: {  	_ =	shalt  }
0x53: {  	_ =	shalt  }
0x54: {  	_ =	shalt  }
0x55: {  	_ =	shalt  }
0x56: {  	_ =	shalt  }
0x57: {  	_ =	shalt  }
0x58: {  	_ =	shalt  }
0x59: {  	_ =	shalt  }
0x5a: {  	_ =	shalt  }
0x5b: {  	_ =	shalt  }
0x5c: {  	_ =	shalt  }
0x5d: {  	_ =	shalt  }
0x5e: {  	_ =	shalt  }
0x5f: {  	_ =	shalt  }
0x60: {  	_ =	shalt  }
0x61: {  	_ =	shalt  }
0x62: {  	_ =	shalt  }
0x63: {  	_ =	shalt  }
0x64: {  	_ =	shalt  }
0x65: {  	_ =	shalt  }
0x66: {  	_ =	shalt  }
0x67: {  	_ =	shalt  }
0x68: {  	_ =	shalt  }
0x69: {  	_ =	shalt  }
0x6a: {  	_ =	shalt  }
0x6b: {  	_ =	shalt  }
0x6c: {  	_ =	shalt  }
0x6d: {  	_ =	shalt  }
0x6e: {  	_ =	shalt  }
0x6f: {  	_ =	shalt  }
0x70: {  	_ =	shalt  }
0x71: {  	_ =	shalt  }
0x72: {  	_ =	shalt  }
0x73: {  	_ =	shalt  }
0x74: {  	_ =	shalt  }
0x75: {  	_ =	shalt  }
0x76: {  	_ =	shalt  }
0x77: {  	_ =	shalt  }
0x78: {  	_ =	shalt  }
0x79: {  	_ =	shalt  }
0x7a: {  	_ =	shalt  }
0x7b: {  	_ =	shalt  }
0x7c: {  	_ =	shalt  }
0x7d: {  	_ =	shalt  }
0x7e: {  	_ =	shalt  }
0x7f: {  	_ =	shalt  }
0x80: {  	_ =	shalt  }
0x81: {  	_ =	shalt  }
0x82: {  	_ =	shalt  }
0x83: {  	_ =	shalt  }
0x84: {  	_ =	shalt  }
0x85: {  	_ =	shalt  }
0x86: {  	_ =	shalt  }
0x87: {  	_ =	shalt  }
.Lfunc_end0:
.L_simem_size_0:
called_computation.3_lowered:
.L_overlay_start_0:
0x88: {  	s2 =	sld [smem:$0x3FD9]  }
0x89: {  	s3 =	sld [smem:$0x3FFE];
	_ =	sdelay $0x1  }
0x8a: {  	s1 =	srdreg.scid  }
0x8b: {  	s0 =	sand.u32 $0x1, s1  }
0x8c: {  	s17 =	sshll.u32 s0, $0xA;
	s2 =	sadd.s32 s3, s2  }
0x8d: {  	s2 =	sadd.s32 s2, s17  }
0x8e: {  	[smem:$0x3FC0] =	sst s2  }
0x8f: {  	_ = 	snop  }
0x90: {  	s2 =	sld [smem:$0x3FD0];
	(tm) =	ssettm $0x1  }
0x91: {  	s18 =	sld [smem:$0x3FFB];
	_ =	sdelay $0x3  }
0x92: {  	_ =	strace s18  }
0x93: {  	s3 =	sld [smem:$0x3FFC];
	_ =	sdelay $0x3  }
0x94: {  	_ =	strace s3  }
0x95: {  	s3 =	sld [smem:$0x3FFD];
	_ =	sdelay $0x3  }
0x96: {  	_ =	strace s3  }
0x97: {  	_ =	strace $0x8FFFFFFF  }
0x98: {  	s19 =	sld [smem:$0x3FDB];
	_ =	sdelay $0x1  }
0x99: {  	s4 =	simm.s32 $_scs_section_size  }
0x9a: {  	s5 =	simm.s32 $_size__tile_overlayer_lowered;
	s6 =	simm.s32 $_tile_overlayer_lowered  }
0x9b: {  	s22 =	simm.s32 $0x1BFF;
	s21 =	sshll.u32 s6, $0x1;
	s3 =	sadd.s32 s4, s19  }
0x9c: {  	s7 =	simm.s32 $0x0;
	s20 =	sshll.u32 s5, $0x1;
	s5 =	sadd.s32 s21, s3  }
0x9d: {  	[timem:s7], [sflag:s22] =	dma.local [hbm:s5], s20  }
0x9e: {  	_ =	swait.ge [sflag:s22], s20  }
0x9f: {  	s4 =	ssub.s32 $0x0, s20;
	[sflag:s22] =	ssyncset.done $0x0  }
0xa0: {  	[sflag:s22] =	ssyncadd.s32 s4;
	_ =	sdelay $0x1  }
0xa1: {  	s23 =	simm.s32 $0x1B8B  }
0xa2: {  	_ =	swait.ge [sflag:s23], $0x1  }
0xa3: {  	[sflag:s23] =	ssyncset.done $0x0  }
0xa4: {  	s25 =	simm.s32 $0x1B8E;
	s24 =	sld [smem:$0x3FFE];
	[sflag:s23] =	ssyncadd.s32 $0xFFFFFFFF  }
0xa5: {  	s26 =	simm.s32 $execute0_lowered;
	[smem:$0x3FD2] =	sst s25  }
0xa6: {  	s5 =	sshll.u32 s26, $0x1;
	_ =	strace $0x8000004F;
	[dreg:$0x1] =	wrdreg $0xFFFFFFFF  }
0xa7: {  	s28 =	simm.s32 $_size_execute0_lowered;
	s3 =	sadd.s32 s3, s5;
	[dreg:$0x0] =	wrdreg $0x0  }
0xa8: {  	s5 =	sshll.u32 s28, $0x1;
	[dreg:$0x2] =	wrdreg s3  }
0xa9: {  	[dreg:$0x3] =	wrdreg s5  }
0xaa: {  	[dreg:$0x4] =	wrdreg $0xC0  }
0xab: {  	_ =	task [dreg:s7], $0x5FFFF  }
0xac: {  	[dreg:$0x1] =	wrdreg $0xFFFFFFFF  }
0xad: {  	[dreg:$0x0] =	wrdreg $0x60  }
0xae: {  	[dreg:$0x2] =	wrdreg s2  }
0xaf: {  	[dreg:$0x3] =	wrdreg s24  }
0xb0: {  	[dreg:$0x4] =	wrdreg $0xA8000  }
0xb1: {  	[dreg:$0x5] =	wrdreg $0x9  }
0xb2: {  	_ =	task.clear_ibuf [dreg:s7], $0x6FFFF;
	_ =	strace $0x9000004F  }
0xb3: {  	s29 =	simm.s32 $0x9;
	_ =	strace $0x80000051  }
0xb4: {  	_ =	swait.ge [sflag:s29], $0x1  }
0xb5: {  	[sflag:s29] =	ssyncadd.s32 $0xFFFFFFFF  }
0xb6: {  	_ =	strace $0x90000051  }
0xb7: {  	_ =	sfence  }
0xb8: {  	s30 =	sld [smem:$0x0];
	_ =	sdelay $0x2  }
0xb9: {  	s31 =	sshll.u32 s1, $0xD;
	s1 =	sshrl.u32 s1, $0x2  }
0xba: {  	s3 =	sand.u32 $0x4000, s31;
	s1 =	sadd.s32 s1, s30  }
0xbb: {  	s0 =	sor.u32 s3, s0;
	s1 =	sshll.u32 s1, $0x11  }
0xbc: {  	s0 =	sor.u32 s1, s0  }
0xbd: {  	s0 =	sadd.s32 $0x8F2B, s0  }
0xbe: {  	[sflag:s0] =	ssyncadd.remote.s32 $0x1  }
0xbf: {  	_ =	sfence.sel $0xFFFF  }
0xc0: {  	[dreg:$0x0] =	wrdreg $0xFFFFFFFF;
	(pc) =	sbr.abs _section_cstart, $3  }
0xc1: {  	[dreg:$0x1] =	wrdreg $0xFFFFFFFF  }
0xc2: {  	_ =	task.clear_ibuf [dreg:s7], $0x2FFFF;
	_ =	strace $0x9FFFFFFF  }
0xc3: {  	(tm) =	ssettm $0x7FFFFFFF  }
tec
execute0_lowered:
.L_overlay_start_1:
0x0: {  	(tag) =	ssettag $0x1  }
0x1: {  	s1 =	rddreg [dreg:$0x0]  }
0x2: {  	s13 =	rddreg [dreg:$0x1]  }
0x3: {  	s2 =	rddreg [dreg:$0x2]  }
0x4: {  	s0 =	rddreg [dreg:$0x3];
	s4 =	simm.s32 $0x0;
	s5 =	srdreg.scid  }
0x5: {  	s3 =	stileid.u32;
	s18 =	simm.s32 $0x91A00;
	s20 =	simm.s32 $0x6800  }
0x6: {  	s21 =	simm.s32 $0x1;
	s22 =	simm.s32 $0x2;
	s23 =	simm.s32 $0x2700  }
0x7: {  	s24 =	simm.s32 $0x2780;
	[smem:$0x7FF] =	sst s4;
	s12 =	sadd.s32 $0xFA00, s13  }
0x8: {  	s11 =	sand.u32 $0x1, s5;
	s30 =	smul.u32 $0x50000, s3;
	s14 =	sadd.s32 $0x5A00, s13  }
0x9: {  	s7 =	sshll.u32 s3, $0x1;
	s19 =	smul.u32 $0x2800, s3;
	_ =	strace $0x80000050  }
0xa: {  	s6 =	ssub.s32 $0x2, s11;
	s9 =	sor.u32 s11, s7;
	p0 =	seq.s32 s11, $0x1  }
0xb: {  	s8 =	sshrl.u32 s6, $0x1;
	s5 =	sshrl.u32 s30, $0x2;
	s16 =	smul.u32 $0x500, s9  }
0xc: {  	s17 =	smul.u32 $0x2800, s9;
	s18 =	simm.s32 @!p0 $0x69A00;
	s15 =	ssub.s32 s6, s8  }
0xd: {  	s5 =	sadd.s32 s5, s2;
	s31 =	sadd.s32 s18, s13;
	s18 =	simm.s32 $0x1400  }
0xe: {  	s6 =	sadd.s32 $0x4000, s5;
	s7 =	sadd.s32 $0x8000, s5;
	s8 =	sadd.s32 $0xC000, s5  }
0xf: {  	s9 =	sadd.s32 $0x10000, s5;
	s10 =	sadd.s32 s12, s16;
	s17 =	sshrl.u32 s17, $0x3  }
0x10: {  	s11 =	sadd.s32 s14, s16;
	s16 =	simm.s32 $0x2800;
	s17 =	sadd.s32 $0x280, s17  }
0x11: {  	s12 =	sadd.s32 s12, s17;
	s13 =	sadd.s32 s14, s17;
	s14 =	smax.u32 s15, $0x1  }
0x12: {  	v0 =	vimm.f32 $0.0e+00;
	s15 =	sadd.s32 s31, s19;
	s17 =	simm.s32 $0x3;
	s19 =	simm.s32 $0x80  }
.LBB2_1:
0x13: {  	s25 =	simm.s32 $0x0;
	s26 =	simm.s32 $0x200  }
.LBB2_2:
0x14: {  	p0 =	sne.s32 s26, $0xFE00;
	[tilespmem:s25+$0x2870] =	vst v0  }
0x15: {  	[tilespmem:s25+$0x2800] =	vst v0  }
0x16: {  	[tilespmem:s25+$0x2810] =	vst v0  }
.Ltmp0:
0x17: {  	[tilespmem:s25+$0x2820] =	vst v0;
	(pc) =	sbr.rel @p0 .LBB2_2-.Ltmp0, $4  }
0x18: {  	[tilespmem:s25+$0x2830] =	vst v0  }
0x19: {  	[tilespmem:s25+$0x2840] =	vst v0  }
0x1a: {  	[tilespmem:s25+$0x2850] =	vst v0  }
0x1b: {  	[tilespmem:s25+$0x2860] =	vst v0;
	s25 =	sshra.s32 s26, $0x2;
	s26 =	sadd.s32 $0x200, s26  }
0x1c: {  	[tilespmem:s25+$0x2870] =	vst v0  }
0x1d: {  	[tilespmem:s25+$0x2800] =	vst v0  }
0x1e: {  	[tilespmem:s25+$0x2810] =	vst v0  }
0x1f: {  	[tilespmem:s25+$0x2820] =	vst v0  }
0x20: {  	[tilespmem:s25+$0x2830] =	vst v0  }
0x21: {  	[tilespmem:s25+$0x2840] =	vst v0  }
0x22: {  	[tilespmem:s25+$0x2850] =	vst v0  }
0x23: {  	[tilespmem:s25+$0x2860] =	vst v0  }
0x24: {  	[spmem:s5] =	stream.linear.scatter [tilespmem:s16], [sflag:$0x3], $0x4000, $0x38;
	[tilespmem:$0x1E800] =	vst v63  }
0x25: {  	_ =	swait.ge [sflag:s17], $0x4000  }
0x26: {  	[sflag:s17] =	ssyncset.done $0x0  }
0x27: {  	[sflag:s17] =	ssyncadd.s32 $0xFFFFC000  }
0x28: {  	[spmem:s6] =	stream.linear.scatter [tilespmem:s16], [sflag:$0x3], $0x4000, $0x38;
	[tilespmem:$0x1E800] =	vst v63  }
0x29: {  	_ =	swait.ge [sflag:s17], $0x4000  }
0x2a: {  	[sflag:s17] =	ssyncset.done $0x0  }
0x2b: {  	[sflag:s17] =	ssyncadd.s32 $0xFFFFC000  }
0x2c: {  	[spmem:s7] =	stream.linear.scatter [tilespmem:s16], [sflag:$0x3], $0x4000, $0x38;
	[tilespmem:$0x1E800] =	vst v63  }
0x2d: {  	_ =	swait.ge [sflag:s17], $0x4000  }
0x2e: {  	[sflag:s17] =	ssyncset.done $0x0  }
0x2f: {  	[sflag:s17] =	ssyncadd.s32 $0xFFFFC000  }
0x30: {  	[spmem:s8] =	stream.linear.scatter [tilespmem:s16], [sflag:$0x3], $0x4000, $0x38;
	[tilespmem:$0x1E800] =	vst v63  }
0x31: {  	_ =	swait.ge [sflag:s17], $0x4000  }
0x32: {  	[sflag:s17] =	ssyncset.done $0x0  }
0x33: {  	[sflag:s17] =	ssyncadd.s32 $0xFFFFC000  }
0x34: {  	[spmem:s9] =	stream.linear.scatter [tilespmem:s16], [sflag:$0x3], $0x4000, $0x38;
	[tilespmem:$0x1E800] =	vst v63  }
0x35: {  	_ =	swait.ge [sflag:s17], $0x4000  }
0x36: {  	[sflag:s17] =	ssyncset.done $0x0  }
0x37: {  	[sflag:s17] =	ssyncadd.s32 $0xFFFFC000  }
0x38: {  	s28 =	simm.s32 $0x0;
	[bflag:$0x0] =	sbarrier.arrive $0xFFFF  }
0x39: {  	[tilespmem:s28], [sflag:$0x3] =	stream.linear.gather [hbm4b:s10+s28], $0x1400, $0x38;
	[tilespmem:$0x1E800] =	vst v63  }
0x3a: {  	_ =	swait.ge [sflag:s17], $0x1400  }
0x3b: {  	[sflag:s17] =	ssyncset.done $0x0  }
0x3c: {  	[sflag:s17] =	ssyncadd.s32 $0xFFFFEC00  }
0x3d: {  	[tilespmem:s18], [sflag:$0x3] =	stream.linear.gather [hbm4b:s11+s28], $0x1400, $0x38;
	[tilespmem:$0x1E800] =	vst v63  }
0x3e: {  	_ =	swait.ge [sflag:s17], $0x1400  }
0x3f: {  	[sflag:s17] =	ssyncset.done $0x0  }
0x40: {  	[sflag:s17] =	ssyncadd.s32 $0xFFFFEC00  }
0x41: {  	[tilespmem:s16], [sflag:$0x1] =	stream.indirect.gather [hbm4b:s1+s19], $0x80, s28, s19, $0xb8;
	[tilespmem:$0x1E800] =	vst v63  }
0x42: {  	_ = 	snop  }
0x43: {  	[tilespmem:s20], [sflag:$0x2] =	stream.indirect.gather [hbm4b:s1+s19], $0x80, s19, s19, $0xb8;
	[tilespmem:$0x1E800] =	vst v63  }
0x44: {  	_ =	swait.ge [sflag:s21], $0x4000  }
0x45: {  	[sflag:s21] =	ssyncset.done $0x0  }
0x46: {  	s29 =	simm.s32 $0x1400;
	[sflag:s21] =	ssyncadd.s32 $0xFFFFC000  }
0x47: {  	[spmem:s2] =	stream.indirect.scatter.add.f32 [tilespmem:s16], [sflag:$0x3], $0x80, s29, s19, $0xb8;
	[tilespmem:$0x1E800] =	vst v63  }
0x48: {  	_ =	swait.ge [sflag:s17], $0x4000  }
0x49: {  	[sflag:s17] =	ssyncset.done $0x0  }
0x4a: {  	s30 =	simm.s32 $0x100;
	[sflag:s17] =	ssyncadd.s32 $0xFFFFC000  }
0x4b: {  	[tilespmem:s16], [sflag:$0x1] =	stream.indirect.gather [hbm4b:s1+s19], $0x80, s30, s19, $0xb8;
	[tilespmem:$0x1E800] =	vst v63  }
0x4c: {  	_ =	swait.ge [sflag:s22], $0x4000  }
0x4d: {  	[sflag:s22] =	ssyncset.done $0x0  }
0x4e: {  	s31 =	simm.s32 $0x1480;
	[sflag:s22] =	ssyncadd.s32 $0xFFFFC000  }
0x4f: {  	[spmem:s2] =	stream.indirect.scatter.add.f32 [tilespmem:s20], [sflag:$0x3], $0x80, s31, s19, $0xb8;
	[tilespmem:$0x1E800] =	vst v63  }
0x50: {  	_ =	swait.ge [sflag:s17], $0x4000  }
0x51: {  	[sflag:s17] =	ssyncset.done $0x0  }
0x52: {  	s25 =	simm.s32 $0x400;
	s26 =	simm.s32 $0x180;
	[sflag:s17] =	ssyncadd.s32 $0xFFFFC000  }
.LBB2_4:
0x53: {  	[tilespmem:s20], [sflag:$0x2] =	stream.indirect.gather [hbm4b:s1+s19], $0x80, s26, s19, $0xb8;
	[tilespmem:$0x1E800] =	vst v63  }
0x54: {  	s26 =	smov.u32 s25  }
0x55: {  	p0 =	sne.s32 s25, $0x4800;
	s25 =	sadd.s32 $0x400, s25;
	_ =	swait.ge [sflag:s21], $0x4000  }
0x56: {  	s26 =	sshra.s32 s26, $0x2;
	[sflag:s21] =	ssyncset.done $0x0  }
0x57: {  	s28 =	sadd.s32 $0x1400, s26;
	[sflag:s21] =	ssyncadd.s32 $0xFFFFC000  }
0x58: {  	[spmem:s2] =	stream.indirect.scatter.add.f32 [tilespmem:s16], [sflag:$0x3], $0x80, s28, s19, $0xb8;
	[tilespmem:$0x1E800] =	vst v63  }
0x59: {  	_ =	swait.ge [sflag:s17], $0x4000  }
0x5a: {  	[sflag:s17] =	ssyncset.done $0x0  }
0x5b: {  	s28 =	sadd.s32 $0x100, s26;
	[sflag:s17] =	ssyncadd.s32 $0xFFFFC000  }
0x5c: {  	[tilespmem:s16], [sflag:$0x1] =	stream.indirect.gather [hbm4b:s1+s19], $0x80, s28, s19, $0xb8;
	[tilespmem:$0x1E800] =	vst v63  }
0x5d: {  	_ =	swait.ge [sflag:s22], $0x4000  }
0x5e: {  	[sflag:s22] =	ssyncset.done $0x0  }
.Ltmp1:
0x5f: {  	s28 =	sadd.s32 $0x1480, s26;
	[sflag:s22] =	ssyncadd.s32 $0xFFFFC000;
	(pc) =	sbr.rel @p0 .LBB2_4-.Ltmp1, $4  }
0x60: {  	[spmem:s2] =	stream.indirect.scatter.add.f32 [tilespmem:s20], [sflag:$0x3], $0x80, s28, s19, $0xb8;
	[tilespmem:$0x1E800] =	vst v63  }
0x61: {  	_ =	swait.ge [sflag:s17], $0x4000  }
0x62: {  	[sflag:s17] =	ssyncset.done $0x0  }
0x63: {  	s26 =	sadd.s32 $0x180, s26;
	[sflag:s17] =	ssyncadd.s32 $0xFFFFC000  }
0x64: {  	[tilespmem:s20], [sflag:$0x2] =	stream.indirect.gather [hbm4b:s1+s19], $0x80, s26, s19, $0xb8;
	[tilespmem:$0x1E800] =	vst v63  }
0x65: {  	_ =	swait.ge [sflag:s21], $0x4000  }
0x66: {  	[sflag:s21] =	ssyncset.done $0x0  }
0x67: {  	[sflag:s21] =	ssyncadd.s32 $0xFFFFC000  }
0x68: {  	[spmem:s2] =	stream.indirect.scatter.add.f32 [tilespmem:s16], [sflag:$0x3], $0x80, s23, s19, $0xb8;
	[tilespmem:$0x1E800] =	vst v63  }
0x69: {  	_ =	swait.ge [sflag:s17], $0x4000  }
0x6a: {  	[sflag:s17] =	ssyncset.done $0x0  }
0x6b: {  	[sflag:s17] =	ssyncadd.s32 $0xFFFFC000  }
0x6c: {  	_ =	swait.ge [sflag:s22], $0x4000  }
0x6d: {  	[sflag:s22] =	ssyncset.done $0x0  }
0x6e: {  	[sflag:s22] =	ssyncadd.s32 $0xFFFFC000  }
0x6f: {  	[spmem:s2] =	stream.indirect.scatter.add.f32 [tilespmem:s20], [sflag:$0x3], $0x80, s24, s19, $0xb8;
	[tilespmem:$0x1E800] =	vst v63  }
0x70: {  	_ =	swait.ge [sflag:s17], $0x4000  }
0x71: {  	[sflag:s17] =	ssyncset.done $0x0  }
0x72: {  	s25 =	simm.s32 $0x0;
	[sflag:s17] =	ssyncadd.s32 $0xFFFFC000  }
0x73: {  	[tilespmem:s25], [sflag:$0x3] =	stream.linear.gather [hbm4b:s12+s25], $0x1400, $0x38;
	[tilespmem:$0x1E800] =	vst v63  }
0x74: {  	_ =	swait.ge [sflag:s17], $0x1400  }
0x75: {  	[sflag:s17] =	ssyncset.done $0x0  }
0x76: {  	[sflag:s17] =	ssyncadd.s32 $0xFFFFEC00  }
0x77: {  	[tilespmem:s18], [sflag:$0x3] =	stream.linear.gather [hbm4b:s13+s25], $0x1400, $0x38;
	[tilespmem:$0x1E800] =	vst v63  }
0x78: {  	_ =	swait.ge [sflag:s17], $0x1400  }
0x79: {  	[sflag:s17] =	ssyncset.done $0x0  }
0x7a: {  	[sflag:s17] =	ssyncadd.s32 $0xFFFFEC00  }
0x7b: {  	[tilespmem:s16], [sflag:$0x1] =	stream.indirect.gather [hbm4b:s1+s19], $0x80, s25, s19, $0xb8;
	[tilespmem:$0x1E800] =	vst v63  }
0x7c: {  	_ = 	snop  }
0x7d: {  	[tilespmem:s20], [sflag:$0x2] =	stream.indirect.gather [hbm4b:s1+s19], $0x80, s19, s19, $0xb8;
	[tilespmem:$0x1E800] =	vst v63  }
0x7e: {  	_ =	swait.ge [sflag:s21], $0x4000  }
0x7f: {  	[sflag:s21] =	ssyncset.done $0x0  }
0x80: {  	s29 =	simm.s32 $0x1400;
	[sflag:s21] =	ssyncadd.s32 $0xFFFFC000  }
0x81: {  	[spmem:s2] =	stream.indirect.scatter.add.f32 [tilespmem:s16], [sflag:$0x3], $0x80, s29, s19, $0xb8;
	[tilespmem:$0x1E800] =	vst v63  }
0x82: {  	_ =	swait.ge [sflag:s17], $0x4000  }
0x83: {  	[sflag:s17] =	ssyncset.done $0x0  }
0x84: {  	s30 =	simm.s32 $0x100;
	[sflag:s17] =	ssyncadd.s32 $0xFFFFC000  }
0x85: {  	[tilespmem:s16], [sflag:$0x1] =	stream.indirect.gather [hbm4b:s1+s19], $0x80, s30, s19, $0xb8;
	[tilespmem:$0x1E800] =	vst v63  }
0x86: {  	_ =	swait.ge [sflag:s22], $0x4000  }
0x87: {  	[sflag:s22] =	ssyncset.done $0x0  }
0x88: {  	s31 =	simm.s32 $0x1480;
	[sflag:s22] =	ssyncadd.s32 $0xFFFFC000  }
0x89: {  	[spmem:s2] =	stream.indirect.scatter.add.f32 [tilespmem:s20], [sflag:$0x3], $0x80, s31, s19, $0xb8;
	[tilespmem:$0x1E800] =	vst v63  }
0x8a: {  	_ =	swait.ge [sflag:s17], $0x4000  }
0x8b: {  	[sflag:s17] =	ssyncset.done $0x0  }
0x8c: {  	s26 =	simm.s32 $0x180;
	s25 =	simm.s32 $0x400;
	[sflag:s17] =	ssyncadd.s32 $0xFFFFC000  }
.LBB2_6:
0x8d: {  	[tilespmem:s20], [sflag:$0x2] =	stream.indirect.gather [hbm4b:s1+s19], $0x80, s26, s19, $0xb8;
	[tilespmem:$0x1E800] =	vst v63  }
0x8e: {  	s26 =	smov.u32 s25  }
0x8f: {  	p0 =	sne.s32 s25, $0x4800;
	s25 =	sadd.s32 $0x400, s25;
	_ =	swait.ge [sflag:s21], $0x4000  }
0x90: {  	s26 =	sshra.s32 s26, $0x2;
	[sflag:s21] =	ssyncset.done $0x0  }
0x91: {  	s28 =	sadd.s32 $0x1400, s26;
	[sflag:s21] =	ssyncadd.s32 $0xFFFFC000  }
0x92: {  	[spmem:s2] =	stream.indirect.scatter.add.f32 [tilespmem:s16], [sflag:$0x3], $0x80, s28, s19, $0xb8;
	[tilespmem:$0x1E800] =	vst v63  }
0x93: {  	_ =	swait.ge [sflag:s17], $0x4000  }
0x94: {  	[sflag:s17] =	ssyncset.done $0x0  }
0x95: {  	s28 =	sadd.s32 $0x100, s26;
	[sflag:s17] =	ssyncadd.s32 $0xFFFFC000  }
0x96: {  	[tilespmem:s16], [sflag:$0x1] =	stream.indirect.gather [hbm4b:s1+s19], $0x80, s28, s19, $0xb8;
	[tilespmem:$0x1E800] =	vst v63  }
0x97: {  	_ =	swait.ge [sflag:s22], $0x4000  }
0x98: {  	[sflag:s22] =	ssyncset.done $0x0  }
.Ltmp2:
0x99: {  	s28 =	sadd.s32 $0x1480, s26;
	[sflag:s22] =	ssyncadd.s32 $0xFFFFC000;
	(pc) =	sbr.rel @p0 .LBB2_6-.Ltmp2, $4  }
0x9a: {  	[spmem:s2] =	stream.indirect.scatter.add.f32 [tilespmem:s20], [sflag:$0x3], $0x80, s28, s19, $0xb8;
	[tilespmem:$0x1E800] =	vst v63  }
0x9b: {  	_ =	swait.ge [sflag:s17], $0x4000  }
0x9c: {  	[sflag:s17] =	ssyncset.done $0x0  }
0x9d: {  	s26 =	sadd.s32 $0x180, s26;
	[sflag:s17] =	ssyncadd.s32 $0xFFFFC000  }
0x9e: {  	[tilespmem:s20], [sflag:$0x2] =	stream.indirect.gather [hbm4b:s1+s19], $0x80, s26, s19, $0xb8;
	[tilespmem:$0x1E800] =	vst v63  }
0x9f: {  	_ =	swait.ge [sflag:s21], $0x4000  }
0xa0: {  	[sflag:s21] =	ssyncset.done $0x0  }
0xa1: {  	[sflag:s21] =	ssyncadd.s32 $0xFFFFC000  }
0xa2: {  	[spmem:s2] =	stream.indirect.scatter.add.f32 [tilespmem:s16], [sflag:$0x3], $0x80, s23, s19, $0xb8;
	[tilespmem:$0x1E800] =	vst v63  }
0xa3: {  	_ =	swait.ge [sflag:s17], $0x4000  }
0xa4: {  	[sflag:s17] =	ssyncset.done $0x0  }
0xa5: {  	[sflag:s17] =	ssyncadd.s32 $0xFFFFC000  }
0xa6: {  	_ =	swait.ge [sflag:s22], $0x4000  }
0xa7: {  	[sflag:s22] =	ssyncset.done $0x0  }
0xa8: {  	[sflag:s22] =	ssyncadd.s32 $0xFFFFC000  }
0xa9: {  	[spmem:s2] =	stream.indirect.scatter.add.f32 [tilespmem:s20], [sflag:$0x3], $0x80, s24, s19, $0xb8;
	[tilespmem:$0x1E800] =	vst v63  }
0xaa: {  	_ =	swait.ge [sflag:s17], $0x4000  }
0xab: {  	s25 =	sshll.u32 s3, $0x6;
	s4 =	sadd.s32 $0x1, s4;
	[sflag:s17] =	ssyncset.done $0x0  }
0xac: {  	s31 =	sshrl.u32 s5, $0x3;
	p0 =	sne.s32 s4, s14;
	[sflag:s17] =	ssyncadd.s32 $0xFFFFC000  }
.Ltmp3:
0xad: {  	s25 =	sor.u32 $0x1C03, s25;
	[bflag:$0x0] =	sbarrier.arrive $0xFFFF;
	(pc) =	sbr.rel @p0 .LBB2_1-.Ltmp3, $4  }
0xae: {  	[hbm:s15], [sflag:s25] =	dma.local [spmem:s31], $0x2800  }
0xaf: {  	_ =	swait.ge [sflag:s17], $0x2800  }
0xb0: {  	[sflag:s17] =	ssyncset.done $0x0  }
0xb1: {  	[sflag:s17] =	ssyncadd.s32 $0xFFFFD800  }
0xb2: {  	_ =	sfence.sel $0x180000  }
0xb3: {  	[bflag:$0x0] =	sbarrier.arrive $0xFFFF  }
0xb4: {  	p0 =	sne.s32 s3, $0x0;
	_ =	strace $0x90000050  }
0xb5: {  	s0 =	sadd.s32 @!p0 $0x100000, s0;
	[bflag:$0x2] =	sbarrier.arrive $0xFFFF  }
0xb6: {  	[sflag:s0] =	ssyncadd.tile.s32 @!p0 $0x1;
	_ =	shalt  }
.Lfunc_end2:
_tile_overlayer_lowered:
.L_overlay_start_2:
0xb7: {  	(tag) =	ssettag $0x2  }
0xb8: {  	s0 =	rddreg [dreg:$0x0];
	s2 =	stileid.u32  }
0xb9: {  	s1 =	rddreg [dreg:$0x1];
	p0 =	sne.s32 s2, $0x0  }
0xba: {  	s3 =	rddreg [dreg:$0x2];
	[bflag:$0x3] =	sbarrier.arrive $0xFFFF;
	s2 =	simm.s32 @!p0 $0x1C03  }
0xbb: {  	[timem:s3], [sflag:s2] =	dma.local @!p0 [hbm:s0], s1  }
0xbc: {  	s0 =	simm.s32 @!p0 $0x3  }
0xbd: {  	_ =	swait.ge @!p0 [sflag:s0], s1  }
0xbe: {  	s1 =	ssub.s32 @!p0 $0x0, s1;
	[sflag:s0] =	ssyncset.done @!p0 $0x0  }
0xbf: {  	[sflag:s0] =	ssyncadd.s32 @!p0 s1  }
0xc0: {  	[bflag:$0x3] =	sbarrier.arrive $0xFFFF  }
0xc1: {  	_ =	shalt  }

</sc_bundles>
